<compile_context>
chip_gen: v7x
topology: tpu7x:2x2x1
jax: 0.10.2.dev20260603
libtpu: 0.0.44.dev20260713+nightly
codegen_flags: <defaults>
</compile_context>

<pallas_src>
import jax
import jax.numpy as jnp
from jax import lax
from jax.experimental import pallas as pl
from jax.experimental.pallas import tpu as pltpu
from jax.experimental.pallas import tpu_sc as plsc

L = 200
B = 4096
EMB = 64
NCLS = 50
VOCAB = 100000
NP = 64

NC = 2
NS = 16
NW = NC * NS
BPW = B // NW

K = 24

VB = 16384
PGRID = (VOCAB + VB - 1) // VB
VP = PGRID * VB


def _proj_body(tT_ref, ws_ref, bs_ref, o_ref):
    p = lax.dot_general(
        tT_ref[...], ws_ref[...],
        (((0,), (0,)), ((), ())),
        preferred_element_type=jnp.float32,
    )
    p = p + bs_ref[0:1, :]
    half = VB // 2
    o_ref[...] = jnp.concatenate([p[:half, :], p[half:, :]], axis=1)


def _project(tableT, Ws, bs):
    return pl.pallas_call(
        _proj_body,
        grid=(PGRID,),
        in_specs=[
            pl.BlockSpec((EMB, VB), lambda j: (0, j)),
            pl.BlockSpec((EMB, NP), lambda j: (0, 0)),
            pl.BlockSpec((8, NP), lambda j: (0, 0)),
        ],
        out_specs=pl.BlockSpec((VB // 2, 2 * NP), lambda j: (j, 0)),
        out_shape=jax.ShapeDtypeStruct((VP // 2, 2 * NP), jnp.float32),
    )(tableT, Ws, bs)


def _sc_pool_body(docs_hbm, table_hbm, out_hbm, slab_v, acc_v, sem):
    wid = lax.axis_index("s") * NC + lax.axis_index("c")
    base = wid * BPW

    pltpu.sync_copy(docs_hbm.at[:, pl.ds(base, BPW)], slab_v)

    zeros = jnp.zeros((16,), jnp.float32)

    def zero_body(bb, c2):
        for e in range(NP // 16):
            acc_v[bb, pl.ds(e * 16, 16)] = zeros
        return c2

    lax.fori_loop(0, BPW, zero_body, 0, unroll=8)

    cps = []
    for l in range(L):
        cps.append(
            pltpu.async_copy(
                table_hbm.at[slab_v.at[l]], acc_v, sem, add=True
            )
        )
        if l >= K:
            cps[l - K].wait()
    for l in range(L - K, L):
        cps[l].wait()

    pltpu.sync_copy(acc_v, out_hbm.at[pl.ds(base, BPW)])


def _sc_pool(docs, ptable):
    mesh = plsc.VectorSubcoreMesh(core_axis_name="c", subcore_axis_name="s")
    f = pl.kernel(
        _sc_pool_body,
        out_type=jax.ShapeDtypeStruct((B, NP), jnp.float32),
        mesh=mesh,
        scratch_types=[
            pltpu.VMEM((L, BPW), jnp.int32),
            pltpu.VMEM((BPW, NP), jnp.float32),
            pltpu.SemaphoreType.DMA,
        ],
        compiler_params=pltpu.CompilerParams(use_tc_tiling_on_sc=False),
    )
    return f(docs, ptable)


@jax.jit
def _run(docs, table, W, b):
    tableT = jnp.transpose(table)
    Ws = jnp.zeros((EMB, NP), jnp.float32).at[:, :NCLS].set(W.T) * (1.0 / L)
    bs = jnp.broadcast_to(
        jnp.zeros((NP,), jnp.float32).at[:NCLS].set(b) * (1.0 / L), (8, NP)
    )
    p2 = _project(tableT, Ws, bs)
    ptable = jnp.reshape(p2, (VP, NP))
    half = VB // 2
    o = docs % VB
    r = o % half
    h = o // half
    docs2 = (docs - o) + 2 * r + h
    scores = _sc_pool(docs2, ptable)
    return scores[:, :NCLS]


def kernel(docs, table, W, b):
    return _run(docs, table, W, b)

# --- scband reference (transcript-rebuilt; emitter-appended) ---
"""Pipeline reference for scband-bo-wclassifier-70188355551404 (READ-ONLY COPY).

The authoritative reference and input builder live on the scoring server;
editing this copy changes nothing except your own understanding.
"""

import jax, jax.numpy as jnp
import numpy as np

VOCAB = 100000
EMB = 64
NCLS = 50
L = 200
B = 4096


def setup_inputs(seed: int = 0) -> dict:
    key = jax.random.key(seed)
    k1, k2, k3, k4 = jax.random.split(key, 4)
    docs = jax.random.randint(k1, (L, B), 0, VOCAB, dtype=jnp.int32)
    table = jax.random.normal(k2, (VOCAB, EMB), dtype=jnp.float32) * 0.02
    # padding_idx=0 row is initialized to zeros in torch nn.Embedding
    table = table.at[0].set(0.0)
    W = jax.random.normal(k3, (NCLS, EMB), dtype=jnp.float32) * 0.05
    b = jax.random.normal(k4, (NCLS,), dtype=jnp.float32) * 0.01
    return {"docs": docs, "table": table, "W": W, "b": b}


def reference(docs, table, W, b):
    # embedding lookup (gather)
    embedded = jnp.take(table, docs, axis=0)            # [L, B, EMB]
    # CBOW mean over sequence dim (dim=0)
    cbow = embedded.mean(axis=0)                        # [B, EMB]
    # dropout is identity at inference
    scores = cbow @ W.T + b                             # [B, NCLS]
    return scores

if __name__ == "__main__":
    import jax
    _d = setup_inputs()
    print(jax.jit(kernel)(*tuple(_d.values())))

</pallas_src>

<mosaic_0001>
#map = affine_map<(d0, d1) -> (0, 0)>
module attributes {stable_mosaic.version = 14 : i64} {
  func.func @_sc_pool_body(%arg0: i32, %arg1: i32, %arg2: memref<200x4096xi32, #tpu.memory_space<hbm>>, %arg3: memref<114688x64xf32, #tpu.memory_space<hbm>>, %arg4: memref<4096x64xf32, #tpu.memory_space<hbm>>, %arg5: memref<200x128xi32, #tpu.memory_space<vmem>>, %arg6: memref<128x64xf32, #tpu.memory_space<vmem>>, %arg7: memref<!tpu.dma_semaphore, #tpu.memory_space<semaphore_mem>>) attributes {dimension_semantics = [#tpu.dimension_semantics<core_parallel>, #tpu.dimension_semantics<subcore_parallel>], iteration_bounds = array<i64: 2, 16>, scalar_prefetch = 0 : i64, scratch_operands = 3 : i64, tpu.core_type = #tpu.core_type<sc_vector_subcore>, window_params = [{transform_indices = #map}, {transform_indices = #map}, {transform_indices = #map}]} {
    %mul3A = arith.constant 2 : i32
    %mul3A_0 = arith.muli %arg1, %mul3A : i32
    %add3A = arith.addi %mul3A_0, %arg0 : i32
    %mul3A_1 = arith.constant 128 : i32
    %mul3A_2 = arith.muli %add3A, %mul3A_1 : i32
    "tpu.region"() ({
      %run_scoped3A = tpu.sem_alloc : memref<!tpu.dma_semaphore, #tpu.memory_space<semaphore_mem>>
      %dma_start3A_2807 = arith.constant 0 : i32
      %dma_start3A_2808 = tpu.memref_slice %arg2[%dma_start3A_2807, %mul3A_2] : memref<200x4096xi32, #tpu.memory_space<hbm>> -> memref<200x128xi32, #tpu.memory_space<hbm>>
      %dma_start3A_2809 = arith.constant 0 : i32
      %dma_start3A_2810 = tpu.memref_slice %arg2[%dma_start3A_2809, %mul3A_2] : memref<200x4096xi32, #tpu.memory_space<hbm>> -> memref<200x128xi32, #tpu.memory_space<hbm>>
      tpu.enqueue_dma source(%dma_start3A_2810 : memref<200x128xi32, #tpu.memory_space<hbm>>) target(%arg5 : memref<200x128xi32, #tpu.memory_space<vmem>>) target_semaphore(%run_scoped3A : memref<!tpu.dma_semaphore, #tpu.memory_space<semaphore_mem>>)
      %dma_wait3A_2811 = arith.constant 0 : i32
      %dma_wait3A_2812 = tpu.memref_slice %arg2[%dma_wait3A_2811, %mul3A_2] : memref<200x4096xi32, #tpu.memory_space<hbm>> -> memref<200x128xi32, #tpu.memory_space<hbm>>
      %dma_wait3A_2813 = arith.constant 0 : i32
      %dma_wait3A_2814 = tpu.memref_slice %arg2[%dma_wait3A_2813, %mul3A_2] : memref<200x4096xi32, #tpu.memory_space<hbm>> -> memref<200x128xi32, #tpu.memory_space<hbm>>
      tpu.wait_dma2 semaphore(%run_scoped3A : memref<!tpu.dma_semaphore, #tpu.memory_space<semaphore_mem>>) src(%dma_wait3A_2814 : memref<200x128xi32, #tpu.memory_space<hbm>>) dst(%arg5 : memref<200x128xi32, #tpu.memory_space<vmem>>)
      tpu.yield
    }) : () -> ()
    %broadcast_in_dim3A = arith.constant 0.000000e+00 : f32
    %broadcast_in_dim3A_3 = vector.broadcast %broadcast_in_dim3A : f32 to vector<16xf32>
    %scan3A = arith.constant 0 : i32
    %scan3A_4 = arith.constant 0 : i32
    %scan3A_5 = arith.constant 128 : i32
    %scan3A_6 = arith.addi %scan3A_4, %scan3A_5 : i32
    %scan3A_7 = arith.constant 8 : i32
    scf.for %scan3A_2807 = %scan3A_4 to %scan3A_6 step %scan3A_7  : i32 {
      %swap3A = arith.index_cast %scan3A_2807 : i32 to index
      %swap3A_2808 = arith.constant 0 : index
      %swap3A_2809 = tpu.vector_load %arg6[%swap3A, %swap3A_2808] {strides = array<i32>} : memref<128x64xf32, #tpu.memory_space<vmem>>, vector<1x16xf32>,
      %swap3A_2810 = vector.shape_cast %swap3A_2809 : vector<1x16xf32> to vector<16xf32>
      %swap3A_2811 = vector.shape_cast %broadcast_in_dim3A_3 : vector<16xf32> to vector<1x16xf32>
      tpu.vector_store %arg6[%swap3A, %swap3A_2808], %swap3A_2811 {strides = array<i32>} : memref<128x64xf32, #tpu.memory_space<vmem>>, vector<1x16xf32>,
      %swap3A_2812 = arith.index_cast %scan3A_2807 : i32 to index
      %swap3A_2813 = arith.constant 16 : index
      %swap3A_2814 = tpu.vector_load %arg6[%swap3A_2812, %swap3A_2813] {strides = array<i32>} : memref<128x64xf32, #tpu.memory_space<vmem>>, vector<1x16xf32>,
      %swap3A_2815 = vector.shape_cast %swap3A_2814 : vector<1x16xf32> to vector<16xf32>
      %swap3A_2816 = vector.shape_cast %broadcast_in_dim3A_3 : vector<16xf32> to vector<1x16xf32>
      tpu.vector_store %arg6[%swap3A_2812, %swap3A_2813], %swap3A_2816 {strides = array<i32>} : memref<128x64xf32, #tpu.memory_space<vmem>>, vector<1x16xf32>,
      %swap3A_2817 = arith.index_cast %scan3A_2807 : i32 to index
      %swap3A_2818 = arith.constant 32 : index
      %swap3A_2819 = tpu.vector_load %arg6[%swap3A_2817, %swap3A_2818] {strides = array<i32>} : memref<128x64xf32, #tpu.memory_space<vmem>>, vector<1x16xf32>,
      %swap3A_2820 = vector.shape_cast %swap3A_2819 : vector<1x16xf32> to vector<16xf32>
      %swap3A_2821 = vector.shape_cast %broadcast_in_dim3A_3 : vector<16xf32> to vector<1x16xf32>
      tpu.vector_store %arg6[%swap3A_2817, %swap3A_2818], %swap3A_2821 {strides = array<i32>} : memref<128x64xf32, #tpu.memory_space<vmem>>, vector<1x16xf32>,
      %swap3A_2822 = arith.index_cast %scan3A_2807 : i32 to index
      %swap3A_2823 = arith.constant 48 : index
      %swap3A_2824 = tpu.vector_load %arg6[%swap3A_2822, %swap3A_2823] {strides = array<i32>} : memref<128x64xf32, #tpu.memory_space<vmem>>, vector<1x16xf32>,
      %swap3A_2825 = vector.shape_cast %swap3A_2824 : vector<1x16xf32> to vector<16xf32>
      %swap3A_2826 = vector.shape_cast %broadcast_in_dim3A_3 : vector<16xf32> to vector<1x16xf32>
      tpu.vector_store %arg6[%swap3A_2822, %swap3A_2823], %swap3A_2826 {strides = array<i32>} : memref<128x64xf32, #tpu.memory_space<vmem>>, vector<1x16xf32>,
      %scan3A_2827 = arith.constant 1 : i32
      %scan3A_2828 = arith.addi %scan3A_2807, %scan3A_2827 : i32
      %swap3A_2829 = arith.index_cast %scan3A_2828 : i32 to index
      %swap3A_2830 = arith.constant 0 : index
      %swap3A_2831 = tpu.vector_load %arg6[%swap3A_2829, %swap3A_2830] {strides = array<i32>} : memref<128x64xf32, #tpu.memory_space<vmem>>, vector<1x16xf32>,
      %swap3A_2832 = vector.shape_cast %swap3A_2831 : vector<1x16xf32> to vector<16xf32>
      %swap3A_2833 = vector.shape_cast %broadcast_in_dim3A_3 : vector<16xf32> to vector<1x16xf32>
      tpu.vector_store %arg6[%swap3A_2829, %swap3A_2830], %swap3A_2833 {strides = array<i32>} : memref<128x64xf32, #tpu.memory_space<vmem>>, vector<1x16xf32>,
      %swap3A_2834 = arith.index_cast %scan3A_2828 : i32 to index
      %swap3A_2835 = arith.constant 16 : index
      %swap3A_2836 = tpu.vector_load %arg6[%swap3A_2834, %swap3A_2835] {strides = array<i32>} : memref<128x64xf32, #tpu.memory_space<vmem>>, vector<1x16xf32>,
      %swap3A_2837 = vector.shape_cast %swap3A_2836 : vector<1x16xf32> to vector<16xf32>
      %swap3A_2838 = vector.shape_cast %broadcast_in_dim3A_3 : vector<16xf32> to vector<1x16xf32>
      tpu.vector_store %arg6[%swap3A_2834, %swap3A_2835], %swap3A_2838 {strides = array<i32>} : memref<128x64xf32, #tpu.memory_space<vmem>>, vector<1x16xf32>,
      %swap3A_2839 = arith.index_cast %scan3A_2828 : i32 to index
      %swap3A_2840 = arith.constant 32 : index
      %swap3A_2841 = tpu.vector_load %arg6[%swap3A_2839, %swap3A_2840] {strides = array<i32>} : memref<128x64xf32, #tpu.memory_space<vmem>>, vector<1x16xf32>,
      %swap3A_2842 = vector.shape_cast %swap3A_2841 : vector<1x16xf32> to vector<16xf32>
      %swap3A_2843 = vector.shape_cast %broadcast_in_dim3A_3 : vector<16xf32> to vector<1x16xf32>
      tpu.vector_store %arg6[%swap3A_2839, %swap3A_2840], %swap3A_2843 {strides = array<i32>} : memref<128x64xf32, #tpu.memory_space<vmem>>, vector<1x16xf32>,
      %swap3A_2844 = arith.index_cast %scan3A_2828 : i32 to index
      %swap3A_2845 = arith.constant 48 : index
      %swap3A_2846 = tpu.vector_load %arg6[%swap3A_2844, %swap3A_2845] {strides = array<i32>} : memref<128x64xf32, #tpu.memory_space<vmem>>, vector<1x16xf32>,
      %swap3A_2847 = vector.shape_cast %swap3A_2846 : vector<1x16xf32> to vector<16xf32>
      %swap3A_2848 = vector.shape_cast %broadcast_in_dim3A_3 : vector<16xf32> to vector<1x16xf32>
      tpu.vector_store %arg6[%swap3A_2844, %swap3A_2845], %swap3A_2848 {strides = array<i32>} : memref<128x64xf32, #tpu.memory_space<vmem>>, vector<1x16xf32>,
      %scan3A_2849 = arith.constant 2 : i32
      %scan3A_2850 = arith.addi %scan3A_2807, %scan3A_2849 : i32
      %swap3A_2851 = arith.index_cast %scan3A_2850 : i32 to index
      %swap3A_2852 = arith.constant 0 : index
      %swap3A_2853 = tpu.vector_load %arg6[%swap3A_2851, %swap3A_2852] {strides = array<i32>} : memref<128x64xf32, #tpu.memory_space<vmem>>, vector<1x16xf32>,
      %swap3A_2854 = vector.shape_cast %swap3A_2853 : vector<1x16xf32> to vector<16xf32>
      %swap3A_2855 = vector.shape_cast %broadcast_in_dim3A_3 : vector<16xf32> to vector<1x16xf32>
      tpu.vector_store %arg6[%swap3A_2851, %swap3A_2852], %swap3A_2855 {strides = array<i32>} : memref<128x64xf32, #tpu.memory_space<vmem>>, vector<1x16xf32>,
      %swap3A_2856 = arith.index_cast %scan3A_2850 : i32 to index
      %swap3A_2857 = arith.constant 16 : index
      %swap3A_2858 = tpu.vector_load %arg6[%swap3A_2856, %swap3A_2857] {strides = array<i32>} : memref<128x64xf32, #tpu.memory_space<vmem>>, vector<1x16xf32>,
      %swap3A_2859 = vector.shape_cast %swap3A_2858 : vector<1x16xf32> to vector<16xf32>
      %swap3A_2860 = vector.shape_cast %broadcast_in_dim3A_3 : vector<16xf32> to vector<1x16xf32>
      tpu.vector_store %arg6[%swap3A_2856, %swap3A_2857], %swap3A_2860 {strides = array<i32>} : memref<128x64xf32, #tpu.memory_space<vmem>>, vector<1x16xf32>,
      %swap3A_2861 = arith.index_cast %scan3A_2850 : i32 to index
      %swap3A_2862 = arith.constant 32 : index
      %swap3A_2863 = tpu.vector_load %arg6[%swap3A_2861, %swap3A_2862] {strides = array<i32>} : memref<128x64xf32, #tpu.memory_space<vmem>>, vector<1x16xf32>,
      %swap3A_2864 = vector.shape_cast %swap3A_2863 : vector<1x16xf32> to vector<16xf32>
      %swap3A_2865 = vector.shape_cast %broadcast_in_dim3A_3 : vector<16xf32> to vector<1x16xf32>
      tpu.vector_store %arg6[%swap3A_2861, %swap3A_2862], %swap3A_2865 {strides = array<i32>} : memref<128x64xf32, #tpu.memory_space<vmem>>, vector<1x16xf32>,
      %swap3A_2866 = arith.index_cast %scan3A_2850 : i32 to index
      %swap3A_2867 = arith.constant 48 : index
      %swap3A_2868 = tpu.vector_load %arg6[%swap3A_2866, %swap3A_2867] {strides = array<i32>} : memref<128x64xf32, #tpu.memory_space<vmem>>, vector<1x16xf32>,
      %swap3A_2869 = vector.shape_cast %swap3A_2868 : vector<1x16xf32> to vector<16xf32>
      %swap3A_2870 = vector.shape_cast %broadcast_in_dim3A_3 : vector<16xf32> to vector<1x16xf32>
      tpu.vector_store %arg6[%swap3A_2866, %swap3A_2867], %swap3A_2870 {strides = array<i32>} : memref<128x64xf32, #tpu.memory_space<vmem>>, vector<1x16xf32>,
      %scan3A_2871 = arith.constant 3 : i32
      %scan3A_2872 = arith.addi %scan3A_2807, %scan3A_2871 : i32
      %swap3A_2873 = arith.index_cast %scan3A_2872 : i32 to index
      %swap3A_2874 = arith.constant 0 : index
      %swap3A_2875 = tpu.vector_load %arg6[%swap3A_2873, %swap3A_2874] {strides = array<i32>} : memref<128x64xf32, #tpu.memory_space<vmem>>, vector<1x16xf32>,
      %swap3A_2876 = vector.shape_cast %swap3A_2875 : vector<1x16xf32> to vector<16xf32>
      %swap3A_2877 = vector.shape_cast %broadcast_in_dim3A_3 : vector<16xf32> to vector<1x16xf32>
      tpu.vector_store %arg6[%swap3A_2873, %swap3A_2874], %swap3A_2877 {strides = array<i32>} : memref<128x64xf32, #tpu.memory_space<vmem>>, vector<1x16xf32>,
      %swap3A_2878 = arith.index_cast %scan3A_2872 : i32 to index
      %swap3A_2879 = arith.constant 16 : index
      %swap3A_2880 = tpu.vector_load %arg6[%swap3A_2878, %swap3A_2879] {strides = array<i32>} : memref<128x64xf32, #tpu.memory_space<vmem>>, vector<1x16xf32>,
      %swap3A_2881 = vector.shape_cast %swap3A_2880 : vector<1x16xf32> to vector<16xf32>
      %swap3A_2882 = vector.shape_cast %broadcast_in_dim3A_3 : vector<16xf32> to vector<1x16xf32>
      tpu.vector_store %arg6[%swap3A_2878, %swap3A_2879], %swap3A_2882 {strides = array<i32>} : memref<128x64xf32, #tpu.memory_space<vmem>>, vector<1x16xf32>,
      %swap3A_2883 = arith.index_cast %scan3A_2872 : i32 to index
      %swap3A_2884 = arith.constant 32 : index
      %swap3A_2885 = tpu.vector_load %arg6[%swap3A_2883, %swap3A_2884] {strides = array<i32>} : memref<128x64xf32, #tpu.memory_space<vmem>>, vector<1x16xf32>,
      %swap3A_2886 = vector.shape_cast %swap3A_2885 : vector<1x16xf32> to vector<16xf32>
      %swap3A_2887 = vector.shape_cast %broadcast_in_dim3A_3 : vector<16xf32> to vector<1x16xf32>
      tpu.vector_store %arg6[%swap3A_2883, %swap3A_2884], %swap3A_2887 {strides = array<i32>} : memref<128x64xf32, #tpu.memory_space<vmem>>, vector<1x16xf32>,
      %swap3A_2888 = arith.index_cast %scan3A_2872 : i32 to index
      %swap3A_2889 = arith.constant 48 : index
      %swap3A_2890 = tpu.vector_load %arg6[%swap3A_2888, %swap3A_2889] {strides = array<i32>} : memref<128x64xf32, #tpu.memory_space<vmem>>, vector<1x16xf32>,
      %swap3A_2891 = vector.shape_cast %swap3A_2890 : vector<1x16xf32> to vector<16xf32>
      %swap3A_2892 = vector.shape_cast %broadcast_in_dim3A_3 : vector<16xf32> to vector<1x16xf32>
      tpu.vector_store %arg6[%swap3A_2888, %swap3A_2889], %swap3A_2892 {strides = array<i32>} : memref<128x64xf32, #tpu.memory_space<vmem>>, vector<1x16xf32>,
      %scan3A_2893 = arith.constant 4 : i32
      %scan3A_2894 = arith.addi %scan3A_2807, %scan3A_2893 : i32
      %swap3A_2895 = arith.index_cast %scan3A_2894 : i32 to index
      %swap3A_2896 = arith.constant 0 : index
      %swap3A_2897 = tpu.vector_load %arg6[%swap3A_2895, %swap3A_2896] {strides = array<i32>} : memref<128x64xf32, #tpu.memory_space<vmem>>, vector<1x16xf32>,
      %swap3A_2898 = vector.shape_cast %swap3A_2897 : vector<1x16xf32> to vector<16xf32>
      %swap3A_2899 = vector.shape_cast %broadcast_in_dim3A_3 : vector<16xf32> to vector<1x16xf32>
      tpu.vector_store %arg6[%swap3A_2895, %swap3A_2896], %swap3A_2899 {strides = array<i32>} : memref<128x64xf32, #tpu.memory_space<vmem>>, vector<1x16xf32>,
      %swap3A_2900 = arith.index_cast %scan3A_2894 : i32 to index
      %swap3A_2901 = arith.constant 16 : index
      %swap3A_2902 = tpu.vector_load %arg6[%swap3A_2900, %swap3A_2901] {strides = array<i32>} : memref<128x64xf32, #tpu.memory_space<vmem>>, vector<1x16xf32>,
      %swap3A_2903 = vector.shape_cast %swap3A_2902 : vector<1x16xf32> to vector<16xf32>
      %swap3A_2904 = vector.shape_cast %broadcast_in_dim3A_3 : vector<16xf32> to vector<1x16xf32>
      tpu.vector_store %arg6[%swap3A_2900, %swap3A_2901], %swap3A_2904 {strides = array<i32>} : memref<128x64xf32, #tpu.memory_space<vmem>>, vector<1x16xf32>,
      %swap3A_2905 = arith.index_cast %scan3A_2894 : i32 to index
      %swap3A_2906 = arith.constant 32 : index
      %swap3A_2907 = tpu.vector_load %arg6[%swap3A_2905, %swap3A_2906] {strides = array<i32>} : memref<128x64xf32, #tpu.memory_space<vmem>>, vector<1x16xf32>,
      %swap3A_2908 = vector.shape_cast %swap3A_2907 : vector<1x16xf32> to vector<16xf32>
      %swap3A_2909 = vector.shape_cast %broadcast_in_dim3A_3 : vector<16xf32> to vector<1x16xf32>
      tpu.vector_store %arg6[%swap3A_2905, %swap3A_2906], %swap3A_2909 {strides = array<i32>} : memref<128x64xf32, #tpu.memory_space<vmem>>, vector<1x16xf32>,
      %swap3A_2910 = arith.index_cast %scan3A_2894 : i32 to index
      %swap3A_2911 = arith.constant 48 : index
      %swap3A_2912 = tpu.vector_load %arg6[%swap3A_2910, %swap3A_2911] {strides = array<i32>} : memref<128x64xf32, #tpu.memory_space<vmem>>, vector<1x16xf32>,
      %swap3A_2913 = vector.shape_cast %swap3A_2912 : vector<1x16xf32> to vector<16xf32>
      %swap3A_2914 = vector.shape_cast %broadcast_in_dim3A_3 : vector<16xf32> to vector<1x16xf32>
      tpu.vector_store %arg6[%swap3A_2910, %swap3A_2911], %swap3A_2914 {strides = array<i32>} : memref<128x64xf32, #tpu.memory_space<vmem>>, vector<1x16xf32>,
      %scan3A_2915 = arith.constant 5 : i32
      %scan3A_2916 = arith.addi %scan3A_2807, %scan3A_2915 : i32
      %swap3A_2917 = arith.index_cast %scan3A_2916 : i32 to index
      %swap3A_2918 = arith.constant 0 : index
      %swap3A_2919 = tpu.vector_load %arg6[%swap3A_2917, %swap3A_2918] {strides = array<i32>} : memref<128x64xf32, #tpu.memory_space<vmem>>, vector<1x16xf32>,
      %swap3A_2920 = vector.shape_cast %swap3A_2919 : vector<1x16xf32> to vector<16xf32>
      %swap3A_2921 = vector.shape_cast %broadcast_in_dim3A_3 : vector<16xf32> to vector<1x16xf32>
      tpu.vector_store %arg6[%swap3A_2917, %swap3A_2918], %swap3A_2921 {strides = array<i32>} : memref<128x64xf32, #tpu.memory_space<vmem>>, vector<1x16xf32>,
      %swap3A_2922 = arith.index_cast %scan3A_2916 : i32 to index
      %swap3A_2923 = arith.constant 16 : index
      %swap3A_2924 = tpu.vector_load %arg6[%swap3A_2922, %swap3A_2923] {strides = array<i32>} : memref<128x64xf32, #tpu.memory_space<vmem>>, vector<1x16xf32>,
      %swap3A_2925 = vector.shape_cast %swap3A_2924 : vector<1x16xf32> to vector<16xf32>
      %swap3A_2926 = vector.shape_cast %broadcast_in_dim3A_3 : vector<16xf32> to vector<1x16xf32>
      tpu.vector_store %arg6[%swap3A_2922, %swap3A_2923], %swap3A_2926 {strides = array<i32>} : memref<128x64xf32, #tpu.memory_space<vmem>>, vector<1x16xf32>,
      %swap3A_2927 = arith.index_cast %scan3A_2916 : i32 to index
      %swap3A_2928 = arith.constant 32 : index
      %swap3A_2929 = tpu.vector_load %arg6[%swap3A_2927, %swap3A_2928] {strides = array<i32>} : memref<128x64xf32, #tpu.memory_space<vmem>>, vector<1x16xf32>,
      %swap3A_2930 = vector.shape_cast %swap3A_2929 : vector<1x16xf32> to vector<16xf32>
      %swap3A_2931 = vector.shape_cast %broadcast_in_dim3A_3 : vector<16xf32> to vector<1x16xf32>
      tpu.vector_store %arg6[%swap3A_2927, %swap3A_2928], %swap3A_2931 {strides = array<i32>} : memref<128x64xf32, #tpu.memory_space<vmem>>, vector<1x16xf32>,
      %swap3A_2932 = arith.index_cast %scan3A_2916 : i32 to index
      %swap3A_2933 = arith.constant 48 : index
      %swap3A_2934 = tpu.vector_load %arg6[%swap3A_2932, %swap3A_2933] {strides = array<i32>} : memref<128x64xf32, #tpu.memory_space<vmem>>, vector<1x16xf32>,
      %swap3A_2935 = vector.shape_cast %swap3A_2934 : vector<1x16xf32> to vector<16xf32>
      %swap3A_2936 = vector.shape_cast %broadcast_in_dim3A_3 : vector<16xf32> to vector<1x16xf32>
      tpu.vector_store %arg6[%swap3A_2932, %swap3A_2933], %swap3A_2936 {strides = array<i32>} : memref<128x64xf32, #tpu.memory_space<vmem>>, vector<1x16xf32>,
      %scan3A_2937 = arith.constant 6 : i32
      %scan3A_2938 = arith.addi %scan3A_2807, %scan3A_2937 : i32
      %swap3A_2939 = arith.index_cast %scan3A_2938 : i32 to index
      %swap3A_2940 = arith.constant 0 : index
      %swap3A_2941 = tpu.vector_load %arg6[%swap3A_2939, %swap3A_2940] {strides = array<i32>} : memref<128x64xf32, #tpu.memory_space<vmem>>, vector<1x16xf32>,
      %swap3A_2942 = vector.shape_cast %swap3A_2941 : vector<1x16xf32> to vector<16xf32>
      %swap3A_2943 = vector.shape_cast %broadcast_in_dim3A_3 : vector<16xf32> to vector<1x16xf32>
      tpu.vector_store %arg6[%swap3A_2939, %swap3A_2940], %swap3A_2943 {strides = array<i32>} : memref<128x64xf32, #tpu.memory_space<vmem>>, vector<1x16xf32>,
      %swap3A_2944 = arith.index_cast %scan3A_2938 : i32 to index
      %swap3A_2945 = arith.constant 16 : index
      %swap3A_2946 = tpu.vector_load %arg6[%swap3A_2944, %swap3A_2945] {strides = array<i32>} : memref<128x64xf32, #tpu.memory_space<vmem>>, vector<1x16xf32>,
      %swap3A_2947 = vector.shape_cast %swap3A_2946 : vector<1x16xf32> to vector<16xf32>
      %swap3A_2948 = vector.shape_cast %broadcast_in_dim3A_3 : vector<16xf32> to vector<1x16xf32>
      tpu.vector_store %arg6[%swap3A_2944, %swap3A_2945], %swap3A_2948 {strides = array<i32>} : memref<128x64xf32, #tpu.memory_space<vmem>>, vector<1x16xf32>,
      %swap3A_2949 = arith.index_cast %scan3A_2938 : i32 to index
      %swap3A_2950 = arith.constant 32 : index
      %swap3A_2951 = tpu.vector_load %arg6[%swap3A_2949, %swap3A_2950] {strides = array<i32>} : memref<128x64xf32, #tpu.memory_space<vmem>>, vector<1x16xf32>,
      %swap3A_2952 = vector.shape_cast %swap3A_2951 : vector<1x16xf32> to vector<16xf32>
      %swap3A_2953 = vector.shape_cast %broadcast_in_dim3A_3 : vector<16xf32> to vector<1x16xf32>
      tpu.vector_store %arg6[%swap3A_2949, %swap3A_2950], %swap3A_2953 {strides = array<i32>} : memref<128x64xf32, #tpu.memory_space<vmem>>, vector<1x16xf32>,
      %swap3A_2954 = arith.index_cast %scan3A_2938 : i32 to index
      %swap3A_2955 = arith.constant 48 : index
      %swap3A_2956 = tpu.vector_load %arg6[%swap3A_2954, %swap3A_2955] {strides = array<i32>} : memref<128x64xf32, #tpu.memory_space<vmem>>, vector<1x16xf32>,
      %swap3A_2957 = vector.shape_cast %swap3A_2956 : vector<1x16xf32> to vector<16xf32>
      %swap3A_2958 = vector.shape_cast %broadcast_in_dim3A_3 : vector<16xf32> to vector<1x16xf32>
      tpu.vector_store %arg6[%swap3A_2954, %swap3A_2955], %swap3A_2958 {strides = array<i32>} : memref<128x64xf32, #tpu.memory_space<vmem>>, vector<1x16xf32>,
      %scan3A_2959 = arith.constant 7 : i32
      %scan3A_2960 = arith.addi %scan3A_2807, %scan3A_2959 : i32
      %swap3A_2961 = arith.index_cast %scan3A_2960 : i32 to index
      %swap3A_2962 = arith.constant 0 : index
      %swap3A_2963 = tpu.vector_load %arg6[%swap3A_2961, %swap3A_2962] {strides = array<i32>} : memref<128x64xf32, #tpu.memory_space<vmem>>, vector<1x16xf32>,
      %swap3A_2964 = vector.shape_cast %swap3A_2963 : vector<1x16xf32> to vector<16xf32>
      %swap3A_2965 = vector.shape_cast %broadcast_in_dim3A_3 : vector<16xf32> to vector<1x16xf32>
      tpu.vector_store %arg6[%swap3A_2961, %swap3A_2962], %swap3A_2965 {strides = array<i32>} : memref<128x64xf32, #tpu.memory_space<vmem>>, vector<1x16xf32>,
      %swap3A_2966 = arith.index_cast %scan3A_2960 : i32 to index
      %swap3A_2967 = arith.constant 16 : index
      %swap3A_2968 = tpu.vector_load %arg6[%swap3A_2966, %swap3A_2967] {strides = array<i32>} : memref<128x64xf32, #tpu.memory_space<vmem>>, vector<1x16xf32>,
      %swap3A_2969 = vector.shape_cast %swap3A_2968 : vector<1x16xf32> to vector<16xf32>
      %swap3A_2970 = vector.shape_cast %broadcast_in_dim3A_3 : vector<16xf32> to vector<1x16xf32>
      tpu.vector_store %arg6[%swap3A_2966, %swap3A_2967], %swap3A_2970 {strides = array<i32>} : memref<128x64xf32, #tpu.memory_space<vmem>>, vector<1x16xf32>,
      %swap3A_2971 = arith.index_cast %scan3A_2960 : i32 to index
      %swap3A_2972 = arith.constant 32 : index
      %swap3A_2973 = tpu.vector_load %arg6[%swap3A_2971, %swap3A_2972] {strides = array<i32>} : memref<128x64xf32, #tpu.memory_space<vmem>>, vector<1x16xf32>,
      %swap3A_2974 = vector.shape_cast %swap3A_2973 : vector<1x16xf32> to vector<16xf32>
      %swap3A_2975 = vector.shape_cast %broadcast_in_dim3A_3 : vector<16xf32> to vector<1x16xf32>
      tpu.vector_store %arg6[%swap3A_2971, %swap3A_2972], %swap3A_2975 {strides = array<i32>} : memref<128x64xf32, #tpu.memory_space<vmem>>, vector<1x16xf32>,
      %swap3A_2976 = arith.index_cast %scan3A_2960 : i32 to index
      %swap3A_2977 = arith.constant 48 : index
      %swap3A_2978 = tpu.vector_load %arg6[%swap3A_2976, %swap3A_2977] {strides = array<i32>} : memref<128x64xf32, #tpu.memory_space<vmem>>, vector<1x16xf32>,
      %swap3A_2979 = vector.shape_cast %swap3A_2978 : vector<1x16xf32> to vector<16xf32>
      %swap3A_2980 = vector.shape_cast %broadcast_in_dim3A_3 : vector<16xf32> to vector<1x16xf32>
      tpu.vector_store %arg6[%swap3A_2976, %swap3A_2977], %swap3A_2980 {strides = array<i32>} : memref<128x64xf32, #tpu.memory_space<vmem>>, vector<1x16xf32>,
    }
    %scan3A_8 = arith.constant 128 : i32
    %dma_start3A = arith.constant 0 : i32
    %dma_start3A_9 = arith.constant 0 : i32
    %dma_start3A_10 = tpu.memref_slice %arg5[%dma_start3A, %dma_start3A_9] : memref<200x128xi32, #tpu.memory_space<vmem>> -> memref<1x128xi32, #tpu.memory_space<vmem>>
    %dma_start3A_11 = tpu.memref_squeeze %dma_start3A_10 : memref<1x128xi32, #tpu.memory_space<vmem>> -> memref<128xi32, #tpu.memory_space<vmem>>
    %dma_start3A_12 = arith.constant 0 : i32
    %dma_start3A_13 = arith.constant 0 : i32
    %dma_start3A_14 = tpu.memref_slice %arg3[%dma_start3A_12, %dma_start3A_13] : memref<114688x64xf32, #tpu.memory_space<hbm>> -> memref<114688x64xf32, #tpu.memory_space<hbm>>
    tpu.enqueue_indirect_dma source(%dma_start3A_14 : memref<114688x64xf32, #tpu.memory_space<hbm>>) target(%arg6 : memref<128x64xf32, #tpu.memory_space<vmem>>) offsets(%dma_start3A_11 : memref<128xi32, #tpu.memory_space<vmem>>) semaphore(%arg7 : memref<!tpu.dma_semaphore, #tpu.memory_space<semaphore_mem>>) {add = true}
    %dma_start3A_15 = arith.constant 1 : i32
    %dma_start3A_16 = arith.constant 0 : i32
    %dma_start3A_17 = tpu.memref_slice %arg5[%dma_start3A_15, %dma_start3A_16] : memref<200x128xi32, #tpu.memory_space<vmem>> -> memref<1x128xi32, #tpu.memory_space<vmem>>
    %dma_start3A_18 = tpu.memref_squeeze %dma_start3A_17 : memref<1x128xi32, #tpu.memory_space<vmem>> -> memref<128xi32, #tpu.memory_space<vmem>>
    %dma_start3A_19 = arith.constant 0 : i32
    %dma_start3A_20 = arith.constant 0 : i32
    %dma_start3A_21 = tpu.memref_slice %arg3[%dma_start3A_19, %dma_start3A_20] : memref<114688x64xf32, #tpu.memory_space<hbm>> -> memref<114688x64xf32, #tpu.memory_space<hbm>>
    tpu.enqueue_indirect_dma source(%dma_start3A_21 : memref<114688x64xf32, #tpu.memory_space<hbm>>) target(%arg6 : memref<128x64xf32, #tpu.memory_space<vmem>>) offsets(%dma_start3A_18 : memref<128xi32, #tpu.memory_space<vmem>>) semaphore(%arg7 : memref<!tpu.dma_semaphore, #tpu.memory_space<semaphore_mem>>) {add = true}
    %dma_start3A_22 = arith.constant 2 : i32
    %dma_start3A_23 = arith.constant 0 : i32
    %dma_start3A_24 = tpu.memref_slice %arg5[%dma_start3A_22, %dma_start3A_23] : memref<200x128xi32, #tpu.memory_space<vmem>> -> memref<1x128xi32, #tpu.memory_space<vmem>>
    %dma_start3A_25 = tpu.memref_squeeze %dma_start3A_24 : memref<1x128xi32, #tpu.memory_space<vmem>> -> memref<128xi32, #tpu.memory_space<vmem>>
    %dma_start3A_26 = arith.constant 0 : i32
    %dma_start3A_27 = arith.constant 0 : i32
    %dma_start3A_28 = tpu.memref_slice %arg3[%dma_start3A_26, %dma_start3A_27] : memref<114688x64xf32, #tpu.memory_space<hbm>> -> memref<114688x64xf32, #tpu.memory_space<hbm>>
    tpu.enqueue_indirect_dma source(%dma_start3A_28 : memref<114688x64xf32, #tpu.memory_space<hbm>>) target(%arg6 : memref<128x64xf32, #tpu.memory_space<vmem>>) offsets(%dma_start3A_25 : memref<128xi32, #tpu.memory_space<vmem>>) semaphore(%arg7 : memref<!tpu.dma_semaphore, #tpu.memory_space<semaphore_mem>>) {add = true}
    %dma_start3A_29 = arith.constant 3 : i32
    %dma_start3A_30 = arith.constant 0 : i32
    %dma_start3A_31 = tpu.memref_slice %arg5[%dma_start3A_29, %dma_start3A_30] : memref<200x128xi32, #tpu.memory_space<vmem>> -> memref<1x128xi32, #tpu.memory_space<vmem>>
    %dma_start3A_32 = tpu.memref_squeeze %dma_start3A_31 : memref<1x128xi32, #tpu.memory_space<vmem>> -> memref<128xi32, #tpu.memory_space<vmem>>
    %dma_start3A_33 = arith.constant 0 : i32
    %dma_start3A_34 = arith.constant 0 : i32
    %dma_start3A_35 = tpu.memref_slice %arg3[%dma_start3A_33, %dma_start3A_34] : memref<114688x64xf32, #tpu.memory_space<hbm>> -> memref<114688x64xf32, #tpu.memory_space<hbm>>
    tpu.enqueue_indirect_dma source(%dma_start3A_35 : memref<114688x64xf32, #tpu.memory_space<hbm>>) target(%arg6 : memref<128x64xf32, #tpu.memory_space<vmem>>) offsets(%dma_start3A_32 : memref<128xi32, #tpu.memory_space<vmem>>) semaphore(%arg7 : memref<!tpu.dma_semaphore, #tpu.memory_space<semaphore_mem>>) {add = true}
    %dma_start3A_36 = arith.constant 4 : i32
    %dma_start3A_37 = arith.constant 0 : i32
    %dma_start3A_38 = tpu.memref_slice %arg5[%dma_start3A_36, %dma_start3A_37] : memref<200x128xi32, #tpu.memory_space<vmem>> -> memref<1x128xi32, #tpu.memory_space<vmem>>
    %dma_start3A_39 = tpu.memref_squeeze %dma_start3A_38 : memref<1x128xi32, #tpu.memory_space<vmem>> -> memref<128xi32, #tpu.memory_space<vmem>>
    %dma_start3A_40 = arith.constant 0 : i32
    %dma_start3A_41 = arith.constant 0 : i32
    %dma_start3A_42 = tpu.memref_slice %arg3[%dma_start3A_40, %dma_start3A_41] : memref<114688x64xf32, #tpu.memory_space<hbm>> -> memref<114688x64xf32, #tpu.memory_space<hbm>>
    tpu.enqueue_indirect_dma source(%dma_start3A_42 : memref<114688x64xf32, #tpu.memory_space<hbm>>) target(%arg6 : memref<128x64xf32, #tpu.memory_space<vmem>>) offsets(%dma_start3A_39 : memref<128xi32, #tpu.memory_space<vmem>>) semaphore(%arg7 : memref<!tpu.dma_semaphore, #tpu.memory_space<semaphore_mem>>) {add = true}
    %dma_start3A_43 = arith.constant 5 : i32
    %dma_start3A_44 = arith.constant 0 : i32
    %dma_start3A_45 = tpu.memref_slice %arg5[%dma_start3A_43, %dma_start3A_44] : memref<200x128xi32, #tpu.memory_space<vmem>> -> memref<1x128xi32, #tpu.memory_space<vmem>>
    %dma_start3A_46 = tpu.memref_squeeze %dma_start3A_45 : memref<1x128xi32, #tpu.memory_space<vmem>> -> memref<128xi32, #tpu.memory_space<vmem>>
    %dma_start3A_47 = arith.constant 0 : i32
    %dma_start3A_48 = arith.constant 0 : i32
    %dma_start3A_49 = tpu.memref_slice %arg3[%dma_start3A_47, %dma_start3A_48] : memref<114688x64xf32, #tpu.memory_space<hbm>> -> memref<114688x64xf32, #tpu.memory_space<hbm>>
    tpu.enqueue_indirect_dma source(%dma_start3A_49 : memref<114688x64xf32, #tpu.memory_space<hbm>>) target(%arg6 : memref<128x64xf32, #tpu.memory_space<vmem>>) offsets(%dma_start3A_46 : memref<128xi32, #tpu.memory_space<vmem>>) semaphore(%arg7 : memref<!tpu.dma_semaphore, #tpu.memory_space<semaphore_mem>>) {add = true}
    %dma_start3A_50 = arith.constant 6 : i32
    %dma_start3A_51 = arith.constant 0 : i32
    %dma_start3A_52 = tpu.memref_slice %arg5[%dma_start3A_50, %dma_start3A_51] : memref<200x128xi32, #tpu.memory_space<vmem>> -> memref<1x128xi32, #tpu.memory_space<vmem>>
    %dma_start3A_53 = tpu.memref_squeeze %dma_start3A_52 : memref<1x128xi32, #tpu.memory_space<vmem>> -> memref<128xi32, #tpu.memory_space<vmem>>
    %dma_start3A_54 = arith.constant 0 : i32
    %dma_start3A_55 = arith.constant 0 : i32
    %dma_start3A_56 = tpu.memref_slice %arg3[%dma_start3A_54, %dma_start3A_55] : memref<114688x64xf32, #tpu.memory_space<hbm>> -> memref<114688x64xf32, #tpu.memory_space<hbm>>
    tpu.enqueue_indirect_dma source(%dma_start3A_56 : memref<114688x64xf32, #tpu.memory_space<hbm>>) target(%arg6 : memref<128x64xf32, #tpu.memory_space<vmem>>) offsets(%dma_start3A_53 : memref<128xi32, #tpu.memory_space<vmem>>) semaphore(%arg7 : memref<!tpu.dma_semaphore, #tpu.memory_space<semaphore_mem>>) {add = true}
    %dma_start3A_57 = arith.constant 7 : i32
    %dma_start3A_58 = arith.constant 0 : i32
    %dma_start3A_59 = tpu.memref_slice %arg5[%dma_start3A_57, %dma_start3A_58] : memref<200x128xi32, #tpu.memory_space<vmem>> -> memref<1x128xi32, #tpu.memory_space<vmem>>
    %dma_start3A_60 = tpu.memref_squeeze %dma_start3A_59 : memref<1x128xi32, #tpu.memory_space<vmem>> -> memref<128xi32, #tpu.memory_space<vmem>>
    %dma_start3A_61 = arith.constant 0 : i32
    %dma_start3A_62 = arith.constant 0 : i32
    %dma_start3A_63 = tpu.memref_slice %arg3[%dma_start3A_61, %dma_start3A_62] : memref<114688x64xf32, #tpu.memory_space<hbm>> -> memref<114688x64xf32, #tpu.memory_space<hbm>>
    tpu.enqueue_indirect_dma source(%dma_start3A_63 : memref<114688x64xf32, #tpu.memory_space<hbm>>) target(%arg6 : memref<128x64xf32, #tpu.memory_space<vmem>>) offsets(%dma_start3A_60 : memref<128xi32, #tpu.memory_space<vmem>>) semaphore(%arg7 : memref<!tpu.dma_semaphore, #tpu.memory_space<semaphore_mem>>) {add = true}
    %dma_start3A_64 = arith.constant 8 : i32
    %dma_start3A_65 = arith.constant 0 : i32
    %dma_start3A_66 = tpu.memref_slice %arg5[%dma_start3A_64, %dma_start3A_65] : memref<200x128xi32, #tpu.memory_space<vmem>> -> memref<1x128xi32, #tpu.memory_space<vmem>>
    %dma_start3A_67 = tpu.memref_squeeze %dma_start3A_66 : memref<1x128xi32, #tpu.memory_space<vmem>> -> memref<128xi32, #tpu.memory_space<vmem>>
    %dma_start3A_68 = arith.constant 0 : i32
    %dma_start3A_69 = arith.constant 0 : i32
    %dma_start3A_70 = tpu.memref_slice %arg3[%dma_start3A_68, %dma_start3A_69] : memref<114688x64xf32, #tpu.memory_space<hbm>> -> memref<114688x64xf32, #tpu.memory_space<hbm>>
    tpu.enqueue_indirect_dma source(%dma_start3A_70 : memref<114688x64xf32, #tpu.memory_space<hbm>>) target(%arg6 : memref<128x64xf32, #tpu.memory_space<vmem>>) offsets(%dma_start3A_67 : memref<128xi32, #tpu.memory_space<vmem>>) semaphore(%arg7 : memref<!tpu.dma_semaphore, #tpu.memory_space<semaphore_mem>>) {add = true}
    %dma_start3A_71 = arith.constant 9 : i32
    %dma_start3A_72 = arith.constant 0 : i32
    %dma_start3A_73 = tpu.memref_slice %arg5[%dma_start3A_71, %dma_start3A_72] : memref<200x128xi32, #tpu.memory_space<vmem>> -> memref<1x128xi32, #tpu.memory_space<vmem>>
    %dma_start3A_74 = tpu.memref_squeeze %dma_start3A_73 : memref<1x128xi32, #tpu.memory_space<vmem>> -> memref<128xi32, #tpu.memory_space<vmem>>
    %dma_start3A_75 = arith.constant 0 : i32
    %dma_start3A_76 = arith.constant 0 : i32
    %dma_start3A_77 = tpu.memref_slice %arg3[%dma_start3A_75, %dma_start3A_76] : memref<114688x64xf32, #tpu.memory_space<hbm>> -> memref<114688x64xf32, #tpu.memory_space<hbm>>
    tpu.enqueue_indirect_dma source(%dma_start3A_77 : memref<114688x64xf32, #tpu.memory_space<hbm>>) target(%arg6 : memref<128x64xf32, #tpu.memory_space<vmem>>) offsets(%dma_start3A_74 : memref<128xi32, #tpu.memory_space<vmem>>) semaphore(%arg7 : memref<!tpu.dma_semaphore, #tpu.memory_space<semaphore_mem>>) {add = true}
    %dma_start3A_78 = arith.constant 10 : i32
    %dma_start3A_79 = arith.constant 0 : i32
    %dma_start3A_80 = tpu.memref_slice %arg5[%dma_start3A_78, %dma_start3A_79] : memref<200x128xi32, #tpu.memory_space<vmem>> -> memref<1x128xi32, #tpu.memory_space<vmem>>
    %dma_start3A_81 = tpu.memref_squeeze %dma_start3A_80 : memref<1x128xi32, #tpu.memory_space<vmem>> -> memref<128xi32, #tpu.memory_space<vmem>>
    %dma_start3A_82 = arith.constant 0 : i32
    %dma_start3A_83 = arith.constant 0 : i32
    %dma_start3A_84 = tpu.memref_slice %arg3[%dma_start3A_82, %dma_start3A_83] : memref<114688x64xf32, #tpu.memory_space<hbm>> -> memref<114688x64xf32, #tpu.memory_space<hbm>>
    tpu.enqueue_indirect_dma source(%dma_start3A_84 : memref<114688x64xf32, #tpu.memory_space<hbm>>) target(%arg6 : memref<128x64xf32, #tpu.memory_space<vmem>>) offsets(%dma_start3A_81 : memref<128xi32, #tpu.memory_space<vmem>>) semaphore(%arg7 : memref<!tpu.dma_semaphore, #tpu.memory_space<semaphore_mem>>) {add = true}
    %dma_start3A_85 = arith.constant 11 : i32
    %dma_start3A_86 = arith.constant 0 : i32
    %dma_start3A_87 = tpu.memref_slice %arg5[%dma_start3A_85, %dma_start3A_86] : memref<200x128xi32, #tpu.memory_space<vmem>> -> memref<1x128xi32, #tpu.memory_space<vmem>>
    %dma_start3A_88 = tpu.memref_squeeze %dma_start3A_87 : memref<1x128xi32, #tpu.memory_space<vmem>> -> memref<128xi32, #tpu.memory_space<vmem>>
    %dma_start3A_89 = arith.constant 0 : i32
    %dma_start3A_90 = arith.constant 0 : i32
    %dma_start3A_91 = tpu.memref_slice %arg3[%dma_start3A_89, %dma_start3A_90] : memref<114688x64xf32, #tpu.memory_space<hbm>> -> memref<114688x64xf32, #tpu.memory_space<hbm>>
    tpu.enqueue_indirect_dma source(%dma_start3A_91 : memref<114688x64xf32, #tpu.memory_space<hbm>>) target(%arg6 : memref<128x64xf32, #tpu.memory_space<vmem>>) offsets(%dma_start3A_88 : memref<128xi32, #tpu.memory_space<vmem>>) semaphore(%arg7 : memref<!tpu.dma_semaphore, #tpu.memory_space<semaphore_mem>>) {add = true}
    %dma_start3A_92 = arith.constant 12 : i32
    %dma_start3A_93 = arith.constant 0 : i32
    %dma_start3A_94 = tpu.memref_slice %arg5[%dma_start3A_92, %dma_start3A_93] : memref<200x128xi32, #tpu.memory_space<vmem>> -> memref<1x128xi32, #tpu.memory_space<vmem>>
    %dma_start3A_95 = tpu.memref_squeeze %dma_start3A_94 : memref<1x128xi32, #tpu.memory_space<vmem>> -> memref<128xi32, #tpu.memory_space<vmem>>
    %dma_start3A_96 = arith.constant 0 : i32
    %dma_start3A_97 = arith.constant 0 : i32
    %dma_start3A_98 = tpu.memref_slice %arg3[%dma_start3A_96, %dma_start3A_97] : memref<114688x64xf32, #tpu.memory_space<hbm>> -> memref<114688x64xf32, #tpu.memory_space<hbm>>
    tpu.enqueue_indirect_dma source(%dma_start3A_98 : memref<114688x64xf32, #tpu.memory_space<hbm>>) target(%arg6 : memref<128x64xf32, #tpu.memory_space<vmem>>) offsets(%dma_start3A_95 : memref<128xi32, #tpu.memory_space<vmem>>) semaphore(%arg7 : memref<!tpu.dma_semaphore, #tpu.memory_space<semaphore_mem>>) {add = true}
    %dma_start3A_99 = arith.constant 13 : i32
    %dma_start3A_100 = arith.constant 0 : i32
    %dma_start3A_101 = tpu.memref_slice %arg5[%dma_start3A_99, %dma_start3A_100] : memref<200x128xi32, #tpu.memory_space<vmem>> -> memref<1x128xi32, #tpu.memory_space<vmem>>
    %dma_start3A_102 = tpu.memref_squeeze %dma_start3A_101 : memref<1x128xi32, #tpu.memory_space<vmem>> -> memref<128xi32, #tpu.memory_space<vmem>>
    %dma_start3A_103 = arith.constant 0 : i32
    %dma_start3A_104 = arith.constant 0 : i32
    %dma_start3A_105 = tpu.memref_slice %arg3[%dma_start3A_103, %dma_start3A_104] : memref<114688x64xf32, #tpu.memory_space<hbm>> -> memref<114688x64xf32, #tpu.memory_space<hbm>>
    tpu.enqueue_indirect_dma source(%dma_start3A_105 : memref<114688x64xf32, #tpu.memory_space<hbm>>) target(%arg6 : memref<128x64xf32, #tpu.memory_space<vmem>>) offsets(%dma_start3A_102 : memref<128xi32, #tpu.memory_space<vmem>>) semaphore(%arg7 : memref<!tpu.dma_semaphore, #tpu.memory_space<semaphore_mem>>) {add = true}
    %dma_start3A_106 = arith.constant 14 : i32
    %dma_start3A_107 = arith.constant 0 : i32
    %dma_start3A_108 = tpu.memref_slice %arg5[%dma_start3A_106, %dma_start3A_107] : memref<200x128xi32, #tpu.memory_space<vmem>> -> memref<1x128xi32, #tpu.memory_space<vmem>>
    %dma_start3A_109 = tpu.memref_squeeze %dma_start3A_108 : memref<1x128xi32, #tpu.memory_space<vmem>> -> memref<128xi32, #tpu.memory_space<vmem>>
    %dma_start3A_110 = arith.constant 0 : i32
    %dma_start3A_111 = arith.constant 0 : i32
    %dma_start3A_112 = tpu.memref_slice %arg3[%dma_start3A_110, %dma_start3A_111] : memref<114688x64xf32, #tpu.memory_space<hbm>> -> memref<114688x64xf32, #tpu.memory_space<hbm>>
    tpu.enqueue_indirect_dma source(%dma_start3A_112 : memref<114688x64xf32, #tpu.memory_space<hbm>>) target(%arg6 : memref<128x64xf32, #tpu.memory_space<vmem>>) offsets(%dma_start3A_109 : memref<128xi32, #tpu.memory_space<vmem>>) semaphore(%arg7 : memref<!tpu.dma_semaphore, #tpu.memory_space<semaphore_mem>>) {add = true}
    %dma_start3A_113 = arith.constant 15 : i32
    %dma_start3A_114 = arith.constant 0 : i32
    %dma_start3A_115 = tpu.memref_slice %arg5[%dma_start3A_113, %dma_start3A_114] : memref<200x128xi32, #tpu.memory_space<vmem>> -> memref<1x128xi32, #tpu.memory_space<vmem>>
    %dma_start3A_116 = tpu.memref_squeeze %dma_start3A_115 : memref<1x128xi32, #tpu.memory_space<vmem>> -> memref<128xi32, #tpu.memory_space<vmem>>
    %dma_start3A_117 = arith.constant 0 : i32
    %dma_start3A_118 = arith.constant 0 : i32
    %dma_start3A_119 = tpu.memref_slice %arg3[%dma_start3A_117, %dma_start3A_118] : memref<114688x64xf32, #tpu.memory_space<hbm>> -> memref<114688x64xf32, #tpu.memory_space<hbm>>
    tpu.enqueue_indirect_dma source(%dma_start3A_119 : memref<114688x64xf32, #tpu.memory_space<hbm>>) target(%arg6 : memref<128x64xf32, #tpu.memory_space<vmem>>) offsets(%dma_start3A_116 : memref<128xi32, #tpu.memory_space<vmem>>) semaphore(%arg7 : memref<!tpu.dma_semaphore, #tpu.memory_space<semaphore_mem>>) {add = true}
    %dma_start3A_120 = arith.constant 16 : i32
    %dma_start3A_121 = arith.constant 0 : i32
    %dma_start3A_122 = tpu.memref_slice %arg5[%dma_start3A_120, %dma_start3A_121] : memref<200x128xi32, #tpu.memory_space<vmem>> -> memref<1x128xi32, #tpu.memory_space<vmem>>
    %dma_start3A_123 = tpu.memref_squeeze %dma_start3A_122 : memref<1x128xi32, #tpu.memory_space<vmem>> -> memref<128xi32, #tpu.memory_space<vmem>>
    %dma_start3A_124 = arith.constant 0 : i32
    %dma_start3A_125 = arith.constant 0 : i32
    %dma_start3A_126 = tpu.memref_slice %arg3[%dma_start3A_124, %dma_start3A_125] : memref<114688x64xf32, #tpu.memory_space<hbm>> -> memref<114688x64xf32, #tpu.memory_space<hbm>>
    tpu.enqueue_indirect_dma source(%dma_start3A_126 : memref<114688x64xf32, #tpu.memory_space<hbm>>) target(%arg6 : memref<128x64xf32, #tpu.memory_space<vmem>>) offsets(%dma_start3A_123 : memref<128xi32, #tpu.memory_space<vmem>>) semaphore(%arg7 : memref<!tpu.dma_semaphore, #tpu.memory_space<semaphore_mem>>) {add = true}
    %dma_start3A_127 = arith.constant 17 : i32
    %dma_start3A_128 = arith.constant 0 : i32
    %dma_start3A_129 = tpu.memref_slice %arg5[%dma_start3A_127, %dma_start3A_128] : memref<200x128xi32, #tpu.memory_space<vmem>> -> memref<1x128xi32, #tpu.memory_space<vmem>>
    %dma_start3A_130 = tpu.memref_squeeze %dma_start3A_129 : memref<1x128xi32, #tpu.memory_space<vmem>> -> memref<128xi32, #tpu.memory_space<vmem>>
    %dma_start3A_131 = arith.constant 0 : i32
    %dma_start3A_132 = arith.constant 0 : i32
    %dma_start3A_133 = tpu.memref_slice %arg3[%dma_start3A_131, %dma_start3A_132] : memref<114688x64xf32, #tpu.memory_space<hbm>> -> memref<114688x64xf32, #tpu.memory_space<hbm>>
    tpu.enqueue_indirect_dma source(%dma_start3A_133 : memref<114688x64xf32, #tpu.memory_space<hbm>>) target(%arg6 : memref<128x64xf32, #tpu.memory_space<vmem>>) offsets(%dma_start3A_130 : memref<128xi32, #tpu.memory_space<vmem>>) semaphore(%arg7 : memref<!tpu.dma_semaphore, #tpu.memory_space<semaphore_mem>>) {add = true}
    %dma_start3A_134 = arith.constant 18 : i32
    %dma_start3A_135 = arith.constant 0 : i32
    %dma_start3A_136 = tpu.memref_slice %arg5[%dma_start3A_134, %dma_start3A_135] : memref<200x128xi32, #tpu.memory_space<vmem>> -> memref<1x128xi32, #tpu.memory_space<vmem>>
    %dma_start3A_137 = tpu.memref_squeeze %dma_start3A_136 : memref<1x128xi32, #tpu.memory_space<vmem>> -> memref<128xi32, #tpu.memory_space<vmem>>
    %dma_start3A_138 = arith.constant 0 : i32
    %dma_start3A_139 = arith.constant 0 : i32
    %dma_start3A_140 = tpu.memref_slice %arg3[%dma_start3A_138, %dma_start3A_139] : memref<114688x64xf32, #tpu.memory_space<hbm>> -> memref<114688x64xf32, #tpu.memory_space<hbm>>
    tpu.enqueue_indirect_dma source(%dma_start3A_140 : memref<114688x64xf32, #tpu.memory_space<hbm>>) target(%arg6 : memref<128x64xf32, #tpu.memory_space<vmem>>) offsets(%dma_start3A_137 : memref<128xi32, #tpu.memory_space<vmem>>) semaphore(%arg7 : memref<!tpu.dma_semaphore, #tpu.memory_space<semaphore_mem>>) {add = true}
    %dma_start3A_141 = arith.constant 19 : i32
    %dma_start3A_142 = arith.constant 0 : i32
    %dma_start3A_143 = tpu.memref_slice %arg5[%dma_start3A_141, %dma_start3A_142] : memref<200x128xi32, #tpu.memory_space<vmem>> -> memref<1x128xi32, #tpu.memory_space<vmem>>
    %dma_start3A_144 = tpu.memref_squeeze %dma_start3A_143 : memref<1x128xi32, #tpu.memory_space<vmem>> -> memref<128xi32, #tpu.memory_space<vmem>>
    %dma_start3A_145 = arith.constant 0 : i32
    %dma_start3A_146 = arith.constant 0 : i32
    %dma_start3A_147 = tpu.memref_slice %arg3[%dma_start3A_145, %dma_start3A_146] : memref<114688x64xf32, #tpu.memory_space<hbm>> -> memref<114688x64xf32, #tpu.memory_space<hbm>>
    tpu.enqueue_indirect_dma source(%dma_start3A_147 : memref<114688x64xf32, #tpu.memory_space<hbm>>) target(%arg6 : memref<128x64xf32, #tpu.memory_space<vmem>>) offsets(%dma_start3A_144 : memref<128xi32, #tpu.memory_space<vmem>>) semaphore(%arg7 : memref<!tpu.dma_semaphore, #tpu.memory_space<semaphore_mem>>) {add = true}
    %dma_start3A_148 = arith.constant 20 : i32
    %dma_start3A_149 = arith.constant 0 : i32
    %dma_start3A_150 = tpu.memref_slice %arg5[%dma_start3A_148, %dma_start3A_149] : memref<200x128xi32, #tpu.memory_space<vmem>> -> memref<1x128xi32, #tpu.memory_space<vmem>>
    %dma_start3A_151 = tpu.memref_squeeze %dma_start3A_150 : memref<1x128xi32, #tpu.memory_space<vmem>> -> memref<128xi32, #tpu.memory_space<vmem>>
    %dma_start3A_152 = arith.constant 0 : i32
    %dma_start3A_153 = arith.constant 0 : i32
    %dma_start3A_154 = tpu.memref_slice %arg3[%dma_start3A_152, %dma_start3A_153] : memref<114688x64xf32, #tpu.memory_space<hbm>> -> memref<114688x64xf32, #tpu.memory_space<hbm>>
    tpu.enqueue_indirect_dma source(%dma_start3A_154 : memref<114688x64xf32, #tpu.memory_space<hbm>>) target(%arg6 : memref<128x64xf32, #tpu.memory_space<vmem>>) offsets(%dma_start3A_151 : memref<128xi32, #tpu.memory_space<vmem>>) semaphore(%arg7 : memref<!tpu.dma_semaphore, #tpu.memory_space<semaphore_mem>>) {add = true}
    %dma_start3A_155 = arith.constant 21 : i32
    %dma_start3A_156 = arith.constant 0 : i32
    %dma_start3A_157 = tpu.memref_slice %arg5[%dma_start3A_155, %dma_start3A_156] : memref<200x128xi32, #tpu.memory_space<vmem>> -> memref<1x128xi32, #tpu.memory_space<vmem>>
    %dma_start3A_158 = tpu.memref_squeeze %dma_start3A_157 : memref<1x128xi32, #tpu.memory_space<vmem>> -> memref<128xi32, #tpu.memory_space<vmem>>
    %dma_start3A_159 = arith.constant 0 : i32
    %dma_start3A_160 = arith.constant 0 : i32
    %dma_start3A_161 = tpu.memref_slice %arg3[%dma_start3A_159, %dma_start3A_160] : memref<114688x64xf32, #tpu.memory_space<hbm>> -> memref<114688x64xf32, #tpu.memory_space<hbm>>
    tpu.enqueue_indirect_dma source(%dma_start3A_161 : memref<114688x64xf32, #tpu.memory_space<hbm>>) target(%arg6 : memref<128x64xf32, #tpu.memory_space<vmem>>) offsets(%dma_start3A_158 : memref<128xi32, #tpu.memory_space<vmem>>) semaphore(%arg7 : memref<!tpu.dma_semaphore, #tpu.memory_space<semaphore_mem>>) {add = true}
    %dma_start3A_162 = arith.constant 22 : i32
    %dma_start3A_163 = arith.constant 0 : i32
    %dma_start3A_164 = tpu.memref_slice %arg5[%dma_start3A_162, %dma_start3A_163] : memref<200x128xi32, #tpu.memory_space<vmem>> -> memref<1x128xi32, #tpu.memory_space<vmem>>
    %dma_start3A_165 = tpu.memref_squeeze %dma_start3A_164 : memref<1x128xi32, #tpu.memory_space<vmem>> -> memref<128xi32, #tpu.memory_space<vmem>>
    %dma_start3A_166 = arith.constant 0 : i32
    %dma_start3A_167 = arith.constant 0 : i32
    %dma_start3A_168 = tpu.memref_slice %arg3[%dma_start3A_166, %dma_start3A_167] : memref<114688x64xf32, #tpu.memory_space<hbm>> -> memref<114688x64xf32, #tpu.memory_space<hbm>>
    tpu.enqueue_indirect_dma source(%dma_start3A_168 : memref<114688x64xf32, #tpu.memory_space<hbm>>) target(%arg6 : memref<128x64xf32, #tpu.memory_space<vmem>>) offsets(%dma_start3A_165 : memref<128xi32, #tpu.memory_space<vmem>>) semaphore(%arg7 : memref<!tpu.dma_semaphore, #tpu.memory_space<semaphore_mem>>) {add = true}
    %dma_start3A_169 = arith.constant 23 : i32
    %dma_start3A_170 = arith.constant 0 : i32
    %dma_start3A_171 = tpu.memref_slice %arg5[%dma_start3A_169, %dma_start3A_170] : memref<200x128xi32, #tpu.memory_space<vmem>> -> memref<1x128xi32, #tpu.memory_space<vmem>>
    %dma_start3A_172 = tpu.memref_squeeze %dma_start3A_171 : memref<1x128xi32, #tpu.memory_space<vmem>> -> memref<128xi32, #tpu.memory_space<vmem>>
    %dma_start3A_173 = arith.constant 0 : i32
    %dma_start3A_174 = arith.constant 0 : i32
    %dma_start3A_175 = tpu.memref_slice %arg3[%dma_start3A_173, %dma_start3A_174] : memref<114688x64xf32, #tpu.memory_space<hbm>> -> memref<114688x64xf32, #tpu.memory_space<hbm>>
    tpu.enqueue_indirect_dma source(%dma_start3A_175 : memref<114688x64xf32, #tpu.memory_space<hbm>>) target(%arg6 : memref<128x64xf32, #tpu.memory_space<vmem>>) offsets(%dma_start3A_172 : memref<128xi32, #tpu.memory_space<vmem>>) semaphore(%arg7 : memref<!tpu.dma_semaphore, #tpu.memory_space<semaphore_mem>>) {add = true}
    %dma_start3A_176 = arith.constant 24 : i32
    %dma_start3A_177 = arith.constant 0 : i32
    %dma_start3A_178 = tpu.memref_slice %arg5[%dma_start3A_176, %dma_start3A_177] : memref<200x128xi32, #tpu.memory_space<vmem>> -> memref<1x128xi32, #tpu.memory_space<vmem>>
    %dma_start3A_179 = tpu.memref_squeeze %dma_start3A_178 : memref<1x128xi32, #tpu.memory_space<vmem>> -> memref<128xi32, #tpu.memory_space<vmem>>
    %dma_start3A_180 = arith.constant 0 : i32
    %dma_start3A_181 = arith.constant 0 : i32
    %dma_start3A_182 = tpu.memref_slice %arg3[%dma_start3A_180, %dma_start3A_181] : memref<114688x64xf32, #tpu.memory_space<hbm>> -> memref<114688x64xf32, #tpu.memory_space<hbm>>
    tpu.enqueue_indirect_dma source(%dma_start3A_182 : memref<114688x64xf32, #tpu.memory_space<hbm>>) target(%arg6 : memref<128x64xf32, #tpu.memory_space<vmem>>) offsets(%dma_start3A_179 : memref<128xi32, #tpu.memory_space<vmem>>) semaphore(%arg7 : memref<!tpu.dma_semaphore, #tpu.memory_space<semaphore_mem>>) {add = true}
    %dma_wait3A = arith.constant 0 : i32
    %dma_wait3A_183 = arith.constant 0 : i32
    %dma_wait3A_184 = tpu.memref_slice %arg5[%dma_wait3A, %dma_wait3A_183] : memref<200x128xi32, #tpu.memory_space<vmem>> -> memref<1x128xi32, #tpu.memory_space<vmem>>
    %dma_wait3A_185 = tpu.memref_squeeze %dma_wait3A_184 : memref<1x128xi32, #tpu.memory_space<vmem>> -> memref<128xi32, #tpu.memory_space<vmem>>
    %dma_wait3A_186 = arith.constant 0 : i32
    %dma_wait3A_187 = arith.constant 0 : i32
    %dma_wait3A_188 = tpu.memref_slice %arg3[%dma_wait3A_186, %dma_wait3A_187] : memref<114688x64xf32, #tpu.memory_space<hbm>> -> memref<114688x64xf32, #tpu.memory_space<hbm>>
    tpu.wait_indirect_dma semaphore(%arg7 : memref<!tpu.dma_semaphore, #tpu.memory_space<semaphore_mem>>) src(%dma_wait3A_188 : memref<114688x64xf32, #tpu.memory_space<hbm>>) dst(%arg6 : memref<128x64xf32, #tpu.memory_space<vmem>>)
    %dma_start3A_189 = arith.constant 25 : i32
    %dma_start3A_190 = arith.constant 0 : i32
    %dma_start3A_191 = tpu.memref_slice %arg5[%dma_start3A_189, %dma_start3A_190] : memref<200x128xi32, #tpu.memory_space<vmem>> -> memref<1x128xi32, #tpu.memory_space<vmem>>
    %dma_start3A_192 = tpu.memref_squeeze %dma_start3A_191 : memref<1x128xi32, #tpu.memory_space<vmem>> -> memref<128xi32, #tpu.memory_space<vmem>>
    %dma_start3A_193 = arith.constant 0 : i32
    %dma_start3A_194 = arith.constant 0 : i32
    %dma_start3A_195 = tpu.memref_slice %arg3[%dma_start3A_193, %dma_start3A_194] : memref<114688x64xf32, #tpu.memory_space<hbm>> -> memref<114688x64xf32, #tpu.memory_space<hbm>>
    tpu.enqueue_indirect_dma source(%dma_start3A_195 : memref<114688x64xf32, #tpu.memory_space<hbm>>) target(%arg6 : memref<128x64xf32, #tpu.memory_space<vmem>>) offsets(%dma_start3A_192 : memref<128xi32, #tpu.memory_space<vmem>>) semaphore(%arg7 : memref<!tpu.dma_semaphore, #tpu.memory_space<semaphore_mem>>) {add = true}
    %dma_wait3A_196 = arith.constant 1 : i32
    %dma_wait3A_197 = arith.constant 0 : i32
    %dma_wait3A_198 = tpu.memref_slice %arg5[%dma_wait3A_196, %dma_wait3A_197] : memref<200x128xi32, #tpu.memory_space<vmem>> -> memref<1x128xi32, #tpu.memory_space<vmem>>
    %dma_wait3A_199 = tpu.memref_squeeze %dma_wait3A_198 : memref<1x128xi32, #tpu.memory_space<vmem>> -> memref<128xi32, #tpu.memory_space<vmem>>
    %dma_wait3A_200 = arith.constant 0 : i32
    %dma_wait3A_201 = arith.constant 0 : i32
    %dma_wait3A_202 = tpu.memref_slice %arg3[%dma_wait3A_200, %dma_wait3A_201] : memref<114688x64xf32, #tpu.memory_space<hbm>> -> memref<114688x64xf32, #tpu.memory_space<hbm>>
    tpu.wait_indirect_dma semaphore(%arg7 : memref<!tpu.dma_semaphore, #tpu.memory_space<semaphore_mem>>) src(%dma_wait3A_202 : memref<114688x64xf32, #tpu.memory_space<hbm>>) dst(%arg6 : memref<128x64xf32, #tpu.memory_space<vmem>>)
    %dma_start3A_203 = arith.constant 26 : i32
    %dma_start3A_204 = arith.constant 0 : i32
    %dma_start3A_205 = tpu.memref_slice %arg5[%dma_start3A_203, %dma_start3A_204] : memref<200x128xi32, #tpu.memory_space<vmem>> -> memref<1x128xi32, #tpu.memory_space<vmem>>
    %dma_start3A_206 = tpu.memref_squeeze %dma_start3A_205 : memref<1x128xi32, #tpu.memory_space<vmem>> -> memref<128xi32, #tpu.memory_space<vmem>>
    %dma_start3A_207 = arith.constant 0 : i32
    %dma_start3A_208 = arith.constant 0 : i32
    %dma_start3A_209 = tpu.memref_slice %arg3[%dma_start3A_207, %dma_start3A_208] : memref<114688x64xf32, #tpu.memory_space<hbm>> -> memref<114688x64xf32, #tpu.memory_space<hbm>>
    tpu.enqueue_indirect_dma source(%dma_start3A_209 : memref<114688x64xf32, #tpu.memory_space<hbm>>) target(%arg6 : memref<128x64xf32, #tpu.memory_space<vmem>>) offsets(%dma_start3A_206 : memref<128xi32, #tpu.memory_space<vmem>>) semaphore(%arg7 : memref<!tpu.dma_semaphore, #tpu.memory_space<semaphore_mem>>) {add = true}
    %dma_wait3A_210 = arith.constant 2 : i32
    %dma_wait3A_211 = arith.constant 0 : i32
    %dma_wait3A_212 = tpu.memref_slice %arg5[%dma_wait3A_210, %dma_wait3A_211] : memref<200x128xi32, #tpu.memory_space<vmem>> -> memref<1x128xi32, #tpu.memory_space<vmem>>
    %dma_wait3A_213 = tpu.memref_squeeze %dma_wait3A_212 : memref<1x128xi32, #tpu.memory_space<vmem>> -> memref<128xi32, #tpu.memory_space<vmem>>
    %dma_wait3A_214 = arith.constant 0 : i32
    %dma_wait3A_215 = arith.constant 0 : i32
    %dma_wait3A_216 = tpu.memref_slice %arg3[%dma_wait3A_214, %dma_wait3A_215] : memref<114688x64xf32, #tpu.memory_space<hbm>> -> memref<114688x64xf32, #tpu.memory_space<hbm>>
    tpu.wait_indirect_dma semaphore(%arg7 : memref<!tpu.dma_semaphore, #tpu.memory_space<semaphore_mem>>) src(%dma_wait3A_216 : memref<114688x64xf32, #tpu.memory_space<hbm>>) dst(%arg6 : memref<128x64xf32, #tpu.memory_space<vmem>>)
    %dma_start3A_217 = arith.constant 27 : i32
    %dma_start3A_218 = arith.constant 0 : i32
    %dma_start3A_219 = tpu.memref_slice %arg5[%dma_start3A_217, %dma_start3A_218] : memref<200x128xi32, #tpu.memory_space<vmem>> -> memref<1x128xi32, #tpu.memory_space<vmem>>
    %dma_start3A_220 = tpu.memref_squeeze %dma_start3A_219 : memref<1x128xi32, #tpu.memory_space<vmem>> -> memref<128xi32, #tpu.memory_space<vmem>>
    %dma_start3A_221 = arith.constant 0 : i32
    %dma_start3A_222 = arith.constant 0 : i32
    %dma_start3A_223 = tpu.memref_slice %arg3[%dma_start3A_221, %dma_start3A_222] : memref<114688x64xf32, #tpu.memory_space<hbm>> -> memref<114688x64xf32, #tpu.memory_space<hbm>>
    tpu.enqueue_indirect_dma source(%dma_start3A_223 : memref<114688x64xf32, #tpu.memory_space<hbm>>) target(%arg6 : memref<128x64xf32, #tpu.memory_space<vmem>>) offsets(%dma_start3A_220 : memref<128xi32, #tpu.memory_space<vmem>>) semaphore(%arg7 : memref<!tpu.dma_semaphore, #tpu.memory_space<semaphore_mem>>) {add = true}
    %dma_wait3A_224 = arith.constant 3 : i32
    %dma_wait3A_225 = arith.constant 0 : i32
    %dma_wait3A_226 = tpu.memref_slice %arg5[%dma_wait3A_224, %dma_wait3A_225] : memref<200x128xi32, #tpu.memory_space<vmem>> -> memref<1x128xi32, #tpu.memory_space<vmem>>
    %dma_wait3A_227 = tpu.memref_squeeze %dma_wait3A_226 : memref<1x128xi32, #tpu.memory_space<vmem>> -> memref<128xi32, #tpu.memory_space<vmem>>
    %dma_wait3A_228 = arith.constant 0 : i32
    %dma_wait3A_229 = arith.constant 0 : i32
    %dma_wait3A_230 = tpu.memref_slice %arg3[%dma_wait3A_228, %dma_wait3A_229] : memref<114688x64xf32, #tpu.memory_space<hbm>> -> memref<114688x64xf32, #tpu.memory_space<hbm>>
    tpu.wait_indirect_dma semaphore(%arg7 : memref<!tpu.dma_semaphore, #tpu.memory_space<semaphore_mem>>) src(%dma_wait3A_230 : memref<114688x64xf32, #tpu.memory_space<hbm>>) dst(%arg6 : memref<128x64xf32, #tpu.memory_space<vmem>>)
    %dma_start3A_231 = arith.constant 28 : i32
    %dma_start3A_232 = arith.constant 0 : i32
    %dma_start3A_233 = tpu.memref_slice %arg5[%dma_start3A_231, %dma_start3A_232] : memref<200x128xi32, #tpu.memory_space<vmem>> -> memref<1x128xi32, #tpu.memory_space<vmem>>
    %dma_start3A_234 = tpu.memref_squeeze %dma_start3A_233 : memref<1x128xi32, #tpu.memory_space<vmem>> -> memref<128xi32, #tpu.memory_space<vmem>>
    %dma_start3A_235 = arith.constant 0 : i32
    %dma_start3A_236 = arith.constant 0 : i32
    %dma_start3A_237 = tpu.memref_slice %arg3[%dma_start3A_235, %dma_start3A_236] : memref<114688x64xf32, #tpu.memory_space<hbm>> -> memref<114688x64xf32, #tpu.memory_space<hbm>>
    tpu.enqueue_indirect_dma source(%dma_start3A_237 : memref<114688x64xf32, #tpu.memory_space<hbm>>) target(%arg6 : memref<128x64xf32, #tpu.memory_space<vmem>>) offsets(%dma_start3A_234 : memref<128xi32, #tpu.memory_space<vmem>>) semaphore(%arg7 : memref<!tpu.dma_semaphore, #tpu.memory_space<semaphore_mem>>) {add = true}
    %dma_wait3A_238 = arith.constant 4 : i32
    %dma_wait3A_239 = arith.constant 0 : i32
    %dma_wait3A_240 = tpu.memref_slice %arg5[%dma_wait3A_238, %dma_wait3A_239] : memref<200x128xi32, #tpu.memory_space<vmem>> -> memref<1x128xi32, #tpu.memory_space<vmem>>
    %dma_wait3A_241 = tpu.memref_squeeze %dma_wait3A_240 : memref<1x128xi32, #tpu.memory_space<vmem>> -> memref<128xi32, #tpu.memory_space<vmem>>
    %dma_wait3A_242 = arith.constant 0 : i32
    %dma_wait3A_243 = arith.constant 0 : i32
    %dma_wait3A_244 = tpu.memref_slice %arg3[%dma_wait3A_242, %dma_wait3A_243] : memref<114688x64xf32, #tpu.memory_space<hbm>> -> memref<114688x64xf32, #tpu.memory_space<hbm>>
    tpu.wait_indirect_dma semaphore(%arg7 : memref<!tpu.dma_semaphore, #tpu.memory_space<semaphore_mem>>) src(%dma_wait3A_244 : memref<114688x64xf32, #tpu.memory_space<hbm>>) dst(%arg6 : memref<128x64xf32, #tpu.memory_space<vmem>>)
    %dma_start3A_245 = arith.constant 29 : i32
    %dma_start3A_246 = arith.constant 0 : i32
    %dma_start3A_247 = tpu.memref_slice %arg5[%dma_start3A_245, %dma_start3A_246] : memref<200x128xi32, #tpu.memory_space<vmem>> -> memref<1x128xi32, #tpu.memory_space<vmem>>
    %dma_start3A_248 = tpu.memref_squeeze %dma_start3A_247 : memref<1x128xi32, #tpu.memory_space<vmem>> -> memref<128xi32, #tpu.memory_space<vmem>>
    %dma_start3A_249 = arith.constant 0 : i32
    %dma_start3A_250 = arith.constant 0 : i32
    %dma_start3A_251 = tpu.memref_slice %arg3[%dma_start3A_249, %dma_start3A_250] : memref<114688x64xf32, #tpu.memory_space<hbm>> -> memref<114688x64xf32, #tpu.memory_space<hbm>>
    tpu.enqueue_indirect_dma source(%dma_start3A_251 : memref<114688x64xf32, #tpu.memory_space<hbm>>) target(%arg6 : memref<128x64xf32, #tpu.memory_space<vmem>>) offsets(%dma_start3A_248 : memref<128xi32, #tpu.memory_space<vmem>>) semaphore(%arg7 : memref<!tpu.dma_semaphore, #tpu.memory_space<semaphore_mem>>) {add = true}
    %dma_wait3A_252 = arith.constant 5 : i32
    %dma_wait3A_253 = arith.constant 0 : i32
    %dma_wait3A_254 = tpu.memref_slice %arg5[%dma_wait3A_252, %dma_wait3A_253] : memref<200x128xi32, #tpu.memory_space<vmem>> -> memref<1x128xi32, #tpu.memory_space<vmem>>
    %dma_wait3A_255 = tpu.memref_squeeze %dma_wait3A_254 : memref<1x128xi32, #tpu.memory_space<vmem>> -> memref<128xi32, #tpu.memory_space<vmem>>
    %dma_wait3A_256 = arith.constant 0 : i32
    %dma_wait3A_257 = arith.constant 0 : i32
    %dma_wait3A_258 = tpu.memref_slice %arg3[%dma_wait3A_256, %dma_wait3A_257] : memref<114688x64xf32, #tpu.memory_space<hbm>> -> memref<114688x64xf32, #tpu.memory_space<hbm>>
    tpu.wait_indirect_dma semaphore(%arg7 : memref<!tpu.dma_semaphore, #tpu.memory_space<semaphore_mem>>) src(%dma_wait3A_258 : memref<114688x64xf32, #tpu.memory_space<hbm>>) dst(%arg6 : memref<128x64xf32, #tpu.memory_space<vmem>>)
    %dma_start3A_259 = arith.constant 30 : i32
    %dma_start3A_260 = arith.constant 0 : i32
    %dma_start3A_261 = tpu.memref_slice %arg5[%dma_start3A_259, %dma_start3A_260] : memref<200x128xi32, #tpu.memory_space<vmem>> -> memref<1x128xi32, #tpu.memory_space<vmem>>
    %dma_start3A_262 = tpu.memref_squeeze %dma_start3A_261 : memref<1x128xi32, #tpu.memory_space<vmem>> -> memref<128xi32, #tpu.memory_space<vmem>>
    %dma_start3A_263 = arith.constant 0 : i32
    %dma_start3A_264 = arith.constant 0 : i32
    %dma_start3A_265 = tpu.memref_slice %arg3[%dma_start3A_263, %dma_start3A_264] : memref<114688x64xf32, #tpu.memory_space<hbm>> -> memref<114688x64xf32, #tpu.memory_space<hbm>>
    tpu.enqueue_indirect_dma source(%dma_start3A_265 : memref<114688x64xf32, #tpu.memory_space<hbm>>) target(%arg6 : memref<128x64xf32, #tpu.memory_space<vmem>>) offsets(%dma_start3A_262 : memref<128xi32, #tpu.memory_space<vmem>>) semaphore(%arg7 : memref<!tpu.dma_semaphore, #tpu.memory_space<semaphore_mem>>) {add = true}
    %dma_wait3A_266 = arith.constant 6 : i32
    %dma_wait3A_267 = arith.constant 0 : i32
    %dma_wait3A_268 = tpu.memref_slice %arg5[%dma_wait3A_266, %dma_wait3A_267] : memref<200x128xi32, #tpu.memory_space<vmem>> -> memref<1x128xi32, #tpu.memory_space<vmem>>
    %dma_wait3A_269 = tpu.memref_squeeze %dma_wait3A_268 : memref<1x128xi32, #tpu.memory_space<vmem>> -> memref<128xi32, #tpu.memory_space<vmem>>
    %dma_wait3A_270 = arith.constant 0 : i32
    %dma_wait3A_271 = arith.constant 0 : i32
    %dma_wait3A_272 = tpu.memref_slice %arg3[%dma_wait3A_270, %dma_wait3A_271] : memref<114688x64xf32, #tpu.memory_space<hbm>> -> memref<114688x64xf32, #tpu.memory_space<hbm>>
    tpu.wait_indirect_dma semaphore(%arg7 : memref<!tpu.dma_semaphore, #tpu.memory_space<semaphore_mem>>) src(%dma_wait3A_272 : memref<114688x64xf32, #tpu.memory_space<hbm>>) dst(%arg6 : memref<128x64xf32, #tpu.memory_space<vmem>>)
    %dma_start3A_273 = arith.constant 31 : i32
    %dma_start3A_274 = arith.constant 0 : i32
    %dma_start3A_275 = tpu.memref_slice %arg5[%dma_start3A_273, %dma_start3A_274] : memref<200x128xi32, #tpu.memory_space<vmem>> -> memref<1x128xi32, #tpu.memory_space<vmem>>
    %dma_start3A_276 = tpu.memref_squeeze %dma_start3A_275 : memref<1x128xi32, #tpu.memory_space<vmem>> -> memref<128xi32, #tpu.memory_space<vmem>>
    %dma_start3A_277 = arith.constant 0 : i32
    %dma_start3A_278 = arith.constant 0 : i32
    %dma_start3A_279 = tpu.memref_slice %arg3[%dma_start3A_277, %dma_start3A_278] : memref<114688x64xf32, #tpu.memory_space<hbm>> -> memref<114688x64xf32, #tpu.memory_space<hbm>>
    tpu.enqueue_indirect_dma source(%dma_start3A_279 : memref<114688x64xf32, #tpu.memory_space<hbm>>) target(%arg6 : memref<128x64xf32, #tpu.memory_space<vmem>>) offsets(%dma_start3A_276 : memref<128xi32, #tpu.memory_space<vmem>>) semaphore(%arg7 : memref<!tpu.dma_semaphore, #tpu.memory_space<semaphore_mem>>) {add = true}
    %dma_wait3A_280 = arith.constant 7 : i32
    %dma_wait3A_281 = arith.constant 0 : i32
    %dma_wait3A_282 = tpu.memref_slice %arg5[%dma_wait3A_280, %dma_wait3A_281] : memref<200x128xi32, #tpu.memory_space<vmem>> -> memref<1x128xi32, #tpu.memory_space<vmem>>
    %dma_wait3A_283 = tpu.memref_squeeze %dma_wait3A_282 : memref<1x128xi32, #tpu.memory_space<vmem>> -> memref<128xi32, #tpu.memory_space<vmem>>
    %dma_wait3A_284 = arith.constant 0 : i32
    %dma_wait3A_285 = arith.constant 0 : i32
    %dma_wait3A_286 = tpu.memref_slice %arg3[%dma_wait3A_284, %dma_wait3A_285] : memref<114688x64xf32, #tpu.memory_space<hbm>> -> memref<114688x64xf32, #tpu.memory_space<hbm>>
    tpu.wait_indirect_dma semaphore(%arg7 : memref<!tpu.dma_semaphore, #tpu.memory_space<semaphore_mem>>) src(%dma_wait3A_286 : memref<114688x64xf32, #tpu.memory_space<hbm>>) dst(%arg6 : memref<128x64xf32, #tpu.memory_space<vmem>>)
    %dma_start3A_287 = arith.constant 32 : i32
    %dma_start3A_288 = arith.constant 0 : i32
    %dma_start3A_289 = tpu.memref_slice %arg5[%dma_start3A_287, %dma_start3A_288] : memref<200x128xi32, #tpu.memory_space<vmem>> -> memref<1x128xi32, #tpu.memory_space<vmem>>
    %dma_start3A_290 = tpu.memref_squeeze %dma_start3A_289 : memref<1x128xi32, #tpu.memory_space<vmem>> -> memref<128xi32, #tpu.memory_space<vmem>>
    %dma_start3A_291 = arith.constant 0 : i32
    %dma_start3A_292 = arith.constant 0 : i32
    %dma_start3A_293 = tpu.memref_slice %arg3[%dma_start3A_291, %dma_start3A_292] : memref<114688x64xf32, #tpu.memory_space<hbm>> -> memref<114688x64xf32, #tpu.memory_space<hbm>>
    tpu.enqueue_indirect_dma source(%dma_start3A_293 : memref<114688x64xf32, #tpu.memory_space<hbm>>) target(%arg6 : memref<128x64xf32, #tpu.memory_space<vmem>>) offsets(%dma_start3A_290 : memref<128xi32, #tpu.memory_space<vmem>>) semaphore(%arg7 : memref<!tpu.dma_semaphore, #tpu.memory_space<semaphore_mem>>) {add = true}
    %dma_wait3A_294 = arith.constant 8 : i32
    %dma_wait3A_295 = arith.constant 0 : i32
    %dma_wait3A_296 = tpu.memref_slice %arg5[%dma_wait3A_294, %dma_wait3A_295] : memref<200x128xi32, #tpu.memory_space<vmem>> -> memref<1x128xi32, #tpu.memory_space<vmem>>
    %dma_wait3A_297 = tpu.memref_squeeze %dma_wait3A_296 : memref<1x128xi32, #tpu.memory_space<vmem>> -> memref<128xi32, #tpu.memory_space<vmem>>
    %dma_wait3A_298 = arith.constant 0 : i32
    %dma_wait3A_299 = arith.constant 0 : i32
    %dma_wait3A_300 = tpu.memref_slice %arg3[%dma_wait3A_298, %dma_wait3A_299] : memref<114688x64xf32, #tpu.memory_space<hbm>> -> memref<114688x64xf32, #tpu.memory_space<hbm>>
    tpu.wait_indirect_dma semaphore(%arg7 : memref<!tpu.dma_semaphore, #tpu.memory_space<semaphore_mem>>) src(%dma_wait3A_300 : memref<114688x64xf32, #tpu.memory_space<hbm>>) dst(%arg6 : memref<128x64xf32, #tpu.memory_space<vmem>>)
    %dma_start3A_301 = arith.constant 33 : i32
    %dma_start3A_302 = arith.constant 0 : i32
    %dma_start3A_303 = tpu.memref_slice %arg5[%dma_start3A_301, %dma_start3A_302] : memref<200x128xi32, #tpu.memory_space<vmem>> -> memref<1x128xi32, #tpu.memory_space<vmem>>
    %dma_start3A_304 = tpu.memref_squeeze %dma_start3A_303 : memref<1x128xi32, #tpu.memory_space<vmem>> -> memref<128xi32, #tpu.memory_space<vmem>>
    %dma_start3A_305 = arith.constant 0 : i32
    %dma_start3A_306 = arith.constant 0 : i32
    %dma_start3A_307 = tpu.memref_slice %arg3[%dma_start3A_305, %dma_start3A_306] : memref<114688x64xf32, #tpu.memory_space<hbm>> -> memref<114688x64xf32, #tpu.memory_space<hbm>>
    tpu.enqueue_indirect_dma source(%dma_start3A_307 : memref<114688x64xf32, #tpu.memory_space<hbm>>) target(%arg6 : memref<128x64xf32, #tpu.memory_space<vmem>>) offsets(%dma_start3A_304 : memref<128xi32, #tpu.memory_space<vmem>>) semaphore(%arg7 : memref<!tpu.dma_semaphore, #tpu.memory_space<semaphore_mem>>) {add = true}
    %dma_wait3A_308 = arith.constant 9 : i32
    %dma_wait3A_309 = arith.constant 0 : i32
    %dma_wait3A_310 = tpu.memref_slice %arg5[%dma_wait3A_308, %dma_wait3A_309] : memref<200x128xi32, #tpu.memory_space<vmem>> -> memref<1x128xi32, #tpu.memory_space<vmem>>
    %dma_wait3A_311 = tpu.memref_squeeze %dma_wait3A_310 : memref<1x128xi32, #tpu.memory_space<vmem>> -> memref<128xi32, #tpu.memory_space<vmem>>
    %dma_wait3A_312 = arith.constant 0 : i32
    %dma_wait3A_313 = arith.constant 0 : i32
    %dma_wait3A_314 = tpu.memref_slice %arg3[%dma_wait3A_312, %dma_wait3A_313] : memref<114688x64xf32, #tpu.memory_space<hbm>> -> memref<114688x64xf32, #tpu.memory_space<hbm>>
    tpu.wait_indirect_dma semaphore(%arg7 : memref<!tpu.dma_semaphore, #tpu.memory_space<semaphore_mem>>) src(%dma_wait3A_314 : memref<114688x64xf32, #tpu.memory_space<hbm>>) dst(%arg6 : memref<128x64xf32, #tpu.memory_space<vmem>>)
    %dma_start3A_315 = arith.constant 34 : i32
    %dma_start3A_316 = arith.constant 0 : i32
    %dma_start3A_317 = tpu.memref_slice %arg5[%dma_start3A_315, %dma_start3A_316] : memref<200x128xi32, #tpu.memory_space<vmem>> -> memref<1x128xi32, #tpu.memory_space<vmem>>
    %dma_start3A_318 = tpu.memref_squeeze %dma_start3A_317 : memref<1x128xi32, #tpu.memory_space<vmem>> -> memref<128xi32, #tpu.memory_space<vmem>>
    %dma_start3A_319 = arith.constant 0 : i32
    %dma_start3A_320 = arith.constant 0 : i32
    %dma_start3A_321 = tpu.memref_slice %arg3[%dma_start3A_319, %dma_start3A_320] : memref<114688x64xf32, #tpu.memory_space<hbm>> -> memref<114688x64xf32, #tpu.memory_space<hbm>>
    tpu.enqueue_indirect_dma source(%dma_start3A_321 : memref<114688x64xf32, #tpu.memory_space<hbm>>) target(%arg6 : memref<128x64xf32, #tpu.memory_space<vmem>>) offsets(%dma_start3A_318 : memref<128xi32, #tpu.memory_space<vmem>>) semaphore(%arg7 : memref<!tpu.dma_semaphore, #tpu.memory_space<semaphore_mem>>) {add = true}
    %dma_wait3A_322 = arith.constant 10 : i32
    %dma_wait3A_323 = arith.constant 0 : i32
    %dma_wait3A_324 = tpu.memref_slice %arg5[%dma_wait3A_322, %dma_wait3A_323] : memref<200x128xi32, #tpu.memory_space<vmem>> -> memref<1x128xi32, #tpu.memory_space<vmem>>
    %dma_wait3A_325 = tpu.memref_squeeze %dma_wait3A_324 : memref<1x128xi32, #tpu.memory_space<vmem>> -> memref<128xi32, #tpu.memory_space<vmem>>
    %dma_wait3A_326 = arith.constant 0 : i32
    %dma_wait3A_327 = arith.constant 0 : i32
    %dma_wait3A_328 = tpu.memref_slice %arg3[%dma_wait3A_326, %dma_wait3A_327] : memref<114688x64xf32, #tpu.memory_space<hbm>> -> memref<114688x64xf32, #tpu.memory_space<hbm>>
    tpu.wait_indirect_dma semaphore(%arg7 : memref<!tpu.dma_semaphore, #tpu.memory_space<semaphore_mem>>) src(%dma_wait3A_328 : memref<114688x64xf32, #tpu.memory_space<hbm>>) dst(%arg6 : memref<128x64xf32, #tpu.memory_space<vmem>>)
    %dma_start3A_329 = arith.constant 35 : i32
    %dma_start3A_330 = arith.constant 0 : i32
    %dma_start3A_331 = tpu.memref_slice %arg5[%dma_start3A_329, %dma_start3A_330] : memref<200x128xi32, #tpu.memory_space<vmem>> -> memref<1x128xi32, #tpu.memory_space<vmem>>
    %dma_start3A_332 = tpu.memref_squeeze %dma_start3A_331 : memref<1x128xi32, #tpu.memory_space<vmem>> -> memref<128xi32, #tpu.memory_space<vmem>>
    %dma_start3A_333 = arith.constant 0 : i32
    %dma_start3A_334 = arith.constant 0 : i32
    %dma_start3A_335 = tpu.memref_slice %arg3[%dma_start3A_333, %dma_start3A_334] : memref<114688x64xf32, #tpu.memory_space<hbm>> -> memref<114688x64xf32, #tpu.memory_space<hbm>>
    tpu.enqueue_indirect_dma source(%dma_start3A_335 : memref<114688x64xf32, #tpu.memory_space<hbm>>) target(%arg6 : memref<128x64xf32, #tpu.memory_space<vmem>>) offsets(%dma_start3A_332 : memref<128xi32, #tpu.memory_space<vmem>>) semaphore(%arg7 : memref<!tpu.dma_semaphore, #tpu.memory_space<semaphore_mem>>) {add = true}
    %dma_wait3A_336 = arith.constant 11 : i32
    %dma_wait3A_337 = arith.constant 0 : i32
    %dma_wait3A_338 = tpu.memref_slice %arg5[%dma_wait3A_336, %dma_wait3A_337] : memref<200x128xi32, #tpu.memory_space<vmem>> -> memref<1x128xi32, #tpu.memory_space<vmem>>
    %dma_wait3A_339 = tpu.memref_squeeze %dma_wait3A_338 : memref<1x128xi32, #tpu.memory_space<vmem>> -> memref<128xi32, #tpu.memory_space<vmem>>
    %dma_wait3A_340 = arith.constant 0 : i32
    %dma_wait3A_341 = arith.constant 0 : i32
    %dma_wait3A_342 = tpu.memref_slice %arg3[%dma_wait3A_340, %dma_wait3A_341] : memref<114688x64xf32, #tpu.memory_space<hbm>> -> memref<114688x64xf32, #tpu.memory_space<hbm>>
    tpu.wait_indirect_dma semaphore(%arg7 : memref<!tpu.dma_semaphore, #tpu.memory_space<semaphore_mem>>) src(%dma_wait3A_342 : memref<114688x64xf32, #tpu.memory_space<hbm>>) dst(%arg6 : memref<128x64xf32, #tpu.memory_space<vmem>>)
    %dma_start3A_343 = arith.constant 36 : i32
    %dma_start3A_344 = arith.constant 0 : i32
    %dma_start3A_345 = tpu.memref_slice %arg5[%dma_start3A_343, %dma_start3A_344] : memref<200x128xi32, #tpu.memory_space<vmem>> -> memref<1x128xi32, #tpu.memory_space<vmem>>
    %dma_start3A_346 = tpu.memref_squeeze %dma_start3A_345 : memref<1x128xi32, #tpu.memory_space<vmem>> -> memref<128xi32, #tpu.memory_space<vmem>>
    %dma_start3A_347 = arith.constant 0 : i32
    %dma_start3A_348 = arith.constant 0 : i32
    %dma_start3A_349 = tpu.memref_slice %arg3[%dma_start3A_347, %dma_start3A_348] : memref<114688x64xf32, #tpu.memory_space<hbm>> -> memref<114688x64xf32, #tpu.memory_space<hbm>>
    tpu.enqueue_indirect_dma source(%dma_start3A_349 : memref<114688x64xf32, #tpu.memory_space<hbm>>) target(%arg6 : memref<128x64xf32, #tpu.memory_space<vmem>>) offsets(%dma_start3A_346 : memref<128xi32, #tpu.memory_space<vmem>>) semaphore(%arg7 : memref<!tpu.dma_semaphore, #tpu.memory_space<semaphore_mem>>) {add = true}
    %dma_wait3A_350 = arith.constant 12 : i32
    %dma_wait3A_351 = arith.constant 0 : i32
    %dma_wait3A_352 = tpu.memref_slice %arg5[%dma_wait3A_350, %dma_wait3A_351] : memref<200x128xi32, #tpu.memory_space<vmem>> -> memref<1x128xi32, #tpu.memory_space<vmem>>
    %dma_wait3A_353 = tpu.memref_squeeze %dma_wait3A_352 : memref<1x128xi32, #tpu.memory_space<vmem>> -> memref<128xi32, #tpu.memory_space<vmem>>
    %dma_wait3A_354 = arith.constant 0 : i32
    %dma_wait3A_355 = arith.constant 0 : i32
    %dma_wait3A_356 = tpu.memref_slice %arg3[%dma_wait3A_354, %dma_wait3A_355] : memref<114688x64xf32, #tpu.memory_space<hbm>> -> memref<114688x64xf32, #tpu.memory_space<hbm>>
    tpu.wait_indirect_dma semaphore(%arg7 : memref<!tpu.dma_semaphore, #tpu.memory_space<semaphore_mem>>) src(%dma_wait3A_356 : memref<114688x64xf32, #tpu.memory_space<hbm>>) dst(%arg6 : memref<128x64xf32, #tpu.memory_space<vmem>>)
    %dma_start3A_357 = arith.constant 37 : i32
    %dma_start3A_358 = arith.constant 0 : i32
    %dma_start3A_359 = tpu.memref_slice %arg5[%dma_start3A_357, %dma_start3A_358] : memref<200x128xi32, #tpu.memory_space<vmem>> -> memref<1x128xi32, #tpu.memory_space<vmem>>
    %dma_start3A_360 = tpu.memref_squeeze %dma_start3A_359 : memref<1x128xi32, #tpu.memory_space<vmem>> -> memref<128xi32, #tpu.memory_space<vmem>>
    %dma_start3A_361 = arith.constant 0 : i32
    %dma_start3A_362 = arith.constant 0 : i32
    %dma_start3A_363 = tpu.memref_slice %arg3[%dma_start3A_361, %dma_start3A_362] : memref<114688x64xf32, #tpu.memory_space<hbm>> -> memref<114688x64xf32, #tpu.memory_space<hbm>>
    tpu.enqueue_indirect_dma source(%dma_start3A_363 : memref<114688x64xf32, #tpu.memory_space<hbm>>) target(%arg6 : memref<128x64xf32, #tpu.memory_space<vmem>>) offsets(%dma_start3A_360 : memref<128xi32, #tpu.memory_space<vmem>>) semaphore(%arg7 : memref<!tpu.dma_semaphore, #tpu.memory_space<semaphore_mem>>) {add = true}
    %dma_wait3A_364 = arith.constant 13 : i32
    %dma_wait3A_365 = arith.constant 0 : i32
    %dma_wait3A_366 = tpu.memref_slice %arg5[%dma_wait3A_364, %dma_wait3A_365] : memref<200x128xi32, #tpu.memory_space<vmem>> -> memref<1x128xi32, #tpu.memory_space<vmem>>
    %dma_wait3A_367 = tpu.memref_squeeze %dma_wait3A_366 : memref<1x128xi32, #tpu.memory_space<vmem>> -> memref<128xi32, #tpu.memory_space<vmem>>
    %dma_wait3A_368 = arith.constant 0 : i32
    %dma_wait3A_369 = arith.constant 0 : i32
    %dma_wait3A_370 = tpu.memref_slice %arg3[%dma_wait3A_368, %dma_wait3A_369] : memref<114688x64xf32, #tpu.memory_space<hbm>> -> memref<114688x64xf32, #tpu.memory_space<hbm>>
    tpu.wait_indirect_dma semaphore(%arg7 : memref<!tpu.dma_semaphore, #tpu.memory_space<semaphore_mem>>) src(%dma_wait3A_370 : memref<114688x64xf32, #tpu.memory_space<hbm>>) dst(%arg6 : memref<128x64xf32, #tpu.memory_space<vmem>>)
    %dma_start3A_371 = arith.constant 38 : i32
    %dma_start3A_372 = arith.constant 0 : i32
    %dma_start3A_373 = tpu.memref_slice %arg5[%dma_start3A_371, %dma_start3A_372] : memref<200x128xi32, #tpu.memory_space<vmem>> -> memref<1x128xi32, #tpu.memory_space<vmem>>
    %dma_start3A_374 = tpu.memref_squeeze %dma_start3A_373 : memref<1x128xi32, #tpu.memory_space<vmem>> -> memref<128xi32, #tpu.memory_space<vmem>>
    %dma_start3A_375 = arith.constant 0 : i32
    %dma_start3A_376 = arith.constant 0 : i32
    %dma_start3A_377 = tpu.memref_slice %arg3[%dma_start3A_375, %dma_start3A_376] : memref<114688x64xf32, #tpu.memory_space<hbm>> -> memref<114688x64xf32, #tpu.memory_space<hbm>>
    tpu.enqueue_indirect_dma source(%dma_start3A_377 : memref<114688x64xf32, #tpu.memory_space<hbm>>) target(%arg6 : memref<128x64xf32, #tpu.memory_space<vmem>>) offsets(%dma_start3A_374 : memref<128xi32, #tpu.memory_space<vmem>>) semaphore(%arg7 : memref<!tpu.dma_semaphore, #tpu.memory_space<semaphore_mem>>) {add = true}
    %dma_wait3A_378 = arith.constant 14 : i32
    %dma_wait3A_379 = arith.constant 0 : i32
    %dma_wait3A_380 = tpu.memref_slice %arg5[%dma_wait3A_378, %dma_wait3A_379] : memref<200x128xi32, #tpu.memory_space<vmem>> -> memref<1x128xi32, #tpu.memory_space<vmem>>
    %dma_wait3A_381 = tpu.memref_squeeze %dma_wait3A_380 : memref<1x128xi32, #tpu.memory_space<vmem>> -> memref<128xi32, #tpu.memory_space<vmem>>
    %dma_wait3A_382 = arith.constant 0 : i32
    %dma_wait3A_383 = arith.constant 0 : i32
    %dma_wait3A_384 = tpu.memref_slice %arg3[%dma_wait3A_382, %dma_wait3A_383] : memref<114688x64xf32, #tpu.memory_space<hbm>> -> memref<114688x64xf32, #tpu.memory_space<hbm>>
    tpu.wait_indirect_dma semaphore(%arg7 : memref<!tpu.dma_semaphore, #tpu.memory_space<semaphore_mem>>) src(%dma_wait3A_384 : memref<114688x64xf32, #tpu.memory_space<hbm>>) dst(%arg6 : memref<128x64xf32, #tpu.memory_space<vmem>>)
    %dma_start3A_385 = arith.constant 39 : i32
    %dma_start3A_386 = arith.constant 0 : i32
    %dma_start3A_387 = tpu.memref_slice %arg5[%dma_start3A_385, %dma_start3A_386] : memref<200x128xi32, #tpu.memory_space<vmem>> -> memref<1x128xi32, #tpu.memory_space<vmem>>
    %dma_start3A_388 = tpu.memref_squeeze %dma_start3A_387 : memref<1x128xi32, #tpu.memory_space<vmem>> -> memref<128xi32, #tpu.memory_space<vmem>>
    %dma_start3A_389 = arith.constant 0 : i32
    %dma_start3A_390 = arith.constant 0 : i32
    %dma_start3A_391 = tpu.memref_slice %arg3[%dma_start3A_389, %dma_start3A_390] : memref<114688x64xf32, #tpu.memory_space<hbm>> -> memref<114688x64xf32, #tpu.memory_space<hbm>>
    tpu.enqueue_indirect_dma source(%dma_start3A_391 : memref<114688x64xf32, #tpu.memory_space<hbm>>) target(%arg6 : memref<128x64xf32, #tpu.memory_space<vmem>>) offsets(%dma_start3A_388 : memref<128xi32, #tpu.memory_space<vmem>>) semaphore(%arg7 : memref<!tpu.dma_semaphore, #tpu.memory_space<semaphore_mem>>) {add = true}
    %dma_wait3A_392 = arith.constant 15 : i32
    %dma_wait3A_393 = arith.constant 0 : i32
    %dma_wait3A_394 = tpu.memref_slice %arg5[%dma_wait3A_392, %dma_wait3A_393] : memref<200x128xi32, #tpu.memory_space<vmem>> -> memref<1x128xi32, #tpu.memory_space<vmem>>
    %dma_wait3A_395 = tpu.memref_squeeze %dma_wait3A_394 : memref<1x128xi32, #tpu.memory_space<vmem>> -> memref<128xi32, #tpu.memory_space<vmem>>
    %dma_wait3A_396 = arith.constant 0 : i32
    %dma_wait3A_397 = arith.constant 0 : i32
    %dma_wait3A_398 = tpu.memref_slice %arg3[%dma_wait3A_396, %dma_wait3A_397] : memref<114688x64xf32, #tpu.memory_space<hbm>> -> memref<114688x64xf32, #tpu.memory_space<hbm>>
    tpu.wait_indirect_dma semaphore(%arg7 : memref<!tpu.dma_semaphore, #tpu.memory_space<semaphore_mem>>) src(%dma_wait3A_398 : memref<114688x64xf32, #tpu.memory_space<hbm>>) dst(%arg6 : memref<128x64xf32, #tpu.memory_space<vmem>>)
    %dma_start3A_399 = arith.constant 40 : i32
    %dma_start3A_400 = arith.constant 0 : i32
    %dma_start3A_401 = tpu.memref_slice %arg5[%dma_start3A_399, %dma_start3A_400] : memref<200x128xi32, #tpu.memory_space<vmem>> -> memref<1x128xi32, #tpu.memory_space<vmem>>
    %dma_start3A_402 = tpu.memref_squeeze %dma_start3A_401 : memref<1x128xi32, #tpu.memory_space<vmem>> -> memref<128xi32, #tpu.memory_space<vmem>>
    %dma_start3A_403 = arith.constant 0 : i32
    %dma_start3A_404 = arith.constant 0 : i32
    %dma_start3A_405 = tpu.memref_slice %arg3[%dma_start3A_403, %dma_start3A_404] : memref<114688x64xf32, #tpu.memory_space<hbm>> -> memref<114688x64xf32, #tpu.memory_space<hbm>>
    tpu.enqueue_indirect_dma source(%dma_start3A_405 : memref<114688x64xf32, #tpu.memory_space<hbm>>) target(%arg6 : memref<128x64xf32, #tpu.memory_space<vmem>>) offsets(%dma_start3A_402 : memref<128xi32, #tpu.memory_space<vmem>>) semaphore(%arg7 : memref<!tpu.dma_semaphore, #tpu.memory_space<semaphore_mem>>) {add = true}
    %dma_wait3A_406 = arith.constant 16 : i32
    %dma_wait3A_407 = arith.constant 0 : i32
    %dma_wait3A_408 = tpu.memref_slice %arg5[%dma_wait3A_406, %dma_wait3A_407] : memref<200x128xi32, #tpu.memory_space<vmem>> -> memref<1x128xi32, #tpu.memory_space<vmem>>
    %dma_wait3A_409 = tpu.memref_squeeze %dma_wait3A_408 : memref<1x128xi32, #tpu.memory_space<vmem>> -> memref<128xi32, #tpu.memory_space<vmem>>
    %dma_wait3A_410 = arith.constant 0 : i32
    %dma_wait3A_411 = arith.constant 0 : i32
    %dma_wait3A_412 = tpu.memref_slice %arg3[%dma_wait3A_410, %dma_wait3A_411] : memref<114688x64xf32, #tpu.memory_space<hbm>> -> memref<114688x64xf32, #tpu.memory_space<hbm>>
    tpu.wait_indirect_dma semaphore(%arg7 : memref<!tpu.dma_semaphore, #tpu.memory_space<semaphore_mem>>) src(%dma_wait3A_412 : memref<114688x64xf32, #tpu.memory_space<hbm>>) dst(%arg6 : memref<128x64xf32, #tpu.memory_space<vmem>>)
    %dma_start3A_413 = arith.constant 41 : i32
    %dma_start3A_414 = arith.constant 0 : i32
    %dma_start3A_415 = tpu.memref_slice %arg5[%dma_start3A_413, %dma_start3A_414] : memref<200x128xi32, #tpu.memory_space<vmem>> -> memref<1x128xi32, #tpu.memory_space<vmem>>
    %dma_start3A_416 = tpu.memref_squeeze %dma_start3A_415 : memref<1x128xi32, #tpu.memory_space<vmem>> -> memref<128xi32, #tpu.memory_space<vmem>>
    %dma_start3A_417 = arith.constant 0 : i32
    %dma_start3A_418 = arith.constant 0 : i32
    %dma_start3A_419 = tpu.memref_slice %arg3[%dma_start3A_417, %dma_start3A_418] : memref<114688x64xf32, #tpu.memory_space<hbm>> -> memref<114688x64xf32, #tpu.memory_space<hbm>>
    tpu.enqueue_indirect_dma source(%dma_start3A_419 : memref<114688x64xf32, #tpu.memory_space<hbm>>) target(%arg6 : memref<128x64xf32, #tpu.memory_space<vmem>>) offsets(%dma_start3A_416 : memref<128xi32, #tpu.memory_space<vmem>>) semaphore(%arg7 : memref<!tpu.dma_semaphore, #tpu.memory_space<semaphore_mem>>) {add = true}
    %dma_wait3A_420 = arith.constant 17 : i32
    %dma_wait3A_421 = arith.constant 0 : i32
    %dma_wait3A_422 = tpu.memref_slice %arg5[%dma_wait3A_420, %dma_wait3A_421] : memref<200x128xi32, #tpu.memory_space<vmem>> -> memref<1x128xi32, #tpu.memory_space<vmem>>
    %dma_wait3A_423 = tpu.memref_squeeze %dma_wait3A_422 : memref<1x128xi32, #tpu.memory_space<vmem>> -> memref<128xi32, #tpu.memory_space<vmem>>
    %dma_wait3A_424 = arith.constant 0 : i32
    %dma_wait3A_425 = arith.constant 0 : i32
    %dma_wait3A_426 = tpu.memref_slice %arg3[%dma_wait3A_424, %dma_wait3A_425] : memref<114688x64xf32, #tpu.memory_space<hbm>> -> memref<114688x64xf32, #tpu.memory_space<hbm>>
    tpu.wait_indirect_dma semaphore(%arg7 : memref<!tpu.dma_semaphore, #tpu.memory_space<semaphore_mem>>) src(%dma_wait3A_426 : memref<114688x64xf32, #tpu.memory_space<hbm>>) dst(%arg6 : memref<128x64xf32, #tpu.memory_space<vmem>>)
    %dma_start3A_427 = arith.constant 42 : i32
    %dma_start3A_428 = arith.constant 0 : i32
    %dma_start3A_429 = tpu.memref_slice %arg5[%dma_start3A_427, %dma_start3A_428] : memref<200x128xi32, #tpu.memory_space<vmem>> -> memref<1x128xi32, #tpu.memory_space<vmem>>
    %dma_start3A_430 = tpu.memref_squeeze %dma_start3A_429 : memref<1x128xi32, #tpu.memory_space<vmem>> -> memref<128xi32, #tpu.memory_space<vmem>>
    %dma_start3A_431 = arith.constant 0 : i32
    %dma_start3A_432 = arith.constant 0 : i32
    %dma_start3A_433 = tpu.memref_slice %arg3[%dma_start3A_431, %dma_start3A_432] : memref<114688x64xf32, #tpu.memory_space<hbm>> -> memref<114688x64xf32, #tpu.memory_space<hbm>>
    tpu.enqueue_indirect_dma source(%dma_start3A_433 : memref<114688x64xf32, #tpu.memory_space<hbm>>) target(%arg6 : memref<128x64xf32, #tpu.memory_space<vmem>>) offsets(%dma_start3A_430 : memref<128xi32, #tpu.memory_space<vmem>>) semaphore(%arg7 : memref<!tpu.dma_semaphore, #tpu.memory_space<semaphore_mem>>) {add = true}
    %dma_wait3A_434 = arith.constant 18 : i32
    %dma_wait3A_435 = arith.constant 0 : i32
    %dma_wait3A_436 = tpu.memref_slice %arg5[%dma_wait3A_434, %dma_wait3A_435] : memref<200x128xi32, #tpu.memory_space<vmem>> -> memref<1x128xi32, #tpu.memory_space<vmem>>
    %dma_wait3A_437 = tpu.memref_squeeze %dma_wait3A_436 : memref<1x128xi32, #tpu.memory_space<vmem>> -> memref<128xi32, #tpu.memory_space<vmem>>
    %dma_wait3A_438 = arith.constant 0 : i32
    %dma_wait3A_439 = arith.constant 0 : i32
    %dma_wait3A_440 = tpu.memref_slice %arg3[%dma_wait3A_438, %dma_wait3A_439] : memref<114688x64xf32, #tpu.memory_space<hbm>> -> memref<114688x64xf32, #tpu.memory_space<hbm>>
    tpu.wait_indirect_dma semaphore(%arg7 : memref<!tpu.dma_semaphore, #tpu.memory_space<semaphore_mem>>) src(%dma_wait3A_440 : memref<114688x64xf32, #tpu.memory_space<hbm>>) dst(%arg6 : memref<128x64xf32, #tpu.memory_space<vmem>>)
    %dma_start3A_441 = arith.constant 43 : i32
    %dma_start3A_442 = arith.constant 0 : i32
    %dma_start3A_443 = tpu.memref_slice %arg5[%dma_start3A_441, %dma_start3A_442] : memref<200x128xi32, #tpu.memory_space<vmem>> -> memref<1x128xi32, #tpu.memory_space<vmem>>
    %dma_start3A_444 = tpu.memref_squeeze %dma_start3A_443 : memref<1x128xi32, #tpu.memory_space<vmem>> -> memref<128xi32, #tpu.memory_space<vmem>>
    %dma_start3A_445 = arith.constant 0 : i32
    %dma_start3A_446 = arith.constant 0 : i32
    %dma_start3A_447 = tpu.memref_slice %arg3[%dma_start3A_445, %dma_start3A_446] : memref<114688x64xf32, #tpu.memory_space<hbm>> -> memref<114688x64xf32, #tpu.memory_space<hbm>>
    tpu.enqueue_indirect_dma source(%dma_start3A_447 : memref<114688x64xf32, #tpu.memory_space<hbm>>) target(%arg6 : memref<128x64xf32, #tpu.memory_space<vmem>>) offsets(%dma_start3A_444 : memref<128xi32, #tpu.memory_space<vmem>>) semaphore(%arg7 : memref<!tpu.dma_semaphore, #tpu.memory_space<semaphore_mem>>) {add = true}
    %dma_wait3A_448 = arith.constant 19 : i32
    %dma_wait3A_449 = arith.constant 0 : i32
    %dma_wait3A_450 = tpu.memref_slice %arg5[%dma_wait3A_448, %dma_wait3A_449] : memref<200x128xi32, #tpu.memory_space<vmem>> -> memref<1x128xi32, #tpu.memory_space<vmem>>
    %dma_wait3A_451 = tpu.memref_squeeze %dma_wait3A_450 : memref<1x128xi32, #tpu.memory_space<vmem>> -> memref<128xi32, #tpu.memory_space<vmem>>
    %dma_wait3A_452 = arith.constant 0 : i32
    %dma_wait3A_453 = arith.constant 0 : i32
    %dma_wait3A_454 = tpu.memref_slice %arg3[%dma_wait3A_452, %dma_wait3A_453] : memref<114688x64xf32, #tpu.memory_space<hbm>> -> memref<114688x64xf32, #tpu.memory_space<hbm>>
    tpu.wait_indirect_dma semaphore(%arg7 : memref<!tpu.dma_semaphore, #tpu.memory_space<semaphore_mem>>) src(%dma_wait3A_454 : memref<114688x64xf32, #tpu.memory_space<hbm>>) dst(%arg6 : memref<128x64xf32, #tpu.memory_space<vmem>>)
    %dma_start3A_455 = arith.constant 44 : i32
    %dma_start3A_456 = arith.constant 0 : i32
    %dma_start3A_457 = tpu.memref_slice %arg5[%dma_start3A_455, %dma_start3A_456] : memref<200x128xi32, #tpu.memory_space<vmem>> -> memref<1x128xi32, #tpu.memory_space<vmem>>
    %dma_start3A_458 = tpu.memref_squeeze %dma_start3A_457 : memref<1x128xi32, #tpu.memory_space<vmem>> -> memref<128xi32, #tpu.memory_space<vmem>>
    %dma_start3A_459 = arith.constant 0 : i32
    %dma_start3A_460 = arith.constant 0 : i32
    %dma_start3A_461 = tpu.memref_slice %arg3[%dma_start3A_459, %dma_start3A_460] : memref<114688x64xf32, #tpu.memory_space<hbm>> -> memref<114688x64xf32, #tpu.memory_space<hbm>>
    tpu.enqueue_indirect_dma source(%dma_start3A_461 : memref<114688x64xf32, #tpu.memory_space<hbm>>) target(%arg6 : memref<128x64xf32, #tpu.memory_space<vmem>>) offsets(%dma_start3A_458 : memref<128xi32, #tpu.memory_space<vmem>>) semaphore(%arg7 : memref<!tpu.dma_semaphore, #tpu.memory_space<semaphore_mem>>) {add = true}
    %dma_wait3A_462 = arith.constant 20 : i32
    %dma_wait3A_463 = arith.constant 0 : i32
    %dma_wait3A_464 = tpu.memref_slice %arg5[%dma_wait3A_462, %dma_wait3A_463] : memref<200x128xi32, #tpu.memory_space<vmem>> -> memref<1x128xi32, #tpu.memory_space<vmem>>
    %dma_wait3A_465 = tpu.memref_squeeze %dma_wait3A_464 : memref<1x128xi32, #tpu.memory_space<vmem>> -> memref<128xi32, #tpu.memory_space<vmem>>
    %dma_wait3A_466 = arith.constant 0 : i32
    %dma_wait3A_467 = arith.constant 0 : i32
    %dma_wait3A_468 = tpu.memref_slice %arg3[%dma_wait3A_466, %dma_wait3A_467] : memref<114688x64xf32, #tpu.memory_space<hbm>> -> memref<114688x64xf32, #tpu.memory_space<hbm>>
    tpu.wait_indirect_dma semaphore(%arg7 : memref<!tpu.dma_semaphore, #tpu.memory_space<semaphore_mem>>) src(%dma_wait3A_468 : memref<114688x64xf32, #tpu.memory_space<hbm>>) dst(%arg6 : memref<128x64xf32, #tpu.memory_space<vmem>>)
    %dma_start3A_469 = arith.constant 45 : i32
    %dma_start3A_470 = arith.constant 0 : i32
    %dma_start3A_471 = tpu.memref_slice %arg5[%dma_start3A_469, %dma_start3A_470] : memref<200x128xi32, #tpu.memory_space<vmem>> -> memref<1x128xi32, #tpu.memory_space<vmem>>
    %dma_start3A_472 = tpu.memref_squeeze %dma_start3A_471 : memref<1x128xi32, #tpu.memory_space<vmem>> -> memref<128xi32, #tpu.memory_space<vmem>>
    %dma_start3A_473 = arith.constant 0 : i32
    %dma_start3A_474 = arith.constant 0 : i32
    %dma_start3A_475 = tpu.memref_slice %arg3[%dma_start3A_473, %dma_start3A_474] : memref<114688x64xf32, #tpu.memory_space<hbm>> -> memref<114688x64xf32, #tpu.memory_space<hbm>>
    tpu.enqueue_indirect_dma source(%dma_start3A_475 : memref<114688x64xf32, #tpu.memory_space<hbm>>) target(%arg6 : memref<128x64xf32, #tpu.memory_space<vmem>>) offsets(%dma_start3A_472 : memref<128xi32, #tpu.memory_space<vmem>>) semaphore(%arg7 : memref<!tpu.dma_semaphore, #tpu.memory_space<semaphore_mem>>) {add = true}
    %dma_wait3A_476 = arith.constant 21 : i32
    %dma_wait3A_477 = arith.constant 0 : i32
    %dma_wait3A_478 = tpu.memref_slice %arg5[%dma_wait3A_476, %dma_wait3A_477] : memref<200x128xi32, #tpu.memory_space<vmem>> -> memref<1x128xi32, #tpu.memory_space<vmem>>
    %dma_wait3A_479 = tpu.memref_squeeze %dma_wait3A_478 : memref<1x128xi32, #tpu.memory_space<vmem>> -> memref<128xi32, #tpu.memory_space<vmem>>
    %dma_wait3A_480 = arith.constant 0 : i32
    %dma_wait3A_481 = arith.constant 0 : i32
    %dma_wait3A_482 = tpu.memref_slice %arg3[%dma_wait3A_480, %dma_wait3A_481] : memref<114688x64xf32, #tpu.memory_space<hbm>> -> memref<114688x64xf32, #tpu.memory_space<hbm>>
    tpu.wait_indirect_dma semaphore(%arg7 : memref<!tpu.dma_semaphore, #tpu.memory_space<semaphore_mem>>) src(%dma_wait3A_482 : memref<114688x64xf32, #tpu.memory_space<hbm>>) dst(%arg6 : memref<128x64xf32, #tpu.memory_space<vmem>>)
    %dma_start3A_483 = arith.constant 46 : i32
    %dma_start3A_484 = arith.constant 0 : i32
    %dma_start3A_485 = tpu.memref_slice %arg5[%dma_start3A_483, %dma_start3A_484] : memref<200x128xi32, #tpu.memory_space<vmem>> -> memref<1x128xi32, #tpu.memory_space<vmem>>
    %dma_start3A_486 = tpu.memref_squeeze %dma_start3A_485 : memref<1x128xi32, #tpu.memory_space<vmem>> -> memref<128xi32, #tpu.memory_space<vmem>>
    %dma_start3A_487 = arith.constant 0 : i32
    %dma_start3A_488 = arith.constant 0 : i32
    %dma_start3A_489 = tpu.memref_slice %arg3[%dma_start3A_487, %dma_start3A_488] : memref<114688x64xf32, #tpu.memory_space<hbm>> -> memref<114688x64xf32, #tpu.memory_space<hbm>>
    tpu.enqueue_indirect_dma source(%dma_start3A_489 : memref<114688x64xf32, #tpu.memory_space<hbm>>) target(%arg6 : memref<128x64xf32, #tpu.memory_space<vmem>>) offsets(%dma_start3A_486 : memref<128xi32, #tpu.memory_space<vmem>>) semaphore(%arg7 : memref<!tpu.dma_semaphore, #tpu.memory_space<semaphore_mem>>) {add = true}
    %dma_wait3A_490 = arith.constant 22 : i32
    %dma_wait3A_491 = arith.constant 0 : i32
    %dma_wait3A_492 = tpu.memref_slice %arg5[%dma_wait3A_490, %dma_wait3A_491] : memref<200x128xi32, #tpu.memory_space<vmem>> -> memref<1x128xi32, #tpu.memory_space<vmem>>
    %dma_wait3A_493 = tpu.memref_squeeze %dma_wait3A_492 : memref<1x128xi32, #tpu.memory_space<vmem>> -> memref<128xi32, #tpu.memory_space<vmem>>
    %dma_wait3A_494 = arith.constant 0 : i32
    %dma_wait3A_495 = arith.constant 0 : i32
    %dma_wait3A_496 = tpu.memref_slice %arg3[%dma_wait3A_494, %dma_wait3A_495] : memref<114688x64xf32, #tpu.memory_space<hbm>> -> memref<114688x64xf32, #tpu.memory_space<hbm>>
    tpu.wait_indirect_dma semaphore(%arg7 : memref<!tpu.dma_semaphore, #tpu.memory_space<semaphore_mem>>) src(%dma_wait3A_496 : memref<114688x64xf32, #tpu.memory_space<hbm>>) dst(%arg6 : memref<128x64xf32, #tpu.memory_space<vmem>>)
    %dma_start3A_497 = arith.constant 47 : i32
    %dma_start3A_498 = arith.constant 0 : i32
    %dma_start3A_499 = tpu.memref_slice %arg5[%dma_start3A_497, %dma_start3A_498] : memref<200x128xi32, #tpu.memory_space<vmem>> -> memref<1x128xi32, #tpu.memory_space<vmem>>
    %dma_start3A_500 = tpu.memref_squeeze %dma_start3A_499 : memref<1x128xi32, #tpu.memory_space<vmem>> -> memref<128xi32, #tpu.memory_space<vmem>>
    %dma_start3A_501 = arith.constant 0 : i32
    %dma_start3A_502 = arith.constant 0 : i32
    %dma_start3A_503 = tpu.memref_slice %arg3[%dma_start3A_501, %dma_start3A_502] : memref<114688x64xf32, #tpu.memory_space<hbm>> -> memref<114688x64xf32, #tpu.memory_space<hbm>>
    tpu.enqueue_indirect_dma source(%dma_start3A_503 : memref<114688x64xf32, #tpu.memory_space<hbm>>) target(%arg6 : memref<128x64xf32, #tpu.memory_space<vmem>>) offsets(%dma_start3A_500 : memref<128xi32, #tpu.memory_space<vmem>>) semaphore(%arg7 : memref<!tpu.dma_semaphore, #tpu.memory_space<semaphore_mem>>) {add = true}
    %dma_wait3A_504 = arith.constant 23 : i32
    %dma_wait3A_505 = arith.constant 0 : i32
    %dma_wait3A_506 = tpu.memref_slice %arg5[%dma_wait3A_504, %dma_wait3A_505] : memref<200x128xi32, #tpu.memory_space<vmem>> -> memref<1x128xi32, #tpu.memory_space<vmem>>
    %dma_wait3A_507 = tpu.memref_squeeze %dma_wait3A_506 : memref<1x128xi32, #tpu.memory_space<vmem>> -> memref<128xi32, #tpu.memory_space<vmem>>
    %dma_wait3A_508 = arith.constant 0 : i32
    %dma_wait3A_509 = arith.constant 0 : i32
    %dma_wait3A_510 = tpu.memref_slice %arg3[%dma_wait3A_508, %dma_wait3A_509] : memref<114688x64xf32, #tpu.memory_space<hbm>> -> memref<114688x64xf32, #tpu.memory_space<hbm>>
    tpu.wait_indirect_dma semaphore(%arg7 : memref<!tpu.dma_semaphore, #tpu.memory_space<semaphore_mem>>) src(%dma_wait3A_510 : memref<114688x64xf32, #tpu.memory_space<hbm>>) dst(%arg6 : memref<128x64xf32, #tpu.memory_space<vmem>>)
    %dma_start3A_511 = arith.constant 48 : i32
    %dma_start3A_512 = arith.constant 0 : i32
    %dma_start3A_513 = tpu.memref_slice %arg5[%dma_start3A_511, %dma_start3A_512] : memref<200x128xi32, #tpu.memory_space<vmem>> -> memref<1x128xi32, #tpu.memory_space<vmem>>
    %dma_start3A_514 = tpu.memref_squeeze %dma_start3A_513 : memref<1x128xi32, #tpu.memory_space<vmem>> -> memref<128xi32, #tpu.memory_space<vmem>>
    %dma_start3A_515 = arith.constant 0 : i32
    %dma_start3A_516 = arith.constant 0 : i32
    %dma_start3A_517 = tpu.memref_slice %arg3[%dma_start3A_515, %dma_start3A_516] : memref<114688x64xf32, #tpu.memory_space<hbm>> -> memref<114688x64xf32, #tpu.memory_space<hbm>>
    tpu.enqueue_indirect_dma source(%dma_start3A_517 : memref<114688x64xf32, #tpu.memory_space<hbm>>) target(%arg6 : memref<128x64xf32, #tpu.memory_space<vmem>>) offsets(%dma_start3A_514 : memref<128xi32, #tpu.memory_space<vmem>>) semaphore(%arg7 : memref<!tpu.dma_semaphore, #tpu.memory_space<semaphore_mem>>) {add = true}
    %dma_wait3A_518 = arith.constant 24 : i32
    %dma_wait3A_519 = arith.constant 0 : i32
    %dma_wait3A_520 = tpu.memref_slice %arg5[%dma_wait3A_518, %dma_wait3A_519] : memref<200x128xi32, #tpu.memory_space<vmem>> -> memref<1x128xi32, #tpu.memory_space<vmem>>
    %dma_wait3A_521 = tpu.memref_squeeze %dma_wait3A_520 : memref<1x128xi32, #tpu.memory_space<vmem>> -> memref<128xi32, #tpu.memory_space<vmem>>
    %dma_wait3A_522 = arith.constant 0 : i32
    %dma_wait3A_523 = arith.constant 0 : i32
    %dma_wait3A_524 = tpu.memref_slice %arg3[%dma_wait3A_522, %dma_wait3A_523] : memref<114688x64xf32, #tpu.memory_space<hbm>> -> memref<114688x64xf32, #tpu.memory_space<hbm>>
    tpu.wait_indirect_dma semaphore(%arg7 : memref<!tpu.dma_semaphore, #tpu.memory_space<semaphore_mem>>) src(%dma_wait3A_524 : memref<114688x64xf32, #tpu.memory_space<hbm>>) dst(%arg6 : memref<128x64xf32, #tpu.memory_space<vmem>>)
    %dma_start3A_525 = arith.constant 49 : i32
    %dma_start3A_526 = arith.constant 0 : i32
    %dma_start3A_527 = tpu.memref_slice %arg5[%dma_start3A_525, %dma_start3A_526] : memref<200x128xi32, #tpu.memory_space<vmem>> -> memref<1x128xi32, #tpu.memory_space<vmem>>
    %dma_start3A_528 = tpu.memref_squeeze %dma_start3A_527 : memref<1x128xi32, #tpu.memory_space<vmem>> -> memref<128xi32, #tpu.memory_space<vmem>>
    %dma_start3A_529 = arith.constant 0 : i32
    %dma_start3A_530 = arith.constant 0 : i32
    %dma_start3A_531 = tpu.memref_slice %arg3[%dma_start3A_529, %dma_start3A_530] : memref<114688x64xf32, #tpu.memory_space<hbm>> -> memref<114688x64xf32, #tpu.memory_space<hbm>>
    tpu.enqueue_indirect_dma source(%dma_start3A_531 : memref<114688x64xf32, #tpu.memory_space<hbm>>) target(%arg6 : memref<128x64xf32, #tpu.memory_space<vmem>>) offsets(%dma_start3A_528 : memref<128xi32, #tpu.memory_space<vmem>>) semaphore(%arg7 : memref<!tpu.dma_semaphore, #tpu.memory_space<semaphore_mem>>) {add = true}
    %dma_wait3A_532 = arith.constant 25 : i32
    %dma_wait3A_533 = arith.constant 0 : i32
    %dma_wait3A_534 = tpu.memref_slice %arg5[%dma_wait3A_532, %dma_wait3A_533] : memref<200x128xi32, #tpu.memory_space<vmem>> -> memref<1x128xi32, #tpu.memory_space<vmem>>
    %dma_wait3A_535 = tpu.memref_squeeze %dma_wait3A_534 : memref<1x128xi32, #tpu.memory_space<vmem>> -> memref<128xi32, #tpu.memory_space<vmem>>
    %dma_wait3A_536 = arith.constant 0 : i32
    %dma_wait3A_537 = arith.constant 0 : i32
    %dma_wait3A_538 = tpu.memref_slice %arg3[%dma_wait3A_536, %dma_wait3A_537] : memref<114688x64xf32, #tpu.memory_space<hbm>> -> memref<114688x64xf32, #tpu.memory_space<hbm>>
    tpu.wait_indirect_dma semaphore(%arg7 : memref<!tpu.dma_semaphore, #tpu.memory_space<semaphore_mem>>) src(%dma_wait3A_538 : memref<114688x64xf32, #tpu.memory_space<hbm>>) dst(%arg6 : memref<128x64xf32, #tpu.memory_space<vmem>>)
    %dma_start3A_539 = arith.constant 50 : i32
    %dma_start3A_540 = arith.constant 0 : i32
    %dma_start3A_541 = tpu.memref_slice %arg5[%dma_start3A_539, %dma_start3A_540] : memref<200x128xi32, #tpu.memory_space<vmem>> -> memref<1x128xi32, #tpu.memory_space<vmem>>
    %dma_start3A_542 = tpu.memref_squeeze %dma_start3A_541 : memref<1x128xi32, #tpu.memory_space<vmem>> -> memref<128xi32, #tpu.memory_space<vmem>>
    %dma_start3A_543 = arith.constant 0 : i32
    %dma_start3A_544 = arith.constant 0 : i32
    %dma_start3A_545 = tpu.memref_slice %arg3[%dma_start3A_543, %dma_start3A_544] : memref<114688x64xf32, #tpu.memory_space<hbm>> -> memref<114688x64xf32, #tpu.memory_space<hbm>>
    tpu.enqueue_indirect_dma source(%dma_start3A_545 : memref<114688x64xf32, #tpu.memory_space<hbm>>) target(%arg6 : memref<128x64xf32, #tpu.memory_space<vmem>>) offsets(%dma_start3A_542 : memref<128xi32, #tpu.memory_space<vmem>>) semaphore(%arg7 : memref<!tpu.dma_semaphore, #tpu.memory_space<semaphore_mem>>) {add = true}
    %dma_wait3A_546 = arith.constant 26 : i32
    %dma_wait3A_547 = arith.constant 0 : i32
    %dma_wait3A_548 = tpu.memref_slice %arg5[%dma_wait3A_546, %dma_wait3A_547] : memref<200x128xi32, #tpu.memory_space<vmem>> -> memref<1x128xi32, #tpu.memory_space<vmem>>
    %dma_wait3A_549 = tpu.memref_squeeze %dma_wait3A_548 : memref<1x128xi32, #tpu.memory_space<vmem>> -> memref<128xi32, #tpu.memory_space<vmem>>
    %dma_wait3A_550 = arith.constant 0 : i32
    %dma_wait3A_551 = arith.constant 0 : i32
    %dma_wait3A_552 = tpu.memref_slice %arg3[%dma_wait3A_550, %dma_wait3A_551] : memref<114688x64xf32, #tpu.memory_space<hbm>> -> memref<114688x64xf32, #tpu.memory_space<hbm>>
    tpu.wait_indirect_dma semaphore(%arg7 : memref<!tpu.dma_semaphore, #tpu.memory_space<semaphore_mem>>) src(%dma_wait3A_552 : memref<114688x64xf32, #tpu.memory_space<hbm>>) dst(%arg6 : memref<128x64xf32, #tpu.memory_space<vmem>>)
    %dma_start3A_553 = arith.constant 51 : i32
    %dma_start3A_554 = arith.constant 0 : i32
    %dma_start3A_555 = tpu.memref_slice %arg5[%dma_start3A_553, %dma_start3A_554] : memref<200x128xi32, #tpu.memory_space<vmem>> -> memref<1x128xi32, #tpu.memory_space<vmem>>
    %dma_start3A_556 = tpu.memref_squeeze %dma_start3A_555 : memref<1x128xi32, #tpu.memory_space<vmem>> -> memref<128xi32, #tpu.memory_space<vmem>>
    %dma_start3A_557 = arith.constant 0 : i32
    %dma_start3A_558 = arith.constant 0 : i32
    %dma_start3A_559 = tpu.memref_slice %arg3[%dma_start3A_557, %dma_start3A_558] : memref<114688x64xf32, #tpu.memory_space<hbm>> -> memref<114688x64xf32, #tpu.memory_space<hbm>>
    tpu.enqueue_indirect_dma source(%dma_start3A_559 : memref<114688x64xf32, #tpu.memory_space<hbm>>) target(%arg6 : memref<128x64xf32, #tpu.memory_space<vmem>>) offsets(%dma_start3A_556 : memref<128xi32, #tpu.memory_space<vmem>>) semaphore(%arg7 : memref<!tpu.dma_semaphore, #tpu.memory_space<semaphore_mem>>) {add = true}
    %dma_wait3A_560 = arith.constant 27 : i32
    %dma_wait3A_561 = arith.constant 0 : i32
    %dma_wait3A_562 = tpu.memref_slice %arg5[%dma_wait3A_560, %dma_wait3A_561] : memref<200x128xi32, #tpu.memory_space<vmem>> -> memref<1x128xi32, #tpu.memory_space<vmem>>
    %dma_wait3A_563 = tpu.memref_squeeze %dma_wait3A_562 : memref<1x128xi32, #tpu.memory_space<vmem>> -> memref<128xi32, #tpu.memory_space<vmem>>
    %dma_wait3A_564 = arith.constant 0 : i32
    %dma_wait3A_565 = arith.constant 0 : i32
    %dma_wait3A_566 = tpu.memref_slice %arg3[%dma_wait3A_564, %dma_wait3A_565] : memref<114688x64xf32, #tpu.memory_space<hbm>> -> memref<114688x64xf32, #tpu.memory_space<hbm>>
    tpu.wait_indirect_dma semaphore(%arg7 : memref<!tpu.dma_semaphore, #tpu.memory_space<semaphore_mem>>) src(%dma_wait3A_566 : memref<114688x64xf32, #tpu.memory_space<hbm>>) dst(%arg6 : memref<128x64xf32, #tpu.memory_space<vmem>>)
    %dma_start3A_567 = arith.constant 52 : i32
    %dma_start3A_568 = arith.constant 0 : i32
    %dma_start3A_569 = tpu.memref_slice %arg5[%dma_start3A_567, %dma_start3A_568] : memref<200x128xi32, #tpu.memory_space<vmem>> -> memref<1x128xi32, #tpu.memory_space<vmem>>
    %dma_start3A_570 = tpu.memref_squeeze %dma_start3A_569 : memref<1x128xi32, #tpu.memory_space<vmem>> -> memref<128xi32, #tpu.memory_space<vmem>>
    %dma_start3A_571 = arith.constant 0 : i32
    %dma_start3A_572 = arith.constant 0 : i32
    %dma_start3A_573 = tpu.memref_slice %arg3[%dma_start3A_571, %dma_start3A_572] : memref<114688x64xf32, #tpu.memory_space<hbm>> -> memref<114688x64xf32, #tpu.memory_space<hbm>>
    tpu.enqueue_indirect_dma source(%dma_start3A_573 : memref<114688x64xf32, #tpu.memory_space<hbm>>) target(%arg6 : memref<128x64xf32, #tpu.memory_space<vmem>>) offsets(%dma_start3A_570 : memref<128xi32, #tpu.memory_space<vmem>>) semaphore(%arg7 : memref<!tpu.dma_semaphore, #tpu.memory_space<semaphore_mem>>) {add = true}
    %dma_wait3A_574 = arith.constant 28 : i32
    %dma_wait3A_575 = arith.constant 0 : i32
    %dma_wait3A_576 = tpu.memref_slice %arg5[%dma_wait3A_574, %dma_wait3A_575] : memref<200x128xi32, #tpu.memory_space<vmem>> -> memref<1x128xi32, #tpu.memory_space<vmem>>
    %dma_wait3A_577 = tpu.memref_squeeze %dma_wait3A_576 : memref<1x128xi32, #tpu.memory_space<vmem>> -> memref<128xi32, #tpu.memory_space<vmem>>
    %dma_wait3A_578 = arith.constant 0 : i32
    %dma_wait3A_579 = arith.constant 0 : i32
    %dma_wait3A_580 = tpu.memref_slice %arg3[%dma_wait3A_578, %dma_wait3A_579] : memref<114688x64xf32, #tpu.memory_space<hbm>> -> memref<114688x64xf32, #tpu.memory_space<hbm>>
    tpu.wait_indirect_dma semaphore(%arg7 : memref<!tpu.dma_semaphore, #tpu.memory_space<semaphore_mem>>) src(%dma_wait3A_580 : memref<114688x64xf32, #tpu.memory_space<hbm>>) dst(%arg6 : memref<128x64xf32, #tpu.memory_space<vmem>>)
    %dma_start3A_581 = arith.constant 53 : i32
    %dma_start3A_582 = arith.constant 0 : i32
    %dma_start3A_583 = tpu.memref_slice %arg5[%dma_start3A_581, %dma_start3A_582] : memref<200x128xi32, #tpu.memory_space<vmem>> -> memref<1x128xi32, #tpu.memory_space<vmem>>
    %dma_start3A_584 = tpu.memref_squeeze %dma_start3A_583 : memref<1x128xi32, #tpu.memory_space<vmem>> -> memref<128xi32, #tpu.memory_space<vmem>>
    %dma_start3A_585 = arith.constant 0 : i32
    %dma_start3A_586 = arith.constant 0 : i32
    %dma_start3A_587 = tpu.memref_slice %arg3[%dma_start3A_585, %dma_start3A_586] : memref<114688x64xf32, #tpu.memory_space<hbm>> -> memref<114688x64xf32, #tpu.memory_space<hbm>>
    tpu.enqueue_indirect_dma source(%dma_start3A_587 : memref<114688x64xf32, #tpu.memory_space<hbm>>) target(%arg6 : memref<128x64xf32, #tpu.memory_space<vmem>>) offsets(%dma_start3A_584 : memref<128xi32, #tpu.memory_space<vmem>>) semaphore(%arg7 : memref<!tpu.dma_semaphore, #tpu.memory_space<semaphore_mem>>) {add = true}
    %dma_wait3A_588 = arith.constant 29 : i32
    %dma_wait3A_589 = arith.constant 0 : i32
    %dma_wait3A_590 = tpu.memref_slice %arg5[%dma_wait3A_588, %dma_wait3A_589] : memref<200x128xi32, #tpu.memory_space<vmem>> -> memref<1x128xi32, #tpu.memory_space<vmem>>
    %dma_wait3A_591 = tpu.memref_squeeze %dma_wait3A_590 : memref<1x128xi32, #tpu.memory_space<vmem>> -> memref<128xi32, #tpu.memory_space<vmem>>
    %dma_wait3A_592 = arith.constant 0 : i32
    %dma_wait3A_593 = arith.constant 0 : i32
    %dma_wait3A_594 = tpu.memref_slice %arg3[%dma_wait3A_592, %dma_wait3A_593] : memref<114688x64xf32, #tpu.memory_space<hbm>> -> memref<114688x64xf32, #tpu.memory_space<hbm>>
    tpu.wait_indirect_dma semaphore(%arg7 : memref<!tpu.dma_semaphore, #tpu.memory_space<semaphore_mem>>) src(%dma_wait3A_594 : memref<114688x64xf32, #tpu.memory_space<hbm>>) dst(%arg6 : memref<128x64xf32, #tpu.memory_space<vmem>>)
    %dma_start3A_595 = arith.constant 54 : i32
    %dma_start3A_596 = arith.constant 0 : i32
    %dma_start3A_597 = tpu.memref_slice %arg5[%dma_start3A_595, %dma_start3A_596] : memref<200x128xi32, #tpu.memory_space<vmem>> -> memref<1x128xi32, #tpu.memory_space<vmem>>
    %dma_start3A_598 = tpu.memref_squeeze %dma_start3A_597 : memref<1x128xi32, #tpu.memory_space<vmem>> -> memref<128xi32, #tpu.memory_space<vmem>>
    %dma_start3A_599 = arith.constant 0 : i32
    %dma_start3A_600 = arith.constant 0 : i32
    %dma_start3A_601 = tpu.memref_slice %arg3[%dma_start3A_599, %dma_start3A_600] : memref<114688x64xf32, #tpu.memory_space<hbm>> -> memref<114688x64xf32, #tpu.memory_space<hbm>>
    tpu.enqueue_indirect_dma source(%dma_start3A_601 : memref<114688x64xf32, #tpu.memory_space<hbm>>) target(%arg6 : memref<128x64xf32, #tpu.memory_space<vmem>>) offsets(%dma_start3A_598 : memref<128xi32, #tpu.memory_space<vmem>>) semaphore(%arg7 : memref<!tpu.dma_semaphore, #tpu.memory_space<semaphore_mem>>) {add = true}
    %dma_wait3A_602 = arith.constant 30 : i32
    %dma_wait3A_603 = arith.constant 0 : i32
    %dma_wait3A_604 = tpu.memref_slice %arg5[%dma_wait3A_602, %dma_wait3A_603] : memref<200x128xi32, #tpu.memory_space<vmem>> -> memref<1x128xi32, #tpu.memory_space<vmem>>
    %dma_wait3A_605 = tpu.memref_squeeze %dma_wait3A_604 : memref<1x128xi32, #tpu.memory_space<vmem>> -> memref<128xi32, #tpu.memory_space<vmem>>
    %dma_wait3A_606 = arith.constant 0 : i32
    %dma_wait3A_607 = arith.constant 0 : i32
    %dma_wait3A_608 = tpu.memref_slice %arg3[%dma_wait3A_606, %dma_wait3A_607] : memref<114688x64xf32, #tpu.memory_space<hbm>> -> memref<114688x64xf32, #tpu.memory_space<hbm>>
    tpu.wait_indirect_dma semaphore(%arg7 : memref<!tpu.dma_semaphore, #tpu.memory_space<semaphore_mem>>) src(%dma_wait3A_608 : memref<114688x64xf32, #tpu.memory_space<hbm>>) dst(%arg6 : memref<128x64xf32, #tpu.memory_space<vmem>>)
    %dma_start3A_609 = arith.constant 55 : i32
    %dma_start3A_610 = arith.constant 0 : i32
    %dma_start3A_611 = tpu.memref_slice %arg5[%dma_start3A_609, %dma_start3A_610] : memref<200x128xi32, #tpu.memory_space<vmem>> -> memref<1x128xi32, #tpu.memory_space<vmem>>
    %dma_start3A_612 = tpu.memref_squeeze %dma_start3A_611 : memref<1x128xi32, #tpu.memory_space<vmem>> -> memref<128xi32, #tpu.memory_space<vmem>>
    %dma_start3A_613 = arith.constant 0 : i32
    %dma_start3A_614 = arith.constant 0 : i32
    %dma_start3A_615 = tpu.memref_slice %arg3[%dma_start3A_613, %dma_start3A_614] : memref<114688x64xf32, #tpu.memory_space<hbm>> -> memref<114688x64xf32, #tpu.memory_space<hbm>>
    tpu.enqueue_indirect_dma source(%dma_start3A_615 : memref<114688x64xf32, #tpu.memory_space<hbm>>) target(%arg6 : memref<128x64xf32, #tpu.memory_space<vmem>>) offsets(%dma_start3A_612 : memref<128xi32, #tpu.memory_space<vmem>>) semaphore(%arg7 : memref<!tpu.dma_semaphore, #tpu.memory_space<semaphore_mem>>) {add = true}
    %dma_wait3A_616 = arith.constant 31 : i32
    %dma_wait3A_617 = arith.constant 0 : i32
    %dma_wait3A_618 = tpu.memref_slice %arg5[%dma_wait3A_616, %dma_wait3A_617] : memref<200x128xi32, #tpu.memory_space<vmem>> -> memref<1x128xi32, #tpu.memory_space<vmem>>
    %dma_wait3A_619 = tpu.memref_squeeze %dma_wait3A_618 : memref<1x128xi32, #tpu.memory_space<vmem>> -> memref<128xi32, #tpu.memory_space<vmem>>
    %dma_wait3A_620 = arith.constant 0 : i32
    %dma_wait3A_621 = arith.constant 0 : i32
    %dma_wait3A_622 = tpu.memref_slice %arg3[%dma_wait3A_620, %dma_wait3A_621] : memref<114688x64xf32, #tpu.memory_space<hbm>> -> memref<114688x64xf32, #tpu.memory_space<hbm>>
    tpu.wait_indirect_dma semaphore(%arg7 : memref<!tpu.dma_semaphore, #tpu.memory_space<semaphore_mem>>) src(%dma_wait3A_622 : memref<114688x64xf32, #tpu.memory_space<hbm>>) dst(%arg6 : memref<128x64xf32, #tpu.memory_space<vmem>>)
    %dma_start3A_623 = arith.constant 56 : i32
    %dma_start3A_624 = arith.constant 0 : i32
    %dma_start3A_625 = tpu.memref_slice %arg5[%dma_start3A_623, %dma_start3A_624] : memref<200x128xi32, #tpu.memory_space<vmem>> -> memref<1x128xi32, #tpu.memory_space<vmem>>
    %dma_start3A_626 = tpu.memref_squeeze %dma_start3A_625 : memref<1x128xi32, #tpu.memory_space<vmem>> -> memref<128xi32, #tpu.memory_space<vmem>>
    %dma_start3A_627 = arith.constant 0 : i32
    %dma_start3A_628 = arith.constant 0 : i32
    %dma_start3A_629 = tpu.memref_slice %arg3[%dma_start3A_627, %dma_start3A_628] : memref<114688x64xf32, #tpu.memory_space<hbm>> -> memref<114688x64xf32, #tpu.memory_space<hbm>>
    tpu.enqueue_indirect_dma source(%dma_start3A_629 : memref<114688x64xf32, #tpu.memory_space<hbm>>) target(%arg6 : memref<128x64xf32, #tpu.memory_space<vmem>>) offsets(%dma_start3A_626 : memref<128xi32, #tpu.memory_space<vmem>>) semaphore(%arg7 : memref<!tpu.dma_semaphore, #tpu.memory_space<semaphore_mem>>) {add = true}
    %dma_wait3A_630 = arith.constant 32 : i32
    %dma_wait3A_631 = arith.constant 0 : i32
    %dma_wait3A_632 = tpu.memref_slice %arg5[%dma_wait3A_630, %dma_wait3A_631] : memref<200x128xi32, #tpu.memory_space<vmem>> -> memref<1x128xi32, #tpu.memory_space<vmem>>
    %dma_wait3A_633 = tpu.memref_squeeze %dma_wait3A_632 : memref<1x128xi32, #tpu.memory_space<vmem>> -> memref<128xi32, #tpu.memory_space<vmem>>
    %dma_wait3A_634 = arith.constant 0 : i32
    %dma_wait3A_635 = arith.constant 0 : i32
    %dma_wait3A_636 = tpu.memref_slice %arg3[%dma_wait3A_634, %dma_wait3A_635] : memref<114688x64xf32, #tpu.memory_space<hbm>> -> memref<114688x64xf32, #tpu.memory_space<hbm>>
    tpu.wait_indirect_dma semaphore(%arg7 : memref<!tpu.dma_semaphore, #tpu.memory_space<semaphore_mem>>) src(%dma_wait3A_636 : memref<114688x64xf32, #tpu.memory_space<hbm>>) dst(%arg6 : memref<128x64xf32, #tpu.memory_space<vmem>>)
    %dma_start3A_637 = arith.constant 57 : i32
    %dma_start3A_638 = arith.constant 0 : i32
    %dma_start3A_639 = tpu.memref_slice %arg5[%dma_start3A_637, %dma_start3A_638] : memref<200x128xi32, #tpu.memory_space<vmem>> -> memref<1x128xi32, #tpu.memory_space<vmem>>
    %dma_start3A_640 = tpu.memref_squeeze %dma_start3A_639 : memref<1x128xi32, #tpu.memory_space<vmem>> -> memref<128xi32, #tpu.memory_space<vmem>>
    %dma_start3A_641 = arith.constant 0 : i32
    %dma_start3A_642 = arith.constant 0 : i32
    %dma_start3A_643 = tpu.memref_slice %arg3[%dma_start3A_641, %dma_start3A_642] : memref<114688x64xf32, #tpu.memory_space<hbm>> -> memref<114688x64xf32, #tpu.memory_space<hbm>>
    tpu.enqueue_indirect_dma source(%dma_start3A_643 : memref<114688x64xf32, #tpu.memory_space<hbm>>) target(%arg6 : memref<128x64xf32, #tpu.memory_space<vmem>>) offsets(%dma_start3A_640 : memref<128xi32, #tpu.memory_space<vmem>>) semaphore(%arg7 : memref<!tpu.dma_semaphore, #tpu.memory_space<semaphore_mem>>) {add = true}
    %dma_wait3A_644 = arith.constant 33 : i32
    %dma_wait3A_645 = arith.constant 0 : i32
    %dma_wait3A_646 = tpu.memref_slice %arg5[%dma_wait3A_644, %dma_wait3A_645] : memref<200x128xi32, #tpu.memory_space<vmem>> -> memref<1x128xi32, #tpu.memory_space<vmem>>
    %dma_wait3A_647 = tpu.memref_squeeze %dma_wait3A_646 : memref<1x128xi32, #tpu.memory_space<vmem>> -> memref<128xi32, #tpu.memory_space<vmem>>
    %dma_wait3A_648 = arith.constant 0 : i32
    %dma_wait3A_649 = arith.constant 0 : i32
    %dma_wait3A_650 = tpu.memref_slice %arg3[%dma_wait3A_648, %dma_wait3A_649] : memref<114688x64xf32, #tpu.memory_space<hbm>> -> memref<114688x64xf32, #tpu.memory_space<hbm>>
    tpu.wait_indirect_dma semaphore(%arg7 : memref<!tpu.dma_semaphore, #tpu.memory_space<semaphore_mem>>) src(%dma_wait3A_650 : memref<114688x64xf32, #tpu.memory_space<hbm>>) dst(%arg6 : memref<128x64xf32, #tpu.memory_space<vmem>>)
    %dma_start3A_651 = arith.constant 58 : i32
    %dma_start3A_652 = arith.constant 0 : i32
    %dma_start3A_653 = tpu.memref_slice %arg5[%dma_start3A_651, %dma_start3A_652] : memref<200x128xi32, #tpu.memory_space<vmem>> -> memref<1x128xi32, #tpu.memory_space<vmem>>
    %dma_start3A_654 = tpu.memref_squeeze %dma_start3A_653 : memref<1x128xi32, #tpu.memory_space<vmem>> -> memref<128xi32, #tpu.memory_space<vmem>>
    %dma_start3A_655 = arith.constant 0 : i32
    %dma_start3A_656 = arith.constant 0 : i32
    %dma_start3A_657 = tpu.memref_slice %arg3[%dma_start3A_655, %dma_start3A_656] : memref<114688x64xf32, #tpu.memory_space<hbm>> -> memref<114688x64xf32, #tpu.memory_space<hbm>>
    tpu.enqueue_indirect_dma source(%dma_start3A_657 : memref<114688x64xf32, #tpu.memory_space<hbm>>) target(%arg6 : memref<128x64xf32, #tpu.memory_space<vmem>>) offsets(%dma_start3A_654 : memref<128xi32, #tpu.memory_space<vmem>>) semaphore(%arg7 : memref<!tpu.dma_semaphore, #tpu.memory_space<semaphore_mem>>) {add = true}
    %dma_wait3A_658 = arith.constant 34 : i32
    %dma_wait3A_659 = arith.constant 0 : i32
    %dma_wait3A_660 = tpu.memref_slice %arg5[%dma_wait3A_658, %dma_wait3A_659] : memref<200x128xi32, #tpu.memory_space<vmem>> -> memref<1x128xi32, #tpu.memory_space<vmem>>
    %dma_wait3A_661 = tpu.memref_squeeze %dma_wait3A_660 : memref<1x128xi32, #tpu.memory_space<vmem>> -> memref<128xi32, #tpu.memory_space<vmem>>
    %dma_wait3A_662 = arith.constant 0 : i32
    %dma_wait3A_663 = arith.constant 0 : i32
    %dma_wait3A_664 = tpu.memref_slice %arg3[%dma_wait3A_662, %dma_wait3A_663] : memref<114688x64xf32, #tpu.memory_space<hbm>> -> memref<114688x64xf32, #tpu.memory_space<hbm>>
    tpu.wait_indirect_dma semaphore(%arg7 : memref<!tpu.dma_semaphore, #tpu.memory_space<semaphore_mem>>) src(%dma_wait3A_664 : memref<114688x64xf32, #tpu.memory_space<hbm>>) dst(%arg6 : memref<128x64xf32, #tpu.memory_space<vmem>>)
    %dma_start3A_665 = arith.constant 59 : i32
    %dma_start3A_666 = arith.constant 0 : i32
    %dma_start3A_667 = tpu.memref_slice %arg5[%dma_start3A_665, %dma_start3A_666] : memref<200x128xi32, #tpu.memory_space<vmem>> -> memref<1x128xi32, #tpu.memory_space<vmem>>
    %dma_start3A_668 = tpu.memref_squeeze %dma_start3A_667 : memref<1x128xi32, #tpu.memory_space<vmem>> -> memref<128xi32, #tpu.memory_space<vmem>>
    %dma_start3A_669 = arith.constant 0 : i32
    %dma_start3A_670 = arith.constant 0 : i32
    %dma_start3A_671 = tpu.memref_slice %arg3[%dma_start3A_669, %dma_start3A_670] : memref<114688x64xf32, #tpu.memory_space<hbm>> -> memref<114688x64xf32, #tpu.memory_space<hbm>>
    tpu.enqueue_indirect_dma source(%dma_start3A_671 : memref<114688x64xf32, #tpu.memory_space<hbm>>) target(%arg6 : memref<128x64xf32, #tpu.memory_space<vmem>>) offsets(%dma_start3A_668 : memref<128xi32, #tpu.memory_space<vmem>>) semaphore(%arg7 : memref<!tpu.dma_semaphore, #tpu.memory_space<semaphore_mem>>) {add = true}
    %dma_wait3A_672 = arith.constant 35 : i32
    %dma_wait3A_673 = arith.constant 0 : i32
    %dma_wait3A_674 = tpu.memref_slice %arg5[%dma_wait3A_672, %dma_wait3A_673] : memref<200x128xi32, #tpu.memory_space<vmem>> -> memref<1x128xi32, #tpu.memory_space<vmem>>
    %dma_wait3A_675 = tpu.memref_squeeze %dma_wait3A_674 : memref<1x128xi32, #tpu.memory_space<vmem>> -> memref<128xi32, #tpu.memory_space<vmem>>
    %dma_wait3A_676 = arith.constant 0 : i32
    %dma_wait3A_677 = arith.constant 0 : i32
    %dma_wait3A_678 = tpu.memref_slice %arg3[%dma_wait3A_676, %dma_wait3A_677] : memref<114688x64xf32, #tpu.memory_space<hbm>> -> memref<114688x64xf32, #tpu.memory_space<hbm>>
    tpu.wait_indirect_dma semaphore(%arg7 : memref<!tpu.dma_semaphore, #tpu.memory_space<semaphore_mem>>) src(%dma_wait3A_678 : memref<114688x64xf32, #tpu.memory_space<hbm>>) dst(%arg6 : memref<128x64xf32, #tpu.memory_space<vmem>>)
    %dma_start3A_679 = arith.constant 60 : i32
    %dma_start3A_680 = arith.constant 0 : i32
    %dma_start3A_681 = tpu.memref_slice %arg5[%dma_start3A_679, %dma_start3A_680] : memref<200x128xi32, #tpu.memory_space<vmem>> -> memref<1x128xi32, #tpu.memory_space<vmem>>
    %dma_start3A_682 = tpu.memref_squeeze %dma_start3A_681 : memref<1x128xi32, #tpu.memory_space<vmem>> -> memref<128xi32, #tpu.memory_space<vmem>>
    %dma_start3A_683 = arith.constant 0 : i32
    %dma_start3A_684 = arith.constant 0 : i32
    %dma_start3A_685 = tpu.memref_slice %arg3[%dma_start3A_683, %dma_start3A_684] : memref<114688x64xf32, #tpu.memory_space<hbm>> -> memref<114688x64xf32, #tpu.memory_space<hbm>>
    tpu.enqueue_indirect_dma source(%dma_start3A_685 : memref<114688x64xf32, #tpu.memory_space<hbm>>) target(%arg6 : memref<128x64xf32, #tpu.memory_space<vmem>>) offsets(%dma_start3A_682 : memref<128xi32, #tpu.memory_space<vmem>>) semaphore(%arg7 : memref<!tpu.dma_semaphore, #tpu.memory_space<semaphore_mem>>) {add = true}
    %dma_wait3A_686 = arith.constant 36 : i32
    %dma_wait3A_687 = arith.constant 0 : i32
    %dma_wait3A_688 = tpu.memref_slice %arg5[%dma_wait3A_686, %dma_wait3A_687] : memref<200x128xi32, #tpu.memory_space<vmem>> -> memref<1x128xi32, #tpu.memory_space<vmem>>
    %dma_wait3A_689 = tpu.memref_squeeze %dma_wait3A_688 : memref<1x128xi32, #tpu.memory_space<vmem>> -> memref<128xi32, #tpu.memory_space<vmem>>
    %dma_wait3A_690 = arith.constant 0 : i32
    %dma_wait3A_691 = arith.constant 0 : i32
    %dma_wait3A_692 = tpu.memref_slice %arg3[%dma_wait3A_690, %dma_wait3A_691] : memref<114688x64xf32, #tpu.memory_space<hbm>> -> memref<114688x64xf32, #tpu.memory_space<hbm>>
    tpu.wait_indirect_dma semaphore(%arg7 : memref<!tpu.dma_semaphore, #tpu.memory_space<semaphore_mem>>) src(%dma_wait3A_692 : memref<114688x64xf32, #tpu.memory_space<hbm>>) dst(%arg6 : memref<128x64xf32, #tpu.memory_space<vmem>>)
    %dma_start3A_693 = arith.constant 61 : i32
    %dma_start3A_694 = arith.constant 0 : i32
    %dma_start3A_695 = tpu.memref_slice %arg5[%dma_start3A_693, %dma_start3A_694] : memref<200x128xi32, #tpu.memory_space<vmem>> -> memref<1x128xi32, #tpu.memory_space<vmem>>
    %dma_start3A_696 = tpu.memref_squeeze %dma_start3A_695 : memref<1x128xi32, #tpu.memory_space<vmem>> -> memref<128xi32, #tpu.memory_space<vmem>>
    %dma_start3A_697 = arith.constant 0 : i32
    %dma_start3A_698 = arith.constant 0 : i32
    %dma_start3A_699 = tpu.memref_slice %arg3[%dma_start3A_697, %dma_start3A_698] : memref<114688x64xf32, #tpu.memory_space<hbm>> -> memref<114688x64xf32, #tpu.memory_space<hbm>>
    tpu.enqueue_indirect_dma source(%dma_start3A_699 : memref<114688x64xf32, #tpu.memory_space<hbm>>) target(%arg6 : memref<128x64xf32, #tpu.memory_space<vmem>>) offsets(%dma_start3A_696 : memref<128xi32, #tpu.memory_space<vmem>>) semaphore(%arg7 : memref<!tpu.dma_semaphore, #tpu.memory_space<semaphore_mem>>) {add = true}
    %dma_wait3A_700 = arith.constant 37 : i32
    %dma_wait3A_701 = arith.constant 0 : i32
    %dma_wait3A_702 = tpu.memref_slice %arg5[%dma_wait3A_700, %dma_wait3A_701] : memref<200x128xi32, #tpu.memory_space<vmem>> -> memref<1x128xi32, #tpu.memory_space<vmem>>
    %dma_wait3A_703 = tpu.memref_squeeze %dma_wait3A_702 : memref<1x128xi32, #tpu.memory_space<vmem>> -> memref<128xi32, #tpu.memory_space<vmem>>
    %dma_wait3A_704 = arith.constant 0 : i32
    %dma_wait3A_705 = arith.constant 0 : i32
    %dma_wait3A_706 = tpu.memref_slice %arg3[%dma_wait3A_704, %dma_wait3A_705] : memref<114688x64xf32, #tpu.memory_space<hbm>> -> memref<114688x64xf32, #tpu.memory_space<hbm>>
    tpu.wait_indirect_dma semaphore(%arg7 : memref<!tpu.dma_semaphore, #tpu.memory_space<semaphore_mem>>) src(%dma_wait3A_706 : memref<114688x64xf32, #tpu.memory_space<hbm>>) dst(%arg6 : memref<128x64xf32, #tpu.memory_space<vmem>>)
    %dma_start3A_707 = arith.constant 62 : i32
    %dma_start3A_708 = arith.constant 0 : i32
    %dma_start3A_709 = tpu.memref_slice %arg5[%dma_start3A_707, %dma_start3A_708] : memref<200x128xi32, #tpu.memory_space<vmem>> -> memref<1x128xi32, #tpu.memory_space<vmem>>
    %dma_start3A_710 = tpu.memref_squeeze %dma_start3A_709 : memref<1x128xi32, #tpu.memory_space<vmem>> -> memref<128xi32, #tpu.memory_space<vmem>>
    %dma_start3A_711 = arith.constant 0 : i32
    %dma_start3A_712 = arith.constant 0 : i32
    %dma_start3A_713 = tpu.memref_slice %arg3[%dma_start3A_711, %dma_start3A_712] : memref<114688x64xf32, #tpu.memory_space<hbm>> -> memref<114688x64xf32, #tpu.memory_space<hbm>>
    tpu.enqueue_indirect_dma source(%dma_start3A_713 : memref<114688x64xf32, #tpu.memory_space<hbm>>) target(%arg6 : memref<128x64xf32, #tpu.memory_space<vmem>>) offsets(%dma_start3A_710 : memref<128xi32, #tpu.memory_space<vmem>>) semaphore(%arg7 : memref<!tpu.dma_semaphore, #tpu.memory_space<semaphore_mem>>) {add = true}
    %dma_wait3A_714 = arith.constant 38 : i32
    %dma_wait3A_715 = arith.constant 0 : i32
    %dma_wait3A_716 = tpu.memref_slice %arg5[%dma_wait3A_714, %dma_wait3A_715] : memref<200x128xi32, #tpu.memory_space<vmem>> -> memref<1x128xi32, #tpu.memory_space<vmem>>
    %dma_wait3A_717 = tpu.memref_squeeze %dma_wait3A_716 : memref<1x128xi32, #tpu.memory_space<vmem>> -> memref<128xi32, #tpu.memory_space<vmem>>
    %dma_wait3A_718 = arith.constant 0 : i32
    %dma_wait3A_719 = arith.constant 0 : i32
    %dma_wait3A_720 = tpu.memref_slice %arg3[%dma_wait3A_718, %dma_wait3A_719] : memref<114688x64xf32, #tpu.memory_space<hbm>> -> memref<114688x64xf32, #tpu.memory_space<hbm>>
    tpu.wait_indirect_dma semaphore(%arg7 : memref<!tpu.dma_semaphore, #tpu.memory_space<semaphore_mem>>) src(%dma_wait3A_720 : memref<114688x64xf32, #tpu.memory_space<hbm>>) dst(%arg6 : memref<128x64xf32, #tpu.memory_space<vmem>>)
    %dma_start3A_721 = arith.constant 63 : i32
    %dma_start3A_722 = arith.constant 0 : i32
    %dma_start3A_723 = tpu.memref_slice %arg5[%dma_start3A_721, %dma_start3A_722] : memref<200x128xi32, #tpu.memory_space<vmem>> -> memref<1x128xi32, #tpu.memory_space<vmem>>
    %dma_start3A_724 = tpu.memref_squeeze %dma_start3A_723 : memref<1x128xi32, #tpu.memory_space<vmem>> -> memref<128xi32, #tpu.memory_space<vmem>>
    %dma_start3A_725 = arith.constant 0 : i32
    %dma_start3A_726 = arith.constant 0 : i32
    %dma_start3A_727 = tpu.memref_slice %arg3[%dma_start3A_725, %dma_start3A_726] : memref<114688x64xf32, #tpu.memory_space<hbm>> -> memref<114688x64xf32, #tpu.memory_space<hbm>>
    tpu.enqueue_indirect_dma source(%dma_start3A_727 : memref<114688x64xf32, #tpu.memory_space<hbm>>) target(%arg6 : memref<128x64xf32, #tpu.memory_space<vmem>>) offsets(%dma_start3A_724 : memref<128xi32, #tpu.memory_space<vmem>>) semaphore(%arg7 : memref<!tpu.dma_semaphore, #tpu.memory_space<semaphore_mem>>) {add = true}
    %dma_wait3A_728 = arith.constant 39 : i32
    %dma_wait3A_729 = arith.constant 0 : i32
    %dma_wait3A_730 = tpu.memref_slice %arg5[%dma_wait3A_728, %dma_wait3A_729] : memref<200x128xi32, #tpu.memory_space<vmem>> -> memref<1x128xi32, #tpu.memory_space<vmem>>
    %dma_wait3A_731 = tpu.memref_squeeze %dma_wait3A_730 : memref<1x128xi32, #tpu.memory_space<vmem>> -> memref<128xi32, #tpu.memory_space<vmem>>
    %dma_wait3A_732 = arith.constant 0 : i32
    %dma_wait3A_733 = arith.constant 0 : i32
    %dma_wait3A_734 = tpu.memref_slice %arg3[%dma_wait3A_732, %dma_wait3A_733] : memref<114688x64xf32, #tpu.memory_space<hbm>> -> memref<114688x64xf32, #tpu.memory_space<hbm>>
    tpu.wait_indirect_dma semaphore(%arg7 : memref<!tpu.dma_semaphore, #tpu.memory_space<semaphore_mem>>) src(%dma_wait3A_734 : memref<114688x64xf32, #tpu.memory_space<hbm>>) dst(%arg6 : memref<128x64xf32, #tpu.memory_space<vmem>>)
    %dma_start3A_735 = arith.constant 64 : i32
    %dma_start3A_736 = arith.constant 0 : i32
    %dma_start3A_737 = tpu.memref_slice %arg5[%dma_start3A_735, %dma_start3A_736] : memref<200x128xi32, #tpu.memory_space<vmem>> -> memref<1x128xi32, #tpu.memory_space<vmem>>
    %dma_start3A_738 = tpu.memref_squeeze %dma_start3A_737 : memref<1x128xi32, #tpu.memory_space<vmem>> -> memref<128xi32, #tpu.memory_space<vmem>>
    %dma_start3A_739 = arith.constant 0 : i32
    %dma_start3A_740 = arith.constant 0 : i32
    %dma_start3A_741 = tpu.memref_slice %arg3[%dma_start3A_739, %dma_start3A_740] : memref<114688x64xf32, #tpu.memory_space<hbm>> -> memref<114688x64xf32, #tpu.memory_space<hbm>>
    tpu.enqueue_indirect_dma source(%dma_start3A_741 : memref<114688x64xf32, #tpu.memory_space<hbm>>) target(%arg6 : memref<128x64xf32, #tpu.memory_space<vmem>>) offsets(%dma_start3A_738 : memref<128xi32, #tpu.memory_space<vmem>>) semaphore(%arg7 : memref<!tpu.dma_semaphore, #tpu.memory_space<semaphore_mem>>) {add = true}
    %dma_wait3A_742 = arith.constant 40 : i32
    %dma_wait3A_743 = arith.constant 0 : i32
    %dma_wait3A_744 = tpu.memref_slice %arg5[%dma_wait3A_742, %dma_wait3A_743] : memref<200x128xi32, #tpu.memory_space<vmem>> -> memref<1x128xi32, #tpu.memory_space<vmem>>
    %dma_wait3A_745 = tpu.memref_squeeze %dma_wait3A_744 : memref<1x128xi32, #tpu.memory_space<vmem>> -> memref<128xi32, #tpu.memory_space<vmem>>
    %dma_wait3A_746 = arith.constant 0 : i32
    %dma_wait3A_747 = arith.constant 0 : i32
    %dma_wait3A_748 = tpu.memref_slice %arg3[%dma_wait3A_746, %dma_wait3A_747] : memref<114688x64xf32, #tpu.memory_space<hbm>> -> memref<114688x64xf32, #tpu.memory_space<hbm>>
    tpu.wait_indirect_dma semaphore(%arg7 : memref<!tpu.dma_semaphore, #tpu.memory_space<semaphore_mem>>) src(%dma_wait3A_748 : memref<114688x64xf32, #tpu.memory_space<hbm>>) dst(%arg6 : memref<128x64xf32, #tpu.memory_space<vmem>>)
    %dma_start3A_749 = arith.constant 65 : i32
    %dma_start3A_750 = arith.constant 0 : i32
    %dma_start3A_751 = tpu.memref_slice %arg5[%dma_start3A_749, %dma_start3A_750] : memref<200x128xi32, #tpu.memory_space<vmem>> -> memref<1x128xi32, #tpu.memory_space<vmem>>
    %dma_start3A_752 = tpu.memref_squeeze %dma_start3A_751 : memref<1x128xi32, #tpu.memory_space<vmem>> -> memref<128xi32, #tpu.memory_space<vmem>>
    %dma_start3A_753 = arith.constant 0 : i32
    %dma_start3A_754 = arith.constant 0 : i32
    %dma_start3A_755 = tpu.memref_slice %arg3[%dma_start3A_753, %dma_start3A_754] : memref<114688x64xf32, #tpu.memory_space<hbm>> -> memref<114688x64xf32, #tpu.memory_space<hbm>>
    tpu.enqueue_indirect_dma source(%dma_start3A_755 : memref<114688x64xf32, #tpu.memory_space<hbm>>) target(%arg6 : memref<128x64xf32, #tpu.memory_space<vmem>>) offsets(%dma_start3A_752 : memref<128xi32, #tpu.memory_space<vmem>>) semaphore(%arg7 : memref<!tpu.dma_semaphore, #tpu.memory_space<semaphore_mem>>) {add = true}
    %dma_wait3A_756 = arith.constant 41 : i32
    %dma_wait3A_757 = arith.constant 0 : i32
    %dma_wait3A_758 = tpu.memref_slice %arg5[%dma_wait3A_756, %dma_wait3A_757] : memref<200x128xi32, #tpu.memory_space<vmem>> -> memref<1x128xi32, #tpu.memory_space<vmem>>
    %dma_wait3A_759 = tpu.memref_squeeze %dma_wait3A_758 : memref<1x128xi32, #tpu.memory_space<vmem>> -> memref<128xi32, #tpu.memory_space<vmem>>
    %dma_wait3A_760 = arith.constant 0 : i32
    %dma_wait3A_761 = arith.constant 0 : i32
    %dma_wait3A_762 = tpu.memref_slice %arg3[%dma_wait3A_760, %dma_wait3A_761] : memref<114688x64xf32, #tpu.memory_space<hbm>> -> memref<114688x64xf32, #tpu.memory_space<hbm>>
    tpu.wait_indirect_dma semaphore(%arg7 : memref<!tpu.dma_semaphore, #tpu.memory_space<semaphore_mem>>) src(%dma_wait3A_762 : memref<114688x64xf32, #tpu.memory_space<hbm>>) dst(%arg6 : memref<128x64xf32, #tpu.memory_space<vmem>>)
    %dma_start3A_763 = arith.constant 66 : i32
    %dma_start3A_764 = arith.constant 0 : i32
    %dma_start3A_765 = tpu.memref_slice %arg5[%dma_start3A_763, %dma_start3A_764] : memref<200x128xi32, #tpu.memory_space<vmem>> -> memref<1x128xi32, #tpu.memory_space<vmem>>
    %dma_start3A_766 = tpu.memref_squeeze %dma_start3A_765 : memref<1x128xi32, #tpu.memory_space<vmem>> -> memref<128xi32, #tpu.memory_space<vmem>>
    %dma_start3A_767 = arith.constant 0 : i32
    %dma_start3A_768 = arith.constant 0 : i32
    %dma_start3A_769 = tpu.memref_slice %arg3[%dma_start3A_767, %dma_start3A_768] : memref<114688x64xf32, #tpu.memory_space<hbm>> -> memref<114688x64xf32, #tpu.memory_space<hbm>>
    tpu.enqueue_indirect_dma source(%dma_start3A_769 : memref<114688x64xf32, #tpu.memory_space<hbm>>) target(%arg6 : memref<128x64xf32, #tpu.memory_space<vmem>>) offsets(%dma_start3A_766 : memref<128xi32, #tpu.memory_space<vmem>>) semaphore(%arg7 : memref<!tpu.dma_semaphore, #tpu.memory_space<semaphore_mem>>) {add = true}
    %dma_wait3A_770 = arith.constant 42 : i32
    %dma_wait3A_771 = arith.constant 0 : i32
    %dma_wait3A_772 = tpu.memref_slice %arg5[%dma_wait3A_770, %dma_wait3A_771] : memref<200x128xi32, #tpu.memory_space<vmem>> -> memref<1x128xi32, #tpu.memory_space<vmem>>
    %dma_wait3A_773 = tpu.memref_squeeze %dma_wait3A_772 : memref<1x128xi32, #tpu.memory_space<vmem>> -> memref<128xi32, #tpu.memory_space<vmem>>
    %dma_wait3A_774 = arith.constant 0 : i32
    %dma_wait3A_775 = arith.constant 0 : i32
    %dma_wait3A_776 = tpu.memref_slice %arg3[%dma_wait3A_774, %dma_wait3A_775] : memref<114688x64xf32, #tpu.memory_space<hbm>> -> memref<114688x64xf32, #tpu.memory_space<hbm>>
    tpu.wait_indirect_dma semaphore(%arg7 : memref<!tpu.dma_semaphore, #tpu.memory_space<semaphore_mem>>) src(%dma_wait3A_776 : memref<114688x64xf32, #tpu.memory_space<hbm>>) dst(%arg6 : memref<128x64xf32, #tpu.memory_space<vmem>>)
    %dma_start3A_777 = arith.constant 67 : i32
    %dma_start3A_778 = arith.constant 0 : i32
    %dma_start3A_779 = tpu.memref_slice %arg5[%dma_start3A_777, %dma_start3A_778] : memref<200x128xi32, #tpu.memory_space<vmem>> -> memref<1x128xi32, #tpu.memory_space<vmem>>
    %dma_start3A_780 = tpu.memref_squeeze %dma_start3A_779 : memref<1x128xi32, #tpu.memory_space<vmem>> -> memref<128xi32, #tpu.memory_space<vmem>>
    %dma_start3A_781 = arith.constant 0 : i32
    %dma_start3A_782 = arith.constant 0 : i32
    %dma_start3A_783 = tpu.memref_slice %arg3[%dma_start3A_781, %dma_start3A_782] : memref<114688x64xf32, #tpu.memory_space<hbm>> -> memref<114688x64xf32, #tpu.memory_space<hbm>>
    tpu.enqueue_indirect_dma source(%dma_start3A_783 : memref<114688x64xf32, #tpu.memory_space<hbm>>) target(%arg6 : memref<128x64xf32, #tpu.memory_space<vmem>>) offsets(%dma_start3A_780 : memref<128xi32, #tpu.memory_space<vmem>>) semaphore(%arg7 : memref<!tpu.dma_semaphore, #tpu.memory_space<semaphore_mem>>) {add = true}
    %dma_wait3A_784 = arith.constant 43 : i32
    %dma_wait3A_785 = arith.constant 0 : i32
    %dma_wait3A_786 = tpu.memref_slice %arg5[%dma_wait3A_784, %dma_wait3A_785] : memref<200x128xi32, #tpu.memory_space<vmem>> -> memref<1x128xi32, #tpu.memory_space<vmem>>
    %dma_wait3A_787 = tpu.memref_squeeze %dma_wait3A_786 : memref<1x128xi32, #tpu.memory_space<vmem>> -> memref<128xi32, #tpu.memory_space<vmem>>
    %dma_wait3A_788 = arith.constant 0 : i32
    %dma_wait3A_789 = arith.constant 0 : i32
    %dma_wait3A_790 = tpu.memref_slice %arg3[%dma_wait3A_788, %dma_wait3A_789] : memref<114688x64xf32, #tpu.memory_space<hbm>> -> memref<114688x64xf32, #tpu.memory_space<hbm>>
    tpu.wait_indirect_dma semaphore(%arg7 : memref<!tpu.dma_semaphore, #tpu.memory_space<semaphore_mem>>) src(%dma_wait3A_790 : memref<114688x64xf32, #tpu.memory_space<hbm>>) dst(%arg6 : memref<128x64xf32, #tpu.memory_space<vmem>>)
    %dma_start3A_791 = arith.constant 68 : i32
    %dma_start3A_792 = arith.constant 0 : i32
    %dma_start3A_793 = tpu.memref_slice %arg5[%dma_start3A_791, %dma_start3A_792] : memref<200x128xi32, #tpu.memory_space<vmem>> -> memref<1x128xi32, #tpu.memory_space<vmem>>
    %dma_start3A_794 = tpu.memref_squeeze %dma_start3A_793 : memref<1x128xi32, #tpu.memory_space<vmem>> -> memref<128xi32, #tpu.memory_space<vmem>>
    %dma_start3A_795 = arith.constant 0 : i32
    %dma_start3A_796 = arith.constant 0 : i32
    %dma_start3A_797 = tpu.memref_slice %arg3[%dma_start3A_795, %dma_start3A_796] : memref<114688x64xf32, #tpu.memory_space<hbm>> -> memref<114688x64xf32, #tpu.memory_space<hbm>>
    tpu.enqueue_indirect_dma source(%dma_start3A_797 : memref<114688x64xf32, #tpu.memory_space<hbm>>) target(%arg6 : memref<128x64xf32, #tpu.memory_space<vmem>>) offsets(%dma_start3A_794 : memref<128xi32, #tpu.memory_space<vmem>>) semaphore(%arg7 : memref<!tpu.dma_semaphore, #tpu.memory_space<semaphore_mem>>) {add = true}
    %dma_wait3A_798 = arith.constant 44 : i32
    %dma_wait3A_799 = arith.constant 0 : i32
    %dma_wait3A_800 = tpu.memref_slice %arg5[%dma_wait3A_798, %dma_wait3A_799] : memref<200x128xi32, #tpu.memory_space<vmem>> -> memref<1x128xi32, #tpu.memory_space<vmem>>
    %dma_wait3A_801 = tpu.memref_squeeze %dma_wait3A_800 : memref<1x128xi32, #tpu.memory_space<vmem>> -> memref<128xi32, #tpu.memory_space<vmem>>
    %dma_wait3A_802 = arith.constant 0 : i32
    %dma_wait3A_803 = arith.constant 0 : i32
    %dma_wait3A_804 = tpu.memref_slice %arg3[%dma_wait3A_802, %dma_wait3A_803] : memref<114688x64xf32, #tpu.memory_space<hbm>> -> memref<114688x64xf32, #tpu.memory_space<hbm>>
    tpu.wait_indirect_dma semaphore(%arg7 : memref<!tpu.dma_semaphore, #tpu.memory_space<semaphore_mem>>) src(%dma_wait3A_804 : memref<114688x64xf32, #tpu.memory_space<hbm>>) dst(%arg6 : memref<128x64xf32, #tpu.memory_space<vmem>>)
    %dma_start3A_805 = arith.constant 69 : i32
    %dma_start3A_806 = arith.constant 0 : i32
    %dma_start3A_807 = tpu.memref_slice %arg5[%dma_start3A_805, %dma_start3A_806] : memref<200x128xi32, #tpu.memory_space<vmem>> -> memref<1x128xi32, #tpu.memory_space<vmem>>
    %dma_start3A_808 = tpu.memref_squeeze %dma_start3A_807 : memref<1x128xi32, #tpu.memory_space<vmem>> -> memref<128xi32, #tpu.memory_space<vmem>>
    %dma_start3A_809 = arith.constant 0 : i32
    %dma_start3A_810 = arith.constant 0 : i32
    %dma_start3A_811 = tpu.memref_slice %arg3[%dma_start3A_809, %dma_start3A_810] : memref<114688x64xf32, #tpu.memory_space<hbm>> -> memref<114688x64xf32, #tpu.memory_space<hbm>>
    tpu.enqueue_indirect_dma source(%dma_start3A_811 : memref<114688x64xf32, #tpu.memory_space<hbm>>) target(%arg6 : memref<128x64xf32, #tpu.memory_space<vmem>>) offsets(%dma_start3A_808 : memref<128xi32, #tpu.memory_space<vmem>>) semaphore(%arg7 : memref<!tpu.dma_semaphore, #tpu.memory_space<semaphore_mem>>) {add = true}
    %dma_wait3A_812 = arith.constant 45 : i32
    %dma_wait3A_813 = arith.constant 0 : i32
    %dma_wait3A_814 = tpu.memref_slice %arg5[%dma_wait3A_812, %dma_wait3A_813] : memref<200x128xi32, #tpu.memory_space<vmem>> -> memref<1x128xi32, #tpu.memory_space<vmem>>
    %dma_wait3A_815 = tpu.memref_squeeze %dma_wait3A_814 : memref<1x128xi32, #tpu.memory_space<vmem>> -> memref<128xi32, #tpu.memory_space<vmem>>
    %dma_wait3A_816 = arith.constant 0 : i32
    %dma_wait3A_817 = arith.constant 0 : i32
    %dma_wait3A_818 = tpu.memref_slice %arg3[%dma_wait3A_816, %dma_wait3A_817] : memref<114688x64xf32, #tpu.memory_space<hbm>> -> memref<114688x64xf32, #tpu.memory_space<hbm>>
    tpu.wait_indirect_dma semaphore(%arg7 : memref<!tpu.dma_semaphore, #tpu.memory_space<semaphore_mem>>) src(%dma_wait3A_818 : memref<114688x64xf32, #tpu.memory_space<hbm>>) dst(%arg6 : memref<128x64xf32, #tpu.memory_space<vmem>>)
    %dma_start3A_819 = arith.constant 70 : i32
    %dma_start3A_820 = arith.constant 0 : i32
    %dma_start3A_821 = tpu.memref_slice %arg5[%dma_start3A_819, %dma_start3A_820] : memref<200x128xi32, #tpu.memory_space<vmem>> -> memref<1x128xi32, #tpu.memory_space<vmem>>
    %dma_start3A_822 = tpu.memref_squeeze %dma_start3A_821 : memref<1x128xi32, #tpu.memory_space<vmem>> -> memref<128xi32, #tpu.memory_space<vmem>>
    %dma_start3A_823 = arith.constant 0 : i32
    %dma_start3A_824 = arith.constant 0 : i32
    %dma_start3A_825 = tpu.memref_slice %arg3[%dma_start3A_823, %dma_start3A_824] : memref<114688x64xf32, #tpu.memory_space<hbm>> -> memref<114688x64xf32, #tpu.memory_space<hbm>>
    tpu.enqueue_indirect_dma source(%dma_start3A_825 : memref<114688x64xf32, #tpu.memory_space<hbm>>) target(%arg6 : memref<128x64xf32, #tpu.memory_space<vmem>>) offsets(%dma_start3A_822 : memref<128xi32, #tpu.memory_space<vmem>>) semaphore(%arg7 : memref<!tpu.dma_semaphore, #tpu.memory_space<semaphore_mem>>) {add = true}
    %dma_wait3A_826 = arith.constant 46 : i32
    %dma_wait3A_827 = arith.constant 0 : i32
    %dma_wait3A_828 = tpu.memref_slice %arg5[%dma_wait3A_826, %dma_wait3A_827] : memref<200x128xi32, #tpu.memory_space<vmem>> -> memref<1x128xi32, #tpu.memory_space<vmem>>
    %dma_wait3A_829 = tpu.memref_squeeze %dma_wait3A_828 : memref<1x128xi32, #tpu.memory_space<vmem>> -> memref<128xi32, #tpu.memory_space<vmem>>
    %dma_wait3A_830 = arith.constant 0 : i32
    %dma_wait3A_831 = arith.constant 0 : i32
    %dma_wait3A_832 = tpu.memref_slice %arg3[%dma_wait3A_830, %dma_wait3A_831] : memref<114688x64xf32, #tpu.memory_space<hbm>> -> memref<114688x64xf32, #tpu.memory_space<hbm>>
    tpu.wait_indirect_dma semaphore(%arg7 : memref<!tpu.dma_semaphore, #tpu.memory_space<semaphore_mem>>) src(%dma_wait3A_832 : memref<114688x64xf32, #tpu.memory_space<hbm>>) dst(%arg6 : memref<128x64xf32, #tpu.memory_space<vmem>>)
    %dma_start3A_833 = arith.constant 71 : i32
    %dma_start3A_834 = arith.constant 0 : i32
    %dma_start3A_835 = tpu.memref_slice %arg5[%dma_start3A_833, %dma_start3A_834] : memref<200x128xi32, #tpu.memory_space<vmem>> -> memref<1x128xi32, #tpu.memory_space<vmem>>
    %dma_start3A_836 = tpu.memref_squeeze %dma_start3A_835 : memref<1x128xi32, #tpu.memory_space<vmem>> -> memref<128xi32, #tpu.memory_space<vmem>>
    %dma_start3A_837 = arith.constant 0 : i32
    %dma_start3A_838 = arith.constant 0 : i32
    %dma_start3A_839 = tpu.memref_slice %arg3[%dma_start3A_837, %dma_start3A_838] : memref<114688x64xf32, #tpu.memory_space<hbm>> -> memref<114688x64xf32, #tpu.memory_space<hbm>>
    tpu.enqueue_indirect_dma source(%dma_start3A_839 : memref<114688x64xf32, #tpu.memory_space<hbm>>) target(%arg6 : memref<128x64xf32, #tpu.memory_space<vmem>>) offsets(%dma_start3A_836 : memref<128xi32, #tpu.memory_space<vmem>>) semaphore(%arg7 : memref<!tpu.dma_semaphore, #tpu.memory_space<semaphore_mem>>) {add = true}
    %dma_wait3A_840 = arith.constant 47 : i32
    %dma_wait3A_841 = arith.constant 0 : i32
    %dma_wait3A_842 = tpu.memref_slice %arg5[%dma_wait3A_840, %dma_wait3A_841] : memref<200x128xi32, #tpu.memory_space<vmem>> -> memref<1x128xi32, #tpu.memory_space<vmem>>
    %dma_wait3A_843 = tpu.memref_squeeze %dma_wait3A_842 : memref<1x128xi32, #tpu.memory_space<vmem>> -> memref<128xi32, #tpu.memory_space<vmem>>
    %dma_wait3A_844 = arith.constant 0 : i32
    %dma_wait3A_845 = arith.constant 0 : i32
    %dma_wait3A_846 = tpu.memref_slice %arg3[%dma_wait3A_844, %dma_wait3A_845] : memref<114688x64xf32, #tpu.memory_space<hbm>> -> memref<114688x64xf32, #tpu.memory_space<hbm>>
    tpu.wait_indirect_dma semaphore(%arg7 : memref<!tpu.dma_semaphore, #tpu.memory_space<semaphore_mem>>) src(%dma_wait3A_846 : memref<114688x64xf32, #tpu.memory_space<hbm>>) dst(%arg6 : memref<128x64xf32, #tpu.memory_space<vmem>>)
    %dma_start3A_847 = arith.constant 72 : i32
    %dma_start3A_848 = arith.constant 0 : i32
    %dma_start3A_849 = tpu.memref_slice %arg5[%dma_start3A_847, %dma_start3A_848] : memref<200x128xi32, #tpu.memory_space<vmem>> -> memref<1x128xi32, #tpu.memory_space<vmem>>
    %dma_start3A_850 = tpu.memref_squeeze %dma_start3A_849 : memref<1x128xi32, #tpu.memory_space<vmem>> -> memref<128xi32, #tpu.memory_space<vmem>>
    %dma_start3A_851 = arith.constant 0 : i32
    %dma_start3A_852 = arith.constant 0 : i32
    %dma_start3A_853 = tpu.memref_slice %arg3[%dma_start3A_851, %dma_start3A_852] : memref<114688x64xf32, #tpu.memory_space<hbm>> -> memref<114688x64xf32, #tpu.memory_space<hbm>>
    tpu.enqueue_indirect_dma source(%dma_start3A_853 : memref<114688x64xf32, #tpu.memory_space<hbm>>) target(%arg6 : memref<128x64xf32, #tpu.memory_space<vmem>>) offsets(%dma_start3A_850 : memref<128xi32, #tpu.memory_space<vmem>>) semaphore(%arg7 : memref<!tpu.dma_semaphore, #tpu.memory_space<semaphore_mem>>) {add = true}
    %dma_wait3A_854 = arith.constant 48 : i32
    %dma_wait3A_855 = arith.constant 0 : i32
    %dma_wait3A_856 = tpu.memref_slice %arg5[%dma_wait3A_854, %dma_wait3A_855] : memref<200x128xi32, #tpu.memory_space<vmem>> -> memref<1x128xi32, #tpu.memory_space<vmem>>
    %dma_wait3A_857 = tpu.memref_squeeze %dma_wait3A_856 : memref<1x128xi32, #tpu.memory_space<vmem>> -> memref<128xi32, #tpu.memory_space<vmem>>
    %dma_wait3A_858 = arith.constant 0 : i32
    %dma_wait3A_859 = arith.constant 0 : i32
    %dma_wait3A_860 = tpu.memref_slice %arg3[%dma_wait3A_858, %dma_wait3A_859] : memref<114688x64xf32, #tpu.memory_space<hbm>> -> memref<114688x64xf32, #tpu.memory_space<hbm>>
    tpu.wait_indirect_dma semaphore(%arg7 : memref<!tpu.dma_semaphore, #tpu.memory_space<semaphore_mem>>) src(%dma_wait3A_860 : memref<114688x64xf32, #tpu.memory_space<hbm>>) dst(%arg6 : memref<128x64xf32, #tpu.memory_space<vmem>>)
    %dma_start3A_861 = arith.constant 73 : i32
    %dma_start3A_862 = arith.constant 0 : i32
    %dma_start3A_863 = tpu.memref_slice %arg5[%dma_start3A_861, %dma_start3A_862] : memref<200x128xi32, #tpu.memory_space<vmem>> -> memref<1x128xi32, #tpu.memory_space<vmem>>
    %dma_start3A_864 = tpu.memref_squeeze %dma_start3A_863 : memref<1x128xi32, #tpu.memory_space<vmem>> -> memref<128xi32, #tpu.memory_space<vmem>>
    %dma_start3A_865 = arith.constant 0 : i32
    %dma_start3A_866 = arith.constant 0 : i32
    %dma_start3A_867 = tpu.memref_slice %arg3[%dma_start3A_865, %dma_start3A_866] : memref<114688x64xf32, #tpu.memory_space<hbm>> -> memref<114688x64xf32, #tpu.memory_space<hbm>>
    tpu.enqueue_indirect_dma source(%dma_start3A_867 : memref<114688x64xf32, #tpu.memory_space<hbm>>) target(%arg6 : memref<128x64xf32, #tpu.memory_space<vmem>>) offsets(%dma_start3A_864 : memref<128xi32, #tpu.memory_space<vmem>>) semaphore(%arg7 : memref<!tpu.dma_semaphore, #tpu.memory_space<semaphore_mem>>) {add = true}
    %dma_wait3A_868 = arith.constant 49 : i32
    %dma_wait3A_869 = arith.constant 0 : i32
    %dma_wait3A_870 = tpu.memref_slice %arg5[%dma_wait3A_868, %dma_wait3A_869] : memref<200x128xi32, #tpu.memory_space<vmem>> -> memref<1x128xi32, #tpu.memory_space<vmem>>
    %dma_wait3A_871 = tpu.memref_squeeze %dma_wait3A_870 : memref<1x128xi32, #tpu.memory_space<vmem>> -> memref<128xi32, #tpu.memory_space<vmem>>
    %dma_wait3A_872 = arith.constant 0 : i32
    %dma_wait3A_873 = arith.constant 0 : i32
    %dma_wait3A_874 = tpu.memref_slice %arg3[%dma_wait3A_872, %dma_wait3A_873] : memref<114688x64xf32, #tpu.memory_space<hbm>> -> memref<114688x64xf32, #tpu.memory_space<hbm>>
    tpu.wait_indirect_dma semaphore(%arg7 : memref<!tpu.dma_semaphore, #tpu.memory_space<semaphore_mem>>) src(%dma_wait3A_874 : memref<114688x64xf32, #tpu.memory_space<hbm>>) dst(%arg6 : memref<128x64xf32, #tpu.memory_space<vmem>>)
    %dma_start3A_875 = arith.constant 74 : i32
    %dma_start3A_876 = arith.constant 0 : i32
    %dma_start3A_877 = tpu.memref_slice %arg5[%dma_start3A_875, %dma_start3A_876] : memref<200x128xi32, #tpu.memory_space<vmem>> -> memref<1x128xi32, #tpu.memory_space<vmem>>
    %dma_start3A_878 = tpu.memref_squeeze %dma_start3A_877 : memref<1x128xi32, #tpu.memory_space<vmem>> -> memref<128xi32, #tpu.memory_space<vmem>>
    %dma_start3A_879 = arith.constant 0 : i32
    %dma_start3A_880 = arith.constant 0 : i32
    %dma_start3A_881 = tpu.memref_slice %arg3[%dma_start3A_879, %dma_start3A_880] : memref<114688x64xf32, #tpu.memory_space<hbm>> -> memref<114688x64xf32, #tpu.memory_space<hbm>>
    tpu.enqueue_indirect_dma source(%dma_start3A_881 : memref<114688x64xf32, #tpu.memory_space<hbm>>) target(%arg6 : memref<128x64xf32, #tpu.memory_space<vmem>>) offsets(%dma_start3A_878 : memref<128xi32, #tpu.memory_space<vmem>>) semaphore(%arg7 : memref<!tpu.dma_semaphore, #tpu.memory_space<semaphore_mem>>) {add = true}
    %dma_wait3A_882 = arith.constant 50 : i32
    %dma_wait3A_883 = arith.constant 0 : i32
    %dma_wait3A_884 = tpu.memref_slice %arg5[%dma_wait3A_882, %dma_wait3A_883] : memref<200x128xi32, #tpu.memory_space<vmem>> -> memref<1x128xi32, #tpu.memory_space<vmem>>
    %dma_wait3A_885 = tpu.memref_squeeze %dma_wait3A_884 : memref<1x128xi32, #tpu.memory_space<vmem>> -> memref<128xi32, #tpu.memory_space<vmem>>
    %dma_wait3A_886 = arith.constant 0 : i32
    %dma_wait3A_887 = arith.constant 0 : i32
    %dma_wait3A_888 = tpu.memref_slice %arg3[%dma_wait3A_886, %dma_wait3A_887] : memref<114688x64xf32, #tpu.memory_space<hbm>> -> memref<114688x64xf32, #tpu.memory_space<hbm>>
    tpu.wait_indirect_dma semaphore(%arg7 : memref<!tpu.dma_semaphore, #tpu.memory_space<semaphore_mem>>) src(%dma_wait3A_888 : memref<114688x64xf32, #tpu.memory_space<hbm>>) dst(%arg6 : memref<128x64xf32, #tpu.memory_space<vmem>>)
    %dma_start3A_889 = arith.constant 75 : i32
    %dma_start3A_890 = arith.constant 0 : i32
    %dma_start3A_891 = tpu.memref_slice %arg5[%dma_start3A_889, %dma_start3A_890] : memref<200x128xi32, #tpu.memory_space<vmem>> -> memref<1x128xi32, #tpu.memory_space<vmem>>
    %dma_start3A_892 = tpu.memref_squeeze %dma_start3A_891 : memref<1x128xi32, #tpu.memory_space<vmem>> -> memref<128xi32, #tpu.memory_space<vmem>>
    %dma_start3A_893 = arith.constant 0 : i32
    %dma_start3A_894 = arith.constant 0 : i32
    %dma_start3A_895 = tpu.memref_slice %arg3[%dma_start3A_893, %dma_start3A_894] : memref<114688x64xf32, #tpu.memory_space<hbm>> -> memref<114688x64xf32, #tpu.memory_space<hbm>>
    tpu.enqueue_indirect_dma source(%dma_start3A_895 : memref<114688x64xf32, #tpu.memory_space<hbm>>) target(%arg6 : memref<128x64xf32, #tpu.memory_space<vmem>>) offsets(%dma_start3A_892 : memref<128xi32, #tpu.memory_space<vmem>>) semaphore(%arg7 : memref<!tpu.dma_semaphore, #tpu.memory_space<semaphore_mem>>) {add = true}
    %dma_wait3A_896 = arith.constant 51 : i32
    %dma_wait3A_897 = arith.constant 0 : i32
    %dma_wait3A_898 = tpu.memref_slice %arg5[%dma_wait3A_896, %dma_wait3A_897] : memref<200x128xi32, #tpu.memory_space<vmem>> -> memref<1x128xi32, #tpu.memory_space<vmem>>
    %dma_wait3A_899 = tpu.memref_squeeze %dma_wait3A_898 : memref<1x128xi32, #tpu.memory_space<vmem>> -> memref<128xi32, #tpu.memory_space<vmem>>
    %dma_wait3A_900 = arith.constant 0 : i32
    %dma_wait3A_901 = arith.constant 0 : i32
    %dma_wait3A_902 = tpu.memref_slice %arg3[%dma_wait3A_900, %dma_wait3A_901] : memref<114688x64xf32, #tpu.memory_space<hbm>> -> memref<114688x64xf32, #tpu.memory_space<hbm>>
    tpu.wait_indirect_dma semaphore(%arg7 : memref<!tpu.dma_semaphore, #tpu.memory_space<semaphore_mem>>) src(%dma_wait3A_902 : memref<114688x64xf32, #tpu.memory_space<hbm>>) dst(%arg6 : memref<128x64xf32, #tpu.memory_space<vmem>>)
    %dma_start3A_903 = arith.constant 76 : i32
    %dma_start3A_904 = arith.constant 0 : i32
    %dma_start3A_905 = tpu.memref_slice %arg5[%dma_start3A_903, %dma_start3A_904] : memref<200x128xi32, #tpu.memory_space<vmem>> -> memref<1x128xi32, #tpu.memory_space<vmem>>
    %dma_start3A_906 = tpu.memref_squeeze %dma_start3A_905 : memref<1x128xi32, #tpu.memory_space<vmem>> -> memref<128xi32, #tpu.memory_space<vmem>>
    %dma_start3A_907 = arith.constant 0 : i32
    %dma_start3A_908 = arith.constant 0 : i32
    %dma_start3A_909 = tpu.memref_slice %arg3[%dma_start3A_907, %dma_start3A_908] : memref<114688x64xf32, #tpu.memory_space<hbm>> -> memref<114688x64xf32, #tpu.memory_space<hbm>>
    tpu.enqueue_indirect_dma source(%dma_start3A_909 : memref<114688x64xf32, #tpu.memory_space<hbm>>) target(%arg6 : memref<128x64xf32, #tpu.memory_space<vmem>>) offsets(%dma_start3A_906 : memref<128xi32, #tpu.memory_space<vmem>>) semaphore(%arg7 : memref<!tpu.dma_semaphore, #tpu.memory_space<semaphore_mem>>) {add = true}
    %dma_wait3A_910 = arith.constant 52 : i32
    %dma_wait3A_911 = arith.constant 0 : i32
    %dma_wait3A_912 = tpu.memref_slice %arg5[%dma_wait3A_910, %dma_wait3A_911] : memref<200x128xi32, #tpu.memory_space<vmem>> -> memref<1x128xi32, #tpu.memory_space<vmem>>
    %dma_wait3A_913 = tpu.memref_squeeze %dma_wait3A_912 : memref<1x128xi32, #tpu.memory_space<vmem>> -> memref<128xi32, #tpu.memory_space<vmem>>
    %dma_wait3A_914 = arith.constant 0 : i32
    %dma_wait3A_915 = arith.constant 0 : i32
    %dma_wait3A_916 = tpu.memref_slice %arg3[%dma_wait3A_914, %dma_wait3A_915] : memref<114688x64xf32, #tpu.memory_space<hbm>> -> memref<114688x64xf32, #tpu.memory_space<hbm>>
    tpu.wait_indirect_dma semaphore(%arg7 : memref<!tpu.dma_semaphore, #tpu.memory_space<semaphore_mem>>) src(%dma_wait3A_916 : memref<114688x64xf32, #tpu.memory_space<hbm>>) dst(%arg6 : memref<128x64xf32, #tpu.memory_space<vmem>>)
    %dma_start3A_917 = arith.constant 77 : i32
    %dma_start3A_918 = arith.constant 0 : i32
    %dma_start3A_919 = tpu.memref_slice %arg5[%dma_start3A_917, %dma_start3A_918] : memref<200x128xi32, #tpu.memory_space<vmem>> -> memref<1x128xi32, #tpu.memory_space<vmem>>
    %dma_start3A_920 = tpu.memref_squeeze %dma_start3A_919 : memref<1x128xi32, #tpu.memory_space<vmem>> -> memref<128xi32, #tpu.memory_space<vmem>>
    %dma_start3A_921 = arith.constant 0 : i32
    %dma_start3A_922 = arith.constant 0 : i32
    %dma_start3A_923 = tpu.memref_slice %arg3[%dma_start3A_921, %dma_start3A_922] : memref<114688x64xf32, #tpu.memory_space<hbm>> -> memref<114688x64xf32, #tpu.memory_space<hbm>>
    tpu.enqueue_indirect_dma source(%dma_start3A_923 : memref<114688x64xf32, #tpu.memory_space<hbm>>) target(%arg6 : memref<128x64xf32, #tpu.memory_space<vmem>>) offsets(%dma_start3A_920 : memref<128xi32, #tpu.memory_space<vmem>>) semaphore(%arg7 : memref<!tpu.dma_semaphore, #tpu.memory_space<semaphore_mem>>) {add = true}
    %dma_wait3A_924 = arith.constant 53 : i32
    %dma_wait3A_925 = arith.constant 0 : i32
    %dma_wait3A_926 = tpu.memref_slice %arg5[%dma_wait3A_924, %dma_wait3A_925] : memref<200x128xi32, #tpu.memory_space<vmem>> -> memref<1x128xi32, #tpu.memory_space<vmem>>
    %dma_wait3A_927 = tpu.memref_squeeze %dma_wait3A_926 : memref<1x128xi32, #tpu.memory_space<vmem>> -> memref<128xi32, #tpu.memory_space<vmem>>
    %dma_wait3A_928 = arith.constant 0 : i32
    %dma_wait3A_929 = arith.constant 0 : i32
    %dma_wait3A_930 = tpu.memref_slice %arg3[%dma_wait3A_928, %dma_wait3A_929] : memref<114688x64xf32, #tpu.memory_space<hbm>> -> memref<114688x64xf32, #tpu.memory_space<hbm>>
    tpu.wait_indirect_dma semaphore(%arg7 : memref<!tpu.dma_semaphore, #tpu.memory_space<semaphore_mem>>) src(%dma_wait3A_930 : memref<114688x64xf32, #tpu.memory_space<hbm>>) dst(%arg6 : memref<128x64xf32, #tpu.memory_space<vmem>>)
    %dma_start3A_931 = arith.constant 78 : i32
    %dma_start3A_932 = arith.constant 0 : i32
    %dma_start3A_933 = tpu.memref_slice %arg5[%dma_start3A_931, %dma_start3A_932] : memref<200x128xi32, #tpu.memory_space<vmem>> -> memref<1x128xi32, #tpu.memory_space<vmem>>
    %dma_start3A_934 = tpu.memref_squeeze %dma_start3A_933 : memref<1x128xi32, #tpu.memory_space<vmem>> -> memref<128xi32, #tpu.memory_space<vmem>>
    %dma_start3A_935 = arith.constant 0 : i32
    %dma_start3A_936 = arith.constant 0 : i32
    %dma_start3A_937 = tpu.memref_slice %arg3[%dma_start3A_935, %dma_start3A_936] : memref<114688x64xf32, #tpu.memory_space<hbm>> -> memref<114688x64xf32, #tpu.memory_space<hbm>>
    tpu.enqueue_indirect_dma source(%dma_start3A_937 : memref<114688x64xf32, #tpu.memory_space<hbm>>) target(%arg6 : memref<128x64xf32, #tpu.memory_space<vmem>>) offsets(%dma_start3A_934 : memref<128xi32, #tpu.memory_space<vmem>>) semaphore(%arg7 : memref<!tpu.dma_semaphore, #tpu.memory_space<semaphore_mem>>) {add = true}
    %dma_wait3A_938 = arith.constant 54 : i32
    %dma_wait3A_939 = arith.constant 0 : i32
    %dma_wait3A_940 = tpu.memref_slice %arg5[%dma_wait3A_938, %dma_wait3A_939] : memref<200x128xi32, #tpu.memory_space<vmem>> -> memref<1x128xi32, #tpu.memory_space<vmem>>
    %dma_wait3A_941 = tpu.memref_squeeze %dma_wait3A_940 : memref<1x128xi32, #tpu.memory_space<vmem>> -> memref<128xi32, #tpu.memory_space<vmem>>
    %dma_wait3A_942 = arith.constant 0 : i32
    %dma_wait3A_943 = arith.constant 0 : i32
    %dma_wait3A_944 = tpu.memref_slice %arg3[%dma_wait3A_942, %dma_wait3A_943] : memref<114688x64xf32, #tpu.memory_space<hbm>> -> memref<114688x64xf32, #tpu.memory_space<hbm>>
    tpu.wait_indirect_dma semaphore(%arg7 : memref<!tpu.dma_semaphore, #tpu.memory_space<semaphore_mem>>) src(%dma_wait3A_944 : memref<114688x64xf32, #tpu.memory_space<hbm>>) dst(%arg6 : memref<128x64xf32, #tpu.memory_space<vmem>>)
    %dma_start3A_945 = arith.constant 79 : i32
    %dma_start3A_946 = arith.constant 0 : i32
    %dma_start3A_947 = tpu.memref_slice %arg5[%dma_start3A_945, %dma_start3A_946] : memref<200x128xi32, #tpu.memory_space<vmem>> -> memref<1x128xi32, #tpu.memory_space<vmem>>
    %dma_start3A_948 = tpu.memref_squeeze %dma_start3A_947 : memref<1x128xi32, #tpu.memory_space<vmem>> -> memref<128xi32, #tpu.memory_space<vmem>>
    %dma_start3A_949 = arith.constant 0 : i32
    %dma_start3A_950 = arith.constant 0 : i32
    %dma_start3A_951 = tpu.memref_slice %arg3[%dma_start3A_949, %dma_start3A_950] : memref<114688x64xf32, #tpu.memory_space<hbm>> -> memref<114688x64xf32, #tpu.memory_space<hbm>>
    tpu.enqueue_indirect_dma source(%dma_start3A_951 : memref<114688x64xf32, #tpu.memory_space<hbm>>) target(%arg6 : memref<128x64xf32, #tpu.memory_space<vmem>>) offsets(%dma_start3A_948 : memref<128xi32, #tpu.memory_space<vmem>>) semaphore(%arg7 : memref<!tpu.dma_semaphore, #tpu.memory_space<semaphore_mem>>) {add = true}
    %dma_wait3A_952 = arith.constant 55 : i32
    %dma_wait3A_953 = arith.constant 0 : i32
    %dma_wait3A_954 = tpu.memref_slice %arg5[%dma_wait3A_952, %dma_wait3A_953] : memref<200x128xi32, #tpu.memory_space<vmem>> -> memref<1x128xi32, #tpu.memory_space<vmem>>
    %dma_wait3A_955 = tpu.memref_squeeze %dma_wait3A_954 : memref<1x128xi32, #tpu.memory_space<vmem>> -> memref<128xi32, #tpu.memory_space<vmem>>
    %dma_wait3A_956 = arith.constant 0 : i32
    %dma_wait3A_957 = arith.constant 0 : i32
    %dma_wait3A_958 = tpu.memref_slice %arg3[%dma_wait3A_956, %dma_wait3A_957] : memref<114688x64xf32, #tpu.memory_space<hbm>> -> memref<114688x64xf32, #tpu.memory_space<hbm>>
    tpu.wait_indirect_dma semaphore(%arg7 : memref<!tpu.dma_semaphore, #tpu.memory_space<semaphore_mem>>) src(%dma_wait3A_958 : memref<114688x64xf32, #tpu.memory_space<hbm>>) dst(%arg6 : memref<128x64xf32, #tpu.memory_space<vmem>>)
    %dma_start3A_959 = arith.constant 80 : i32
    %dma_start3A_960 = arith.constant 0 : i32
    %dma_start3A_961 = tpu.memref_slice %arg5[%dma_start3A_959, %dma_start3A_960] : memref<200x128xi32, #tpu.memory_space<vmem>> -> memref<1x128xi32, #tpu.memory_space<vmem>>
    %dma_start3A_962 = tpu.memref_squeeze %dma_start3A_961 : memref<1x128xi32, #tpu.memory_space<vmem>> -> memref<128xi32, #tpu.memory_space<vmem>>
    %dma_start3A_963 = arith.constant 0 : i32
    %dma_start3A_964 = arith.constant 0 : i32
    %dma_start3A_965 = tpu.memref_slice %arg3[%dma_start3A_963, %dma_start3A_964] : memref<114688x64xf32, #tpu.memory_space<hbm>> -> memref<114688x64xf32, #tpu.memory_space<hbm>>
    tpu.enqueue_indirect_dma source(%dma_start3A_965 : memref<114688x64xf32, #tpu.memory_space<hbm>>) target(%arg6 : memref<128x64xf32, #tpu.memory_space<vmem>>) offsets(%dma_start3A_962 : memref<128xi32, #tpu.memory_space<vmem>>) semaphore(%arg7 : memref<!tpu.dma_semaphore, #tpu.memory_space<semaphore_mem>>) {add = true}
    %dma_wait3A_966 = arith.constant 56 : i32
    %dma_wait3A_967 = arith.constant 0 : i32
    %dma_wait3A_968 = tpu.memref_slice %arg5[%dma_wait3A_966, %dma_wait3A_967] : memref<200x128xi32, #tpu.memory_space<vmem>> -> memref<1x128xi32, #tpu.memory_space<vmem>>
    %dma_wait3A_969 = tpu.memref_squeeze %dma_wait3A_968 : memref<1x128xi32, #tpu.memory_space<vmem>> -> memref<128xi32, #tpu.memory_space<vmem>>
    %dma_wait3A_970 = arith.constant 0 : i32
    %dma_wait3A_971 = arith.constant 0 : i32
    %dma_wait3A_972 = tpu.memref_slice %arg3[%dma_wait3A_970, %dma_wait3A_971] : memref<114688x64xf32, #tpu.memory_space<hbm>> -> memref<114688x64xf32, #tpu.memory_space<hbm>>
    tpu.wait_indirect_dma semaphore(%arg7 : memref<!tpu.dma_semaphore, #tpu.memory_space<semaphore_mem>>) src(%dma_wait3A_972 : memref<114688x64xf32, #tpu.memory_space<hbm>>) dst(%arg6 : memref<128x64xf32, #tpu.memory_space<vmem>>)
    %dma_start3A_973 = arith.constant 81 : i32
    %dma_start3A_974 = arith.constant 0 : i32
    %dma_start3A_975 = tpu.memref_slice %arg5[%dma_start3A_973, %dma_start3A_974] : memref<200x128xi32, #tpu.memory_space<vmem>> -> memref<1x128xi32, #tpu.memory_space<vmem>>
    %dma_start3A_976 = tpu.memref_squeeze %dma_start3A_975 : memref<1x128xi32, #tpu.memory_space<vmem>> -> memref<128xi32, #tpu.memory_space<vmem>>
    %dma_start3A_977 = arith.constant 0 : i32
    %dma_start3A_978 = arith.constant 0 : i32
    %dma_start3A_979 = tpu.memref_slice %arg3[%dma_start3A_977, %dma_start3A_978] : memref<114688x64xf32, #tpu.memory_space<hbm>> -> memref<114688x64xf32, #tpu.memory_space<hbm>>
    tpu.enqueue_indirect_dma source(%dma_start3A_979 : memref<114688x64xf32, #tpu.memory_space<hbm>>) target(%arg6 : memref<128x64xf32, #tpu.memory_space<vmem>>) offsets(%dma_start3A_976 : memref<128xi32, #tpu.memory_space<vmem>>) semaphore(%arg7 : memref<!tpu.dma_semaphore, #tpu.memory_space<semaphore_mem>>) {add = true}
    %dma_wait3A_980 = arith.constant 57 : i32
    %dma_wait3A_981 = arith.constant 0 : i32
    %dma_wait3A_982 = tpu.memref_slice %arg5[%dma_wait3A_980, %dma_wait3A_981] : memref<200x128xi32, #tpu.memory_space<vmem>> -> memref<1x128xi32, #tpu.memory_space<vmem>>
    %dma_wait3A_983 = tpu.memref_squeeze %dma_wait3A_982 : memref<1x128xi32, #tpu.memory_space<vmem>> -> memref<128xi32, #tpu.memory_space<vmem>>
    %dma_wait3A_984 = arith.constant 0 : i32
    %dma_wait3A_985 = arith.constant 0 : i32
    %dma_wait3A_986 = tpu.memref_slice %arg3[%dma_wait3A_984, %dma_wait3A_985] : memref<114688x64xf32, #tpu.memory_space<hbm>> -> memref<114688x64xf32, #tpu.memory_space<hbm>>
    tpu.wait_indirect_dma semaphore(%arg7 : memref<!tpu.dma_semaphore, #tpu.memory_space<semaphore_mem>>) src(%dma_wait3A_986 : memref<114688x64xf32, #tpu.memory_space<hbm>>) dst(%arg6 : memref<128x64xf32, #tpu.memory_space<vmem>>)
    %dma_start3A_987 = arith.constant 82 : i32
    %dma_start3A_988 = arith.constant 0 : i32
    %dma_start3A_989 = tpu.memref_slice %arg5[%dma_start3A_987, %dma_start3A_988] : memref<200x128xi32, #tpu.memory_space<vmem>> -> memref<1x128xi32, #tpu.memory_space<vmem>>
    %dma_start3A_990 = tpu.memref_squeeze %dma_start3A_989 : memref<1x128xi32, #tpu.memory_space<vmem>> -> memref<128xi32, #tpu.memory_space<vmem>>
    %dma_start3A_991 = arith.constant 0 : i32
    %dma_start3A_992 = arith.constant 0 : i32
    %dma_start3A_993 = tpu.memref_slice %arg3[%dma_start3A_991, %dma_start3A_992] : memref<114688x64xf32, #tpu.memory_space<hbm>> -> memref<114688x64xf32, #tpu.memory_space<hbm>>
    tpu.enqueue_indirect_dma source(%dma_start3A_993 : memref<114688x64xf32, #tpu.memory_space<hbm>>) target(%arg6 : memref<128x64xf32, #tpu.memory_space<vmem>>) offsets(%dma_start3A_990 : memref<128xi32, #tpu.memory_space<vmem>>) semaphore(%arg7 : memref<!tpu.dma_semaphore, #tpu.memory_space<semaphore_mem>>) {add = true}
    %dma_wait3A_994 = arith.constant 58 : i32
    %dma_wait3A_995 = arith.constant 0 : i32
    %dma_wait3A_996 = tpu.memref_slice %arg5[%dma_wait3A_994, %dma_wait3A_995] : memref<200x128xi32, #tpu.memory_space<vmem>> -> memref<1x128xi32, #tpu.memory_space<vmem>>
    %dma_wait3A_997 = tpu.memref_squeeze %dma_wait3A_996 : memref<1x128xi32, #tpu.memory_space<vmem>> -> memref<128xi32, #tpu.memory_space<vmem>>
    %dma_wait3A_998 = arith.constant 0 : i32
    %dma_wait3A_999 = arith.constant 0 : i32
    %dma_wait3A_1000 = tpu.memref_slice %arg3[%dma_wait3A_998, %dma_wait3A_999] : memref<114688x64xf32, #tpu.memory_space<hbm>> -> memref<114688x64xf32, #tpu.memory_space<hbm>>
    tpu.wait_indirect_dma semaphore(%arg7 : memref<!tpu.dma_semaphore, #tpu.memory_space<semaphore_mem>>) src(%dma_wait3A_1000 : memref<114688x64xf32, #tpu.memory_space<hbm>>) dst(%arg6 : memref<128x64xf32, #tpu.memory_space<vmem>>)
    %dma_start3A_1001 = arith.constant 83 : i32
    %dma_start3A_1002 = arith.constant 0 : i32
    %dma_start3A_1003 = tpu.memref_slice %arg5[%dma_start3A_1001, %dma_start3A_1002] : memref<200x128xi32, #tpu.memory_space<vmem>> -> memref<1x128xi32, #tpu.memory_space<vmem>>
    %dma_start3A_1004 = tpu.memref_squeeze %dma_start3A_1003 : memref<1x128xi32, #tpu.memory_space<vmem>> -> memref<128xi32, #tpu.memory_space<vmem>>
    %dma_start3A_1005 = arith.constant 0 : i32
    %dma_start3A_1006 = arith.constant 0 : i32
    %dma_start3A_1007 = tpu.memref_slice %arg3[%dma_start3A_1005, %dma_start3A_1006] : memref<114688x64xf32, #tpu.memory_space<hbm>> -> memref<114688x64xf32, #tpu.memory_space<hbm>>
    tpu.enqueue_indirect_dma source(%dma_start3A_1007 : memref<114688x64xf32, #tpu.memory_space<hbm>>) target(%arg6 : memref<128x64xf32, #tpu.memory_space<vmem>>) offsets(%dma_start3A_1004 : memref<128xi32, #tpu.memory_space<vmem>>) semaphore(%arg7 : memref<!tpu.dma_semaphore, #tpu.memory_space<semaphore_mem>>) {add = true}
    %dma_wait3A_1008 = arith.constant 59 : i32
    %dma_wait3A_1009 = arith.constant 0 : i32
    %dma_wait3A_1010 = tpu.memref_slice %arg5[%dma_wait3A_1008, %dma_wait3A_1009] : memref<200x128xi32, #tpu.memory_space<vmem>> -> memref<1x128xi32, #tpu.memory_space<vmem>>
    %dma_wait3A_1011 = tpu.memref_squeeze %dma_wait3A_1010 : memref<1x128xi32, #tpu.memory_space<vmem>> -> memref<128xi32, #tpu.memory_space<vmem>>
    %dma_wait3A_1012 = arith.constant 0 : i32
    %dma_wait3A_1013 = arith.constant 0 : i32
    %dma_wait3A_1014 = tpu.memref_slice %arg3[%dma_wait3A_1012, %dma_wait3A_1013] : memref<114688x64xf32, #tpu.memory_space<hbm>> -> memref<114688x64xf32, #tpu.memory_space<hbm>>
    tpu.wait_indirect_dma semaphore(%arg7 : memref<!tpu.dma_semaphore, #tpu.memory_space<semaphore_mem>>) src(%dma_wait3A_1014 : memref<114688x64xf32, #tpu.memory_space<hbm>>) dst(%arg6 : memref<128x64xf32, #tpu.memory_space<vmem>>)
    %dma_start3A_1015 = arith.constant 84 : i32
    %dma_start3A_1016 = arith.constant 0 : i32
    %dma_start3A_1017 = tpu.memref_slice %arg5[%dma_start3A_1015, %dma_start3A_1016] : memref<200x128xi32, #tpu.memory_space<vmem>> -> memref<1x128xi32, #tpu.memory_space<vmem>>
    %dma_start3A_1018 = tpu.memref_squeeze %dma_start3A_1017 : memref<1x128xi32, #tpu.memory_space<vmem>> -> memref<128xi32, #tpu.memory_space<vmem>>
    %dma_start3A_1019 = arith.constant 0 : i32
    %dma_start3A_1020 = arith.constant 0 : i32
    %dma_start3A_1021 = tpu.memref_slice %arg3[%dma_start3A_1019, %dma_start3A_1020] : memref<114688x64xf32, #tpu.memory_space<hbm>> -> memref<114688x64xf32, #tpu.memory_space<hbm>>
    tpu.enqueue_indirect_dma source(%dma_start3A_1021 : memref<114688x64xf32, #tpu.memory_space<hbm>>) target(%arg6 : memref<128x64xf32, #tpu.memory_space<vmem>>) offsets(%dma_start3A_1018 : memref<128xi32, #tpu.memory_space<vmem>>) semaphore(%arg7 : memref<!tpu.dma_semaphore, #tpu.memory_space<semaphore_mem>>) {add = true}
    %dma_wait3A_1022 = arith.constant 60 : i32
    %dma_wait3A_1023 = arith.constant 0 : i32
    %dma_wait3A_1024 = tpu.memref_slice %arg5[%dma_wait3A_1022, %dma_wait3A_1023] : memref<200x128xi32, #tpu.memory_space<vmem>> -> memref<1x128xi32, #tpu.memory_space<vmem>>
    %dma_wait3A_1025 = tpu.memref_squeeze %dma_wait3A_1024 : memref<1x128xi32, #tpu.memory_space<vmem>> -> memref<128xi32, #tpu.memory_space<vmem>>
    %dma_wait3A_1026 = arith.constant 0 : i32
    %dma_wait3A_1027 = arith.constant 0 : i32
    %dma_wait3A_1028 = tpu.memref_slice %arg3[%dma_wait3A_1026, %dma_wait3A_1027] : memref<114688x64xf32, #tpu.memory_space<hbm>> -> memref<114688x64xf32, #tpu.memory_space<hbm>>
    tpu.wait_indirect_dma semaphore(%arg7 : memref<!tpu.dma_semaphore, #tpu.memory_space<semaphore_mem>>) src(%dma_wait3A_1028 : memref<114688x64xf32, #tpu.memory_space<hbm>>) dst(%arg6 : memref<128x64xf32, #tpu.memory_space<vmem>>)
    %dma_start3A_1029 = arith.constant 85 : i32
    %dma_start3A_1030 = arith.constant 0 : i32
    %dma_start3A_1031 = tpu.memref_slice %arg5[%dma_start3A_1029, %dma_start3A_1030] : memref<200x128xi32, #tpu.memory_space<vmem>> -> memref<1x128xi32, #tpu.memory_space<vmem>>
    %dma_start3A_1032 = tpu.memref_squeeze %dma_start3A_1031 : memref<1x128xi32, #tpu.memory_space<vmem>> -> memref<128xi32, #tpu.memory_space<vmem>>
    %dma_start3A_1033 = arith.constant 0 : i32
    %dma_start3A_1034 = arith.constant 0 : i32
    %dma_start3A_1035 = tpu.memref_slice %arg3[%dma_start3A_1033, %dma_start3A_1034] : memref<114688x64xf32, #tpu.memory_space<hbm>> -> memref<114688x64xf32, #tpu.memory_space<hbm>>
    tpu.enqueue_indirect_dma source(%dma_start3A_1035 : memref<114688x64xf32, #tpu.memory_space<hbm>>) target(%arg6 : memref<128x64xf32, #tpu.memory_space<vmem>>) offsets(%dma_start3A_1032 : memref<128xi32, #tpu.memory_space<vmem>>) semaphore(%arg7 : memref<!tpu.dma_semaphore, #tpu.memory_space<semaphore_mem>>) {add = true}
    %dma_wait3A_1036 = arith.constant 61 : i32
    %dma_wait3A_1037 = arith.constant 0 : i32
    %dma_wait3A_1038 = tpu.memref_slice %arg5[%dma_wait3A_1036, %dma_wait3A_1037] : memref<200x128xi32, #tpu.memory_space<vmem>> -> memref<1x128xi32, #tpu.memory_space<vmem>>
    %dma_wait3A_1039 = tpu.memref_squeeze %dma_wait3A_1038 : memref<1x128xi32, #tpu.memory_space<vmem>> -> memref<128xi32, #tpu.memory_space<vmem>>
    %dma_wait3A_1040 = arith.constant 0 : i32
    %dma_wait3A_1041 = arith.constant 0 : i32
    %dma_wait3A_1042 = tpu.memref_slice %arg3[%dma_wait3A_1040, %dma_wait3A_1041] : memref<114688x64xf32, #tpu.memory_space<hbm>> -> memref<114688x64xf32, #tpu.memory_space<hbm>>
    tpu.wait_indirect_dma semaphore(%arg7 : memref<!tpu.dma_semaphore, #tpu.memory_space<semaphore_mem>>) src(%dma_wait3A_1042 : memref<114688x64xf32, #tpu.memory_space<hbm>>) dst(%arg6 : memref<128x64xf32, #tpu.memory_space<vmem>>)
    %dma_start3A_1043 = arith.constant 86 : i32
    %dma_start3A_1044 = arith.constant 0 : i32
    %dma_start3A_1045 = tpu.memref_slice %arg5[%dma_start3A_1043, %dma_start3A_1044] : memref<200x128xi32, #tpu.memory_space<vmem>> -> memref<1x128xi32, #tpu.memory_space<vmem>>
    %dma_start3A_1046 = tpu.memref_squeeze %dma_start3A_1045 : memref<1x128xi32, #tpu.memory_space<vmem>> -> memref<128xi32, #tpu.memory_space<vmem>>
    %dma_start3A_1047 = arith.constant 0 : i32
    %dma_start3A_1048 = arith.constant 0 : i32
    %dma_start3A_1049 = tpu.memref_slice %arg3[%dma_start3A_1047, %dma_start3A_1048] : memref<114688x64xf32, #tpu.memory_space<hbm>> -> memref<114688x64xf32, #tpu.memory_space<hbm>>
    tpu.enqueue_indirect_dma source(%dma_start3A_1049 : memref<114688x64xf32, #tpu.memory_space<hbm>>) target(%arg6 : memref<128x64xf32, #tpu.memory_space<vmem>>) offsets(%dma_start3A_1046 : memref<128xi32, #tpu.memory_space<vmem>>) semaphore(%arg7 : memref<!tpu.dma_semaphore, #tpu.memory_space<semaphore_mem>>) {add = true}
    %dma_wait3A_1050 = arith.constant 62 : i32
    %dma_wait3A_1051 = arith.constant 0 : i32
    %dma_wait3A_1052 = tpu.memref_slice %arg5[%dma_wait3A_1050, %dma_wait3A_1051] : memref<200x128xi32, #tpu.memory_space<vmem>> -> memref<1x128xi32, #tpu.memory_space<vmem>>
    %dma_wait3A_1053 = tpu.memref_squeeze %dma_wait3A_1052 : memref<1x128xi32, #tpu.memory_space<vmem>> -> memref<128xi32, #tpu.memory_space<vmem>>
    %dma_wait3A_1054 = arith.constant 0 : i32
    %dma_wait3A_1055 = arith.constant 0 : i32
    %dma_wait3A_1056 = tpu.memref_slice %arg3[%dma_wait3A_1054, %dma_wait3A_1055] : memref<114688x64xf32, #tpu.memory_space<hbm>> -> memref<114688x64xf32, #tpu.memory_space<hbm>>
    tpu.wait_indirect_dma semaphore(%arg7 : memref<!tpu.dma_semaphore, #tpu.memory_space<semaphore_mem>>) src(%dma_wait3A_1056 : memref<114688x64xf32, #tpu.memory_space<hbm>>) dst(%arg6 : memref<128x64xf32, #tpu.memory_space<vmem>>)
    %dma_start3A_1057 = arith.constant 87 : i32
    %dma_start3A_1058 = arith.constant 0 : i32
    %dma_start3A_1059 = tpu.memref_slice %arg5[%dma_start3A_1057, %dma_start3A_1058] : memref<200x128xi32, #tpu.memory_space<vmem>> -> memref<1x128xi32, #tpu.memory_space<vmem>>
    %dma_start3A_1060 = tpu.memref_squeeze %dma_start3A_1059 : memref<1x128xi32, #tpu.memory_space<vmem>> -> memref<128xi32, #tpu.memory_space<vmem>>
    %dma_start3A_1061 = arith.constant 0 : i32
    %dma_start3A_1062 = arith.constant 0 : i32
    %dma_start3A_1063 = tpu.memref_slice %arg3[%dma_start3A_1061, %dma_start3A_1062] : memref<114688x64xf32, #tpu.memory_space<hbm>> -> memref<114688x64xf32, #tpu.memory_space<hbm>>
    tpu.enqueue_indirect_dma source(%dma_start3A_1063 : memref<114688x64xf32, #tpu.memory_space<hbm>>) target(%arg6 : memref<128x64xf32, #tpu.memory_space<vmem>>) offsets(%dma_start3A_1060 : memref<128xi32, #tpu.memory_space<vmem>>) semaphore(%arg7 : memref<!tpu.dma_semaphore, #tpu.memory_space<semaphore_mem>>) {add = true}
    %dma_wait3A_1064 = arith.constant 63 : i32
    %dma_wait3A_1065 = arith.constant 0 : i32
    %dma_wait3A_1066 = tpu.memref_slice %arg5[%dma_wait3A_1064, %dma_wait3A_1065] : memref<200x128xi32, #tpu.memory_space<vmem>> -> memref<1x128xi32, #tpu.memory_space<vmem>>
    %dma_wait3A_1067 = tpu.memref_squeeze %dma_wait3A_1066 : memref<1x128xi32, #tpu.memory_space<vmem>> -> memref<128xi32, #tpu.memory_space<vmem>>
    %dma_wait3A_1068 = arith.constant 0 : i32
    %dma_wait3A_1069 = arith.constant 0 : i32
    %dma_wait3A_1070 = tpu.memref_slice %arg3[%dma_wait3A_1068, %dma_wait3A_1069] : memref<114688x64xf32, #tpu.memory_space<hbm>> -> memref<114688x64xf32, #tpu.memory_space<hbm>>
    tpu.wait_indirect_dma semaphore(%arg7 : memref<!tpu.dma_semaphore, #tpu.memory_space<semaphore_mem>>) src(%dma_wait3A_1070 : memref<114688x64xf32, #tpu.memory_space<hbm>>) dst(%arg6 : memref<128x64xf32, #tpu.memory_space<vmem>>)
    %dma_start3A_1071 = arith.constant 88 : i32
    %dma_start3A_1072 = arith.constant 0 : i32
    %dma_start3A_1073 = tpu.memref_slice %arg5[%dma_start3A_1071, %dma_start3A_1072] : memref<200x128xi32, #tpu.memory_space<vmem>> -> memref<1x128xi32, #tpu.memory_space<vmem>>
    %dma_start3A_1074 = tpu.memref_squeeze %dma_start3A_1073 : memref<1x128xi32, #tpu.memory_space<vmem>> -> memref<128xi32, #tpu.memory_space<vmem>>
    %dma_start3A_1075 = arith.constant 0 : i32
    %dma_start3A_1076 = arith.constant 0 : i32
    %dma_start3A_1077 = tpu.memref_slice %arg3[%dma_start3A_1075, %dma_start3A_1076] : memref<114688x64xf32, #tpu.memory_space<hbm>> -> memref<114688x64xf32, #tpu.memory_space<hbm>>
    tpu.enqueue_indirect_dma source(%dma_start3A_1077 : memref<114688x64xf32, #tpu.memory_space<hbm>>) target(%arg6 : memref<128x64xf32, #tpu.memory_space<vmem>>) offsets(%dma_start3A_1074 : memref<128xi32, #tpu.memory_space<vmem>>) semaphore(%arg7 : memref<!tpu.dma_semaphore, #tpu.memory_space<semaphore_mem>>) {add = true}
    %dma_wait3A_1078 = arith.constant 64 : i32
    %dma_wait3A_1079 = arith.constant 0 : i32
    %dma_wait3A_1080 = tpu.memref_slice %arg5[%dma_wait3A_1078, %dma_wait3A_1079] : memref<200x128xi32, #tpu.memory_space<vmem>> -> memref<1x128xi32, #tpu.memory_space<vmem>>
    %dma_wait3A_1081 = tpu.memref_squeeze %dma_wait3A_1080 : memref<1x128xi32, #tpu.memory_space<vmem>> -> memref<128xi32, #tpu.memory_space<vmem>>
    %dma_wait3A_1082 = arith.constant 0 : i32
    %dma_wait3A_1083 = arith.constant 0 : i32
    %dma_wait3A_1084 = tpu.memref_slice %arg3[%dma_wait3A_1082, %dma_wait3A_1083] : memref<114688x64xf32, #tpu.memory_space<hbm>> -> memref<114688x64xf32, #tpu.memory_space<hbm>>
    tpu.wait_indirect_dma semaphore(%arg7 : memref<!tpu.dma_semaphore, #tpu.memory_space<semaphore_mem>>) src(%dma_wait3A_1084 : memref<114688x64xf32, #tpu.memory_space<hbm>>) dst(%arg6 : memref<128x64xf32, #tpu.memory_space<vmem>>)
    %dma_start3A_1085 = arith.constant 89 : i32
    %dma_start3A_1086 = arith.constant 0 : i32
    %dma_start3A_1087 = tpu.memref_slice %arg5[%dma_start3A_1085, %dma_start3A_1086] : memref<200x128xi32, #tpu.memory_space<vmem>> -> memref<1x128xi32, #tpu.memory_space<vmem>>
    %dma_start3A_1088 = tpu.memref_squeeze %dma_start3A_1087 : memref<1x128xi32, #tpu.memory_space<vmem>> -> memref<128xi32, #tpu.memory_space<vmem>>
    %dma_start3A_1089 = arith.constant 0 : i32
    %dma_start3A_1090 = arith.constant 0 : i32
    %dma_start3A_1091 = tpu.memref_slice %arg3[%dma_start3A_1089, %dma_start3A_1090] : memref<114688x64xf32, #tpu.memory_space<hbm>> -> memref<114688x64xf32, #tpu.memory_space<hbm>>
    tpu.enqueue_indirect_dma source(%dma_start3A_1091 : memref<114688x64xf32, #tpu.memory_space<hbm>>) target(%arg6 : memref<128x64xf32, #tpu.memory_space<vmem>>) offsets(%dma_start3A_1088 : memref<128xi32, #tpu.memory_space<vmem>>) semaphore(%arg7 : memref<!tpu.dma_semaphore, #tpu.memory_space<semaphore_mem>>) {add = true}
    %dma_wait3A_1092 = arith.constant 65 : i32
    %dma_wait3A_1093 = arith.constant 0 : i32
    %dma_wait3A_1094 = tpu.memref_slice %arg5[%dma_wait3A_1092, %dma_wait3A_1093] : memref<200x128xi32, #tpu.memory_space<vmem>> -> memref<1x128xi32, #tpu.memory_space<vmem>>
    %dma_wait3A_1095 = tpu.memref_squeeze %dma_wait3A_1094 : memref<1x128xi32, #tpu.memory_space<vmem>> -> memref<128xi32, #tpu.memory_space<vmem>>
    %dma_wait3A_1096 = arith.constant 0 : i32
    %dma_wait3A_1097 = arith.constant 0 : i32
    %dma_wait3A_1098 = tpu.memref_slice %arg3[%dma_wait3A_1096, %dma_wait3A_1097] : memref<114688x64xf32, #tpu.memory_space<hbm>> -> memref<114688x64xf32, #tpu.memory_space<hbm>>
    tpu.wait_indirect_dma semaphore(%arg7 : memref<!tpu.dma_semaphore, #tpu.memory_space<semaphore_mem>>) src(%dma_wait3A_1098 : memref<114688x64xf32, #tpu.memory_space<hbm>>) dst(%arg6 : memref<128x64xf32, #tpu.memory_space<vmem>>)
    %dma_start3A_1099 = arith.constant 90 : i32
    %dma_start3A_1100 = arith.constant 0 : i32
    %dma_start3A_1101 = tpu.memref_slice %arg5[%dma_start3A_1099, %dma_start3A_1100] : memref<200x128xi32, #tpu.memory_space<vmem>> -> memref<1x128xi32, #tpu.memory_space<vmem>>
    %dma_start3A_1102 = tpu.memref_squeeze %dma_start3A_1101 : memref<1x128xi32, #tpu.memory_space<vmem>> -> memref<128xi32, #tpu.memory_space<vmem>>
    %dma_start3A_1103 = arith.constant 0 : i32
    %dma_start3A_1104 = arith.constant 0 : i32
    %dma_start3A_1105 = tpu.memref_slice %arg3[%dma_start3A_1103, %dma_start3A_1104] : memref<114688x64xf32, #tpu.memory_space<hbm>> -> memref<114688x64xf32, #tpu.memory_space<hbm>>
    tpu.enqueue_indirect_dma source(%dma_start3A_1105 : memref<114688x64xf32, #tpu.memory_space<hbm>>) target(%arg6 : memref<128x64xf32, #tpu.memory_space<vmem>>) offsets(%dma_start3A_1102 : memref<128xi32, #tpu.memory_space<vmem>>) semaphore(%arg7 : memref<!tpu.dma_semaphore, #tpu.memory_space<semaphore_mem>>) {add = true}
    %dma_wait3A_1106 = arith.constant 66 : i32
    %dma_wait3A_1107 = arith.constant 0 : i32
    %dma_wait3A_1108 = tpu.memref_slice %arg5[%dma_wait3A_1106, %dma_wait3A_1107] : memref<200x128xi32, #tpu.memory_space<vmem>> -> memref<1x128xi32, #tpu.memory_space<vmem>>
    %dma_wait3A_1109 = tpu.memref_squeeze %dma_wait3A_1108 : memref<1x128xi32, #tpu.memory_space<vmem>> -> memref<128xi32, #tpu.memory_space<vmem>>
    %dma_wait3A_1110 = arith.constant 0 : i32
    %dma_wait3A_1111 = arith.constant 0 : i32
    %dma_wait3A_1112 = tpu.memref_slice %arg3[%dma_wait3A_1110, %dma_wait3A_1111] : memref<114688x64xf32, #tpu.memory_space<hbm>> -> memref<114688x64xf32, #tpu.memory_space<hbm>>
    tpu.wait_indirect_dma semaphore(%arg7 : memref<!tpu.dma_semaphore, #tpu.memory_space<semaphore_mem>>) src(%dma_wait3A_1112 : memref<114688x64xf32, #tpu.memory_space<hbm>>) dst(%arg6 : memref<128x64xf32, #tpu.memory_space<vmem>>)
    %dma_start3A_1113 = arith.constant 91 : i32
    %dma_start3A_1114 = arith.constant 0 : i32
    %dma_start3A_1115 = tpu.memref_slice %arg5[%dma_start3A_1113, %dma_start3A_1114] : memref<200x128xi32, #tpu.memory_space<vmem>> -> memref<1x128xi32, #tpu.memory_space<vmem>>
    %dma_start3A_1116 = tpu.memref_squeeze %dma_start3A_1115 : memref<1x128xi32, #tpu.memory_space<vmem>> -> memref<128xi32, #tpu.memory_space<vmem>>
    %dma_start3A_1117 = arith.constant 0 : i32
    %dma_start3A_1118 = arith.constant 0 : i32
    %dma_start3A_1119 = tpu.memref_slice %arg3[%dma_start3A_1117, %dma_start3A_1118] : memref<114688x64xf32, #tpu.memory_space<hbm>> -> memref<114688x64xf32, #tpu.memory_space<hbm>>
    tpu.enqueue_indirect_dma source(%dma_start3A_1119 : memref<114688x64xf32, #tpu.memory_space<hbm>>) target(%arg6 : memref<128x64xf32, #tpu.memory_space<vmem>>) offsets(%dma_start3A_1116 : memref<128xi32, #tpu.memory_space<vmem>>) semaphore(%arg7 : memref<!tpu.dma_semaphore, #tpu.memory_space<semaphore_mem>>) {add = true}
    %dma_wait3A_1120 = arith.constant 67 : i32
    %dma_wait3A_1121 = arith.constant 0 : i32
    %dma_wait3A_1122 = tpu.memref_slice %arg5[%dma_wait3A_1120, %dma_wait3A_1121] : memref<200x128xi32, #tpu.memory_space<vmem>> -> memref<1x128xi32, #tpu.memory_space<vmem>>
    %dma_wait3A_1123 = tpu.memref_squeeze %dma_wait3A_1122 : memref<1x128xi32, #tpu.memory_space<vmem>> -> memref<128xi32, #tpu.memory_space<vmem>>
    %dma_wait3A_1124 = arith.constant 0 : i32
    %dma_wait3A_1125 = arith.constant 0 : i32
    %dma_wait3A_1126 = tpu.memref_slice %arg3[%dma_wait3A_1124, %dma_wait3A_1125] : memref<114688x64xf32, #tpu.memory_space<hbm>> -> memref<114688x64xf32, #tpu.memory_space<hbm>>
    tpu.wait_indirect_dma semaphore(%arg7 : memref<!tpu.dma_semaphore, #tpu.memory_space<semaphore_mem>>) src(%dma_wait3A_1126 : memref<114688x64xf32, #tpu.memory_space<hbm>>) dst(%arg6 : memref<128x64xf32, #tpu.memory_space<vmem>>)
    %dma_start3A_1127 = arith.constant 92 : i32
    %dma_start3A_1128 = arith.constant 0 : i32
    %dma_start3A_1129 = tpu.memref_slice %arg5[%dma_start3A_1127, %dma_start3A_1128] : memref<200x128xi32, #tpu.memory_space<vmem>> -> memref<1x128xi32, #tpu.memory_space<vmem>>
    %dma_start3A_1130 = tpu.memref_squeeze %dma_start3A_1129 : memref<1x128xi32, #tpu.memory_space<vmem>> -> memref<128xi32, #tpu.memory_space<vmem>>
    %dma_start3A_1131 = arith.constant 0 : i32
    %dma_start3A_1132 = arith.constant 0 : i32
    %dma_start3A_1133 = tpu.memref_slice %arg3[%dma_start3A_1131, %dma_start3A_1132] : memref<114688x64xf32, #tpu.memory_space<hbm>> -> memref<114688x64xf32, #tpu.memory_space<hbm>>
    tpu.enqueue_indirect_dma source(%dma_start3A_1133 : memref<114688x64xf32, #tpu.memory_space<hbm>>) target(%arg6 : memref<128x64xf32, #tpu.memory_space<vmem>>) offsets(%dma_start3A_1130 : memref<128xi32, #tpu.memory_space<vmem>>) semaphore(%arg7 : memref<!tpu.dma_semaphore, #tpu.memory_space<semaphore_mem>>) {add = true}
    %dma_wait3A_1134 = arith.constant 68 : i32
    %dma_wait3A_1135 = arith.constant 0 : i32
    %dma_wait3A_1136 = tpu.memref_slice %arg5[%dma_wait3A_1134, %dma_wait3A_1135] : memref<200x128xi32, #tpu.memory_space<vmem>> -> memref<1x128xi32, #tpu.memory_space<vmem>>
    %dma_wait3A_1137 = tpu.memref_squeeze %dma_wait3A_1136 : memref<1x128xi32, #tpu.memory_space<vmem>> -> memref<128xi32, #tpu.memory_space<vmem>>
    %dma_wait3A_1138 = arith.constant 0 : i32
    %dma_wait3A_1139 = arith.constant 0 : i32
    %dma_wait3A_1140 = tpu.memref_slice %arg3[%dma_wait3A_1138, %dma_wait3A_1139] : memref<114688x64xf32, #tpu.memory_space<hbm>> -> memref<114688x64xf32, #tpu.memory_space<hbm>>
    tpu.wait_indirect_dma semaphore(%arg7 : memref<!tpu.dma_semaphore, #tpu.memory_space<semaphore_mem>>) src(%dma_wait3A_1140 : memref<114688x64xf32, #tpu.memory_space<hbm>>) dst(%arg6 : memref<128x64xf32, #tpu.memory_space<vmem>>)
    %dma_start3A_1141 = arith.constant 93 : i32
    %dma_start3A_1142 = arith.constant 0 : i32
    %dma_start3A_1143 = tpu.memref_slice %arg5[%dma_start3A_1141, %dma_start3A_1142] : memref<200x128xi32, #tpu.memory_space<vmem>> -> memref<1x128xi32, #tpu.memory_space<vmem>>
    %dma_start3A_1144 = tpu.memref_squeeze %dma_start3A_1143 : memref<1x128xi32, #tpu.memory_space<vmem>> -> memref<128xi32, #tpu.memory_space<vmem>>
    %dma_start3A_1145 = arith.constant 0 : i32
    %dma_start3A_1146 = arith.constant 0 : i32
    %dma_start3A_1147 = tpu.memref_slice %arg3[%dma_start3A_1145, %dma_start3A_1146] : memref<114688x64xf32, #tpu.memory_space<hbm>> -> memref<114688x64xf32, #tpu.memory_space<hbm>>
    tpu.enqueue_indirect_dma source(%dma_start3A_1147 : memref<114688x64xf32, #tpu.memory_space<hbm>>) target(%arg6 : memref<128x64xf32, #tpu.memory_space<vmem>>) offsets(%dma_start3A_1144 : memref<128xi32, #tpu.memory_space<vmem>>) semaphore(%arg7 : memref<!tpu.dma_semaphore, #tpu.memory_space<semaphore_mem>>) {add = true}
    %dma_wait3A_1148 = arith.constant 69 : i32
    %dma_wait3A_1149 = arith.constant 0 : i32
    %dma_wait3A_1150 = tpu.memref_slice %arg5[%dma_wait3A_1148, %dma_wait3A_1149] : memref<200x128xi32, #tpu.memory_space<vmem>> -> memref<1x128xi32, #tpu.memory_space<vmem>>
    %dma_wait3A_1151 = tpu.memref_squeeze %dma_wait3A_1150 : memref<1x128xi32, #tpu.memory_space<vmem>> -> memref<128xi32, #tpu.memory_space<vmem>>
    %dma_wait3A_1152 = arith.constant 0 : i32
    %dma_wait3A_1153 = arith.constant 0 : i32
    %dma_wait3A_1154 = tpu.memref_slice %arg3[%dma_wait3A_1152, %dma_wait3A_1153] : memref<114688x64xf32, #tpu.memory_space<hbm>> -> memref<114688x64xf32, #tpu.memory_space<hbm>>
    tpu.wait_indirect_dma semaphore(%arg7 : memref<!tpu.dma_semaphore, #tpu.memory_space<semaphore_mem>>) src(%dma_wait3A_1154 : memref<114688x64xf32, #tpu.memory_space<hbm>>) dst(%arg6 : memref<128x64xf32, #tpu.memory_space<vmem>>)
    %dma_start3A_1155 = arith.constant 94 : i32
    %dma_start3A_1156 = arith.constant 0 : i32
    %dma_start3A_1157 = tpu.memref_slice %arg5[%dma_start3A_1155, %dma_start3A_1156] : memref<200x128xi32, #tpu.memory_space<vmem>> -> memref<1x128xi32, #tpu.memory_space<vmem>>
    %dma_start3A_1158 = tpu.memref_squeeze %dma_start3A_1157 : memref<1x128xi32, #tpu.memory_space<vmem>> -> memref<128xi32, #tpu.memory_space<vmem>>
    %dma_start3A_1159 = arith.constant 0 : i32
    %dma_start3A_1160 = arith.constant 0 : i32
    %dma_start3A_1161 = tpu.memref_slice %arg3[%dma_start3A_1159, %dma_start3A_1160] : memref<114688x64xf32, #tpu.memory_space<hbm>> -> memref<114688x64xf32, #tpu.memory_space<hbm>>
    tpu.enqueue_indirect_dma source(%dma_start3A_1161 : memref<114688x64xf32, #tpu.memory_space<hbm>>) target(%arg6 : memref<128x64xf32, #tpu.memory_space<vmem>>) offsets(%dma_start3A_1158 : memref<128xi32, #tpu.memory_space<vmem>>) semaphore(%arg7 : memref<!tpu.dma_semaphore, #tpu.memory_space<semaphore_mem>>) {add = true}
    %dma_wait3A_1162 = arith.constant 70 : i32
    %dma_wait3A_1163 = arith.constant 0 : i32
    %dma_wait3A_1164 = tpu.memref_slice %arg5[%dma_wait3A_1162, %dma_wait3A_1163] : memref<200x128xi32, #tpu.memory_space<vmem>> -> memref<1x128xi32, #tpu.memory_space<vmem>>
    %dma_wait3A_1165 = tpu.memref_squeeze %dma_wait3A_1164 : memref<1x128xi32, #tpu.memory_space<vmem>> -> memref<128xi32, #tpu.memory_space<vmem>>
    %dma_wait3A_1166 = arith.constant 0 : i32
    %dma_wait3A_1167 = arith.constant 0 : i32
    %dma_wait3A_1168 = tpu.memref_slice %arg3[%dma_wait3A_1166, %dma_wait3A_1167] : memref<114688x64xf32, #tpu.memory_space<hbm>> -> memref<114688x64xf32, #tpu.memory_space<hbm>>
    tpu.wait_indirect_dma semaphore(%arg7 : memref<!tpu.dma_semaphore, #tpu.memory_space<semaphore_mem>>) src(%dma_wait3A_1168 : memref<114688x64xf32, #tpu.memory_space<hbm>>) dst(%arg6 : memref<128x64xf32, #tpu.memory_space<vmem>>)
    %dma_start3A_1169 = arith.constant 95 : i32
    %dma_start3A_1170 = arith.constant 0 : i32
    %dma_start3A_1171 = tpu.memref_slice %arg5[%dma_start3A_1169, %dma_start3A_1170] : memref<200x128xi32, #tpu.memory_space<vmem>> -> memref<1x128xi32, #tpu.memory_space<vmem>>
    %dma_start3A_1172 = tpu.memref_squeeze %dma_start3A_1171 : memref<1x128xi32, #tpu.memory_space<vmem>> -> memref<128xi32, #tpu.memory_space<vmem>>
    %dma_start3A_1173 = arith.constant 0 : i32
    %dma_start3A_1174 = arith.constant 0 : i32
    %dma_start3A_1175 = tpu.memref_slice %arg3[%dma_start3A_1173, %dma_start3A_1174] : memref<114688x64xf32, #tpu.memory_space<hbm>> -> memref<114688x64xf32, #tpu.memory_space<hbm>>
    tpu.enqueue_indirect_dma source(%dma_start3A_1175 : memref<114688x64xf32, #tpu.memory_space<hbm>>) target(%arg6 : memref<128x64xf32, #tpu.memory_space<vmem>>) offsets(%dma_start3A_1172 : memref<128xi32, #tpu.memory_space<vmem>>) semaphore(%arg7 : memref<!tpu.dma_semaphore, #tpu.memory_space<semaphore_mem>>) {add = true}
    %dma_wait3A_1176 = arith.constant 71 : i32
    %dma_wait3A_1177 = arith.constant 0 : i32
    %dma_wait3A_1178 = tpu.memref_slice %arg5[%dma_wait3A_1176, %dma_wait3A_1177] : memref<200x128xi32, #tpu.memory_space<vmem>> -> memref<1x128xi32, #tpu.memory_space<vmem>>
    %dma_wait3A_1179 = tpu.memref_squeeze %dma_wait3A_1178 : memref<1x128xi32, #tpu.memory_space<vmem>> -> memref<128xi32, #tpu.memory_space<vmem>>
    %dma_wait3A_1180 = arith.constant 0 : i32
    %dma_wait3A_1181 = arith.constant 0 : i32
    %dma_wait3A_1182 = tpu.memref_slice %arg3[%dma_wait3A_1180, %dma_wait3A_1181] : memref<114688x64xf32, #tpu.memory_space<hbm>> -> memref<114688x64xf32, #tpu.memory_space<hbm>>
    tpu.wait_indirect_dma semaphore(%arg7 : memref<!tpu.dma_semaphore, #tpu.memory_space<semaphore_mem>>) src(%dma_wait3A_1182 : memref<114688x64xf32, #tpu.memory_space<hbm>>) dst(%arg6 : memref<128x64xf32, #tpu.memory_space<vmem>>)
    %dma_start3A_1183 = arith.constant 96 : i32
    %dma_start3A_1184 = arith.constant 0 : i32
    %dma_start3A_1185 = tpu.memref_slice %arg5[%dma_start3A_1183, %dma_start3A_1184] : memref<200x128xi32, #tpu.memory_space<vmem>> -> memref<1x128xi32, #tpu.memory_space<vmem>>
    %dma_start3A_1186 = tpu.memref_squeeze %dma_start3A_1185 : memref<1x128xi32, #tpu.memory_space<vmem>> -> memref<128xi32, #tpu.memory_space<vmem>>
    %dma_start3A_1187 = arith.constant 0 : i32
    %dma_start3A_1188 = arith.constant 0 : i32
    %dma_start3A_1189 = tpu.memref_slice %arg3[%dma_start3A_1187, %dma_start3A_1188] : memref<114688x64xf32, #tpu.memory_space<hbm>> -> memref<114688x64xf32, #tpu.memory_space<hbm>>
    tpu.enqueue_indirect_dma source(%dma_start3A_1189 : memref<114688x64xf32, #tpu.memory_space<hbm>>) target(%arg6 : memref<128x64xf32, #tpu.memory_space<vmem>>) offsets(%dma_start3A_1186 : memref<128xi32, #tpu.memory_space<vmem>>) semaphore(%arg7 : memref<!tpu.dma_semaphore, #tpu.memory_space<semaphore_mem>>) {add = true}
    %dma_wait3A_1190 = arith.constant 72 : i32
    %dma_wait3A_1191 = arith.constant 0 : i32
    %dma_wait3A_1192 = tpu.memref_slice %arg5[%dma_wait3A_1190, %dma_wait3A_1191] : memref<200x128xi32, #tpu.memory_space<vmem>> -> memref<1x128xi32, #tpu.memory_space<vmem>>
    %dma_wait3A_1193 = tpu.memref_squeeze %dma_wait3A_1192 : memref<1x128xi32, #tpu.memory_space<vmem>> -> memref<128xi32, #tpu.memory_space<vmem>>
    %dma_wait3A_1194 = arith.constant 0 : i32
    %dma_wait3A_1195 = arith.constant 0 : i32
    %dma_wait3A_1196 = tpu.memref_slice %arg3[%dma_wait3A_1194, %dma_wait3A_1195] : memref<114688x64xf32, #tpu.memory_space<hbm>> -> memref<114688x64xf32, #tpu.memory_space<hbm>>
    tpu.wait_indirect_dma semaphore(%arg7 : memref<!tpu.dma_semaphore, #tpu.memory_space<semaphore_mem>>) src(%dma_wait3A_1196 : memref<114688x64xf32, #tpu.memory_space<hbm>>) dst(%arg6 : memref<128x64xf32, #tpu.memory_space<vmem>>)
    %dma_start3A_1197 = arith.constant 97 : i32
    %dma_start3A_1198 = arith.constant 0 : i32
    %dma_start3A_1199 = tpu.memref_slice %arg5[%dma_start3A_1197, %dma_start3A_1198] : memref<200x128xi32, #tpu.memory_space<vmem>> -> memref<1x128xi32, #tpu.memory_space<vmem>>
    %dma_start3A_1200 = tpu.memref_squeeze %dma_start3A_1199 : memref<1x128xi32, #tpu.memory_space<vmem>> -> memref<128xi32, #tpu.memory_space<vmem>>
    %dma_start3A_1201 = arith.constant 0 : i32
    %dma_start3A_1202 = arith.constant 0 : i32
    %dma_start3A_1203 = tpu.memref_slice %arg3[%dma_start3A_1201, %dma_start3A_1202] : memref<114688x64xf32, #tpu.memory_space<hbm>> -> memref<114688x64xf32, #tpu.memory_space<hbm>>
    tpu.enqueue_indirect_dma source(%dma_start3A_1203 : memref<114688x64xf32, #tpu.memory_space<hbm>>) target(%arg6 : memref<128x64xf32, #tpu.memory_space<vmem>>) offsets(%dma_start3A_1200 : memref<128xi32, #tpu.memory_space<vmem>>) semaphore(%arg7 : memref<!tpu.dma_semaphore, #tpu.memory_space<semaphore_mem>>) {add = true}
    %dma_wait3A_1204 = arith.constant 73 : i32
    %dma_wait3A_1205 = arith.constant 0 : i32
    %dma_wait3A_1206 = tpu.memref_slice %arg5[%dma_wait3A_1204, %dma_wait3A_1205] : memref<200x128xi32, #tpu.memory_space<vmem>> -> memref<1x128xi32, #tpu.memory_space<vmem>>
    %dma_wait3A_1207 = tpu.memref_squeeze %dma_wait3A_1206 : memref<1x128xi32, #tpu.memory_space<vmem>> -> memref<128xi32, #tpu.memory_space<vmem>>
    %dma_wait3A_1208 = arith.constant 0 : i32
    %dma_wait3A_1209 = arith.constant 0 : i32
    %dma_wait3A_1210 = tpu.memref_slice %arg3[%dma_wait3A_1208, %dma_wait3A_1209] : memref<114688x64xf32, #tpu.memory_space<hbm>> -> memref<114688x64xf32, #tpu.memory_space<hbm>>
    tpu.wait_indirect_dma semaphore(%arg7 : memref<!tpu.dma_semaphore, #tpu.memory_space<semaphore_mem>>) src(%dma_wait3A_1210 : memref<114688x64xf32, #tpu.memory_space<hbm>>) dst(%arg6 : memref<128x64xf32, #tpu.memory_space<vmem>>)
    %dma_start3A_1211 = arith.constant 98 : i32
    %dma_start3A_1212 = arith.constant 0 : i32
    %dma_start3A_1213 = tpu.memref_slice %arg5[%dma_start3A_1211, %dma_start3A_1212] : memref<200x128xi32, #tpu.memory_space<vmem>> -> memref<1x128xi32, #tpu.memory_space<vmem>>
    %dma_start3A_1214 = tpu.memref_squeeze %dma_start3A_1213 : memref<1x128xi32, #tpu.memory_space<vmem>> -> memref<128xi32, #tpu.memory_space<vmem>>
    %dma_start3A_1215 = arith.constant 0 : i32
    %dma_start3A_1216 = arith.constant 0 : i32
    %dma_start3A_1217 = tpu.memref_slice %arg3[%dma_start3A_1215, %dma_start3A_1216] : memref<114688x64xf32, #tpu.memory_space<hbm>> -> memref<114688x64xf32, #tpu.memory_space<hbm>>
    tpu.enqueue_indirect_dma source(%dma_start3A_1217 : memref<114688x64xf32, #tpu.memory_space<hbm>>) target(%arg6 : memref<128x64xf32, #tpu.memory_space<vmem>>) offsets(%dma_start3A_1214 : memref<128xi32, #tpu.memory_space<vmem>>) semaphore(%arg7 : memref<!tpu.dma_semaphore, #tpu.memory_space<semaphore_mem>>) {add = true}
    %dma_wait3A_1218 = arith.constant 74 : i32
    %dma_wait3A_1219 = arith.constant 0 : i32
    %dma_wait3A_1220 = tpu.memref_slice %arg5[%dma_wait3A_1218, %dma_wait3A_1219] : memref<200x128xi32, #tpu.memory_space<vmem>> -> memref<1x128xi32, #tpu.memory_space<vmem>>
    %dma_wait3A_1221 = tpu.memref_squeeze %dma_wait3A_1220 : memref<1x128xi32, #tpu.memory_space<vmem>> -> memref<128xi32, #tpu.memory_space<vmem>>
    %dma_wait3A_1222 = arith.constant 0 : i32
    %dma_wait3A_1223 = arith.constant 0 : i32
    %dma_wait3A_1224 = tpu.memref_slice %arg3[%dma_wait3A_1222, %dma_wait3A_1223] : memref<114688x64xf32, #tpu.memory_space<hbm>> -> memref<114688x64xf32, #tpu.memory_space<hbm>>
    tpu.wait_indirect_dma semaphore(%arg7 : memref<!tpu.dma_semaphore, #tpu.memory_space<semaphore_mem>>) src(%dma_wait3A_1224 : memref<114688x64xf32, #tpu.memory_space<hbm>>) dst(%arg6 : memref<128x64xf32, #tpu.memory_space<vmem>>)
    %dma_start3A_1225 = arith.constant 99 : i32
    %dma_start3A_1226 = arith.constant 0 : i32
    %dma_start3A_1227 = tpu.memref_slice %arg5[%dma_start3A_1225, %dma_start3A_1226] : memref<200x128xi32, #tpu.memory_space<vmem>> -> memref<1x128xi32, #tpu.memory_space<vmem>>
    %dma_start3A_1228 = tpu.memref_squeeze %dma_start3A_1227 : memref<1x128xi32, #tpu.memory_space<vmem>> -> memref<128xi32, #tpu.memory_space<vmem>>
    %dma_start3A_1229 = arith.constant 0 : i32
    %dma_start3A_1230 = arith.constant 0 : i32
    %dma_start3A_1231 = tpu.memref_slice %arg3[%dma_start3A_1229, %dma_start3A_1230] : memref<114688x64xf32, #tpu.memory_space<hbm>> -> memref<114688x64xf32, #tpu.memory_space<hbm>>
    tpu.enqueue_indirect_dma source(%dma_start3A_1231 : memref<114688x64xf32, #tpu.memory_space<hbm>>) target(%arg6 : memref<128x64xf32, #tpu.memory_space<vmem>>) offsets(%dma_start3A_1228 : memref<128xi32, #tpu.memory_space<vmem>>) semaphore(%arg7 : memref<!tpu.dma_semaphore, #tpu.memory_space<semaphore_mem>>) {add = true}
    %dma_wait3A_1232 = arith.constant 75 : i32
    %dma_wait3A_1233 = arith.constant 0 : i32
    %dma_wait3A_1234 = tpu.memref_slice %arg5[%dma_wait3A_1232, %dma_wait3A_1233] : memref<200x128xi32, #tpu.memory_space<vmem>> -> memref<1x128xi32, #tpu.memory_space<vmem>>
    %dma_wait3A_1235 = tpu.memref_squeeze %dma_wait3A_1234 : memref<1x128xi32, #tpu.memory_space<vmem>> -> memref<128xi32, #tpu.memory_space<vmem>>
    %dma_wait3A_1236 = arith.constant 0 : i32
    %dma_wait3A_1237 = arith.constant 0 : i32
    %dma_wait3A_1238 = tpu.memref_slice %arg3[%dma_wait3A_1236, %dma_wait3A_1237] : memref<114688x64xf32, #tpu.memory_space<hbm>> -> memref<114688x64xf32, #tpu.memory_space<hbm>>
    tpu.wait_indirect_dma semaphore(%arg7 : memref<!tpu.dma_semaphore, #tpu.memory_space<semaphore_mem>>) src(%dma_wait3A_1238 : memref<114688x64xf32, #tpu.memory_space<hbm>>) dst(%arg6 : memref<128x64xf32, #tpu.memory_space<vmem>>)
    %dma_start3A_1239 = arith.constant 100 : i32
    %dma_start3A_1240 = arith.constant 0 : i32
    %dma_start3A_1241 = tpu.memref_slice %arg5[%dma_start3A_1239, %dma_start3A_1240] : memref<200x128xi32, #tpu.memory_space<vmem>> -> memref<1x128xi32, #tpu.memory_space<vmem>>
    %dma_start3A_1242 = tpu.memref_squeeze %dma_start3A_1241 : memref<1x128xi32, #tpu.memory_space<vmem>> -> memref<128xi32, #tpu.memory_space<vmem>>
    %dma_start3A_1243 = arith.constant 0 : i32
    %dma_start3A_1244 = arith.constant 0 : i32
    %dma_start3A_1245 = tpu.memref_slice %arg3[%dma_start3A_1243, %dma_start3A_1244] : memref<114688x64xf32, #tpu.memory_space<hbm>> -> memref<114688x64xf32, #tpu.memory_space<hbm>>
    tpu.enqueue_indirect_dma source(%dma_start3A_1245 : memref<114688x64xf32, #tpu.memory_space<hbm>>) target(%arg6 : memref<128x64xf32, #tpu.memory_space<vmem>>) offsets(%dma_start3A_1242 : memref<128xi32, #tpu.memory_space<vmem>>) semaphore(%arg7 : memref<!tpu.dma_semaphore, #tpu.memory_space<semaphore_mem>>) {add = true}
    %dma_wait3A_1246 = arith.constant 76 : i32
    %dma_wait3A_1247 = arith.constant 0 : i32
    %dma_wait3A_1248 = tpu.memref_slice %arg5[%dma_wait3A_1246, %dma_wait3A_1247] : memref<200x128xi32, #tpu.memory_space<vmem>> -> memref<1x128xi32, #tpu.memory_space<vmem>>
    %dma_wait3A_1249 = tpu.memref_squeeze %dma_wait3A_1248 : memref<1x128xi32, #tpu.memory_space<vmem>> -> memref<128xi32, #tpu.memory_space<vmem>>
    %dma_wait3A_1250 = arith.constant 0 : i32
    %dma_wait3A_1251 = arith.constant 0 : i32
    %dma_wait3A_1252 = tpu.memref_slice %arg3[%dma_wait3A_1250, %dma_wait3A_1251] : memref<114688x64xf32, #tpu.memory_space<hbm>> -> memref<114688x64xf32, #tpu.memory_space<hbm>>
    tpu.wait_indirect_dma semaphore(%arg7 : memref<!tpu.dma_semaphore, #tpu.memory_space<semaphore_mem>>) src(%dma_wait3A_1252 : memref<114688x64xf32, #tpu.memory_space<hbm>>) dst(%arg6 : memref<128x64xf32, #tpu.memory_space<vmem>>)
    %dma_start3A_1253 = arith.constant 101 : i32
    %dma_start3A_1254 = arith.constant 0 : i32
    %dma_start3A_1255 = tpu.memref_slice %arg5[%dma_start3A_1253, %dma_start3A_1254] : memref<200x128xi32, #tpu.memory_space<vmem>> -> memref<1x128xi32, #tpu.memory_space<vmem>>
    %dma_start3A_1256 = tpu.memref_squeeze %dma_start3A_1255 : memref<1x128xi32, #tpu.memory_space<vmem>> -> memref<128xi32, #tpu.memory_space<vmem>>
    %dma_start3A_1257 = arith.constant 0 : i32
    %dma_start3A_1258 = arith.constant 0 : i32
    %dma_start3A_1259 = tpu.memref_slice %arg3[%dma_start3A_1257, %dma_start3A_1258] : memref<114688x64xf32, #tpu.memory_space<hbm>> -> memref<114688x64xf32, #tpu.memory_space<hbm>>
    tpu.enqueue_indirect_dma source(%dma_start3A_1259 : memref<114688x64xf32, #tpu.memory_space<hbm>>) target(%arg6 : memref<128x64xf32, #tpu.memory_space<vmem>>) offsets(%dma_start3A_1256 : memref<128xi32, #tpu.memory_space<vmem>>) semaphore(%arg7 : memref<!tpu.dma_semaphore, #tpu.memory_space<semaphore_mem>>) {add = true}
    %dma_wait3A_1260 = arith.constant 77 : i32
    %dma_wait3A_1261 = arith.constant 0 : i32
    %dma_wait3A_1262 = tpu.memref_slice %arg5[%dma_wait3A_1260, %dma_wait3A_1261] : memref<200x128xi32, #tpu.memory_space<vmem>> -> memref<1x128xi32, #tpu.memory_space<vmem>>
    %dma_wait3A_1263 = tpu.memref_squeeze %dma_wait3A_1262 : memref<1x128xi32, #tpu.memory_space<vmem>> -> memref<128xi32, #tpu.memory_space<vmem>>
    %dma_wait3A_1264 = arith.constant 0 : i32
    %dma_wait3A_1265 = arith.constant 0 : i32
    %dma_wait3A_1266 = tpu.memref_slice %arg3[%dma_wait3A_1264, %dma_wait3A_1265] : memref<114688x64xf32, #tpu.memory_space<hbm>> -> memref<114688x64xf32, #tpu.memory_space<hbm>>
    tpu.wait_indirect_dma semaphore(%arg7 : memref<!tpu.dma_semaphore, #tpu.memory_space<semaphore_mem>>) src(%dma_wait3A_1266 : memref<114688x64xf32, #tpu.memory_space<hbm>>) dst(%arg6 : memref<128x64xf32, #tpu.memory_space<vmem>>)
    %dma_start3A_1267 = arith.constant 102 : i32
    %dma_start3A_1268 = arith.constant 0 : i32
    %dma_start3A_1269 = tpu.memref_slice %arg5[%dma_start3A_1267, %dma_start3A_1268] : memref<200x128xi32, #tpu.memory_space<vmem>> -> memref<1x128xi32, #tpu.memory_space<vmem>>
    %dma_start3A_1270 = tpu.memref_squeeze %dma_start3A_1269 : memref<1x128xi32, #tpu.memory_space<vmem>> -> memref<128xi32, #tpu.memory_space<vmem>>
    %dma_start3A_1271 = arith.constant 0 : i32
    %dma_start3A_1272 = arith.constant 0 : i32
    %dma_start3A_1273 = tpu.memref_slice %arg3[%dma_start3A_1271, %dma_start3A_1272] : memref<114688x64xf32, #tpu.memory_space<hbm>> -> memref<114688x64xf32, #tpu.memory_space<hbm>>
    tpu.enqueue_indirect_dma source(%dma_start3A_1273 : memref<114688x64xf32, #tpu.memory_space<hbm>>) target(%arg6 : memref<128x64xf32, #tpu.memory_space<vmem>>) offsets(%dma_start3A_1270 : memref<128xi32, #tpu.memory_space<vmem>>) semaphore(%arg7 : memref<!tpu.dma_semaphore, #tpu.memory_space<semaphore_mem>>) {add = true}
    %dma_wait3A_1274 = arith.constant 78 : i32
    %dma_wait3A_1275 = arith.constant 0 : i32
    %dma_wait3A_1276 = tpu.memref_slice %arg5[%dma_wait3A_1274, %dma_wait3A_1275] : memref<200x128xi32, #tpu.memory_space<vmem>> -> memref<1x128xi32, #tpu.memory_space<vmem>>
    %dma_wait3A_1277 = tpu.memref_squeeze %dma_wait3A_1276 : memref<1x128xi32, #tpu.memory_space<vmem>> -> memref<128xi32, #tpu.memory_space<vmem>>
    %dma_wait3A_1278 = arith.constant 0 : i32
    %dma_wait3A_1279 = arith.constant 0 : i32
    %dma_wait3A_1280 = tpu.memref_slice %arg3[%dma_wait3A_1278, %dma_wait3A_1279] : memref<114688x64xf32, #tpu.memory_space<hbm>> -> memref<114688x64xf32, #tpu.memory_space<hbm>>
    tpu.wait_indirect_dma semaphore(%arg7 : memref<!tpu.dma_semaphore, #tpu.memory_space<semaphore_mem>>) src(%dma_wait3A_1280 : memref<114688x64xf32, #tpu.memory_space<hbm>>) dst(%arg6 : memref<128x64xf32, #tpu.memory_space<vmem>>)
    %dma_start3A_1281 = arith.constant 103 : i32
    %dma_start3A_1282 = arith.constant 0 : i32
    %dma_start3A_1283 = tpu.memref_slice %arg5[%dma_start3A_1281, %dma_start3A_1282] : memref<200x128xi32, #tpu.memory_space<vmem>> -> memref<1x128xi32, #tpu.memory_space<vmem>>
    %dma_start3A_1284 = tpu.memref_squeeze %dma_start3A_1283 : memref<1x128xi32, #tpu.memory_space<vmem>> -> memref<128xi32, #tpu.memory_space<vmem>>
    %dma_start3A_1285 = arith.constant 0 : i32
    %dma_start3A_1286 = arith.constant 0 : i32
    %dma_start3A_1287 = tpu.memref_slice %arg3[%dma_start3A_1285, %dma_start3A_1286] : memref<114688x64xf32, #tpu.memory_space<hbm>> -> memref<114688x64xf32, #tpu.memory_space<hbm>>
    tpu.enqueue_indirect_dma source(%dma_start3A_1287 : memref<114688x64xf32, #tpu.memory_space<hbm>>) target(%arg6 : memref<128x64xf32, #tpu.memory_space<vmem>>) offsets(%dma_start3A_1284 : memref<128xi32, #tpu.memory_space<vmem>>) semaphore(%arg7 : memref<!tpu.dma_semaphore, #tpu.memory_space<semaphore_mem>>) {add = true}
    %dma_wait3A_1288 = arith.constant 79 : i32
    %dma_wait3A_1289 = arith.constant 0 : i32
    %dma_wait3A_1290 = tpu.memref_slice %arg5[%dma_wait3A_1288, %dma_wait3A_1289] : memref<200x128xi32, #tpu.memory_space<vmem>> -> memref<1x128xi32, #tpu.memory_space<vmem>>
    %dma_wait3A_1291 = tpu.memref_squeeze %dma_wait3A_1290 : memref<1x128xi32, #tpu.memory_space<vmem>> -> memref<128xi32, #tpu.memory_space<vmem>>
    %dma_wait3A_1292 = arith.constant 0 : i32
    %dma_wait3A_1293 = arith.constant 0 : i32
    %dma_wait3A_1294 = tpu.memref_slice %arg3[%dma_wait3A_1292, %dma_wait3A_1293] : memref<114688x64xf32, #tpu.memory_space<hbm>> -> memref<114688x64xf32, #tpu.memory_space<hbm>>
    tpu.wait_indirect_dma semaphore(%arg7 : memref<!tpu.dma_semaphore, #tpu.memory_space<semaphore_mem>>) src(%dma_wait3A_1294 : memref<114688x64xf32, #tpu.memory_space<hbm>>) dst(%arg6 : memref<128x64xf32, #tpu.memory_space<vmem>>)
    %dma_start3A_1295 = arith.constant 104 : i32
    %dma_start3A_1296 = arith.constant 0 : i32
    %dma_start3A_1297 = tpu.memref_slice %arg5[%dma_start3A_1295, %dma_start3A_1296] : memref<200x128xi32, #tpu.memory_space<vmem>> -> memref<1x128xi32, #tpu.memory_space<vmem>>
    %dma_start3A_1298 = tpu.memref_squeeze %dma_start3A_1297 : memref<1x128xi32, #tpu.memory_space<vmem>> -> memref<128xi32, #tpu.memory_space<vmem>>
    %dma_start3A_1299 = arith.constant 0 : i32
    %dma_start3A_1300 = arith.constant 0 : i32
    %dma_start3A_1301 = tpu.memref_slice %arg3[%dma_start3A_1299, %dma_start3A_1300] : memref<114688x64xf32, #tpu.memory_space<hbm>> -> memref<114688x64xf32, #tpu.memory_space<hbm>>
    tpu.enqueue_indirect_dma source(%dma_start3A_1301 : memref<114688x64xf32, #tpu.memory_space<hbm>>) target(%arg6 : memref<128x64xf32, #tpu.memory_space<vmem>>) offsets(%dma_start3A_1298 : memref<128xi32, #tpu.memory_space<vmem>>) semaphore(%arg7 : memref<!tpu.dma_semaphore, #tpu.memory_space<semaphore_mem>>) {add = true}
    %dma_wait3A_1302 = arith.constant 80 : i32
    %dma_wait3A_1303 = arith.constant 0 : i32
    %dma_wait3A_1304 = tpu.memref_slice %arg5[%dma_wait3A_1302, %dma_wait3A_1303] : memref<200x128xi32, #tpu.memory_space<vmem>> -> memref<1x128xi32, #tpu.memory_space<vmem>>
    %dma_wait3A_1305 = tpu.memref_squeeze %dma_wait3A_1304 : memref<1x128xi32, #tpu.memory_space<vmem>> -> memref<128xi32, #tpu.memory_space<vmem>>
    %dma_wait3A_1306 = arith.constant 0 : i32
    %dma_wait3A_1307 = arith.constant 0 : i32
    %dma_wait3A_1308 = tpu.memref_slice %arg3[%dma_wait3A_1306, %dma_wait3A_1307] : memref<114688x64xf32, #tpu.memory_space<hbm>> -> memref<114688x64xf32, #tpu.memory_space<hbm>>
    tpu.wait_indirect_dma semaphore(%arg7 : memref<!tpu.dma_semaphore, #tpu.memory_space<semaphore_mem>>) src(%dma_wait3A_1308 : memref<114688x64xf32, #tpu.memory_space<hbm>>) dst(%arg6 : memref<128x64xf32, #tpu.memory_space<vmem>>)
    %dma_start3A_1309 = arith.constant 105 : i32
    %dma_start3A_1310 = arith.constant 0 : i32
    %dma_start3A_1311 = tpu.memref_slice %arg5[%dma_start3A_1309, %dma_start3A_1310] : memref<200x128xi32, #tpu.memory_space<vmem>> -> memref<1x128xi32, #tpu.memory_space<vmem>>
    %dma_start3A_1312 = tpu.memref_squeeze %dma_start3A_1311 : memref<1x128xi32, #tpu.memory_space<vmem>> -> memref<128xi32, #tpu.memory_space<vmem>>
    %dma_start3A_1313 = arith.constant 0 : i32
    %dma_start3A_1314 = arith.constant 0 : i32
    %dma_start3A_1315 = tpu.memref_slice %arg3[%dma_start3A_1313, %dma_start3A_1314] : memref<114688x64xf32, #tpu.memory_space<hbm>> -> memref<114688x64xf32, #tpu.memory_space<hbm>>
    tpu.enqueue_indirect_dma source(%dma_start3A_1315 : memref<114688x64xf32, #tpu.memory_space<hbm>>) target(%arg6 : memref<128x64xf32, #tpu.memory_space<vmem>>) offsets(%dma_start3A_1312 : memref<128xi32, #tpu.memory_space<vmem>>) semaphore(%arg7 : memref<!tpu.dma_semaphore, #tpu.memory_space<semaphore_mem>>) {add = true}
    %dma_wait3A_1316 = arith.constant 81 : i32
    %dma_wait3A_1317 = arith.constant 0 : i32
    %dma_wait3A_1318 = tpu.memref_slice %arg5[%dma_wait3A_1316, %dma_wait3A_1317] : memref<200x128xi32, #tpu.memory_space<vmem>> -> memref<1x128xi32, #tpu.memory_space<vmem>>
    %dma_wait3A_1319 = tpu.memref_squeeze %dma_wait3A_1318 : memref<1x128xi32, #tpu.memory_space<vmem>> -> memref<128xi32, #tpu.memory_space<vmem>>
    %dma_wait3A_1320 = arith.constant 0 : i32
    %dma_wait3A_1321 = arith.constant 0 : i32
    %dma_wait3A_1322 = tpu.memref_slice %arg3[%dma_wait3A_1320, %dma_wait3A_1321] : memref<114688x64xf32, #tpu.memory_space<hbm>> -> memref<114688x64xf32, #tpu.memory_space<hbm>>
    tpu.wait_indirect_dma semaphore(%arg7 : memref<!tpu.dma_semaphore, #tpu.memory_space<semaphore_mem>>) src(%dma_wait3A_1322 : memref<114688x64xf32, #tpu.memory_space<hbm>>) dst(%arg6 : memref<128x64xf32, #tpu.memory_space<vmem>>)
    %dma_start3A_1323 = arith.constant 106 : i32
    %dma_start3A_1324 = arith.constant 0 : i32
    %dma_start3A_1325 = tpu.memref_slice %arg5[%dma_start3A_1323, %dma_start3A_1324] : memref<200x128xi32, #tpu.memory_space<vmem>> -> memref<1x128xi32, #tpu.memory_space<vmem>>
    %dma_start3A_1326 = tpu.memref_squeeze %dma_start3A_1325 : memref<1x128xi32, #tpu.memory_space<vmem>> -> memref<128xi32, #tpu.memory_space<vmem>>
    %dma_start3A_1327 = arith.constant 0 : i32
    %dma_start3A_1328 = arith.constant 0 : i32
    %dma_start3A_1329 = tpu.memref_slice %arg3[%dma_start3A_1327, %dma_start3A_1328] : memref<114688x64xf32, #tpu.memory_space<hbm>> -> memref<114688x64xf32, #tpu.memory_space<hbm>>
    tpu.enqueue_indirect_dma source(%dma_start3A_1329 : memref<114688x64xf32, #tpu.memory_space<hbm>>) target(%arg6 : memref<128x64xf32, #tpu.memory_space<vmem>>) offsets(%dma_start3A_1326 : memref<128xi32, #tpu.memory_space<vmem>>) semaphore(%arg7 : memref<!tpu.dma_semaphore, #tpu.memory_space<semaphore_mem>>) {add = true}
    %dma_wait3A_1330 = arith.constant 82 : i32
    %dma_wait3A_1331 = arith.constant 0 : i32
    %dma_wait3A_1332 = tpu.memref_slice %arg5[%dma_wait3A_1330, %dma_wait3A_1331] : memref<200x128xi32, #tpu.memory_space<vmem>> -> memref<1x128xi32, #tpu.memory_space<vmem>>
    %dma_wait3A_1333 = tpu.memref_squeeze %dma_wait3A_1332 : memref<1x128xi32, #tpu.memory_space<vmem>> -> memref<128xi32, #tpu.memory_space<vmem>>
    %dma_wait3A_1334 = arith.constant 0 : i32
    %dma_wait3A_1335 = arith.constant 0 : i32
    %dma_wait3A_1336 = tpu.memref_slice %arg3[%dma_wait3A_1334, %dma_wait3A_1335] : memref<114688x64xf32, #tpu.memory_space<hbm>> -> memref<114688x64xf32, #tpu.memory_space<hbm>>
    tpu.wait_indirect_dma semaphore(%arg7 : memref<!tpu.dma_semaphore, #tpu.memory_space<semaphore_mem>>) src(%dma_wait3A_1336 : memref<114688x64xf32, #tpu.memory_space<hbm>>) dst(%arg6 : memref<128x64xf32, #tpu.memory_space<vmem>>)
    %dma_start3A_1337 = arith.constant 107 : i32
    %dma_start3A_1338 = arith.constant 0 : i32
    %dma_start3A_1339 = tpu.memref_slice %arg5[%dma_start3A_1337, %dma_start3A_1338] : memref<200x128xi32, #tpu.memory_space<vmem>> -> memref<1x128xi32, #tpu.memory_space<vmem>>
    %dma_start3A_1340 = tpu.memref_squeeze %dma_start3A_1339 : memref<1x128xi32, #tpu.memory_space<vmem>> -> memref<128xi32, #tpu.memory_space<vmem>>
    %dma_start3A_1341 = arith.constant 0 : i32
    %dma_start3A_1342 = arith.constant 0 : i32
    %dma_start3A_1343 = tpu.memref_slice %arg3[%dma_start3A_1341, %dma_start3A_1342] : memref<114688x64xf32, #tpu.memory_space<hbm>> -> memref<114688x64xf32, #tpu.memory_space<hbm>>
    tpu.enqueue_indirect_dma source(%dma_start3A_1343 : memref<114688x64xf32, #tpu.memory_space<hbm>>) target(%arg6 : memref<128x64xf32, #tpu.memory_space<vmem>>) offsets(%dma_start3A_1340 : memref<128xi32, #tpu.memory_space<vmem>>) semaphore(%arg7 : memref<!tpu.dma_semaphore, #tpu.memory_space<semaphore_mem>>) {add = true}
    %dma_wait3A_1344 = arith.constant 83 : i32
    %dma_wait3A_1345 = arith.constant 0 : i32
    %dma_wait3A_1346 = tpu.memref_slice %arg5[%dma_wait3A_1344, %dma_wait3A_1345] : memref<200x128xi32, #tpu.memory_space<vmem>> -> memref<1x128xi32, #tpu.memory_space<vmem>>
    %dma_wait3A_1347 = tpu.memref_squeeze %dma_wait3A_1346 : memref<1x128xi32, #tpu.memory_space<vmem>> -> memref<128xi32, #tpu.memory_space<vmem>>
    %dma_wait3A_1348 = arith.constant 0 : i32
    %dma_wait3A_1349 = arith.constant 0 : i32
    %dma_wait3A_1350 = tpu.memref_slice %arg3[%dma_wait3A_1348, %dma_wait3A_1349] : memref<114688x64xf32, #tpu.memory_space<hbm>> -> memref<114688x64xf32, #tpu.memory_space<hbm>>
    tpu.wait_indirect_dma semaphore(%arg7 : memref<!tpu.dma_semaphore, #tpu.memory_space<semaphore_mem>>) src(%dma_wait3A_1350 : memref<114688x64xf32, #tpu.memory_space<hbm>>) dst(%arg6 : memref<128x64xf32, #tpu.memory_space<vmem>>)
    %dma_start3A_1351 = arith.constant 108 : i32
    %dma_start3A_1352 = arith.constant 0 : i32
    %dma_start3A_1353 = tpu.memref_slice %arg5[%dma_start3A_1351, %dma_start3A_1352] : memref<200x128xi32, #tpu.memory_space<vmem>> -> memref<1x128xi32, #tpu.memory_space<vmem>>
    %dma_start3A_1354 = tpu.memref_squeeze %dma_start3A_1353 : memref<1x128xi32, #tpu.memory_space<vmem>> -> memref<128xi32, #tpu.memory_space<vmem>>
    %dma_start3A_1355 = arith.constant 0 : i32
    %dma_start3A_1356 = arith.constant 0 : i32
    %dma_start3A_1357 = tpu.memref_slice %arg3[%dma_start3A_1355, %dma_start3A_1356] : memref<114688x64xf32, #tpu.memory_space<hbm>> -> memref<114688x64xf32, #tpu.memory_space<hbm>>
    tpu.enqueue_indirect_dma source(%dma_start3A_1357 : memref<114688x64xf32, #tpu.memory_space<hbm>>) target(%arg6 : memref<128x64xf32, #tpu.memory_space<vmem>>) offsets(%dma_start3A_1354 : memref<128xi32, #tpu.memory_space<vmem>>) semaphore(%arg7 : memref<!tpu.dma_semaphore, #tpu.memory_space<semaphore_mem>>) {add = true}
    %dma_wait3A_1358 = arith.constant 84 : i32
    %dma_wait3A_1359 = arith.constant 0 : i32
    %dma_wait3A_1360 = tpu.memref_slice %arg5[%dma_wait3A_1358, %dma_wait3A_1359] : memref<200x128xi32, #tpu.memory_space<vmem>> -> memref<1x128xi32, #tpu.memory_space<vmem>>
    %dma_wait3A_1361 = tpu.memref_squeeze %dma_wait3A_1360 : memref<1x128xi32, #tpu.memory_space<vmem>> -> memref<128xi32, #tpu.memory_space<vmem>>
    %dma_wait3A_1362 = arith.constant 0 : i32
    %dma_wait3A_1363 = arith.constant 0 : i32
    %dma_wait3A_1364 = tpu.memref_slice %arg3[%dma_wait3A_1362, %dma_wait3A_1363] : memref<114688x64xf32, #tpu.memory_space<hbm>> -> memref<114688x64xf32, #tpu.memory_space<hbm>>
    tpu.wait_indirect_dma semaphore(%arg7 : memref<!tpu.dma_semaphore, #tpu.memory_space<semaphore_mem>>) src(%dma_wait3A_1364 : memref<114688x64xf32, #tpu.memory_space<hbm>>) dst(%arg6 : memref<128x64xf32, #tpu.memory_space<vmem>>)
    %dma_start3A_1365 = arith.constant 109 : i32
    %dma_start3A_1366 = arith.constant 0 : i32
    %dma_start3A_1367 = tpu.memref_slice %arg5[%dma_start3A_1365, %dma_start3A_1366] : memref<200x128xi32, #tpu.memory_space<vmem>> -> memref<1x128xi32, #tpu.memory_space<vmem>>
    %dma_start3A_1368 = tpu.memref_squeeze %dma_start3A_1367 : memref<1x128xi32, #tpu.memory_space<vmem>> -> memref<128xi32, #tpu.memory_space<vmem>>
    %dma_start3A_1369 = arith.constant 0 : i32
    %dma_start3A_1370 = arith.constant 0 : i32
    %dma_start3A_1371 = tpu.memref_slice %arg3[%dma_start3A_1369, %dma_start3A_1370] : memref<114688x64xf32, #tpu.memory_space<hbm>> -> memref<114688x64xf32, #tpu.memory_space<hbm>>
    tpu.enqueue_indirect_dma source(%dma_start3A_1371 : memref<114688x64xf32, #tpu.memory_space<hbm>>) target(%arg6 : memref<128x64xf32, #tpu.memory_space<vmem>>) offsets(%dma_start3A_1368 : memref<128xi32, #tpu.memory_space<vmem>>) semaphore(%arg7 : memref<!tpu.dma_semaphore, #tpu.memory_space<semaphore_mem>>) {add = true}
    %dma_wait3A_1372 = arith.constant 85 : i32
    %dma_wait3A_1373 = arith.constant 0 : i32
    %dma_wait3A_1374 = tpu.memref_slice %arg5[%dma_wait3A_1372, %dma_wait3A_1373] : memref<200x128xi32, #tpu.memory_space<vmem>> -> memref<1x128xi32, #tpu.memory_space<vmem>>
    %dma_wait3A_1375 = tpu.memref_squeeze %dma_wait3A_1374 : memref<1x128xi32, #tpu.memory_space<vmem>> -> memref<128xi32, #tpu.memory_space<vmem>>
    %dma_wait3A_1376 = arith.constant 0 : i32
    %dma_wait3A_1377 = arith.constant 0 : i32
    %dma_wait3A_1378 = tpu.memref_slice %arg3[%dma_wait3A_1376, %dma_wait3A_1377] : memref<114688x64xf32, #tpu.memory_space<hbm>> -> memref<114688x64xf32, #tpu.memory_space<hbm>>
    tpu.wait_indirect_dma semaphore(%arg7 : memref<!tpu.dma_semaphore, #tpu.memory_space<semaphore_mem>>) src(%dma_wait3A_1378 : memref<114688x64xf32, #tpu.memory_space<hbm>>) dst(%arg6 : memref<128x64xf32, #tpu.memory_space<vmem>>)
    %dma_start3A_1379 = arith.constant 110 : i32
    %dma_start3A_1380 = arith.constant 0 : i32
    %dma_start3A_1381 = tpu.memref_slice %arg5[%dma_start3A_1379, %dma_start3A_1380] : memref<200x128xi32, #tpu.memory_space<vmem>> -> memref<1x128xi32, #tpu.memory_space<vmem>>
    %dma_start3A_1382 = tpu.memref_squeeze %dma_start3A_1381 : memref<1x128xi32, #tpu.memory_space<vmem>> -> memref<128xi32, #tpu.memory_space<vmem>>
    %dma_start3A_1383 = arith.constant 0 : i32
    %dma_start3A_1384 = arith.constant 0 : i32
    %dma_start3A_1385 = tpu.memref_slice %arg3[%dma_start3A_1383, %dma_start3A_1384] : memref<114688x64xf32, #tpu.memory_space<hbm>> -> memref<114688x64xf32, #tpu.memory_space<hbm>>
    tpu.enqueue_indirect_dma source(%dma_start3A_1385 : memref<114688x64xf32, #tpu.memory_space<hbm>>) target(%arg6 : memref<128x64xf32, #tpu.memory_space<vmem>>) offsets(%dma_start3A_1382 : memref<128xi32, #tpu.memory_space<vmem>>) semaphore(%arg7 : memref<!tpu.dma_semaphore, #tpu.memory_space<semaphore_mem>>) {add = true}
    %dma_wait3A_1386 = arith.constant 86 : i32
    %dma_wait3A_1387 = arith.constant 0 : i32
    %dma_wait3A_1388 = tpu.memref_slice %arg5[%dma_wait3A_1386, %dma_wait3A_1387] : memref<200x128xi32, #tpu.memory_space<vmem>> -> memref<1x128xi32, #tpu.memory_space<vmem>>
    %dma_wait3A_1389 = tpu.memref_squeeze %dma_wait3A_1388 : memref<1x128xi32, #tpu.memory_space<vmem>> -> memref<128xi32, #tpu.memory_space<vmem>>
    %dma_wait3A_1390 = arith.constant 0 : i32
    %dma_wait3A_1391 = arith.constant 0 : i32
    %dma_wait3A_1392 = tpu.memref_slice %arg3[%dma_wait3A_1390, %dma_wait3A_1391] : memref<114688x64xf32, #tpu.memory_space<hbm>> -> memref<114688x64xf32, #tpu.memory_space<hbm>>
    tpu.wait_indirect_dma semaphore(%arg7 : memref<!tpu.dma_semaphore, #tpu.memory_space<semaphore_mem>>) src(%dma_wait3A_1392 : memref<114688x64xf32, #tpu.memory_space<hbm>>) dst(%arg6 : memref<128x64xf32, #tpu.memory_space<vmem>>)
    %dma_start3A_1393 = arith.constant 111 : i32
    %dma_start3A_1394 = arith.constant 0 : i32
    %dma_start3A_1395 = tpu.memref_slice %arg5[%dma_start3A_1393, %dma_start3A_1394] : memref<200x128xi32, #tpu.memory_space<vmem>> -> memref<1x128xi32, #tpu.memory_space<vmem>>
    %dma_start3A_1396 = tpu.memref_squeeze %dma_start3A_1395 : memref<1x128xi32, #tpu.memory_space<vmem>> -> memref<128xi32, #tpu.memory_space<vmem>>
    %dma_start3A_1397 = arith.constant 0 : i32
    %dma_start3A_1398 = arith.constant 0 : i32
    %dma_start3A_1399 = tpu.memref_slice %arg3[%dma_start3A_1397, %dma_start3A_1398] : memref<114688x64xf32, #tpu.memory_space<hbm>> -> memref<114688x64xf32, #tpu.memory_space<hbm>>
    tpu.enqueue_indirect_dma source(%dma_start3A_1399 : memref<114688x64xf32, #tpu.memory_space<hbm>>) target(%arg6 : memref<128x64xf32, #tpu.memory_space<vmem>>) offsets(%dma_start3A_1396 : memref<128xi32, #tpu.memory_space<vmem>>) semaphore(%arg7 : memref<!tpu.dma_semaphore, #tpu.memory_space<semaphore_mem>>) {add = true}
    %dma_wait3A_1400 = arith.constant 87 : i32
    %dma_wait3A_1401 = arith.constant 0 : i32
    %dma_wait3A_1402 = tpu.memref_slice %arg5[%dma_wait3A_1400, %dma_wait3A_1401] : memref<200x128xi32, #tpu.memory_space<vmem>> -> memref<1x128xi32, #tpu.memory_space<vmem>>
    %dma_wait3A_1403 = tpu.memref_squeeze %dma_wait3A_1402 : memref<1x128xi32, #tpu.memory_space<vmem>> -> memref<128xi32, #tpu.memory_space<vmem>>
    %dma_wait3A_1404 = arith.constant 0 : i32
    %dma_wait3A_1405 = arith.constant 0 : i32
    %dma_wait3A_1406 = tpu.memref_slice %arg3[%dma_wait3A_1404, %dma_wait3A_1405] : memref<114688x64xf32, #tpu.memory_space<hbm>> -> memref<114688x64xf32, #tpu.memory_space<hbm>>
    tpu.wait_indirect_dma semaphore(%arg7 : memref<!tpu.dma_semaphore, #tpu.memory_space<semaphore_mem>>) src(%dma_wait3A_1406 : memref<114688x64xf32, #tpu.memory_space<hbm>>) dst(%arg6 : memref<128x64xf32, #tpu.memory_space<vmem>>)
    %dma_start3A_1407 = arith.constant 112 : i32
    %dma_start3A_1408 = arith.constant 0 : i32
    %dma_start3A_1409 = tpu.memref_slice %arg5[%dma_start3A_1407, %dma_start3A_1408] : memref<200x128xi32, #tpu.memory_space<vmem>> -> memref<1x128xi32, #tpu.memory_space<vmem>>
    %dma_start3A_1410 = tpu.memref_squeeze %dma_start3A_1409 : memref<1x128xi32, #tpu.memory_space<vmem>> -> memref<128xi32, #tpu.memory_space<vmem>>
    %dma_start3A_1411 = arith.constant 0 : i32
    %dma_start3A_1412 = arith.constant 0 : i32
    %dma_start3A_1413 = tpu.memref_slice %arg3[%dma_start3A_1411, %dma_start3A_1412] : memref<114688x64xf32, #tpu.memory_space<hbm>> -> memref<114688x64xf32, #tpu.memory_space<hbm>>
    tpu.enqueue_indirect_dma source(%dma_start3A_1413 : memref<114688x64xf32, #tpu.memory_space<hbm>>) target(%arg6 : memref<128x64xf32, #tpu.memory_space<vmem>>) offsets(%dma_start3A_1410 : memref<128xi32, #tpu.memory_space<vmem>>) semaphore(%arg7 : memref<!tpu.dma_semaphore, #tpu.memory_space<semaphore_mem>>) {add = true}
    %dma_wait3A_1414 = arith.constant 88 : i32
    %dma_wait3A_1415 = arith.constant 0 : i32
    %dma_wait3A_1416 = tpu.memref_slice %arg5[%dma_wait3A_1414, %dma_wait3A_1415] : memref<200x128xi32, #tpu.memory_space<vmem>> -> memref<1x128xi32, #tpu.memory_space<vmem>>
    %dma_wait3A_1417 = tpu.memref_squeeze %dma_wait3A_1416 : memref<1x128xi32, #tpu.memory_space<vmem>> -> memref<128xi32, #tpu.memory_space<vmem>>
    %dma_wait3A_1418 = arith.constant 0 : i32
    %dma_wait3A_1419 = arith.constant 0 : i32
    %dma_wait3A_1420 = tpu.memref_slice %arg3[%dma_wait3A_1418, %dma_wait3A_1419] : memref<114688x64xf32, #tpu.memory_space<hbm>> -> memref<114688x64xf32, #tpu.memory_space<hbm>>
    tpu.wait_indirect_dma semaphore(%arg7 : memref<!tpu.dma_semaphore, #tpu.memory_space<semaphore_mem>>) src(%dma_wait3A_1420 : memref<114688x64xf32, #tpu.memory_space<hbm>>) dst(%arg6 : memref<128x64xf32, #tpu.memory_space<vmem>>)
    %dma_start3A_1421 = arith.constant 113 : i32
    %dma_start3A_1422 = arith.constant 0 : i32
    %dma_start3A_1423 = tpu.memref_slice %arg5[%dma_start3A_1421, %dma_start3A_1422] : memref<200x128xi32, #tpu.memory_space<vmem>> -> memref<1x128xi32, #tpu.memory_space<vmem>>
    %dma_start3A_1424 = tpu.memref_squeeze %dma_start3A_1423 : memref<1x128xi32, #tpu.memory_space<vmem>> -> memref<128xi32, #tpu.memory_space<vmem>>
    %dma_start3A_1425 = arith.constant 0 : i32
    %dma_start3A_1426 = arith.constant 0 : i32
    %dma_start3A_1427 = tpu.memref_slice %arg3[%dma_start3A_1425, %dma_start3A_1426] : memref<114688x64xf32, #tpu.memory_space<hbm>> -> memref<114688x64xf32, #tpu.memory_space<hbm>>
    tpu.enqueue_indirect_dma source(%dma_start3A_1427 : memref<114688x64xf32, #tpu.memory_space<hbm>>) target(%arg6 : memref<128x64xf32, #tpu.memory_space<vmem>>) offsets(%dma_start3A_1424 : memref<128xi32, #tpu.memory_space<vmem>>) semaphore(%arg7 : memref<!tpu.dma_semaphore, #tpu.memory_space<semaphore_mem>>) {add = true}
    %dma_wait3A_1428 = arith.constant 89 : i32
    %dma_wait3A_1429 = arith.constant 0 : i32
    %dma_wait3A_1430 = tpu.memref_slice %arg5[%dma_wait3A_1428, %dma_wait3A_1429] : memref<200x128xi32, #tpu.memory_space<vmem>> -> memref<1x128xi32, #tpu.memory_space<vmem>>
    %dma_wait3A_1431 = tpu.memref_squeeze %dma_wait3A_1430 : memref<1x128xi32, #tpu.memory_space<vmem>> -> memref<128xi32, #tpu.memory_space<vmem>>
    %dma_wait3A_1432 = arith.constant 0 : i32
    %dma_wait3A_1433 = arith.constant 0 : i32
    %dma_wait3A_1434 = tpu.memref_slice %arg3[%dma_wait3A_1432, %dma_wait3A_1433] : memref<114688x64xf32, #tpu.memory_space<hbm>> -> memref<114688x64xf32, #tpu.memory_space<hbm>>
    tpu.wait_indirect_dma semaphore(%arg7 : memref<!tpu.dma_semaphore, #tpu.memory_space<semaphore_mem>>) src(%dma_wait3A_1434 : memref<114688x64xf32, #tpu.memory_space<hbm>>) dst(%arg6 : memref<128x64xf32, #tpu.memory_space<vmem>>)
    %dma_start3A_1435 = arith.constant 114 : i32
    %dma_start3A_1436 = arith.constant 0 : i32
    %dma_start3A_1437 = tpu.memref_slice %arg5[%dma_start3A_1435, %dma_start3A_1436] : memref<200x128xi32, #tpu.memory_space<vmem>> -> memref<1x128xi32, #tpu.memory_space<vmem>>
    %dma_start3A_1438 = tpu.memref_squeeze %dma_start3A_1437 : memref<1x128xi32, #tpu.memory_space<vmem>> -> memref<128xi32, #tpu.memory_space<vmem>>
    %dma_start3A_1439 = arith.constant 0 : i32
    %dma_start3A_1440 = arith.constant 0 : i32
    %dma_start3A_1441 = tpu.memref_slice %arg3[%dma_start3A_1439, %dma_start3A_1440] : memref<114688x64xf32, #tpu.memory_space<hbm>> -> memref<114688x64xf32, #tpu.memory_space<hbm>>
    tpu.enqueue_indirect_dma source(%dma_start3A_1441 : memref<114688x64xf32, #tpu.memory_space<hbm>>) target(%arg6 : memref<128x64xf32, #tpu.memory_space<vmem>>) offsets(%dma_start3A_1438 : memref<128xi32, #tpu.memory_space<vmem>>) semaphore(%arg7 : memref<!tpu.dma_semaphore, #tpu.memory_space<semaphore_mem>>) {add = true}
    %dma_wait3A_1442 = arith.constant 90 : i32
    %dma_wait3A_1443 = arith.constant 0 : i32
    %dma_wait3A_1444 = tpu.memref_slice %arg5[%dma_wait3A_1442, %dma_wait3A_1443] : memref<200x128xi32, #tpu.memory_space<vmem>> -> memref<1x128xi32, #tpu.memory_space<vmem>>
    %dma_wait3A_1445 = tpu.memref_squeeze %dma_wait3A_1444 : memref<1x128xi32, #tpu.memory_space<vmem>> -> memref<128xi32, #tpu.memory_space<vmem>>
    %dma_wait3A_1446 = arith.constant 0 : i32
    %dma_wait3A_1447 = arith.constant 0 : i32
    %dma_wait3A_1448 = tpu.memref_slice %arg3[%dma_wait3A_1446, %dma_wait3A_1447] : memref<114688x64xf32, #tpu.memory_space<hbm>> -> memref<114688x64xf32, #tpu.memory_space<hbm>>
    tpu.wait_indirect_dma semaphore(%arg7 : memref<!tpu.dma_semaphore, #tpu.memory_space<semaphore_mem>>) src(%dma_wait3A_1448 : memref<114688x64xf32, #tpu.memory_space<hbm>>) dst(%arg6 : memref<128x64xf32, #tpu.memory_space<vmem>>)
    %dma_start3A_1449 = arith.constant 115 : i32
    %dma_start3A_1450 = arith.constant 0 : i32
    %dma_start3A_1451 = tpu.memref_slice %arg5[%dma_start3A_1449, %dma_start3A_1450] : memref<200x128xi32, #tpu.memory_space<vmem>> -> memref<1x128xi32, #tpu.memory_space<vmem>>
    %dma_start3A_1452 = tpu.memref_squeeze %dma_start3A_1451 : memref<1x128xi32, #tpu.memory_space<vmem>> -> memref<128xi32, #tpu.memory_space<vmem>>
    %dma_start3A_1453 = arith.constant 0 : i32
    %dma_start3A_1454 = arith.constant 0 : i32
    %dma_start3A_1455 = tpu.memref_slice %arg3[%dma_start3A_1453, %dma_start3A_1454] : memref<114688x64xf32, #tpu.memory_space<hbm>> -> memref<114688x64xf32, #tpu.memory_space<hbm>>
    tpu.enqueue_indirect_dma source(%dma_start3A_1455 : memref<114688x64xf32, #tpu.memory_space<hbm>>) target(%arg6 : memref<128x64xf32, #tpu.memory_space<vmem>>) offsets(%dma_start3A_1452 : memref<128xi32, #tpu.memory_space<vmem>>) semaphore(%arg7 : memref<!tpu.dma_semaphore, #tpu.memory_space<semaphore_mem>>) {add = true}
    %dma_wait3A_1456 = arith.constant 91 : i32
    %dma_wait3A_1457 = arith.constant 0 : i32
    %dma_wait3A_1458 = tpu.memref_slice %arg5[%dma_wait3A_1456, %dma_wait3A_1457] : memref<200x128xi32, #tpu.memory_space<vmem>> -> memref<1x128xi32, #tpu.memory_space<vmem>>
    %dma_wait3A_1459 = tpu.memref_squeeze %dma_wait3A_1458 : memref<1x128xi32, #tpu.memory_space<vmem>> -> memref<128xi32, #tpu.memory_space<vmem>>
    %dma_wait3A_1460 = arith.constant 0 : i32
    %dma_wait3A_1461 = arith.constant 0 : i32
    %dma_wait3A_1462 = tpu.memref_slice %arg3[%dma_wait3A_1460, %dma_wait3A_1461] : memref<114688x64xf32, #tpu.memory_space<hbm>> -> memref<114688x64xf32, #tpu.memory_space<hbm>>
    tpu.wait_indirect_dma semaphore(%arg7 : memref<!tpu.dma_semaphore, #tpu.memory_space<semaphore_mem>>) src(%dma_wait3A_1462 : memref<114688x64xf32, #tpu.memory_space<hbm>>) dst(%arg6 : memref<128x64xf32, #tpu.memory_space<vmem>>)
    %dma_start3A_1463 = arith.constant 116 : i32
    %dma_start3A_1464 = arith.constant 0 : i32
    %dma_start3A_1465 = tpu.memref_slice %arg5[%dma_start3A_1463, %dma_start3A_1464] : memref<200x128xi32, #tpu.memory_space<vmem>> -> memref<1x128xi32, #tpu.memory_space<vmem>>
    %dma_start3A_1466 = tpu.memref_squeeze %dma_start3A_1465 : memref<1x128xi32, #tpu.memory_space<vmem>> -> memref<128xi32, #tpu.memory_space<vmem>>
    %dma_start3A_1467 = arith.constant 0 : i32
    %dma_start3A_1468 = arith.constant 0 : i32
    %dma_start3A_1469 = tpu.memref_slice %arg3[%dma_start3A_1467, %dma_start3A_1468] : memref<114688x64xf32, #tpu.memory_space<hbm>> -> memref<114688x64xf32, #tpu.memory_space<hbm>>
    tpu.enqueue_indirect_dma source(%dma_start3A_1469 : memref<114688x64xf32, #tpu.memory_space<hbm>>) target(%arg6 : memref<128x64xf32, #tpu.memory_space<vmem>>) offsets(%dma_start3A_1466 : memref<128xi32, #tpu.memory_space<vmem>>) semaphore(%arg7 : memref<!tpu.dma_semaphore, #tpu.memory_space<semaphore_mem>>) {add = true}
    %dma_wait3A_1470 = arith.constant 92 : i32
    %dma_wait3A_1471 = arith.constant 0 : i32
    %dma_wait3A_1472 = tpu.memref_slice %arg5[%dma_wait3A_1470, %dma_wait3A_1471] : memref<200x128xi32, #tpu.memory_space<vmem>> -> memref<1x128xi32, #tpu.memory_space<vmem>>
    %dma_wait3A_1473 = tpu.memref_squeeze %dma_wait3A_1472 : memref<1x128xi32, #tpu.memory_space<vmem>> -> memref<128xi32, #tpu.memory_space<vmem>>
    %dma_wait3A_1474 = arith.constant 0 : i32
    %dma_wait3A_1475 = arith.constant 0 : i32
    %dma_wait3A_1476 = tpu.memref_slice %arg3[%dma_wait3A_1474, %dma_wait3A_1475] : memref<114688x64xf32, #tpu.memory_space<hbm>> -> memref<114688x64xf32, #tpu.memory_space<hbm>>
    tpu.wait_indirect_dma semaphore(%arg7 : memref<!tpu.dma_semaphore, #tpu.memory_space<semaphore_mem>>) src(%dma_wait3A_1476 : memref<114688x64xf32, #tpu.memory_space<hbm>>) dst(%arg6 : memref<128x64xf32, #tpu.memory_space<vmem>>)
    %dma_start3A_1477 = arith.constant 117 : i32
    %dma_start3A_1478 = arith.constant 0 : i32
    %dma_start3A_1479 = tpu.memref_slice %arg5[%dma_start3A_1477, %dma_start3A_1478] : memref<200x128xi32, #tpu.memory_space<vmem>> -> memref<1x128xi32, #tpu.memory_space<vmem>>
    %dma_start3A_1480 = tpu.memref_squeeze %dma_start3A_1479 : memref<1x128xi32, #tpu.memory_space<vmem>> -> memref<128xi32, #tpu.memory_space<vmem>>
    %dma_start3A_1481 = arith.constant 0 : i32
    %dma_start3A_1482 = arith.constant 0 : i32
    %dma_start3A_1483 = tpu.memref_slice %arg3[%dma_start3A_1481, %dma_start3A_1482] : memref<114688x64xf32, #tpu.memory_space<hbm>> -> memref<114688x64xf32, #tpu.memory_space<hbm>>
    tpu.enqueue_indirect_dma source(%dma_start3A_1483 : memref<114688x64xf32, #tpu.memory_space<hbm>>) target(%arg6 : memref<128x64xf32, #tpu.memory_space<vmem>>) offsets(%dma_start3A_1480 : memref<128xi32, #tpu.memory_space<vmem>>) semaphore(%arg7 : memref<!tpu.dma_semaphore, #tpu.memory_space<semaphore_mem>>) {add = true}
    %dma_wait3A_1484 = arith.constant 93 : i32
    %dma_wait3A_1485 = arith.constant 0 : i32
    %dma_wait3A_1486 = tpu.memref_slice %arg5[%dma_wait3A_1484, %dma_wait3A_1485] : memref<200x128xi32, #tpu.memory_space<vmem>> -> memref<1x128xi32, #tpu.memory_space<vmem>>
    %dma_wait3A_1487 = tpu.memref_squeeze %dma_wait3A_1486 : memref<1x128xi32, #tpu.memory_space<vmem>> -> memref<128xi32, #tpu.memory_space<vmem>>
    %dma_wait3A_1488 = arith.constant 0 : i32
    %dma_wait3A_1489 = arith.constant 0 : i32
    %dma_wait3A_1490 = tpu.memref_slice %arg3[%dma_wait3A_1488, %dma_wait3A_1489] : memref<114688x64xf32, #tpu.memory_space<hbm>> -> memref<114688x64xf32, #tpu.memory_space<hbm>>
    tpu.wait_indirect_dma semaphore(%arg7 : memref<!tpu.dma_semaphore, #tpu.memory_space<semaphore_mem>>) src(%dma_wait3A_1490 : memref<114688x64xf32, #tpu.memory_space<hbm>>) dst(%arg6 : memref<128x64xf32, #tpu.memory_space<vmem>>)
    %dma_start3A_1491 = arith.constant 118 : i32
    %dma_start3A_1492 = arith.constant 0 : i32
    %dma_start3A_1493 = tpu.memref_slice %arg5[%dma_start3A_1491, %dma_start3A_1492] : memref<200x128xi32, #tpu.memory_space<vmem>> -> memref<1x128xi32, #tpu.memory_space<vmem>>
    %dma_start3A_1494 = tpu.memref_squeeze %dma_start3A_1493 : memref<1x128xi32, #tpu.memory_space<vmem>> -> memref<128xi32, #tpu.memory_space<vmem>>
    %dma_start3A_1495 = arith.constant 0 : i32
    %dma_start3A_1496 = arith.constant 0 : i32
    %dma_start3A_1497 = tpu.memref_slice %arg3[%dma_start3A_1495, %dma_start3A_1496] : memref<114688x64xf32, #tpu.memory_space<hbm>> -> memref<114688x64xf32, #tpu.memory_space<hbm>>
    tpu.enqueue_indirect_dma source(%dma_start3A_1497 : memref<114688x64xf32, #tpu.memory_space<hbm>>) target(%arg6 : memref<128x64xf32, #tpu.memory_space<vmem>>) offsets(%dma_start3A_1494 : memref<128xi32, #tpu.memory_space<vmem>>) semaphore(%arg7 : memref<!tpu.dma_semaphore, #tpu.memory_space<semaphore_mem>>) {add = true}
    %dma_wait3A_1498 = arith.constant 94 : i32
    %dma_wait3A_1499 = arith.constant 0 : i32
    %dma_wait3A_1500 = tpu.memref_slice %arg5[%dma_wait3A_1498, %dma_wait3A_1499] : memref<200x128xi32, #tpu.memory_space<vmem>> -> memref<1x128xi32, #tpu.memory_space<vmem>>
    %dma_wait3A_1501 = tpu.memref_squeeze %dma_wait3A_1500 : memref<1x128xi32, #tpu.memory_space<vmem>> -> memref<128xi32, #tpu.memory_space<vmem>>
    %dma_wait3A_1502 = arith.constant 0 : i32
    %dma_wait3A_1503 = arith.constant 0 : i32
    %dma_wait3A_1504 = tpu.memref_slice %arg3[%dma_wait3A_1502, %dma_wait3A_1503] : memref<114688x64xf32, #tpu.memory_space<hbm>> -> memref<114688x64xf32, #tpu.memory_space<hbm>>
    tpu.wait_indirect_dma semaphore(%arg7 : memref<!tpu.dma_semaphore, #tpu.memory_space<semaphore_mem>>) src(%dma_wait3A_1504 : memref<114688x64xf32, #tpu.memory_space<hbm>>) dst(%arg6 : memref<128x64xf32, #tpu.memory_space<vmem>>)
    %dma_start3A_1505 = arith.constant 119 : i32
    %dma_start3A_1506 = arith.constant 0 : i32
    %dma_start3A_1507 = tpu.memref_slice %arg5[%dma_start3A_1505, %dma_start3A_1506] : memref<200x128xi32, #tpu.memory_space<vmem>> -> memref<1x128xi32, #tpu.memory_space<vmem>>
    %dma_start3A_1508 = tpu.memref_squeeze %dma_start3A_1507 : memref<1x128xi32, #tpu.memory_space<vmem>> -> memref<128xi32, #tpu.memory_space<vmem>>
    %dma_start3A_1509 = arith.constant 0 : i32
    %dma_start3A_1510 = arith.constant 0 : i32
    %dma_start3A_1511 = tpu.memref_slice %arg3[%dma_start3A_1509, %dma_start3A_1510] : memref<114688x64xf32, #tpu.memory_space<hbm>> -> memref<114688x64xf32, #tpu.memory_space<hbm>>
    tpu.enqueue_indirect_dma source(%dma_start3A_1511 : memref<114688x64xf32, #tpu.memory_space<hbm>>) target(%arg6 : memref<128x64xf32, #tpu.memory_space<vmem>>) offsets(%dma_start3A_1508 : memref<128xi32, #tpu.memory_space<vmem>>) semaphore(%arg7 : memref<!tpu.dma_semaphore, #tpu.memory_space<semaphore_mem>>) {add = true}
    %dma_wait3A_1512 = arith.constant 95 : i32
    %dma_wait3A_1513 = arith.constant 0 : i32
    %dma_wait3A_1514 = tpu.memref_slice %arg5[%dma_wait3A_1512, %dma_wait3A_1513] : memref<200x128xi32, #tpu.memory_space<vmem>> -> memref<1x128xi32, #tpu.memory_space<vmem>>
    %dma_wait3A_1515 = tpu.memref_squeeze %dma_wait3A_1514 : memref<1x128xi32, #tpu.memory_space<vmem>> -> memref<128xi32, #tpu.memory_space<vmem>>
    %dma_wait3A_1516 = arith.constant 0 : i32
    %dma_wait3A_1517 = arith.constant 0 : i32
    %dma_wait3A_1518 = tpu.memref_slice %arg3[%dma_wait3A_1516, %dma_wait3A_1517] : memref<114688x64xf32, #tpu.memory_space<hbm>> -> memref<114688x64xf32, #tpu.memory_space<hbm>>
    tpu.wait_indirect_dma semaphore(%arg7 : memref<!tpu.dma_semaphore, #tpu.memory_space<semaphore_mem>>) src(%dma_wait3A_1518 : memref<114688x64xf32, #tpu.memory_space<hbm>>) dst(%arg6 : memref<128x64xf32, #tpu.memory_space<vmem>>)
    %dma_start3A_1519 = arith.constant 120 : i32
    %dma_start3A_1520 = arith.constant 0 : i32
    %dma_start3A_1521 = tpu.memref_slice %arg5[%dma_start3A_1519, %dma_start3A_1520] : memref<200x128xi32, #tpu.memory_space<vmem>> -> memref<1x128xi32, #tpu.memory_space<vmem>>
    %dma_start3A_1522 = tpu.memref_squeeze %dma_start3A_1521 : memref<1x128xi32, #tpu.memory_space<vmem>> -> memref<128xi32, #tpu.memory_space<vmem>>
    %dma_start3A_1523 = arith.constant 0 : i32
    %dma_start3A_1524 = arith.constant 0 : i32
    %dma_start3A_1525 = tpu.memref_slice %arg3[%dma_start3A_1523, %dma_start3A_1524] : memref<114688x64xf32, #tpu.memory_space<hbm>> -> memref<114688x64xf32, #tpu.memory_space<hbm>>
    tpu.enqueue_indirect_dma source(%dma_start3A_1525 : memref<114688x64xf32, #tpu.memory_space<hbm>>) target(%arg6 : memref<128x64xf32, #tpu.memory_space<vmem>>) offsets(%dma_start3A_1522 : memref<128xi32, #tpu.memory_space<vmem>>) semaphore(%arg7 : memref<!tpu.dma_semaphore, #tpu.memory_space<semaphore_mem>>) {add = true}
    %dma_wait3A_1526 = arith.constant 96 : i32
    %dma_wait3A_1527 = arith.constant 0 : i32
    %dma_wait3A_1528 = tpu.memref_slice %arg5[%dma_wait3A_1526, %dma_wait3A_1527] : memref<200x128xi32, #tpu.memory_space<vmem>> -> memref<1x128xi32, #tpu.memory_space<vmem>>
    %dma_wait3A_1529 = tpu.memref_squeeze %dma_wait3A_1528 : memref<1x128xi32, #tpu.memory_space<vmem>> -> memref<128xi32, #tpu.memory_space<vmem>>
    %dma_wait3A_1530 = arith.constant 0 : i32
    %dma_wait3A_1531 = arith.constant 0 : i32
    %dma_wait3A_1532 = tpu.memref_slice %arg3[%dma_wait3A_1530, %dma_wait3A_1531] : memref<114688x64xf32, #tpu.memory_space<hbm>> -> memref<114688x64xf32, #tpu.memory_space<hbm>>
    tpu.wait_indirect_dma semaphore(%arg7 : memref<!tpu.dma_semaphore, #tpu.memory_space<semaphore_mem>>) src(%dma_wait3A_1532 : memref<114688x64xf32, #tpu.memory_space<hbm>>) dst(%arg6 : memref<128x64xf32, #tpu.memory_space<vmem>>)
    %dma_start3A_1533 = arith.constant 121 : i32
    %dma_start3A_1534 = arith.constant 0 : i32
    %dma_start3A_1535 = tpu.memref_slice %arg5[%dma_start3A_1533, %dma_start3A_1534] : memref<200x128xi32, #tpu.memory_space<vmem>> -> memref<1x128xi32, #tpu.memory_space<vmem>>
    %dma_start3A_1536 = tpu.memref_squeeze %dma_start3A_1535 : memref<1x128xi32, #tpu.memory_space<vmem>> -> memref<128xi32, #tpu.memory_space<vmem>>
    %dma_start3A_1537 = arith.constant 0 : i32
    %dma_start3A_1538 = arith.constant 0 : i32
    %dma_start3A_1539 = tpu.memref_slice %arg3[%dma_start3A_1537, %dma_start3A_1538] : memref<114688x64xf32, #tpu.memory_space<hbm>> -> memref<114688x64xf32, #tpu.memory_space<hbm>>
    tpu.enqueue_indirect_dma source(%dma_start3A_1539 : memref<114688x64xf32, #tpu.memory_space<hbm>>) target(%arg6 : memref<128x64xf32, #tpu.memory_space<vmem>>) offsets(%dma_start3A_1536 : memref<128xi32, #tpu.memory_space<vmem>>) semaphore(%arg7 : memref<!tpu.dma_semaphore, #tpu.memory_space<semaphore_mem>>) {add = true}
    %dma_wait3A_1540 = arith.constant 97 : i32
    %dma_wait3A_1541 = arith.constant 0 : i32
    %dma_wait3A_1542 = tpu.memref_slice %arg5[%dma_wait3A_1540, %dma_wait3A_1541] : memref<200x128xi32, #tpu.memory_space<vmem>> -> memref<1x128xi32, #tpu.memory_space<vmem>>
    %dma_wait3A_1543 = tpu.memref_squeeze %dma_wait3A_1542 : memref<1x128xi32, #tpu.memory_space<vmem>> -> memref<128xi32, #tpu.memory_space<vmem>>
    %dma_wait3A_1544 = arith.constant 0 : i32
    %dma_wait3A_1545 = arith.constant 0 : i32
    %dma_wait3A_1546 = tpu.memref_slice %arg3[%dma_wait3A_1544, %dma_wait3A_1545] : memref<114688x64xf32, #tpu.memory_space<hbm>> -> memref<114688x64xf32, #tpu.memory_space<hbm>>
    tpu.wait_indirect_dma semaphore(%arg7 : memref<!tpu.dma_semaphore, #tpu.memory_space<semaphore_mem>>) src(%dma_wait3A_1546 : memref<114688x64xf32, #tpu.memory_space<hbm>>) dst(%arg6 : memref<128x64xf32, #tpu.memory_space<vmem>>)
    %dma_start3A_1547 = arith.constant 122 : i32
    %dma_start3A_1548 = arith.constant 0 : i32
    %dma_start3A_1549 = tpu.memref_slice %arg5[%dma_start3A_1547, %dma_start3A_1548] : memref<200x128xi32, #tpu.memory_space<vmem>> -> memref<1x128xi32, #tpu.memory_space<vmem>>
    %dma_start3A_1550 = tpu.memref_squeeze %dma_start3A_1549 : memref<1x128xi32, #tpu.memory_space<vmem>> -> memref<128xi32, #tpu.memory_space<vmem>>
    %dma_start3A_1551 = arith.constant 0 : i32
    %dma_start3A_1552 = arith.constant 0 : i32
    %dma_start3A_1553 = tpu.memref_slice %arg3[%dma_start3A_1551, %dma_start3A_1552] : memref<114688x64xf32, #tpu.memory_space<hbm>> -> memref<114688x64xf32, #tpu.memory_space<hbm>>
    tpu.enqueue_indirect_dma source(%dma_start3A_1553 : memref<114688x64xf32, #tpu.memory_space<hbm>>) target(%arg6 : memref<128x64xf32, #tpu.memory_space<vmem>>) offsets(%dma_start3A_1550 : memref<128xi32, #tpu.memory_space<vmem>>) semaphore(%arg7 : memref<!tpu.dma_semaphore, #tpu.memory_space<semaphore_mem>>) {add = true}
    %dma_wait3A_1554 = arith.constant 98 : i32
    %dma_wait3A_1555 = arith.constant 0 : i32
    %dma_wait3A_1556 = tpu.memref_slice %arg5[%dma_wait3A_1554, %dma_wait3A_1555] : memref<200x128xi32, #tpu.memory_space<vmem>> -> memref<1x128xi32, #tpu.memory_space<vmem>>
    %dma_wait3A_1557 = tpu.memref_squeeze %dma_wait3A_1556 : memref<1x128xi32, #tpu.memory_space<vmem>> -> memref<128xi32, #tpu.memory_space<vmem>>
    %dma_wait3A_1558 = arith.constant 0 : i32
    %dma_wait3A_1559 = arith.constant 0 : i32
    %dma_wait3A_1560 = tpu.memref_slice %arg3[%dma_wait3A_1558, %dma_wait3A_1559] : memref<114688x64xf32, #tpu.memory_space<hbm>> -> memref<114688x64xf32, #tpu.memory_space<hbm>>
    tpu.wait_indirect_dma semaphore(%arg7 : memref<!tpu.dma_semaphore, #tpu.memory_space<semaphore_mem>>) src(%dma_wait3A_1560 : memref<114688x64xf32, #tpu.memory_space<hbm>>) dst(%arg6 : memref<128x64xf32, #tpu.memory_space<vmem>>)
    %dma_start3A_1561 = arith.constant 123 : i32
    %dma_start3A_1562 = arith.constant 0 : i32
    %dma_start3A_1563 = tpu.memref_slice %arg5[%dma_start3A_1561, %dma_start3A_1562] : memref<200x128xi32, #tpu.memory_space<vmem>> -> memref<1x128xi32, #tpu.memory_space<vmem>>
    %dma_start3A_1564 = tpu.memref_squeeze %dma_start3A_1563 : memref<1x128xi32, #tpu.memory_space<vmem>> -> memref<128xi32, #tpu.memory_space<vmem>>
    %dma_start3A_1565 = arith.constant 0 : i32
    %dma_start3A_1566 = arith.constant 0 : i32
    %dma_start3A_1567 = tpu.memref_slice %arg3[%dma_start3A_1565, %dma_start3A_1566] : memref<114688x64xf32, #tpu.memory_space<hbm>> -> memref<114688x64xf32, #tpu.memory_space<hbm>>
    tpu.enqueue_indirect_dma source(%dma_start3A_1567 : memref<114688x64xf32, #tpu.memory_space<hbm>>) target(%arg6 : memref<128x64xf32, #tpu.memory_space<vmem>>) offsets(%dma_start3A_1564 : memref<128xi32, #tpu.memory_space<vmem>>) semaphore(%arg7 : memref<!tpu.dma_semaphore, #tpu.memory_space<semaphore_mem>>) {add = true}
    %dma_wait3A_1568 = arith.constant 99 : i32
    %dma_wait3A_1569 = arith.constant 0 : i32
    %dma_wait3A_1570 = tpu.memref_slice %arg5[%dma_wait3A_1568, %dma_wait3A_1569] : memref<200x128xi32, #tpu.memory_space<vmem>> -> memref<1x128xi32, #tpu.memory_space<vmem>>
    %dma_wait3A_1571 = tpu.memref_squeeze %dma_wait3A_1570 : memref<1x128xi32, #tpu.memory_space<vmem>> -> memref<128xi32, #tpu.memory_space<vmem>>
    %dma_wait3A_1572 = arith.constant 0 : i32
    %dma_wait3A_1573 = arith.constant 0 : i32
    %dma_wait3A_1574 = tpu.memref_slice %arg3[%dma_wait3A_1572, %dma_wait3A_1573] : memref<114688x64xf32, #tpu.memory_space<hbm>> -> memref<114688x64xf32, #tpu.memory_space<hbm>>
    tpu.wait_indirect_dma semaphore(%arg7 : memref<!tpu.dma_semaphore, #tpu.memory_space<semaphore_mem>>) src(%dma_wait3A_1574 : memref<114688x64xf32, #tpu.memory_space<hbm>>) dst(%arg6 : memref<128x64xf32, #tpu.memory_space<vmem>>)
    %dma_start3A_1575 = arith.constant 124 : i32
    %dma_start3A_1576 = arith.constant 0 : i32
    %dma_start3A_1577 = tpu.memref_slice %arg5[%dma_start3A_1575, %dma_start3A_1576] : memref<200x128xi32, #tpu.memory_space<vmem>> -> memref<1x128xi32, #tpu.memory_space<vmem>>
    %dma_start3A_1578 = tpu.memref_squeeze %dma_start3A_1577 : memref<1x128xi32, #tpu.memory_space<vmem>> -> memref<128xi32, #tpu.memory_space<vmem>>
    %dma_start3A_1579 = arith.constant 0 : i32
    %dma_start3A_1580 = arith.constant 0 : i32
    %dma_start3A_1581 = tpu.memref_slice %arg3[%dma_start3A_1579, %dma_start3A_1580] : memref<114688x64xf32, #tpu.memory_space<hbm>> -> memref<114688x64xf32, #tpu.memory_space<hbm>>
    tpu.enqueue_indirect_dma source(%dma_start3A_1581 : memref<114688x64xf32, #tpu.memory_space<hbm>>) target(%arg6 : memref<128x64xf32, #tpu.memory_space<vmem>>) offsets(%dma_start3A_1578 : memref<128xi32, #tpu.memory_space<vmem>>) semaphore(%arg7 : memref<!tpu.dma_semaphore, #tpu.memory_space<semaphore_mem>>) {add = true}
    %dma_wait3A_1582 = arith.constant 100 : i32
    %dma_wait3A_1583 = arith.constant 0 : i32
    %dma_wait3A_1584 = tpu.memref_slice %arg5[%dma_wait3A_1582, %dma_wait3A_1583] : memref<200x128xi32, #tpu.memory_space<vmem>> -> memref<1x128xi32, #tpu.memory_space<vmem>>
    %dma_wait3A_1585 = tpu.memref_squeeze %dma_wait3A_1584 : memref<1x128xi32, #tpu.memory_space<vmem>> -> memref<128xi32, #tpu.memory_space<vmem>>
    %dma_wait3A_1586 = arith.constant 0 : i32
    %dma_wait3A_1587 = arith.constant 0 : i32
    %dma_wait3A_1588 = tpu.memref_slice %arg3[%dma_wait3A_1586, %dma_wait3A_1587] : memref<114688x64xf32, #tpu.memory_space<hbm>> -> memref<114688x64xf32, #tpu.memory_space<hbm>>
    tpu.wait_indirect_dma semaphore(%arg7 : memref<!tpu.dma_semaphore, #tpu.memory_space<semaphore_mem>>) src(%dma_wait3A_1588 : memref<114688x64xf32, #tpu.memory_space<hbm>>) dst(%arg6 : memref<128x64xf32, #tpu.memory_space<vmem>>)
    %dma_start3A_1589 = arith.constant 125 : i32
    %dma_start3A_1590 = arith.constant 0 : i32
    %dma_start3A_1591 = tpu.memref_slice %arg5[%dma_start3A_1589, %dma_start3A_1590] : memref<200x128xi32, #tpu.memory_space<vmem>> -> memref<1x128xi32, #tpu.memory_space<vmem>>
    %dma_start3A_1592 = tpu.memref_squeeze %dma_start3A_1591 : memref<1x128xi32, #tpu.memory_space<vmem>> -> memref<128xi32, #tpu.memory_space<vmem>>
    %dma_start3A_1593 = arith.constant 0 : i32
    %dma_start3A_1594 = arith.constant 0 : i32
    %dma_start3A_1595 = tpu.memref_slice %arg3[%dma_start3A_1593, %dma_start3A_1594] : memref<114688x64xf32, #tpu.memory_space<hbm>> -> memref<114688x64xf32, #tpu.memory_space<hbm>>
    tpu.enqueue_indirect_dma source(%dma_start3A_1595 : memref<114688x64xf32, #tpu.memory_space<hbm>>) target(%arg6 : memref<128x64xf32, #tpu.memory_space<vmem>>) offsets(%dma_start3A_1592 : memref<128xi32, #tpu.memory_space<vmem>>) semaphore(%arg7 : memref<!tpu.dma_semaphore, #tpu.memory_space<semaphore_mem>>) {add = true}
    %dma_wait3A_1596 = arith.constant 101 : i32
    %dma_wait3A_1597 = arith.constant 0 : i32
    %dma_wait3A_1598 = tpu.memref_slice %arg5[%dma_wait3A_1596, %dma_wait3A_1597] : memref<200x128xi32, #tpu.memory_space<vmem>> -> memref<1x128xi32, #tpu.memory_space<vmem>>
    %dma_wait3A_1599 = tpu.memref_squeeze %dma_wait3A_1598 : memref<1x128xi32, #tpu.memory_space<vmem>> -> memref<128xi32, #tpu.memory_space<vmem>>
    %dma_wait3A_1600 = arith.constant 0 : i32
    %dma_wait3A_1601 = arith.constant 0 : i32
    %dma_wait3A_1602 = tpu.memref_slice %arg3[%dma_wait3A_1600, %dma_wait3A_1601] : memref<114688x64xf32, #tpu.memory_space<hbm>> -> memref<114688x64xf32, #tpu.memory_space<hbm>>
    tpu.wait_indirect_dma semaphore(%arg7 : memref<!tpu.dma_semaphore, #tpu.memory_space<semaphore_mem>>) src(%dma_wait3A_1602 : memref<114688x64xf32, #tpu.memory_space<hbm>>) dst(%arg6 : memref<128x64xf32, #tpu.memory_space<vmem>>)
    %dma_start3A_1603 = arith.constant 126 : i32
    %dma_start3A_1604 = arith.constant 0 : i32
    %dma_start3A_1605 = tpu.memref_slice %arg5[%dma_start3A_1603, %dma_start3A_1604] : memref<200x128xi32, #tpu.memory_space<vmem>> -> memref<1x128xi32, #tpu.memory_space<vmem>>
    %dma_start3A_1606 = tpu.memref_squeeze %dma_start3A_1605 : memref<1x128xi32, #tpu.memory_space<vmem>> -> memref<128xi32, #tpu.memory_space<vmem>>
    %dma_start3A_1607 = arith.constant 0 : i32
    %dma_start3A_1608 = arith.constant 0 : i32
    %dma_start3A_1609 = tpu.memref_slice %arg3[%dma_start3A_1607, %dma_start3A_1608] : memref<114688x64xf32, #tpu.memory_space<hbm>> -> memref<114688x64xf32, #tpu.memory_space<hbm>>
    tpu.enqueue_indirect_dma source(%dma_start3A_1609 : memref<114688x64xf32, #tpu.memory_space<hbm>>) target(%arg6 : memref<128x64xf32, #tpu.memory_space<vmem>>) offsets(%dma_start3A_1606 : memref<128xi32, #tpu.memory_space<vmem>>) semaphore(%arg7 : memref<!tpu.dma_semaphore, #tpu.memory_space<semaphore_mem>>) {add = true}
    %dma_wait3A_1610 = arith.constant 102 : i32
    %dma_wait3A_1611 = arith.constant 0 : i32
    %dma_wait3A_1612 = tpu.memref_slice %arg5[%dma_wait3A_1610, %dma_wait3A_1611] : memref<200x128xi32, #tpu.memory_space<vmem>> -> memref<1x128xi32, #tpu.memory_space<vmem>>
    %dma_wait3A_1613 = tpu.memref_squeeze %dma_wait3A_1612 : memref<1x128xi32, #tpu.memory_space<vmem>> -> memref<128xi32, #tpu.memory_space<vmem>>
    %dma_wait3A_1614 = arith.constant 0 : i32
    %dma_wait3A_1615 = arith.constant 0 : i32
    %dma_wait3A_1616 = tpu.memref_slice %arg3[%dma_wait3A_1614, %dma_wait3A_1615] : memref<114688x64xf32, #tpu.memory_space<hbm>> -> memref<114688x64xf32, #tpu.memory_space<hbm>>
    tpu.wait_indirect_dma semaphore(%arg7 : memref<!tpu.dma_semaphore, #tpu.memory_space<semaphore_mem>>) src(%dma_wait3A_1616 : memref<114688x64xf32, #tpu.memory_space<hbm>>) dst(%arg6 : memref<128x64xf32, #tpu.memory_space<vmem>>)
    %dma_start3A_1617 = arith.constant 127 : i32
    %dma_start3A_1618 = arith.constant 0 : i32
    %dma_start3A_1619 = tpu.memref_slice %arg5[%dma_start3A_1617, %dma_start3A_1618] : memref<200x128xi32, #tpu.memory_space<vmem>> -> memref<1x128xi32, #tpu.memory_space<vmem>>
    %dma_start3A_1620 = tpu.memref_squeeze %dma_start3A_1619 : memref<1x128xi32, #tpu.memory_space<vmem>> -> memref<128xi32, #tpu.memory_space<vmem>>
    %dma_start3A_1621 = arith.constant 0 : i32
    %dma_start3A_1622 = arith.constant 0 : i32
    %dma_start3A_1623 = tpu.memref_slice %arg3[%dma_start3A_1621, %dma_start3A_1622] : memref<114688x64xf32, #tpu.memory_space<hbm>> -> memref<114688x64xf32, #tpu.memory_space<hbm>>
    tpu.enqueue_indirect_dma source(%dma_start3A_1623 : memref<114688x64xf32, #tpu.memory_space<hbm>>) target(%arg6 : memref<128x64xf32, #tpu.memory_space<vmem>>) offsets(%dma_start3A_1620 : memref<128xi32, #tpu.memory_space<vmem>>) semaphore(%arg7 : memref<!tpu.dma_semaphore, #tpu.memory_space<semaphore_mem>>) {add = true}
    %dma_wait3A_1624 = arith.constant 103 : i32
    %dma_wait3A_1625 = arith.constant 0 : i32
    %dma_wait3A_1626 = tpu.memref_slice %arg5[%dma_wait3A_1624, %dma_wait3A_1625] : memref<200x128xi32, #tpu.memory_space<vmem>> -> memref<1x128xi32, #tpu.memory_space<vmem>>
    %dma_wait3A_1627 = tpu.memref_squeeze %dma_wait3A_1626 : memref<1x128xi32, #tpu.memory_space<vmem>> -> memref<128xi32, #tpu.memory_space<vmem>>
    %dma_wait3A_1628 = arith.constant 0 : i32
    %dma_wait3A_1629 = arith.constant 0 : i32
    %dma_wait3A_1630 = tpu.memref_slice %arg3[%dma_wait3A_1628, %dma_wait3A_1629] : memref<114688x64xf32, #tpu.memory_space<hbm>> -> memref<114688x64xf32, #tpu.memory_space<hbm>>
    tpu.wait_indirect_dma semaphore(%arg7 : memref<!tpu.dma_semaphore, #tpu.memory_space<semaphore_mem>>) src(%dma_wait3A_1630 : memref<114688x64xf32, #tpu.memory_space<hbm>>) dst(%arg6 : memref<128x64xf32, #tpu.memory_space<vmem>>)
    %dma_start3A_1631 = arith.constant 128 : i32
    %dma_start3A_1632 = arith.constant 0 : i32
    %dma_start3A_1633 = tpu.memref_slice %arg5[%dma_start3A_1631, %dma_start3A_1632] : memref<200x128xi32, #tpu.memory_space<vmem>> -> memref<1x128xi32, #tpu.memory_space<vmem>>
    %dma_start3A_1634 = tpu.memref_squeeze %dma_start3A_1633 : memref<1x128xi32, #tpu.memory_space<vmem>> -> memref<128xi32, #tpu.memory_space<vmem>>
    %dma_start3A_1635 = arith.constant 0 : i32
    %dma_start3A_1636 = arith.constant 0 : i32
    %dma_start3A_1637 = tpu.memref_slice %arg3[%dma_start3A_1635, %dma_start3A_1636] : memref<114688x64xf32, #tpu.memory_space<hbm>> -> memref<114688x64xf32, #tpu.memory_space<hbm>>
    tpu.enqueue_indirect_dma source(%dma_start3A_1637 : memref<114688x64xf32, #tpu.memory_space<hbm>>) target(%arg6 : memref<128x64xf32, #tpu.memory_space<vmem>>) offsets(%dma_start3A_1634 : memref<128xi32, #tpu.memory_space<vmem>>) semaphore(%arg7 : memref<!tpu.dma_semaphore, #tpu.memory_space<semaphore_mem>>) {add = true}
    %dma_wait3A_1638 = arith.constant 104 : i32
    %dma_wait3A_1639 = arith.constant 0 : i32
    %dma_wait3A_1640 = tpu.memref_slice %arg5[%dma_wait3A_1638, %dma_wait3A_1639] : memref<200x128xi32, #tpu.memory_space<vmem>> -> memref<1x128xi32, #tpu.memory_space<vmem>>
    %dma_wait3A_1641 = tpu.memref_squeeze %dma_wait3A_1640 : memref<1x128xi32, #tpu.memory_space<vmem>> -> memref<128xi32, #tpu.memory_space<vmem>>
    %dma_wait3A_1642 = arith.constant 0 : i32
    %dma_wait3A_1643 = arith.constant 0 : i32
    %dma_wait3A_1644 = tpu.memref_slice %arg3[%dma_wait3A_1642, %dma_wait3A_1643] : memref<114688x64xf32, #tpu.memory_space<hbm>> -> memref<114688x64xf32, #tpu.memory_space<hbm>>
    tpu.wait_indirect_dma semaphore(%arg7 : memref<!tpu.dma_semaphore, #tpu.memory_space<semaphore_mem>>) src(%dma_wait3A_1644 : memref<114688x64xf32, #tpu.memory_space<hbm>>) dst(%arg6 : memref<128x64xf32, #tpu.memory_space<vmem>>)
    %dma_start3A_1645 = arith.constant 129 : i32
    %dma_start3A_1646 = arith.constant 0 : i32
    %dma_start3A_1647 = tpu.memref_slice %arg5[%dma_start3A_1645, %dma_start3A_1646] : memref<200x128xi32, #tpu.memory_space<vmem>> -> memref<1x128xi32, #tpu.memory_space<vmem>>
    %dma_start3A_1648 = tpu.memref_squeeze %dma_start3A_1647 : memref<1x128xi32, #tpu.memory_space<vmem>> -> memref<128xi32, #tpu.memory_space<vmem>>
    %dma_start3A_1649 = arith.constant 0 : i32
    %dma_start3A_1650 = arith.constant 0 : i32
    %dma_start3A_1651 = tpu.memref_slice %arg3[%dma_start3A_1649, %dma_start3A_1650] : memref<114688x64xf32, #tpu.memory_space<hbm>> -> memref<114688x64xf32, #tpu.memory_space<hbm>>
    tpu.enqueue_indirect_dma source(%dma_start3A_1651 : memref<114688x64xf32, #tpu.memory_space<hbm>>) target(%arg6 : memref<128x64xf32, #tpu.memory_space<vmem>>) offsets(%dma_start3A_1648 : memref<128xi32, #tpu.memory_space<vmem>>) semaphore(%arg7 : memref<!tpu.dma_semaphore, #tpu.memory_space<semaphore_mem>>) {add = true}
    %dma_wait3A_1652 = arith.constant 105 : i32
    %dma_wait3A_1653 = arith.constant 0 : i32
    %dma_wait3A_1654 = tpu.memref_slice %arg5[%dma_wait3A_1652, %dma_wait3A_1653] : memref<200x128xi32, #tpu.memory_space<vmem>> -> memref<1x128xi32, #tpu.memory_space<vmem>>
    %dma_wait3A_1655 = tpu.memref_squeeze %dma_wait3A_1654 : memref<1x128xi32, #tpu.memory_space<vmem>> -> memref<128xi32, #tpu.memory_space<vmem>>
    %dma_wait3A_1656 = arith.constant 0 : i32
    %dma_wait3A_1657 = arith.constant 0 : i32
    %dma_wait3A_1658 = tpu.memref_slice %arg3[%dma_wait3A_1656, %dma_wait3A_1657] : memref<114688x64xf32, #tpu.memory_space<hbm>> -> memref<114688x64xf32, #tpu.memory_space<hbm>>
    tpu.wait_indirect_dma semaphore(%arg7 : memref<!tpu.dma_semaphore, #tpu.memory_space<semaphore_mem>>) src(%dma_wait3A_1658 : memref<114688x64xf32, #tpu.memory_space<hbm>>) dst(%arg6 : memref<128x64xf32, #tpu.memory_space<vmem>>)
    %dma_start3A_1659 = arith.constant 130 : i32
    %dma_start3A_1660 = arith.constant 0 : i32
    %dma_start3A_1661 = tpu.memref_slice %arg5[%dma_start3A_1659, %dma_start3A_1660] : memref<200x128xi32, #tpu.memory_space<vmem>> -> memref<1x128xi32, #tpu.memory_space<vmem>>
    %dma_start3A_1662 = tpu.memref_squeeze %dma_start3A_1661 : memref<1x128xi32, #tpu.memory_space<vmem>> -> memref<128xi32, #tpu.memory_space<vmem>>
    %dma_start3A_1663 = arith.constant 0 : i32
    %dma_start3A_1664 = arith.constant 0 : i32
    %dma_start3A_1665 = tpu.memref_slice %arg3[%dma_start3A_1663, %dma_start3A_1664] : memref<114688x64xf32, #tpu.memory_space<hbm>> -> memref<114688x64xf32, #tpu.memory_space<hbm>>
    tpu.enqueue_indirect_dma source(%dma_start3A_1665 : memref<114688x64xf32, #tpu.memory_space<hbm>>) target(%arg6 : memref<128x64xf32, #tpu.memory_space<vmem>>) offsets(%dma_start3A_1662 : memref<128xi32, #tpu.memory_space<vmem>>) semaphore(%arg7 : memref<!tpu.dma_semaphore, #tpu.memory_space<semaphore_mem>>) {add = true}
    %dma_wait3A_1666 = arith.constant 106 : i32
    %dma_wait3A_1667 = arith.constant 0 : i32
    %dma_wait3A_1668 = tpu.memref_slice %arg5[%dma_wait3A_1666, %dma_wait3A_1667] : memref<200x128xi32, #tpu.memory_space<vmem>> -> memref<1x128xi32, #tpu.memory_space<vmem>>
    %dma_wait3A_1669 = tpu.memref_squeeze %dma_wait3A_1668 : memref<1x128xi32, #tpu.memory_space<vmem>> -> memref<128xi32, #tpu.memory_space<vmem>>
    %dma_wait3A_1670 = arith.constant 0 : i32
    %dma_wait3A_1671 = arith.constant 0 : i32
    %dma_wait3A_1672 = tpu.memref_slice %arg3[%dma_wait3A_1670, %dma_wait3A_1671] : memref<114688x64xf32, #tpu.memory_space<hbm>> -> memref<114688x64xf32, #tpu.memory_space<hbm>>
    tpu.wait_indirect_dma semaphore(%arg7 : memref<!tpu.dma_semaphore, #tpu.memory_space<semaphore_mem>>) src(%dma_wait3A_1672 : memref<114688x64xf32, #tpu.memory_space<hbm>>) dst(%arg6 : memref<128x64xf32, #tpu.memory_space<vmem>>)
    %dma_start3A_1673 = arith.constant 131 : i32
    %dma_start3A_1674 = arith.constant 0 : i32
    %dma_start3A_1675 = tpu.memref_slice %arg5[%dma_start3A_1673, %dma_start3A_1674] : memref<200x128xi32, #tpu.memory_space<vmem>> -> memref<1x128xi32, #tpu.memory_space<vmem>>
    %dma_start3A_1676 = tpu.memref_squeeze %dma_start3A_1675 : memref<1x128xi32, #tpu.memory_space<vmem>> -> memref<128xi32, #tpu.memory_space<vmem>>
    %dma_start3A_1677 = arith.constant 0 : i32
    %dma_start3A_1678 = arith.constant 0 : i32
    %dma_start3A_1679 = tpu.memref_slice %arg3[%dma_start3A_1677, %dma_start3A_1678] : memref<114688x64xf32, #tpu.memory_space<hbm>> -> memref<114688x64xf32, #tpu.memory_space<hbm>>
    tpu.enqueue_indirect_dma source(%dma_start3A_1679 : memref<114688x64xf32, #tpu.memory_space<hbm>>) target(%arg6 : memref<128x64xf32, #tpu.memory_space<vmem>>) offsets(%dma_start3A_1676 : memref<128xi32, #tpu.memory_space<vmem>>) semaphore(%arg7 : memref<!tpu.dma_semaphore, #tpu.memory_space<semaphore_mem>>) {add = true}
    %dma_wait3A_1680 = arith.constant 107 : i32
    %dma_wait3A_1681 = arith.constant 0 : i32
    %dma_wait3A_1682 = tpu.memref_slice %arg5[%dma_wait3A_1680, %dma_wait3A_1681] : memref<200x128xi32, #tpu.memory_space<vmem>> -> memref<1x128xi32, #tpu.memory_space<vmem>>
    %dma_wait3A_1683 = tpu.memref_squeeze %dma_wait3A_1682 : memref<1x128xi32, #tpu.memory_space<vmem>> -> memref<128xi32, #tpu.memory_space<vmem>>
    %dma_wait3A_1684 = arith.constant 0 : i32
    %dma_wait3A_1685 = arith.constant 0 : i32
    %dma_wait3A_1686 = tpu.memref_slice %arg3[%dma_wait3A_1684, %dma_wait3A_1685] : memref<114688x64xf32, #tpu.memory_space<hbm>> -> memref<114688x64xf32, #tpu.memory_space<hbm>>
    tpu.wait_indirect_dma semaphore(%arg7 : memref<!tpu.dma_semaphore, #tpu.memory_space<semaphore_mem>>) src(%dma_wait3A_1686 : memref<114688x64xf32, #tpu.memory_space<hbm>>) dst(%arg6 : memref<128x64xf32, #tpu.memory_space<vmem>>)
    %dma_start3A_1687 = arith.constant 132 : i32
    %dma_start3A_1688 = arith.constant 0 : i32
    %dma_start3A_1689 = tpu.memref_slice %arg5[%dma_start3A_1687, %dma_start3A_1688] : memref<200x128xi32, #tpu.memory_space<vmem>> -> memref<1x128xi32, #tpu.memory_space<vmem>>
    %dma_start3A_1690 = tpu.memref_squeeze %dma_start3A_1689 : memref<1x128xi32, #tpu.memory_space<vmem>> -> memref<128xi32, #tpu.memory_space<vmem>>
    %dma_start3A_1691 = arith.constant 0 : i32
    %dma_start3A_1692 = arith.constant 0 : i32
    %dma_start3A_1693 = tpu.memref_slice %arg3[%dma_start3A_1691, %dma_start3A_1692] : memref<114688x64xf32, #tpu.memory_space<hbm>> -> memref<114688x64xf32, #tpu.memory_space<hbm>>
    tpu.enqueue_indirect_dma source(%dma_start3A_1693 : memref<114688x64xf32, #tpu.memory_space<hbm>>) target(%arg6 : memref<128x64xf32, #tpu.memory_space<vmem>>) offsets(%dma_start3A_1690 : memref<128xi32, #tpu.memory_space<vmem>>) semaphore(%arg7 : memref<!tpu.dma_semaphore, #tpu.memory_space<semaphore_mem>>) {add = true}
    %dma_wait3A_1694 = arith.constant 108 : i32
    %dma_wait3A_1695 = arith.constant 0 : i32
    %dma_wait3A_1696 = tpu.memref_slice %arg5[%dma_wait3A_1694, %dma_wait3A_1695] : memref<200x128xi32, #tpu.memory_space<vmem>> -> memref<1x128xi32, #tpu.memory_space<vmem>>
    %dma_wait3A_1697 = tpu.memref_squeeze %dma_wait3A_1696 : memref<1x128xi32, #tpu.memory_space<vmem>> -> memref<128xi32, #tpu.memory_space<vmem>>
    %dma_wait3A_1698 = arith.constant 0 : i32
    %dma_wait3A_1699 = arith.constant 0 : i32
    %dma_wait3A_1700 = tpu.memref_slice %arg3[%dma_wait3A_1698, %dma_wait3A_1699] : memref<114688x64xf32, #tpu.memory_space<hbm>> -> memref<114688x64xf32, #tpu.memory_space<hbm>>
    tpu.wait_indirect_dma semaphore(%arg7 : memref<!tpu.dma_semaphore, #tpu.memory_space<semaphore_mem>>) src(%dma_wait3A_1700 : memref<114688x64xf32, #tpu.memory_space<hbm>>) dst(%arg6 : memref<128x64xf32, #tpu.memory_space<vmem>>)
    %dma_start3A_1701 = arith.constant 133 : i32
    %dma_start3A_1702 = arith.constant 0 : i32
    %dma_start3A_1703 = tpu.memref_slice %arg5[%dma_start3A_1701, %dma_start3A_1702] : memref<200x128xi32, #tpu.memory_space<vmem>> -> memref<1x128xi32, #tpu.memory_space<vmem>>
    %dma_start3A_1704 = tpu.memref_squeeze %dma_start3A_1703 : memref<1x128xi32, #tpu.memory_space<vmem>> -> memref<128xi32, #tpu.memory_space<vmem>>
    %dma_start3A_1705 = arith.constant 0 : i32
    %dma_start3A_1706 = arith.constant 0 : i32
    %dma_start3A_1707 = tpu.memref_slice %arg3[%dma_start3A_1705, %dma_start3A_1706] : memref<114688x64xf32, #tpu.memory_space<hbm>> -> memref<114688x64xf32, #tpu.memory_space<hbm>>
    tpu.enqueue_indirect_dma source(%dma_start3A_1707 : memref<114688x64xf32, #tpu.memory_space<hbm>>) target(%arg6 : memref<128x64xf32, #tpu.memory_space<vmem>>) offsets(%dma_start3A_1704 : memref<128xi32, #tpu.memory_space<vmem>>) semaphore(%arg7 : memref<!tpu.dma_semaphore, #tpu.memory_space<semaphore_mem>>) {add = true}
    %dma_wait3A_1708 = arith.constant 109 : i32
    %dma_wait3A_1709 = arith.constant 0 : i32
    %dma_wait3A_1710 = tpu.memref_slice %arg5[%dma_wait3A_1708, %dma_wait3A_1709] : memref<200x128xi32, #tpu.memory_space<vmem>> -> memref<1x128xi32, #tpu.memory_space<vmem>>
    %dma_wait3A_1711 = tpu.memref_squeeze %dma_wait3A_1710 : memref<1x128xi32, #tpu.memory_space<vmem>> -> memref<128xi32, #tpu.memory_space<vmem>>
    %dma_wait3A_1712 = arith.constant 0 : i32
    %dma_wait3A_1713 = arith.constant 0 : i32
    %dma_wait3A_1714 = tpu.memref_slice %arg3[%dma_wait3A_1712, %dma_wait3A_1713] : memref<114688x64xf32, #tpu.memory_space<hbm>> -> memref<114688x64xf32, #tpu.memory_space<hbm>>
    tpu.wait_indirect_dma semaphore(%arg7 : memref<!tpu.dma_semaphore, #tpu.memory_space<semaphore_mem>>) src(%dma_wait3A_1714 : memref<114688x64xf32, #tpu.memory_space<hbm>>) dst(%arg6 : memref<128x64xf32, #tpu.memory_space<vmem>>)
    %dma_start3A_1715 = arith.constant 134 : i32
    %dma_start3A_1716 = arith.constant 0 : i32
    %dma_start3A_1717 = tpu.memref_slice %arg5[%dma_start3A_1715, %dma_start3A_1716] : memref<200x128xi32, #tpu.memory_space<vmem>> -> memref<1x128xi32, #tpu.memory_space<vmem>>
    %dma_start3A_1718 = tpu.memref_squeeze %dma_start3A_1717 : memref<1x128xi32, #tpu.memory_space<vmem>> -> memref<128xi32, #tpu.memory_space<vmem>>
    %dma_start3A_1719 = arith.constant 0 : i32
    %dma_start3A_1720 = arith.constant 0 : i32
    %dma_start3A_1721 = tpu.memref_slice %arg3[%dma_start3A_1719, %dma_start3A_1720] : memref<114688x64xf32, #tpu.memory_space<hbm>> -> memref<114688x64xf32, #tpu.memory_space<hbm>>
    tpu.enqueue_indirect_dma source(%dma_start3A_1721 : memref<114688x64xf32, #tpu.memory_space<hbm>>) target(%arg6 : memref<128x64xf32, #tpu.memory_space<vmem>>) offsets(%dma_start3A_1718 : memref<128xi32, #tpu.memory_space<vmem>>) semaphore(%arg7 : memref<!tpu.dma_semaphore, #tpu.memory_space<semaphore_mem>>) {add = true}
    %dma_wait3A_1722 = arith.constant 110 : i32
    %dma_wait3A_1723 = arith.constant 0 : i32
    %dma_wait3A_1724 = tpu.memref_slice %arg5[%dma_wait3A_1722, %dma_wait3A_1723] : memref<200x128xi32, #tpu.memory_space<vmem>> -> memref<1x128xi32, #tpu.memory_space<vmem>>
    %dma_wait3A_1725 = tpu.memref_squeeze %dma_wait3A_1724 : memref<1x128xi32, #tpu.memory_space<vmem>> -> memref<128xi32, #tpu.memory_space<vmem>>
    %dma_wait3A_1726 = arith.constant 0 : i32
    %dma_wait3A_1727 = arith.constant 0 : i32
    %dma_wait3A_1728 = tpu.memref_slice %arg3[%dma_wait3A_1726, %dma_wait3A_1727] : memref<114688x64xf32, #tpu.memory_space<hbm>> -> memref<114688x64xf32, #tpu.memory_space<hbm>>
    tpu.wait_indirect_dma semaphore(%arg7 : memref<!tpu.dma_semaphore, #tpu.memory_space<semaphore_mem>>) src(%dma_wait3A_1728 : memref<114688x64xf32, #tpu.memory_space<hbm>>) dst(%arg6 : memref<128x64xf32, #tpu.memory_space<vmem>>)
    %dma_start3A_1729 = arith.constant 135 : i32
    %dma_start3A_1730 = arith.constant 0 : i32
    %dma_start3A_1731 = tpu.memref_slice %arg5[%dma_start3A_1729, %dma_start3A_1730] : memref<200x128xi32, #tpu.memory_space<vmem>> -> memref<1x128xi32, #tpu.memory_space<vmem>>
    %dma_start3A_1732 = tpu.memref_squeeze %dma_start3A_1731 : memref<1x128xi32, #tpu.memory_space<vmem>> -> memref<128xi32, #tpu.memory_space<vmem>>
    %dma_start3A_1733 = arith.constant 0 : i32
    %dma_start3A_1734 = arith.constant 0 : i32
    %dma_start3A_1735 = tpu.memref_slice %arg3[%dma_start3A_1733, %dma_start3A_1734] : memref<114688x64xf32, #tpu.memory_space<hbm>> -> memref<114688x64xf32, #tpu.memory_space<hbm>>
    tpu.enqueue_indirect_dma source(%dma_start3A_1735 : memref<114688x64xf32, #tpu.memory_space<hbm>>) target(%arg6 : memref<128x64xf32, #tpu.memory_space<vmem>>) offsets(%dma_start3A_1732 : memref<128xi32, #tpu.memory_space<vmem>>) semaphore(%arg7 : memref<!tpu.dma_semaphore, #tpu.memory_space<semaphore_mem>>) {add = true}
    %dma_wait3A_1736 = arith.constant 111 : i32
    %dma_wait3A_1737 = arith.constant 0 : i32
    %dma_wait3A_1738 = tpu.memref_slice %arg5[%dma_wait3A_1736, %dma_wait3A_1737] : memref<200x128xi32, #tpu.memory_space<vmem>> -> memref<1x128xi32, #tpu.memory_space<vmem>>
    %dma_wait3A_1739 = tpu.memref_squeeze %dma_wait3A_1738 : memref<1x128xi32, #tpu.memory_space<vmem>> -> memref<128xi32, #tpu.memory_space<vmem>>
    %dma_wait3A_1740 = arith.constant 0 : i32
    %dma_wait3A_1741 = arith.constant 0 : i32
    %dma_wait3A_1742 = tpu.memref_slice %arg3[%dma_wait3A_1740, %dma_wait3A_1741] : memref<114688x64xf32, #tpu.memory_space<hbm>> -> memref<114688x64xf32, #tpu.memory_space<hbm>>
    tpu.wait_indirect_dma semaphore(%arg7 : memref<!tpu.dma_semaphore, #tpu.memory_space<semaphore_mem>>) src(%dma_wait3A_1742 : memref<114688x64xf32, #tpu.memory_space<hbm>>) dst(%arg6 : memref<128x64xf32, #tpu.memory_space<vmem>>)
    %dma_start3A_1743 = arith.constant 136 : i32
    %dma_start3A_1744 = arith.constant 0 : i32
    %dma_start3A_1745 = tpu.memref_slice %arg5[%dma_start3A_1743, %dma_start3A_1744] : memref<200x128xi32, #tpu.memory_space<vmem>> -> memref<1x128xi32, #tpu.memory_space<vmem>>
    %dma_start3A_1746 = tpu.memref_squeeze %dma_start3A_1745 : memref<1x128xi32, #tpu.memory_space<vmem>> -> memref<128xi32, #tpu.memory_space<vmem>>
    %dma_start3A_1747 = arith.constant 0 : i32
    %dma_start3A_1748 = arith.constant 0 : i32
    %dma_start3A_1749 = tpu.memref_slice %arg3[%dma_start3A_1747, %dma_start3A_1748] : memref<114688x64xf32, #tpu.memory_space<hbm>> -> memref<114688x64xf32, #tpu.memory_space<hbm>>
    tpu.enqueue_indirect_dma source(%dma_start3A_1749 : memref<114688x64xf32, #tpu.memory_space<hbm>>) target(%arg6 : memref<128x64xf32, #tpu.memory_space<vmem>>) offsets(%dma_start3A_1746 : memref<128xi32, #tpu.memory_space<vmem>>) semaphore(%arg7 : memref<!tpu.dma_semaphore, #tpu.memory_space<semaphore_mem>>) {add = true}
    %dma_wait3A_1750 = arith.constant 112 : i32
    %dma_wait3A_1751 = arith.constant 0 : i32
    %dma_wait3A_1752 = tpu.memref_slice %arg5[%dma_wait3A_1750, %dma_wait3A_1751] : memref<200x128xi32, #tpu.memory_space<vmem>> -> memref<1x128xi32, #tpu.memory_space<vmem>>
    %dma_wait3A_1753 = tpu.memref_squeeze %dma_wait3A_1752 : memref<1x128xi32, #tpu.memory_space<vmem>> -> memref<128xi32, #tpu.memory_space<vmem>>
    %dma_wait3A_1754 = arith.constant 0 : i32
    %dma_wait3A_1755 = arith.constant 0 : i32
    %dma_wait3A_1756 = tpu.memref_slice %arg3[%dma_wait3A_1754, %dma_wait3A_1755] : memref<114688x64xf32, #tpu.memory_space<hbm>> -> memref<114688x64xf32, #tpu.memory_space<hbm>>
    tpu.wait_indirect_dma semaphore(%arg7 : memref<!tpu.dma_semaphore, #tpu.memory_space<semaphore_mem>>) src(%dma_wait3A_1756 : memref<114688x64xf32, #tpu.memory_space<hbm>>) dst(%arg6 : memref<128x64xf32, #tpu.memory_space<vmem>>)
    %dma_start3A_1757 = arith.constant 137 : i32
    %dma_start3A_1758 = arith.constant 0 : i32
    %dma_start3A_1759 = tpu.memref_slice %arg5[%dma_start3A_1757, %dma_start3A_1758] : memref<200x128xi32, #tpu.memory_space<vmem>> -> memref<1x128xi32, #tpu.memory_space<vmem>>
    %dma_start3A_1760 = tpu.memref_squeeze %dma_start3A_1759 : memref<1x128xi32, #tpu.memory_space<vmem>> -> memref<128xi32, #tpu.memory_space<vmem>>
    %dma_start3A_1761 = arith.constant 0 : i32
    %dma_start3A_1762 = arith.constant 0 : i32
    %dma_start3A_1763 = tpu.memref_slice %arg3[%dma_start3A_1761, %dma_start3A_1762] : memref<114688x64xf32, #tpu.memory_space<hbm>> -> memref<114688x64xf32, #tpu.memory_space<hbm>>
    tpu.enqueue_indirect_dma source(%dma_start3A_1763 : memref<114688x64xf32, #tpu.memory_space<hbm>>) target(%arg6 : memref<128x64xf32, #tpu.memory_space<vmem>>) offsets(%dma_start3A_1760 : memref<128xi32, #tpu.memory_space<vmem>>) semaphore(%arg7 : memref<!tpu.dma_semaphore, #tpu.memory_space<semaphore_mem>>) {add = true}
    %dma_wait3A_1764 = arith.constant 113 : i32
    %dma_wait3A_1765 = arith.constant 0 : i32
    %dma_wait3A_1766 = tpu.memref_slice %arg5[%dma_wait3A_1764, %dma_wait3A_1765] : memref<200x128xi32, #tpu.memory_space<vmem>> -> memref<1x128xi32, #tpu.memory_space<vmem>>
    %dma_wait3A_1767 = tpu.memref_squeeze %dma_wait3A_1766 : memref<1x128xi32, #tpu.memory_space<vmem>> -> memref<128xi32, #tpu.memory_space<vmem>>
    %dma_wait3A_1768 = arith.constant 0 : i32
    %dma_wait3A_1769 = arith.constant 0 : i32
    %dma_wait3A_1770 = tpu.memref_slice %arg3[%dma_wait3A_1768, %dma_wait3A_1769] : memref<114688x64xf32, #tpu.memory_space<hbm>> -> memref<114688x64xf32, #tpu.memory_space<hbm>>
    tpu.wait_indirect_dma semaphore(%arg7 : memref<!tpu.dma_semaphore, #tpu.memory_space<semaphore_mem>>) src(%dma_wait3A_1770 : memref<114688x64xf32, #tpu.memory_space<hbm>>) dst(%arg6 : memref<128x64xf32, #tpu.memory_space<vmem>>)
    %dma_start3A_1771 = arith.constant 138 : i32
    %dma_start3A_1772 = arith.constant 0 : i32
    %dma_start3A_1773 = tpu.memref_slice %arg5[%dma_start3A_1771, %dma_start3A_1772] : memref<200x128xi32, #tpu.memory_space<vmem>> -> memref<1x128xi32, #tpu.memory_space<vmem>>
    %dma_start3A_1774 = tpu.memref_squeeze %dma_start3A_1773 : memref<1x128xi32, #tpu.memory_space<vmem>> -> memref<128xi32, #tpu.memory_space<vmem>>
    %dma_start3A_1775 = arith.constant 0 : i32
    %dma_start3A_1776 = arith.constant 0 : i32
    %dma_start3A_1777 = tpu.memref_slice %arg3[%dma_start3A_1775, %dma_start3A_1776] : memref<114688x64xf32, #tpu.memory_space<hbm>> -> memref<114688x64xf32, #tpu.memory_space<hbm>>
    tpu.enqueue_indirect_dma source(%dma_start3A_1777 : memref<114688x64xf32, #tpu.memory_space<hbm>>) target(%arg6 : memref<128x64xf32, #tpu.memory_space<vmem>>) offsets(%dma_start3A_1774 : memref<128xi32, #tpu.memory_space<vmem>>) semaphore(%arg7 : memref<!tpu.dma_semaphore, #tpu.memory_space<semaphore_mem>>) {add = true}
    %dma_wait3A_1778 = arith.constant 114 : i32
    %dma_wait3A_1779 = arith.constant 0 : i32
    %dma_wait3A_1780 = tpu.memref_slice %arg5[%dma_wait3A_1778, %dma_wait3A_1779] : memref<200x128xi32, #tpu.memory_space<vmem>> -> memref<1x128xi32, #tpu.memory_space<vmem>>
    %dma_wait3A_1781 = tpu.memref_squeeze %dma_wait3A_1780 : memref<1x128xi32, #tpu.memory_space<vmem>> -> memref<128xi32, #tpu.memory_space<vmem>>
    %dma_wait3A_1782 = arith.constant 0 : i32
    %dma_wait3A_1783 = arith.constant 0 : i32
    %dma_wait3A_1784 = tpu.memref_slice %arg3[%dma_wait3A_1782, %dma_wait3A_1783] : memref<114688x64xf32, #tpu.memory_space<hbm>> -> memref<114688x64xf32, #tpu.memory_space<hbm>>
    tpu.wait_indirect_dma semaphore(%arg7 : memref<!tpu.dma_semaphore, #tpu.memory_space<semaphore_mem>>) src(%dma_wait3A_1784 : memref<114688x64xf32, #tpu.memory_space<hbm>>) dst(%arg6 : memref<128x64xf32, #tpu.memory_space<vmem>>)
    %dma_start3A_1785 = arith.constant 139 : i32
    %dma_start3A_1786 = arith.constant 0 : i32
    %dma_start3A_1787 = tpu.memref_slice %arg5[%dma_start3A_1785, %dma_start3A_1786] : memref<200x128xi32, #tpu.memory_space<vmem>> -> memref<1x128xi32, #tpu.memory_space<vmem>>
    %dma_start3A_1788 = tpu.memref_squeeze %dma_start3A_1787 : memref<1x128xi32, #tpu.memory_space<vmem>> -> memref<128xi32, #tpu.memory_space<vmem>>
    %dma_start3A_1789 = arith.constant 0 : i32
    %dma_start3A_1790 = arith.constant 0 : i32
    %dma_start3A_1791 = tpu.memref_slice %arg3[%dma_start3A_1789, %dma_start3A_1790] : memref<114688x64xf32, #tpu.memory_space<hbm>> -> memref<114688x64xf32, #tpu.memory_space<hbm>>
    tpu.enqueue_indirect_dma source(%dma_start3A_1791 : memref<114688x64xf32, #tpu.memory_space<hbm>>) target(%arg6 : memref<128x64xf32, #tpu.memory_space<vmem>>) offsets(%dma_start3A_1788 : memref<128xi32, #tpu.memory_space<vmem>>) semaphore(%arg7 : memref<!tpu.dma_semaphore, #tpu.memory_space<semaphore_mem>>) {add = true}
    %dma_wait3A_1792 = arith.constant 115 : i32
    %dma_wait3A_1793 = arith.constant 0 : i32
    %dma_wait3A_1794 = tpu.memref_slice %arg5[%dma_wait3A_1792, %dma_wait3A_1793] : memref<200x128xi32, #tpu.memory_space<vmem>> -> memref<1x128xi32, #tpu.memory_space<vmem>>
    %dma_wait3A_1795 = tpu.memref_squeeze %dma_wait3A_1794 : memref<1x128xi32, #tpu.memory_space<vmem>> -> memref<128xi32, #tpu.memory_space<vmem>>
    %dma_wait3A_1796 = arith.constant 0 : i32
    %dma_wait3A_1797 = arith.constant 0 : i32
    %dma_wait3A_1798 = tpu.memref_slice %arg3[%dma_wait3A_1796, %dma_wait3A_1797] : memref<114688x64xf32, #tpu.memory_space<hbm>> -> memref<114688x64xf32, #tpu.memory_space<hbm>>
    tpu.wait_indirect_dma semaphore(%arg7 : memref<!tpu.dma_semaphore, #tpu.memory_space<semaphore_mem>>) src(%dma_wait3A_1798 : memref<114688x64xf32, #tpu.memory_space<hbm>>) dst(%arg6 : memref<128x64xf32, #tpu.memory_space<vmem>>)
    %dma_start3A_1799 = arith.constant 140 : i32
    %dma_start3A_1800 = arith.constant 0 : i32
    %dma_start3A_1801 = tpu.memref_slice %arg5[%dma_start3A_1799, %dma_start3A_1800] : memref<200x128xi32, #tpu.memory_space<vmem>> -> memref<1x128xi32, #tpu.memory_space<vmem>>
    %dma_start3A_1802 = tpu.memref_squeeze %dma_start3A_1801 : memref<1x128xi32, #tpu.memory_space<vmem>> -> memref<128xi32, #tpu.memory_space<vmem>>
    %dma_start3A_1803 = arith.constant 0 : i32
    %dma_start3A_1804 = arith.constant 0 : i32
    %dma_start3A_1805 = tpu.memref_slice %arg3[%dma_start3A_1803, %dma_start3A_1804] : memref<114688x64xf32, #tpu.memory_space<hbm>> -> memref<114688x64xf32, #tpu.memory_space<hbm>>
    tpu.enqueue_indirect_dma source(%dma_start3A_1805 : memref<114688x64xf32, #tpu.memory_space<hbm>>) target(%arg6 : memref<128x64xf32, #tpu.memory_space<vmem>>) offsets(%dma_start3A_1802 : memref<128xi32, #tpu.memory_space<vmem>>) semaphore(%arg7 : memref<!tpu.dma_semaphore, #tpu.memory_space<semaphore_mem>>) {add = true}
    %dma_wait3A_1806 = arith.constant 116 : i32
    %dma_wait3A_1807 = arith.constant 0 : i32
    %dma_wait3A_1808 = tpu.memref_slice %arg5[%dma_wait3A_1806, %dma_wait3A_1807] : memref<200x128xi32, #tpu.memory_space<vmem>> -> memref<1x128xi32, #tpu.memory_space<vmem>>
    %dma_wait3A_1809 = tpu.memref_squeeze %dma_wait3A_1808 : memref<1x128xi32, #tpu.memory_space<vmem>> -> memref<128xi32, #tpu.memory_space<vmem>>
    %dma_wait3A_1810 = arith.constant 0 : i32
    %dma_wait3A_1811 = arith.constant 0 : i32
    %dma_wait3A_1812 = tpu.memref_slice %arg3[%dma_wait3A_1810, %dma_wait3A_1811] : memref<114688x64xf32, #tpu.memory_space<hbm>> -> memref<114688x64xf32, #tpu.memory_space<hbm>>
    tpu.wait_indirect_dma semaphore(%arg7 : memref<!tpu.dma_semaphore, #tpu.memory_space<semaphore_mem>>) src(%dma_wait3A_1812 : memref<114688x64xf32, #tpu.memory_space<hbm>>) dst(%arg6 : memref<128x64xf32, #tpu.memory_space<vmem>>)
    %dma_start3A_1813 = arith.constant 141 : i32
    %dma_start3A_1814 = arith.constant 0 : i32
    %dma_start3A_1815 = tpu.memref_slice %arg5[%dma_start3A_1813, %dma_start3A_1814] : memref<200x128xi32, #tpu.memory_space<vmem>> -> memref<1x128xi32, #tpu.memory_space<vmem>>
    %dma_start3A_1816 = tpu.memref_squeeze %dma_start3A_1815 : memref<1x128xi32, #tpu.memory_space<vmem>> -> memref<128xi32, #tpu.memory_space<vmem>>
    %dma_start3A_1817 = arith.constant 0 : i32
    %dma_start3A_1818 = arith.constant 0 : i32
    %dma_start3A_1819 = tpu.memref_slice %arg3[%dma_start3A_1817, %dma_start3A_1818] : memref<114688x64xf32, #tpu.memory_space<hbm>> -> memref<114688x64xf32, #tpu.memory_space<hbm>>
    tpu.enqueue_indirect_dma source(%dma_start3A_1819 : memref<114688x64xf32, #tpu.memory_space<hbm>>) target(%arg6 : memref<128x64xf32, #tpu.memory_space<vmem>>) offsets(%dma_start3A_1816 : memref<128xi32, #tpu.memory_space<vmem>>) semaphore(%arg7 : memref<!tpu.dma_semaphore, #tpu.memory_space<semaphore_mem>>) {add = true}
    %dma_wait3A_1820 = arith.constant 117 : i32
    %dma_wait3A_1821 = arith.constant 0 : i32
    %dma_wait3A_1822 = tpu.memref_slice %arg5[%dma_wait3A_1820, %dma_wait3A_1821] : memref<200x128xi32, #tpu.memory_space<vmem>> -> memref<1x128xi32, #tpu.memory_space<vmem>>
    %dma_wait3A_1823 = tpu.memref_squeeze %dma_wait3A_1822 : memref<1x128xi32, #tpu.memory_space<vmem>> -> memref<128xi32, #tpu.memory_space<vmem>>
    %dma_wait3A_1824 = arith.constant 0 : i32
    %dma_wait3A_1825 = arith.constant 0 : i32
    %dma_wait3A_1826 = tpu.memref_slice %arg3[%dma_wait3A_1824, %dma_wait3A_1825] : memref<114688x64xf32, #tpu.memory_space<hbm>> -> memref<114688x64xf32, #tpu.memory_space<hbm>>
    tpu.wait_indirect_dma semaphore(%arg7 : memref<!tpu.dma_semaphore, #tpu.memory_space<semaphore_mem>>) src(%dma_wait3A_1826 : memref<114688x64xf32, #tpu.memory_space<hbm>>) dst(%arg6 : memref<128x64xf32, #tpu.memory_space<vmem>>)
    %dma_start3A_1827 = arith.constant 142 : i32
    %dma_start3A_1828 = arith.constant 0 : i32
    %dma_start3A_1829 = tpu.memref_slice %arg5[%dma_start3A_1827, %dma_start3A_1828] : memref<200x128xi32, #tpu.memory_space<vmem>> -> memref<1x128xi32, #tpu.memory_space<vmem>>
    %dma_start3A_1830 = tpu.memref_squeeze %dma_start3A_1829 : memref<1x128xi32, #tpu.memory_space<vmem>> -> memref<128xi32, #tpu.memory_space<vmem>>
    %dma_start3A_1831 = arith.constant 0 : i32
    %dma_start3A_1832 = arith.constant 0 : i32
    %dma_start3A_1833 = tpu.memref_slice %arg3[%dma_start3A_1831, %dma_start3A_1832] : memref<114688x64xf32, #tpu.memory_space<hbm>> -> memref<114688x64xf32, #tpu.memory_space<hbm>>
    tpu.enqueue_indirect_dma source(%dma_start3A_1833 : memref<114688x64xf32, #tpu.memory_space<hbm>>) target(%arg6 : memref<128x64xf32, #tpu.memory_space<vmem>>) offsets(%dma_start3A_1830 : memref<128xi32, #tpu.memory_space<vmem>>) semaphore(%arg7 : memref<!tpu.dma_semaphore, #tpu.memory_space<semaphore_mem>>) {add = true}
    %dma_wait3A_1834 = arith.constant 118 : i32
    %dma_wait3A_1835 = arith.constant 0 : i32
    %dma_wait3A_1836 = tpu.memref_slice %arg5[%dma_wait3A_1834, %dma_wait3A_1835] : memref<200x128xi32, #tpu.memory_space<vmem>> -> memref<1x128xi32, #tpu.memory_space<vmem>>
    %dma_wait3A_1837 = tpu.memref_squeeze %dma_wait3A_1836 : memref<1x128xi32, #tpu.memory_space<vmem>> -> memref<128xi32, #tpu.memory_space<vmem>>
    %dma_wait3A_1838 = arith.constant 0 : i32
    %dma_wait3A_1839 = arith.constant 0 : i32
    %dma_wait3A_1840 = tpu.memref_slice %arg3[%dma_wait3A_1838, %dma_wait3A_1839] : memref<114688x64xf32, #tpu.memory_space<hbm>> -> memref<114688x64xf32, #tpu.memory_space<hbm>>
    tpu.wait_indirect_dma semaphore(%arg7 : memref<!tpu.dma_semaphore, #tpu.memory_space<semaphore_mem>>) src(%dma_wait3A_1840 : memref<114688x64xf32, #tpu.memory_space<hbm>>) dst(%arg6 : memref<128x64xf32, #tpu.memory_space<vmem>>)
    %dma_start3A_1841 = arith.constant 143 : i32
    %dma_start3A_1842 = arith.constant 0 : i32
    %dma_start3A_1843 = tpu.memref_slice %arg5[%dma_start3A_1841, %dma_start3A_1842] : memref<200x128xi32, #tpu.memory_space<vmem>> -> memref<1x128xi32, #tpu.memory_space<vmem>>
    %dma_start3A_1844 = tpu.memref_squeeze %dma_start3A_1843 : memref<1x128xi32, #tpu.memory_space<vmem>> -> memref<128xi32, #tpu.memory_space<vmem>>
    %dma_start3A_1845 = arith.constant 0 : i32
    %dma_start3A_1846 = arith.constant 0 : i32
    %dma_start3A_1847 = tpu.memref_slice %arg3[%dma_start3A_1845, %dma_start3A_1846] : memref<114688x64xf32, #tpu.memory_space<hbm>> -> memref<114688x64xf32, #tpu.memory_space<hbm>>
    tpu.enqueue_indirect_dma source(%dma_start3A_1847 : memref<114688x64xf32, #tpu.memory_space<hbm>>) target(%arg6 : memref<128x64xf32, #tpu.memory_space<vmem>>) offsets(%dma_start3A_1844 : memref<128xi32, #tpu.memory_space<vmem>>) semaphore(%arg7 : memref<!tpu.dma_semaphore, #tpu.memory_space<semaphore_mem>>) {add = true}
    %dma_wait3A_1848 = arith.constant 119 : i32
    %dma_wait3A_1849 = arith.constant 0 : i32
    %dma_wait3A_1850 = tpu.memref_slice %arg5[%dma_wait3A_1848, %dma_wait3A_1849] : memref<200x128xi32, #tpu.memory_space<vmem>> -> memref<1x128xi32, #tpu.memory_space<vmem>>
    %dma_wait3A_1851 = tpu.memref_squeeze %dma_wait3A_1850 : memref<1x128xi32, #tpu.memory_space<vmem>> -> memref<128xi32, #tpu.memory_space<vmem>>
    %dma_wait3A_1852 = arith.constant 0 : i32
    %dma_wait3A_1853 = arith.constant 0 : i32
    %dma_wait3A_1854 = tpu.memref_slice %arg3[%dma_wait3A_1852, %dma_wait3A_1853] : memref<114688x64xf32, #tpu.memory_space<hbm>> -> memref<114688x64xf32, #tpu.memory_space<hbm>>
    tpu.wait_indirect_dma semaphore(%arg7 : memref<!tpu.dma_semaphore, #tpu.memory_space<semaphore_mem>>) src(%dma_wait3A_1854 : memref<114688x64xf32, #tpu.memory_space<hbm>>) dst(%arg6 : memref<128x64xf32, #tpu.memory_space<vmem>>)
    %dma_start3A_1855 = arith.constant 144 : i32
    %dma_start3A_1856 = arith.constant 0 : i32
    %dma_start3A_1857 = tpu.memref_slice %arg5[%dma_start3A_1855, %dma_start3A_1856] : memref<200x128xi32, #tpu.memory_space<vmem>> -> memref<1x128xi32, #tpu.memory_space<vmem>>
    %dma_start3A_1858 = tpu.memref_squeeze %dma_start3A_1857 : memref<1x128xi32, #tpu.memory_space<vmem>> -> memref<128xi32, #tpu.memory_space<vmem>>
    %dma_start3A_1859 = arith.constant 0 : i32
    %dma_start3A_1860 = arith.constant 0 : i32
    %dma_start3A_1861 = tpu.memref_slice %arg3[%dma_start3A_1859, %dma_start3A_1860] : memref<114688x64xf32, #tpu.memory_space<hbm>> -> memref<114688x64xf32, #tpu.memory_space<hbm>>
    tpu.enqueue_indirect_dma source(%dma_start3A_1861 : memref<114688x64xf32, #tpu.memory_space<hbm>>) target(%arg6 : memref<128x64xf32, #tpu.memory_space<vmem>>) offsets(%dma_start3A_1858 : memref<128xi32, #tpu.memory_space<vmem>>) semaphore(%arg7 : memref<!tpu.dma_semaphore, #tpu.memory_space<semaphore_mem>>) {add = true}
    %dma_wait3A_1862 = arith.constant 120 : i32
    %dma_wait3A_1863 = arith.constant 0 : i32
    %dma_wait3A_1864 = tpu.memref_slice %arg5[%dma_wait3A_1862, %dma_wait3A_1863] : memref<200x128xi32, #tpu.memory_space<vmem>> -> memref<1x128xi32, #tpu.memory_space<vmem>>
    %dma_wait3A_1865 = tpu.memref_squeeze %dma_wait3A_1864 : memref<1x128xi32, #tpu.memory_space<vmem>> -> memref<128xi32, #tpu.memory_space<vmem>>
    %dma_wait3A_1866 = arith.constant 0 : i32
    %dma_wait3A_1867 = arith.constant 0 : i32
    %dma_wait3A_1868 = tpu.memref_slice %arg3[%dma_wait3A_1866, %dma_wait3A_1867] : memref<114688x64xf32, #tpu.memory_space<hbm>> -> memref<114688x64xf32, #tpu.memory_space<hbm>>
    tpu.wait_indirect_dma semaphore(%arg7 : memref<!tpu.dma_semaphore, #tpu.memory_space<semaphore_mem>>) src(%dma_wait3A_1868 : memref<114688x64xf32, #tpu.memory_space<hbm>>) dst(%arg6 : memref<128x64xf32, #tpu.memory_space<vmem>>)
    %dma_start3A_1869 = arith.constant 145 : i32
    %dma_start3A_1870 = arith.constant 0 : i32
    %dma_start3A_1871 = tpu.memref_slice %arg5[%dma_start3A_1869, %dma_start3A_1870] : memref<200x128xi32, #tpu.memory_space<vmem>> -> memref<1x128xi32, #tpu.memory_space<vmem>>
    %dma_start3A_1872 = tpu.memref_squeeze %dma_start3A_1871 : memref<1x128xi32, #tpu.memory_space<vmem>> -> memref<128xi32, #tpu.memory_space<vmem>>
    %dma_start3A_1873 = arith.constant 0 : i32
    %dma_start3A_1874 = arith.constant 0 : i32
    %dma_start3A_1875 = tpu.memref_slice %arg3[%dma_start3A_1873, %dma_start3A_1874] : memref<114688x64xf32, #tpu.memory_space<hbm>> -> memref<114688x64xf32, #tpu.memory_space<hbm>>
    tpu.enqueue_indirect_dma source(%dma_start3A_1875 : memref<114688x64xf32, #tpu.memory_space<hbm>>) target(%arg6 : memref<128x64xf32, #tpu.memory_space<vmem>>) offsets(%dma_start3A_1872 : memref<128xi32, #tpu.memory_space<vmem>>) semaphore(%arg7 : memref<!tpu.dma_semaphore, #tpu.memory_space<semaphore_mem>>) {add = true}
    %dma_wait3A_1876 = arith.constant 121 : i32
    %dma_wait3A_1877 = arith.constant 0 : i32
    %dma_wait3A_1878 = tpu.memref_slice %arg5[%dma_wait3A_1876, %dma_wait3A_1877] : memref<200x128xi32, #tpu.memory_space<vmem>> -> memref<1x128xi32, #tpu.memory_space<vmem>>
    %dma_wait3A_1879 = tpu.memref_squeeze %dma_wait3A_1878 : memref<1x128xi32, #tpu.memory_space<vmem>> -> memref<128xi32, #tpu.memory_space<vmem>>
    %dma_wait3A_1880 = arith.constant 0 : i32
    %dma_wait3A_1881 = arith.constant 0 : i32
    %dma_wait3A_1882 = tpu.memref_slice %arg3[%dma_wait3A_1880, %dma_wait3A_1881] : memref<114688x64xf32, #tpu.memory_space<hbm>> -> memref<114688x64xf32, #tpu.memory_space<hbm>>
    tpu.wait_indirect_dma semaphore(%arg7 : memref<!tpu.dma_semaphore, #tpu.memory_space<semaphore_mem>>) src(%dma_wait3A_1882 : memref<114688x64xf32, #tpu.memory_space<hbm>>) dst(%arg6 : memref<128x64xf32, #tpu.memory_space<vmem>>)
    %dma_start3A_1883 = arith.constant 146 : i32
    %dma_start3A_1884 = arith.constant 0 : i32
    %dma_start3A_1885 = tpu.memref_slice %arg5[%dma_start3A_1883, %dma_start3A_1884] : memref<200x128xi32, #tpu.memory_space<vmem>> -> memref<1x128xi32, #tpu.memory_space<vmem>>
    %dma_start3A_1886 = tpu.memref_squeeze %dma_start3A_1885 : memref<1x128xi32, #tpu.memory_space<vmem>> -> memref<128xi32, #tpu.memory_space<vmem>>
    %dma_start3A_1887 = arith.constant 0 : i32
    %dma_start3A_1888 = arith.constant 0 : i32
    %dma_start3A_1889 = tpu.memref_slice %arg3[%dma_start3A_1887, %dma_start3A_1888] : memref<114688x64xf32, #tpu.memory_space<hbm>> -> memref<114688x64xf32, #tpu.memory_space<hbm>>
    tpu.enqueue_indirect_dma source(%dma_start3A_1889 : memref<114688x64xf32, #tpu.memory_space<hbm>>) target(%arg6 : memref<128x64xf32, #tpu.memory_space<vmem>>) offsets(%dma_start3A_1886 : memref<128xi32, #tpu.memory_space<vmem>>) semaphore(%arg7 : memref<!tpu.dma_semaphore, #tpu.memory_space<semaphore_mem>>) {add = true}
    %dma_wait3A_1890 = arith.constant 122 : i32
    %dma_wait3A_1891 = arith.constant 0 : i32
    %dma_wait3A_1892 = tpu.memref_slice %arg5[%dma_wait3A_1890, %dma_wait3A_1891] : memref<200x128xi32, #tpu.memory_space<vmem>> -> memref<1x128xi32, #tpu.memory_space<vmem>>
    %dma_wait3A_1893 = tpu.memref_squeeze %dma_wait3A_1892 : memref<1x128xi32, #tpu.memory_space<vmem>> -> memref<128xi32, #tpu.memory_space<vmem>>
    %dma_wait3A_1894 = arith.constant 0 : i32
    %dma_wait3A_1895 = arith.constant 0 : i32
    %dma_wait3A_1896 = tpu.memref_slice %arg3[%dma_wait3A_1894, %dma_wait3A_1895] : memref<114688x64xf32, #tpu.memory_space<hbm>> -> memref<114688x64xf32, #tpu.memory_space<hbm>>
    tpu.wait_indirect_dma semaphore(%arg7 : memref<!tpu.dma_semaphore, #tpu.memory_space<semaphore_mem>>) src(%dma_wait3A_1896 : memref<114688x64xf32, #tpu.memory_space<hbm>>) dst(%arg6 : memref<128x64xf32, #tpu.memory_space<vmem>>)
    %dma_start3A_1897 = arith.constant 147 : i32
    %dma_start3A_1898 = arith.constant 0 : i32
    %dma_start3A_1899 = tpu.memref_slice %arg5[%dma_start3A_1897, %dma_start3A_1898] : memref<200x128xi32, #tpu.memory_space<vmem>> -> memref<1x128xi32, #tpu.memory_space<vmem>>
    %dma_start3A_1900 = tpu.memref_squeeze %dma_start3A_1899 : memref<1x128xi32, #tpu.memory_space<vmem>> -> memref<128xi32, #tpu.memory_space<vmem>>
    %dma_start3A_1901 = arith.constant 0 : i32
    %dma_start3A_1902 = arith.constant 0 : i32
    %dma_start3A_1903 = tpu.memref_slice %arg3[%dma_start3A_1901, %dma_start3A_1902] : memref<114688x64xf32, #tpu.memory_space<hbm>> -> memref<114688x64xf32, #tpu.memory_space<hbm>>
    tpu.enqueue_indirect_dma source(%dma_start3A_1903 : memref<114688x64xf32, #tpu.memory_space<hbm>>) target(%arg6 : memref<128x64xf32, #tpu.memory_space<vmem>>) offsets(%dma_start3A_1900 : memref<128xi32, #tpu.memory_space<vmem>>) semaphore(%arg7 : memref<!tpu.dma_semaphore, #tpu.memory_space<semaphore_mem>>) {add = true}
    %dma_wait3A_1904 = arith.constant 123 : i32
    %dma_wait3A_1905 = arith.constant 0 : i32
    %dma_wait3A_1906 = tpu.memref_slice %arg5[%dma_wait3A_1904, %dma_wait3A_1905] : memref<200x128xi32, #tpu.memory_space<vmem>> -> memref<1x128xi32, #tpu.memory_space<vmem>>
    %dma_wait3A_1907 = tpu.memref_squeeze %dma_wait3A_1906 : memref<1x128xi32, #tpu.memory_space<vmem>> -> memref<128xi32, #tpu.memory_space<vmem>>
    %dma_wait3A_1908 = arith.constant 0 : i32
    %dma_wait3A_1909 = arith.constant 0 : i32
    %dma_wait3A_1910 = tpu.memref_slice %arg3[%dma_wait3A_1908, %dma_wait3A_1909] : memref<114688x64xf32, #tpu.memory_space<hbm>> -> memref<114688x64xf32, #tpu.memory_space<hbm>>
    tpu.wait_indirect_dma semaphore(%arg7 : memref<!tpu.dma_semaphore, #tpu.memory_space<semaphore_mem>>) src(%dma_wait3A_1910 : memref<114688x64xf32, #tpu.memory_space<hbm>>) dst(%arg6 : memref<128x64xf32, #tpu.memory_space<vmem>>)
    %dma_start3A_1911 = arith.constant 148 : i32
    %dma_start3A_1912 = arith.constant 0 : i32
    %dma_start3A_1913 = tpu.memref_slice %arg5[%dma_start3A_1911, %dma_start3A_1912] : memref<200x128xi32, #tpu.memory_space<vmem>> -> memref<1x128xi32, #tpu.memory_space<vmem>>
    %dma_start3A_1914 = tpu.memref_squeeze %dma_start3A_1913 : memref<1x128xi32, #tpu.memory_space<vmem>> -> memref<128xi32, #tpu.memory_space<vmem>>
    %dma_start3A_1915 = arith.constant 0 : i32
    %dma_start3A_1916 = arith.constant 0 : i32
    %dma_start3A_1917 = tpu.memref_slice %arg3[%dma_start3A_1915, %dma_start3A_1916] : memref<114688x64xf32, #tpu.memory_space<hbm>> -> memref<114688x64xf32, #tpu.memory_space<hbm>>
    tpu.enqueue_indirect_dma source(%dma_start3A_1917 : memref<114688x64xf32, #tpu.memory_space<hbm>>) target(%arg6 : memref<128x64xf32, #tpu.memory_space<vmem>>) offsets(%dma_start3A_1914 : memref<128xi32, #tpu.memory_space<vmem>>) semaphore(%arg7 : memref<!tpu.dma_semaphore, #tpu.memory_space<semaphore_mem>>) {add = true}
    %dma_wait3A_1918 = arith.constant 124 : i32
    %dma_wait3A_1919 = arith.constant 0 : i32
    %dma_wait3A_1920 = tpu.memref_slice %arg5[%dma_wait3A_1918, %dma_wait3A_1919] : memref<200x128xi32, #tpu.memory_space<vmem>> -> memref<1x128xi32, #tpu.memory_space<vmem>>
    %dma_wait3A_1921 = tpu.memref_squeeze %dma_wait3A_1920 : memref<1x128xi32, #tpu.memory_space<vmem>> -> memref<128xi32, #tpu.memory_space<vmem>>
    %dma_wait3A_1922 = arith.constant 0 : i32
    %dma_wait3A_1923 = arith.constant 0 : i32
    %dma_wait3A_1924 = tpu.memref_slice %arg3[%dma_wait3A_1922, %dma_wait3A_1923] : memref<114688x64xf32, #tpu.memory_space<hbm>> -> memref<114688x64xf32, #tpu.memory_space<hbm>>
    tpu.wait_indirect_dma semaphore(%arg7 : memref<!tpu.dma_semaphore, #tpu.memory_space<semaphore_mem>>) src(%dma_wait3A_1924 : memref<114688x64xf32, #tpu.memory_space<hbm>>) dst(%arg6 : memref<128x64xf32, #tpu.memory_space<vmem>>)
    %dma_start3A_1925 = arith.constant 149 : i32
    %dma_start3A_1926 = arith.constant 0 : i32
    %dma_start3A_1927 = tpu.memref_slice %arg5[%dma_start3A_1925, %dma_start3A_1926] : memref<200x128xi32, #tpu.memory_space<vmem>> -> memref<1x128xi32, #tpu.memory_space<vmem>>
    %dma_start3A_1928 = tpu.memref_squeeze %dma_start3A_1927 : memref<1x128xi32, #tpu.memory_space<vmem>> -> memref<128xi32, #tpu.memory_space<vmem>>
    %dma_start3A_1929 = arith.constant 0 : i32
    %dma_start3A_1930 = arith.constant 0 : i32
    %dma_start3A_1931 = tpu.memref_slice %arg3[%dma_start3A_1929, %dma_start3A_1930] : memref<114688x64xf32, #tpu.memory_space<hbm>> -> memref<114688x64xf32, #tpu.memory_space<hbm>>
    tpu.enqueue_indirect_dma source(%dma_start3A_1931 : memref<114688x64xf32, #tpu.memory_space<hbm>>) target(%arg6 : memref<128x64xf32, #tpu.memory_space<vmem>>) offsets(%dma_start3A_1928 : memref<128xi32, #tpu.memory_space<vmem>>) semaphore(%arg7 : memref<!tpu.dma_semaphore, #tpu.memory_space<semaphore_mem>>) {add = true}
    %dma_wait3A_1932 = arith.constant 125 : i32
    %dma_wait3A_1933 = arith.constant 0 : i32
    %dma_wait3A_1934 = tpu.memref_slice %arg5[%dma_wait3A_1932, %dma_wait3A_1933] : memref<200x128xi32, #tpu.memory_space<vmem>> -> memref<1x128xi32, #tpu.memory_space<vmem>>
    %dma_wait3A_1935 = tpu.memref_squeeze %dma_wait3A_1934 : memref<1x128xi32, #tpu.memory_space<vmem>> -> memref<128xi32, #tpu.memory_space<vmem>>
    %dma_wait3A_1936 = arith.constant 0 : i32
    %dma_wait3A_1937 = arith.constant 0 : i32
    %dma_wait3A_1938 = tpu.memref_slice %arg3[%dma_wait3A_1936, %dma_wait3A_1937] : memref<114688x64xf32, #tpu.memory_space<hbm>> -> memref<114688x64xf32, #tpu.memory_space<hbm>>
    tpu.wait_indirect_dma semaphore(%arg7 : memref<!tpu.dma_semaphore, #tpu.memory_space<semaphore_mem>>) src(%dma_wait3A_1938 : memref<114688x64xf32, #tpu.memory_space<hbm>>) dst(%arg6 : memref<128x64xf32, #tpu.memory_space<vmem>>)
    %dma_start3A_1939 = arith.constant 150 : i32
    %dma_start3A_1940 = arith.constant 0 : i32
    %dma_start3A_1941 = tpu.memref_slice %arg5[%dma_start3A_1939, %dma_start3A_1940] : memref<200x128xi32, #tpu.memory_space<vmem>> -> memref<1x128xi32, #tpu.memory_space<vmem>>
    %dma_start3A_1942 = tpu.memref_squeeze %dma_start3A_1941 : memref<1x128xi32, #tpu.memory_space<vmem>> -> memref<128xi32, #tpu.memory_space<vmem>>
    %dma_start3A_1943 = arith.constant 0 : i32
    %dma_start3A_1944 = arith.constant 0 : i32
    %dma_start3A_1945 = tpu.memref_slice %arg3[%dma_start3A_1943, %dma_start3A_1944] : memref<114688x64xf32, #tpu.memory_space<hbm>> -> memref<114688x64xf32, #tpu.memory_space<hbm>>
    tpu.enqueue_indirect_dma source(%dma_start3A_1945 : memref<114688x64xf32, #tpu.memory_space<hbm>>) target(%arg6 : memref<128x64xf32, #tpu.memory_space<vmem>>) offsets(%dma_start3A_1942 : memref<128xi32, #tpu.memory_space<vmem>>) semaphore(%arg7 : memref<!tpu.dma_semaphore, #tpu.memory_space<semaphore_mem>>) {add = true}
    %dma_wait3A_1946 = arith.constant 126 : i32
    %dma_wait3A_1947 = arith.constant 0 : i32
    %dma_wait3A_1948 = tpu.memref_slice %arg5[%dma_wait3A_1946, %dma_wait3A_1947] : memref<200x128xi32, #tpu.memory_space<vmem>> -> memref<1x128xi32, #tpu.memory_space<vmem>>
    %dma_wait3A_1949 = tpu.memref_squeeze %dma_wait3A_1948 : memref<1x128xi32, #tpu.memory_space<vmem>> -> memref<128xi32, #tpu.memory_space<vmem>>
    %dma_wait3A_1950 = arith.constant 0 : i32
    %dma_wait3A_1951 = arith.constant 0 : i32
    %dma_wait3A_1952 = tpu.memref_slice %arg3[%dma_wait3A_1950, %dma_wait3A_1951] : memref<114688x64xf32, #tpu.memory_space<hbm>> -> memref<114688x64xf32, #tpu.memory_space<hbm>>
    tpu.wait_indirect_dma semaphore(%arg7 : memref<!tpu.dma_semaphore, #tpu.memory_space<semaphore_mem>>) src(%dma_wait3A_1952 : memref<114688x64xf32, #tpu.memory_space<hbm>>) dst(%arg6 : memref<128x64xf32, #tpu.memory_space<vmem>>)
    %dma_start3A_1953 = arith.constant 151 : i32
    %dma_start3A_1954 = arith.constant 0 : i32
    %dma_start3A_1955 = tpu.memref_slice %arg5[%dma_start3A_1953, %dma_start3A_1954] : memref<200x128xi32, #tpu.memory_space<vmem>> -> memref<1x128xi32, #tpu.memory_space<vmem>>
    %dma_start3A_1956 = tpu.memref_squeeze %dma_start3A_1955 : memref<1x128xi32, #tpu.memory_space<vmem>> -> memref<128xi32, #tpu.memory_space<vmem>>
    %dma_start3A_1957 = arith.constant 0 : i32
    %dma_start3A_1958 = arith.constant 0 : i32
    %dma_start3A_1959 = tpu.memref_slice %arg3[%dma_start3A_1957, %dma_start3A_1958] : memref<114688x64xf32, #tpu.memory_space<hbm>> -> memref<114688x64xf32, #tpu.memory_space<hbm>>
    tpu.enqueue_indirect_dma source(%dma_start3A_1959 : memref<114688x64xf32, #tpu.memory_space<hbm>>) target(%arg6 : memref<128x64xf32, #tpu.memory_space<vmem>>) offsets(%dma_start3A_1956 : memref<128xi32, #tpu.memory_space<vmem>>) semaphore(%arg7 : memref<!tpu.dma_semaphore, #tpu.memory_space<semaphore_mem>>) {add = true}
    %dma_wait3A_1960 = arith.constant 127 : i32
    %dma_wait3A_1961 = arith.constant 0 : i32
    %dma_wait3A_1962 = tpu.memref_slice %arg5[%dma_wait3A_1960, %dma_wait3A_1961] : memref<200x128xi32, #tpu.memory_space<vmem>> -> memref<1x128xi32, #tpu.memory_space<vmem>>
    %dma_wait3A_1963 = tpu.memref_squeeze %dma_wait3A_1962 : memref<1x128xi32, #tpu.memory_space<vmem>> -> memref<128xi32, #tpu.memory_space<vmem>>
    %dma_wait3A_1964 = arith.constant 0 : i32
    %dma_wait3A_1965 = arith.constant 0 : i32
    %dma_wait3A_1966 = tpu.memref_slice %arg3[%dma_wait3A_1964, %dma_wait3A_1965] : memref<114688x64xf32, #tpu.memory_space<hbm>> -> memref<114688x64xf32, #tpu.memory_space<hbm>>
    tpu.wait_indirect_dma semaphore(%arg7 : memref<!tpu.dma_semaphore, #tpu.memory_space<semaphore_mem>>) src(%dma_wait3A_1966 : memref<114688x64xf32, #tpu.memory_space<hbm>>) dst(%arg6 : memref<128x64xf32, #tpu.memory_space<vmem>>)
    %dma_start3A_1967 = arith.constant 152 : i32
    %dma_start3A_1968 = arith.constant 0 : i32
    %dma_start3A_1969 = tpu.memref_slice %arg5[%dma_start3A_1967, %dma_start3A_1968] : memref<200x128xi32, #tpu.memory_space<vmem>> -> memref<1x128xi32, #tpu.memory_space<vmem>>
    %dma_start3A_1970 = tpu.memref_squeeze %dma_start3A_1969 : memref<1x128xi32, #tpu.memory_space<vmem>> -> memref<128xi32, #tpu.memory_space<vmem>>
    %dma_start3A_1971 = arith.constant 0 : i32
    %dma_start3A_1972 = arith.constant 0 : i32
    %dma_start3A_1973 = tpu.memref_slice %arg3[%dma_start3A_1971, %dma_start3A_1972] : memref<114688x64xf32, #tpu.memory_space<hbm>> -> memref<114688x64xf32, #tpu.memory_space<hbm>>
    tpu.enqueue_indirect_dma source(%dma_start3A_1973 : memref<114688x64xf32, #tpu.memory_space<hbm>>) target(%arg6 : memref<128x64xf32, #tpu.memory_space<vmem>>) offsets(%dma_start3A_1970 : memref<128xi32, #tpu.memory_space<vmem>>) semaphore(%arg7 : memref<!tpu.dma_semaphore, #tpu.memory_space<semaphore_mem>>) {add = true}
    %dma_wait3A_1974 = arith.constant 128 : i32
    %dma_wait3A_1975 = arith.constant 0 : i32
    %dma_wait3A_1976 = tpu.memref_slice %arg5[%dma_wait3A_1974, %dma_wait3A_1975] : memref<200x128xi32, #tpu.memory_space<vmem>> -> memref<1x128xi32, #tpu.memory_space<vmem>>
    %dma_wait3A_1977 = tpu.memref_squeeze %dma_wait3A_1976 : memref<1x128xi32, #tpu.memory_space<vmem>> -> memref<128xi32, #tpu.memory_space<vmem>>
    %dma_wait3A_1978 = arith.constant 0 : i32
    %dma_wait3A_1979 = arith.constant 0 : i32
    %dma_wait3A_1980 = tpu.memref_slice %arg3[%dma_wait3A_1978, %dma_wait3A_1979] : memref<114688x64xf32, #tpu.memory_space<hbm>> -> memref<114688x64xf32, #tpu.memory_space<hbm>>
    tpu.wait_indirect_dma semaphore(%arg7 : memref<!tpu.dma_semaphore, #tpu.memory_space<semaphore_mem>>) src(%dma_wait3A_1980 : memref<114688x64xf32, #tpu.memory_space<hbm>>) dst(%arg6 : memref<128x64xf32, #tpu.memory_space<vmem>>)
    %dma_start3A_1981 = arith.constant 153 : i32
    %dma_start3A_1982 = arith.constant 0 : i32
    %dma_start3A_1983 = tpu.memref_slice %arg5[%dma_start3A_1981, %dma_start3A_1982] : memref<200x128xi32, #tpu.memory_space<vmem>> -> memref<1x128xi32, #tpu.memory_space<vmem>>
    %dma_start3A_1984 = tpu.memref_squeeze %dma_start3A_1983 : memref<1x128xi32, #tpu.memory_space<vmem>> -> memref<128xi32, #tpu.memory_space<vmem>>
    %dma_start3A_1985 = arith.constant 0 : i32
    %dma_start3A_1986 = arith.constant 0 : i32
    %dma_start3A_1987 = tpu.memref_slice %arg3[%dma_start3A_1985, %dma_start3A_1986] : memref<114688x64xf32, #tpu.memory_space<hbm>> -> memref<114688x64xf32, #tpu.memory_space<hbm>>
    tpu.enqueue_indirect_dma source(%dma_start3A_1987 : memref<114688x64xf32, #tpu.memory_space<hbm>>) target(%arg6 : memref<128x64xf32, #tpu.memory_space<vmem>>) offsets(%dma_start3A_1984 : memref<128xi32, #tpu.memory_space<vmem>>) semaphore(%arg7 : memref<!tpu.dma_semaphore, #tpu.memory_space<semaphore_mem>>) {add = true}
    %dma_wait3A_1988 = arith.constant 129 : i32
    %dma_wait3A_1989 = arith.constant 0 : i32
    %dma_wait3A_1990 = tpu.memref_slice %arg5[%dma_wait3A_1988, %dma_wait3A_1989] : memref<200x128xi32, #tpu.memory_space<vmem>> -> memref<1x128xi32, #tpu.memory_space<vmem>>
    %dma_wait3A_1991 = tpu.memref_squeeze %dma_wait3A_1990 : memref<1x128xi32, #tpu.memory_space<vmem>> -> memref<128xi32, #tpu.memory_space<vmem>>
    %dma_wait3A_1992 = arith.constant 0 : i32
    %dma_wait3A_1993 = arith.constant 0 : i32
    %dma_wait3A_1994 = tpu.memref_slice %arg3[%dma_wait3A_1992, %dma_wait3A_1993] : memref<114688x64xf32, #tpu.memory_space<hbm>> -> memref<114688x64xf32, #tpu.memory_space<hbm>>
    tpu.wait_indirect_dma semaphore(%arg7 : memref<!tpu.dma_semaphore, #tpu.memory_space<semaphore_mem>>) src(%dma_wait3A_1994 : memref<114688x64xf32, #tpu.memory_space<hbm>>) dst(%arg6 : memref<128x64xf32, #tpu.memory_space<vmem>>)
    %dma_start3A_1995 = arith.constant 154 : i32
    %dma_start3A_1996 = arith.constant 0 : i32
    %dma_start3A_1997 = tpu.memref_slice %arg5[%dma_start3A_1995, %dma_start3A_1996] : memref<200x128xi32, #tpu.memory_space<vmem>> -> memref<1x128xi32, #tpu.memory_space<vmem>>
    %dma_start3A_1998 = tpu.memref_squeeze %dma_start3A_1997 : memref<1x128xi32, #tpu.memory_space<vmem>> -> memref<128xi32, #tpu.memory_space<vmem>>
    %dma_start3A_1999 = arith.constant 0 : i32
    %dma_start3A_2000 = arith.constant 0 : i32
    %dma_start3A_2001 = tpu.memref_slice %arg3[%dma_start3A_1999, %dma_start3A_2000] : memref<114688x64xf32, #tpu.memory_space<hbm>> -> memref<114688x64xf32, #tpu.memory_space<hbm>>
    tpu.enqueue_indirect_dma source(%dma_start3A_2001 : memref<114688x64xf32, #tpu.memory_space<hbm>>) target(%arg6 : memref<128x64xf32, #tpu.memory_space<vmem>>) offsets(%dma_start3A_1998 : memref<128xi32, #tpu.memory_space<vmem>>) semaphore(%arg7 : memref<!tpu.dma_semaphore, #tpu.memory_space<semaphore_mem>>) {add = true}
    %dma_wait3A_2002 = arith.constant 130 : i32
    %dma_wait3A_2003 = arith.constant 0 : i32
    %dma_wait3A_2004 = tpu.memref_slice %arg5[%dma_wait3A_2002, %dma_wait3A_2003] : memref<200x128xi32, #tpu.memory_space<vmem>> -> memref<1x128xi32, #tpu.memory_space<vmem>>
    %dma_wait3A_2005 = tpu.memref_squeeze %dma_wait3A_2004 : memref<1x128xi32, #tpu.memory_space<vmem>> -> memref<128xi32, #tpu.memory_space<vmem>>
    %dma_wait3A_2006 = arith.constant 0 : i32
    %dma_wait3A_2007 = arith.constant 0 : i32
    %dma_wait3A_2008 = tpu.memref_slice %arg3[%dma_wait3A_2006, %dma_wait3A_2007] : memref<114688x64xf32, #tpu.memory_space<hbm>> -> memref<114688x64xf32, #tpu.memory_space<hbm>>
    tpu.wait_indirect_dma semaphore(%arg7 : memref<!tpu.dma_semaphore, #tpu.memory_space<semaphore_mem>>) src(%dma_wait3A_2008 : memref<114688x64xf32, #tpu.memory_space<hbm>>) dst(%arg6 : memref<128x64xf32, #tpu.memory_space<vmem>>)
    %dma_start3A_2009 = arith.constant 155 : i32
    %dma_start3A_2010 = arith.constant 0 : i32
    %dma_start3A_2011 = tpu.memref_slice %arg5[%dma_start3A_2009, %dma_start3A_2010] : memref<200x128xi32, #tpu.memory_space<vmem>> -> memref<1x128xi32, #tpu.memory_space<vmem>>
    %dma_start3A_2012 = tpu.memref_squeeze %dma_start3A_2011 : memref<1x128xi32, #tpu.memory_space<vmem>> -> memref<128xi32, #tpu.memory_space<vmem>>
    %dma_start3A_2013 = arith.constant 0 : i32
    %dma_start3A_2014 = arith.constant 0 : i32
    %dma_start3A_2015 = tpu.memref_slice %arg3[%dma_start3A_2013, %dma_start3A_2014] : memref<114688x64xf32, #tpu.memory_space<hbm>> -> memref<114688x64xf32, #tpu.memory_space<hbm>>
    tpu.enqueue_indirect_dma source(%dma_start3A_2015 : memref<114688x64xf32, #tpu.memory_space<hbm>>) target(%arg6 : memref<128x64xf32, #tpu.memory_space<vmem>>) offsets(%dma_start3A_2012 : memref<128xi32, #tpu.memory_space<vmem>>) semaphore(%arg7 : memref<!tpu.dma_semaphore, #tpu.memory_space<semaphore_mem>>) {add = true}
    %dma_wait3A_2016 = arith.constant 131 : i32
    %dma_wait3A_2017 = arith.constant 0 : i32
    %dma_wait3A_2018 = tpu.memref_slice %arg5[%dma_wait3A_2016, %dma_wait3A_2017] : memref<200x128xi32, #tpu.memory_space<vmem>> -> memref<1x128xi32, #tpu.memory_space<vmem>>
    %dma_wait3A_2019 = tpu.memref_squeeze %dma_wait3A_2018 : memref<1x128xi32, #tpu.memory_space<vmem>> -> memref<128xi32, #tpu.memory_space<vmem>>
    %dma_wait3A_2020 = arith.constant 0 : i32
    %dma_wait3A_2021 = arith.constant 0 : i32
    %dma_wait3A_2022 = tpu.memref_slice %arg3[%dma_wait3A_2020, %dma_wait3A_2021] : memref<114688x64xf32, #tpu.memory_space<hbm>> -> memref<114688x64xf32, #tpu.memory_space<hbm>>
    tpu.wait_indirect_dma semaphore(%arg7 : memref<!tpu.dma_semaphore, #tpu.memory_space<semaphore_mem>>) src(%dma_wait3A_2022 : memref<114688x64xf32, #tpu.memory_space<hbm>>) dst(%arg6 : memref<128x64xf32, #tpu.memory_space<vmem>>)
    %dma_start3A_2023 = arith.constant 156 : i32
    %dma_start3A_2024 = arith.constant 0 : i32
    %dma_start3A_2025 = tpu.memref_slice %arg5[%dma_start3A_2023, %dma_start3A_2024] : memref<200x128xi32, #tpu.memory_space<vmem>> -> memref<1x128xi32, #tpu.memory_space<vmem>>
    %dma_start3A_2026 = tpu.memref_squeeze %dma_start3A_2025 : memref<1x128xi32, #tpu.memory_space<vmem>> -> memref<128xi32, #tpu.memory_space<vmem>>
    %dma_start3A_2027 = arith.constant 0 : i32
    %dma_start3A_2028 = arith.constant 0 : i32
    %dma_start3A_2029 = tpu.memref_slice %arg3[%dma_start3A_2027, %dma_start3A_2028] : memref<114688x64xf32, #tpu.memory_space<hbm>> -> memref<114688x64xf32, #tpu.memory_space<hbm>>
    tpu.enqueue_indirect_dma source(%dma_start3A_2029 : memref<114688x64xf32, #tpu.memory_space<hbm>>) target(%arg6 : memref<128x64xf32, #tpu.memory_space<vmem>>) offsets(%dma_start3A_2026 : memref<128xi32, #tpu.memory_space<vmem>>) semaphore(%arg7 : memref<!tpu.dma_semaphore, #tpu.memory_space<semaphore_mem>>) {add = true}
    %dma_wait3A_2030 = arith.constant 132 : i32
    %dma_wait3A_2031 = arith.constant 0 : i32
    %dma_wait3A_2032 = tpu.memref_slice %arg5[%dma_wait3A_2030, %dma_wait3A_2031] : memref<200x128xi32, #tpu.memory_space<vmem>> -> memref<1x128xi32, #tpu.memory_space<vmem>>
    %dma_wait3A_2033 = tpu.memref_squeeze %dma_wait3A_2032 : memref<1x128xi32, #tpu.memory_space<vmem>> -> memref<128xi32, #tpu.memory_space<vmem>>
    %dma_wait3A_2034 = arith.constant 0 : i32
    %dma_wait3A_2035 = arith.constant 0 : i32
    %dma_wait3A_2036 = tpu.memref_slice %arg3[%dma_wait3A_2034, %dma_wait3A_2035] : memref<114688x64xf32, #tpu.memory_space<hbm>> -> memref<114688x64xf32, #tpu.memory_space<hbm>>
    tpu.wait_indirect_dma semaphore(%arg7 : memref<!tpu.dma_semaphore, #tpu.memory_space<semaphore_mem>>) src(%dma_wait3A_2036 : memref<114688x64xf32, #tpu.memory_space<hbm>>) dst(%arg6 : memref<128x64xf32, #tpu.memory_space<vmem>>)
    %dma_start3A_2037 = arith.constant 157 : i32
    %dma_start3A_2038 = arith.constant 0 : i32
    %dma_start3A_2039 = tpu.memref_slice %arg5[%dma_start3A_2037, %dma_start3A_2038] : memref<200x128xi32, #tpu.memory_space<vmem>> -> memref<1x128xi32, #tpu.memory_space<vmem>>
    %dma_start3A_2040 = tpu.memref_squeeze %dma_start3A_2039 : memref<1x128xi32, #tpu.memory_space<vmem>> -> memref<128xi32, #tpu.memory_space<vmem>>
    %dma_start3A_2041 = arith.constant 0 : i32
    %dma_start3A_2042 = arith.constant 0 : i32
    %dma_start3A_2043 = tpu.memref_slice %arg3[%dma_start3A_2041, %dma_start3A_2042] : memref<114688x64xf32, #tpu.memory_space<hbm>> -> memref<114688x64xf32, #tpu.memory_space<hbm>>
    tpu.enqueue_indirect_dma source(%dma_start3A_2043 : memref<114688x64xf32, #tpu.memory_space<hbm>>) target(%arg6 : memref<128x64xf32, #tpu.memory_space<vmem>>) offsets(%dma_start3A_2040 : memref<128xi32, #tpu.memory_space<vmem>>) semaphore(%arg7 : memref<!tpu.dma_semaphore, #tpu.memory_space<semaphore_mem>>) {add = true}
    %dma_wait3A_2044 = arith.constant 133 : i32
    %dma_wait3A_2045 = arith.constant 0 : i32
    %dma_wait3A_2046 = tpu.memref_slice %arg5[%dma_wait3A_2044, %dma_wait3A_2045] : memref<200x128xi32, #tpu.memory_space<vmem>> -> memref<1x128xi32, #tpu.memory_space<vmem>>
    %dma_wait3A_2047 = tpu.memref_squeeze %dma_wait3A_2046 : memref<1x128xi32, #tpu.memory_space<vmem>> -> memref<128xi32, #tpu.memory_space<vmem>>
    %dma_wait3A_2048 = arith.constant 0 : i32
    %dma_wait3A_2049 = arith.constant 0 : i32
    %dma_wait3A_2050 = tpu.memref_slice %arg3[%dma_wait3A_2048, %dma_wait3A_2049] : memref<114688x64xf32, #tpu.memory_space<hbm>> -> memref<114688x64xf32, #tpu.memory_space<hbm>>
    tpu.wait_indirect_dma semaphore(%arg7 : memref<!tpu.dma_semaphore, #tpu.memory_space<semaphore_mem>>) src(%dma_wait3A_2050 : memref<114688x64xf32, #tpu.memory_space<hbm>>) dst(%arg6 : memref<128x64xf32, #tpu.memory_space<vmem>>)
    %dma_start3A_2051 = arith.constant 158 : i32
    %dma_start3A_2052 = arith.constant 0 : i32
    %dma_start3A_2053 = tpu.memref_slice %arg5[%dma_start3A_2051, %dma_start3A_2052] : memref<200x128xi32, #tpu.memory_space<vmem>> -> memref<1x128xi32, #tpu.memory_space<vmem>>
    %dma_start3A_2054 = tpu.memref_squeeze %dma_start3A_2053 : memref<1x128xi32, #tpu.memory_space<vmem>> -> memref<128xi32, #tpu.memory_space<vmem>>
    %dma_start3A_2055 = arith.constant 0 : i32
    %dma_start3A_2056 = arith.constant 0 : i32
    %dma_start3A_2057 = tpu.memref_slice %arg3[%dma_start3A_2055, %dma_start3A_2056] : memref<114688x64xf32, #tpu.memory_space<hbm>> -> memref<114688x64xf32, #tpu.memory_space<hbm>>
    tpu.enqueue_indirect_dma source(%dma_start3A_2057 : memref<114688x64xf32, #tpu.memory_space<hbm>>) target(%arg6 : memref<128x64xf32, #tpu.memory_space<vmem>>) offsets(%dma_start3A_2054 : memref<128xi32, #tpu.memory_space<vmem>>) semaphore(%arg7 : memref<!tpu.dma_semaphore, #tpu.memory_space<semaphore_mem>>) {add = true}
    %dma_wait3A_2058 = arith.constant 134 : i32
    %dma_wait3A_2059 = arith.constant 0 : i32
    %dma_wait3A_2060 = tpu.memref_slice %arg5[%dma_wait3A_2058, %dma_wait3A_2059] : memref<200x128xi32, #tpu.memory_space<vmem>> -> memref<1x128xi32, #tpu.memory_space<vmem>>
    %dma_wait3A_2061 = tpu.memref_squeeze %dma_wait3A_2060 : memref<1x128xi32, #tpu.memory_space<vmem>> -> memref<128xi32, #tpu.memory_space<vmem>>
    %dma_wait3A_2062 = arith.constant 0 : i32
    %dma_wait3A_2063 = arith.constant 0 : i32
    %dma_wait3A_2064 = tpu.memref_slice %arg3[%dma_wait3A_2062, %dma_wait3A_2063] : memref<114688x64xf32, #tpu.memory_space<hbm>> -> memref<114688x64xf32, #tpu.memory_space<hbm>>
    tpu.wait_indirect_dma semaphore(%arg7 : memref<!tpu.dma_semaphore, #tpu.memory_space<semaphore_mem>>) src(%dma_wait3A_2064 : memref<114688x64xf32, #tpu.memory_space<hbm>>) dst(%arg6 : memref<128x64xf32, #tpu.memory_space<vmem>>)
    %dma_start3A_2065 = arith.constant 159 : i32
    %dma_start3A_2066 = arith.constant 0 : i32
    %dma_start3A_2067 = tpu.memref_slice %arg5[%dma_start3A_2065, %dma_start3A_2066] : memref<200x128xi32, #tpu.memory_space<vmem>> -> memref<1x128xi32, #tpu.memory_space<vmem>>
    %dma_start3A_2068 = tpu.memref_squeeze %dma_start3A_2067 : memref<1x128xi32, #tpu.memory_space<vmem>> -> memref<128xi32, #tpu.memory_space<vmem>>
    %dma_start3A_2069 = arith.constant 0 : i32
    %dma_start3A_2070 = arith.constant 0 : i32
    %dma_start3A_2071 = tpu.memref_slice %arg3[%dma_start3A_2069, %dma_start3A_2070] : memref<114688x64xf32, #tpu.memory_space<hbm>> -> memref<114688x64xf32, #tpu.memory_space<hbm>>
    tpu.enqueue_indirect_dma source(%dma_start3A_2071 : memref<114688x64xf32, #tpu.memory_space<hbm>>) target(%arg6 : memref<128x64xf32, #tpu.memory_space<vmem>>) offsets(%dma_start3A_2068 : memref<128xi32, #tpu.memory_space<vmem>>) semaphore(%arg7 : memref<!tpu.dma_semaphore, #tpu.memory_space<semaphore_mem>>) {add = true}
    %dma_wait3A_2072 = arith.constant 135 : i32
    %dma_wait3A_2073 = arith.constant 0 : i32
    %dma_wait3A_2074 = tpu.memref_slice %arg5[%dma_wait3A_2072, %dma_wait3A_2073] : memref<200x128xi32, #tpu.memory_space<vmem>> -> memref<1x128xi32, #tpu.memory_space<vmem>>
    %dma_wait3A_2075 = tpu.memref_squeeze %dma_wait3A_2074 : memref<1x128xi32, #tpu.memory_space<vmem>> -> memref<128xi32, #tpu.memory_space<vmem>>
    %dma_wait3A_2076 = arith.constant 0 : i32
    %dma_wait3A_2077 = arith.constant 0 : i32
    %dma_wait3A_2078 = tpu.memref_slice %arg3[%dma_wait3A_2076, %dma_wait3A_2077] : memref<114688x64xf32, #tpu.memory_space<hbm>> -> memref<114688x64xf32, #tpu.memory_space<hbm>>
    tpu.wait_indirect_dma semaphore(%arg7 : memref<!tpu.dma_semaphore, #tpu.memory_space<semaphore_mem>>) src(%dma_wait3A_2078 : memref<114688x64xf32, #tpu.memory_space<hbm>>) dst(%arg6 : memref<128x64xf32, #tpu.memory_space<vmem>>)
    %dma_start3A_2079 = arith.constant 160 : i32
    %dma_start3A_2080 = arith.constant 0 : i32
    %dma_start3A_2081 = tpu.memref_slice %arg5[%dma_start3A_2079, %dma_start3A_2080] : memref<200x128xi32, #tpu.memory_space<vmem>> -> memref<1x128xi32, #tpu.memory_space<vmem>>
    %dma_start3A_2082 = tpu.memref_squeeze %dma_start3A_2081 : memref<1x128xi32, #tpu.memory_space<vmem>> -> memref<128xi32, #tpu.memory_space<vmem>>
    %dma_start3A_2083 = arith.constant 0 : i32
    %dma_start3A_2084 = arith.constant 0 : i32
    %dma_start3A_2085 = tpu.memref_slice %arg3[%dma_start3A_2083, %dma_start3A_2084] : memref<114688x64xf32, #tpu.memory_space<hbm>> -> memref<114688x64xf32, #tpu.memory_space<hbm>>
    tpu.enqueue_indirect_dma source(%dma_start3A_2085 : memref<114688x64xf32, #tpu.memory_space<hbm>>) target(%arg6 : memref<128x64xf32, #tpu.memory_space<vmem>>) offsets(%dma_start3A_2082 : memref<128xi32, #tpu.memory_space<vmem>>) semaphore(%arg7 : memref<!tpu.dma_semaphore, #tpu.memory_space<semaphore_mem>>) {add = true}
    %dma_wait3A_2086 = arith.constant 136 : i32
    %dma_wait3A_2087 = arith.constant 0 : i32
    %dma_wait3A_2088 = tpu.memref_slice %arg5[%dma_wait3A_2086, %dma_wait3A_2087] : memref<200x128xi32, #tpu.memory_space<vmem>> -> memref<1x128xi32, #tpu.memory_space<vmem>>
    %dma_wait3A_2089 = tpu.memref_squeeze %dma_wait3A_2088 : memref<1x128xi32, #tpu.memory_space<vmem>> -> memref<128xi32, #tpu.memory_space<vmem>>
    %dma_wait3A_2090 = arith.constant 0 : i32
    %dma_wait3A_2091 = arith.constant 0 : i32
    %dma_wait3A_2092 = tpu.memref_slice %arg3[%dma_wait3A_2090, %dma_wait3A_2091] : memref<114688x64xf32, #tpu.memory_space<hbm>> -> memref<114688x64xf32, #tpu.memory_space<hbm>>
    tpu.wait_indirect_dma semaphore(%arg7 : memref<!tpu.dma_semaphore, #tpu.memory_space<semaphore_mem>>) src(%dma_wait3A_2092 : memref<114688x64xf32, #tpu.memory_space<hbm>>) dst(%arg6 : memref<128x64xf32, #tpu.memory_space<vmem>>)
    %dma_start3A_2093 = arith.constant 161 : i32
    %dma_start3A_2094 = arith.constant 0 : i32
    %dma_start3A_2095 = tpu.memref_slice %arg5[%dma_start3A_2093, %dma_start3A_2094] : memref<200x128xi32, #tpu.memory_space<vmem>> -> memref<1x128xi32, #tpu.memory_space<vmem>>
    %dma_start3A_2096 = tpu.memref_squeeze %dma_start3A_2095 : memref<1x128xi32, #tpu.memory_space<vmem>> -> memref<128xi32, #tpu.memory_space<vmem>>
    %dma_start3A_2097 = arith.constant 0 : i32
    %dma_start3A_2098 = arith.constant 0 : i32
    %dma_start3A_2099 = tpu.memref_slice %arg3[%dma_start3A_2097, %dma_start3A_2098] : memref<114688x64xf32, #tpu.memory_space<hbm>> -> memref<114688x64xf32, #tpu.memory_space<hbm>>
    tpu.enqueue_indirect_dma source(%dma_start3A_2099 : memref<114688x64xf32, #tpu.memory_space<hbm>>) target(%arg6 : memref<128x64xf32, #tpu.memory_space<vmem>>) offsets(%dma_start3A_2096 : memref<128xi32, #tpu.memory_space<vmem>>) semaphore(%arg7 : memref<!tpu.dma_semaphore, #tpu.memory_space<semaphore_mem>>) {add = true}
    %dma_wait3A_2100 = arith.constant 137 : i32
    %dma_wait3A_2101 = arith.constant 0 : i32
    %dma_wait3A_2102 = tpu.memref_slice %arg5[%dma_wait3A_2100, %dma_wait3A_2101] : memref<200x128xi32, #tpu.memory_space<vmem>> -> memref<1x128xi32, #tpu.memory_space<vmem>>
    %dma_wait3A_2103 = tpu.memref_squeeze %dma_wait3A_2102 : memref<1x128xi32, #tpu.memory_space<vmem>> -> memref<128xi32, #tpu.memory_space<vmem>>
    %dma_wait3A_2104 = arith.constant 0 : i32
    %dma_wait3A_2105 = arith.constant 0 : i32
    %dma_wait3A_2106 = tpu.memref_slice %arg3[%dma_wait3A_2104, %dma_wait3A_2105] : memref<114688x64xf32, #tpu.memory_space<hbm>> -> memref<114688x64xf32, #tpu.memory_space<hbm>>
    tpu.wait_indirect_dma semaphore(%arg7 : memref<!tpu.dma_semaphore, #tpu.memory_space<semaphore_mem>>) src(%dma_wait3A_2106 : memref<114688x64xf32, #tpu.memory_space<hbm>>) dst(%arg6 : memref<128x64xf32, #tpu.memory_space<vmem>>)
    %dma_start3A_2107 = arith.constant 162 : i32
    %dma_start3A_2108 = arith.constant 0 : i32
    %dma_start3A_2109 = tpu.memref_slice %arg5[%dma_start3A_2107, %dma_start3A_2108] : memref<200x128xi32, #tpu.memory_space<vmem>> -> memref<1x128xi32, #tpu.memory_space<vmem>>
    %dma_start3A_2110 = tpu.memref_squeeze %dma_start3A_2109 : memref<1x128xi32, #tpu.memory_space<vmem>> -> memref<128xi32, #tpu.memory_space<vmem>>
    %dma_start3A_2111 = arith.constant 0 : i32
    %dma_start3A_2112 = arith.constant 0 : i32
    %dma_start3A_2113 = tpu.memref_slice %arg3[%dma_start3A_2111, %dma_start3A_2112] : memref<114688x64xf32, #tpu.memory_space<hbm>> -> memref<114688x64xf32, #tpu.memory_space<hbm>>
    tpu.enqueue_indirect_dma source(%dma_start3A_2113 : memref<114688x64xf32, #tpu.memory_space<hbm>>) target(%arg6 : memref<128x64xf32, #tpu.memory_space<vmem>>) offsets(%dma_start3A_2110 : memref<128xi32, #tpu.memory_space<vmem>>) semaphore(%arg7 : memref<!tpu.dma_semaphore, #tpu.memory_space<semaphore_mem>>) {add = true}
    %dma_wait3A_2114 = arith.constant 138 : i32
    %dma_wait3A_2115 = arith.constant 0 : i32
    %dma_wait3A_2116 = tpu.memref_slice %arg5[%dma_wait3A_2114, %dma_wait3A_2115] : memref<200x128xi32, #tpu.memory_space<vmem>> -> memref<1x128xi32, #tpu.memory_space<vmem>>
    %dma_wait3A_2117 = tpu.memref_squeeze %dma_wait3A_2116 : memref<1x128xi32, #tpu.memory_space<vmem>> -> memref<128xi32, #tpu.memory_space<vmem>>
    %dma_wait3A_2118 = arith.constant 0 : i32
    %dma_wait3A_2119 = arith.constant 0 : i32
    %dma_wait3A_2120 = tpu.memref_slice %arg3[%dma_wait3A_2118, %dma_wait3A_2119] : memref<114688x64xf32, #tpu.memory_space<hbm>> -> memref<114688x64xf32, #tpu.memory_space<hbm>>
    tpu.wait_indirect_dma semaphore(%arg7 : memref<!tpu.dma_semaphore, #tpu.memory_space<semaphore_mem>>) src(%dma_wait3A_2120 : memref<114688x64xf32, #tpu.memory_space<hbm>>) dst(%arg6 : memref<128x64xf32, #tpu.memory_space<vmem>>)
    %dma_start3A_2121 = arith.constant 163 : i32
    %dma_start3A_2122 = arith.constant 0 : i32
    %dma_start3A_2123 = tpu.memref_slice %arg5[%dma_start3A_2121, %dma_start3A_2122] : memref<200x128xi32, #tpu.memory_space<vmem>> -> memref<1x128xi32, #tpu.memory_space<vmem>>
    %dma_start3A_2124 = tpu.memref_squeeze %dma_start3A_2123 : memref<1x128xi32, #tpu.memory_space<vmem>> -> memref<128xi32, #tpu.memory_space<vmem>>
    %dma_start3A_2125 = arith.constant 0 : i32
    %dma_start3A_2126 = arith.constant 0 : i32
    %dma_start3A_2127 = tpu.memref_slice %arg3[%dma_start3A_2125, %dma_start3A_2126] : memref<114688x64xf32, #tpu.memory_space<hbm>> -> memref<114688x64xf32, #tpu.memory_space<hbm>>
    tpu.enqueue_indirect_dma source(%dma_start3A_2127 : memref<114688x64xf32, #tpu.memory_space<hbm>>) target(%arg6 : memref<128x64xf32, #tpu.memory_space<vmem>>) offsets(%dma_start3A_2124 : memref<128xi32, #tpu.memory_space<vmem>>) semaphore(%arg7 : memref<!tpu.dma_semaphore, #tpu.memory_space<semaphore_mem>>) {add = true}
    %dma_wait3A_2128 = arith.constant 139 : i32
    %dma_wait3A_2129 = arith.constant 0 : i32
    %dma_wait3A_2130 = tpu.memref_slice %arg5[%dma_wait3A_2128, %dma_wait3A_2129] : memref<200x128xi32, #tpu.memory_space<vmem>> -> memref<1x128xi32, #tpu.memory_space<vmem>>
    %dma_wait3A_2131 = tpu.memref_squeeze %dma_wait3A_2130 : memref<1x128xi32, #tpu.memory_space<vmem>> -> memref<128xi32, #tpu.memory_space<vmem>>
    %dma_wait3A_2132 = arith.constant 0 : i32
    %dma_wait3A_2133 = arith.constant 0 : i32
    %dma_wait3A_2134 = tpu.memref_slice %arg3[%dma_wait3A_2132, %dma_wait3A_2133] : memref<114688x64xf32, #tpu.memory_space<hbm>> -> memref<114688x64xf32, #tpu.memory_space<hbm>>
    tpu.wait_indirect_dma semaphore(%arg7 : memref<!tpu.dma_semaphore, #tpu.memory_space<semaphore_mem>>) src(%dma_wait3A_2134 : memref<114688x64xf32, #tpu.memory_space<hbm>>) dst(%arg6 : memref<128x64xf32, #tpu.memory_space<vmem>>)
    %dma_start3A_2135 = arith.constant 164 : i32
    %dma_start3A_2136 = arith.constant 0 : i32
    %dma_start3A_2137 = tpu.memref_slice %arg5[%dma_start3A_2135, %dma_start3A_2136] : memref<200x128xi32, #tpu.memory_space<vmem>> -> memref<1x128xi32, #tpu.memory_space<vmem>>
    %dma_start3A_2138 = tpu.memref_squeeze %dma_start3A_2137 : memref<1x128xi32, #tpu.memory_space<vmem>> -> memref<128xi32, #tpu.memory_space<vmem>>
    %dma_start3A_2139 = arith.constant 0 : i32
    %dma_start3A_2140 = arith.constant 0 : i32
    %dma_start3A_2141 = tpu.memref_slice %arg3[%dma_start3A_2139, %dma_start3A_2140] : memref<114688x64xf32, #tpu.memory_space<hbm>> -> memref<114688x64xf32, #tpu.memory_space<hbm>>
    tpu.enqueue_indirect_dma source(%dma_start3A_2141 : memref<114688x64xf32, #tpu.memory_space<hbm>>) target(%arg6 : memref<128x64xf32, #tpu.memory_space<vmem>>) offsets(%dma_start3A_2138 : memref<128xi32, #tpu.memory_space<vmem>>) semaphore(%arg7 : memref<!tpu.dma_semaphore, #tpu.memory_space<semaphore_mem>>) {add = true}
    %dma_wait3A_2142 = arith.constant 140 : i32
    %dma_wait3A_2143 = arith.constant 0 : i32
    %dma_wait3A_2144 = tpu.memref_slice %arg5[%dma_wait3A_2142, %dma_wait3A_2143] : memref<200x128xi32, #tpu.memory_space<vmem>> -> memref<1x128xi32, #tpu.memory_space<vmem>>
    %dma_wait3A_2145 = tpu.memref_squeeze %dma_wait3A_2144 : memref<1x128xi32, #tpu.memory_space<vmem>> -> memref<128xi32, #tpu.memory_space<vmem>>
    %dma_wait3A_2146 = arith.constant 0 : i32
    %dma_wait3A_2147 = arith.constant 0 : i32
    %dma_wait3A_2148 = tpu.memref_slice %arg3[%dma_wait3A_2146, %dma_wait3A_2147] : memref<114688x64xf32, #tpu.memory_space<hbm>> -> memref<114688x64xf32, #tpu.memory_space<hbm>>
    tpu.wait_indirect_dma semaphore(%arg7 : memref<!tpu.dma_semaphore, #tpu.memory_space<semaphore_mem>>) src(%dma_wait3A_2148 : memref<114688x64xf32, #tpu.memory_space<hbm>>) dst(%arg6 : memref<128x64xf32, #tpu.memory_space<vmem>>)
    %dma_start3A_2149 = arith.constant 165 : i32
    %dma_start3A_2150 = arith.constant 0 : i32
    %dma_start3A_2151 = tpu.memref_slice %arg5[%dma_start3A_2149, %dma_start3A_2150] : memref<200x128xi32, #tpu.memory_space<vmem>> -> memref<1x128xi32, #tpu.memory_space<vmem>>
    %dma_start3A_2152 = tpu.memref_squeeze %dma_start3A_2151 : memref<1x128xi32, #tpu.memory_space<vmem>> -> memref<128xi32, #tpu.memory_space<vmem>>
    %dma_start3A_2153 = arith.constant 0 : i32
    %dma_start3A_2154 = arith.constant 0 : i32
    %dma_start3A_2155 = tpu.memref_slice %arg3[%dma_start3A_2153, %dma_start3A_2154] : memref<114688x64xf32, #tpu.memory_space<hbm>> -> memref<114688x64xf32, #tpu.memory_space<hbm>>
    tpu.enqueue_indirect_dma source(%dma_start3A_2155 : memref<114688x64xf32, #tpu.memory_space<hbm>>) target(%arg6 : memref<128x64xf32, #tpu.memory_space<vmem>>) offsets(%dma_start3A_2152 : memref<128xi32, #tpu.memory_space<vmem>>) semaphore(%arg7 : memref<!tpu.dma_semaphore, #tpu.memory_space<semaphore_mem>>) {add = true}
    %dma_wait3A_2156 = arith.constant 141 : i32
    %dma_wait3A_2157 = arith.constant 0 : i32
    %dma_wait3A_2158 = tpu.memref_slice %arg5[%dma_wait3A_2156, %dma_wait3A_2157] : memref<200x128xi32, #tpu.memory_space<vmem>> -> memref<1x128xi32, #tpu.memory_space<vmem>>
    %dma_wait3A_2159 = tpu.memref_squeeze %dma_wait3A_2158 : memref<1x128xi32, #tpu.memory_space<vmem>> -> memref<128xi32, #tpu.memory_space<vmem>>
    %dma_wait3A_2160 = arith.constant 0 : i32
    %dma_wait3A_2161 = arith.constant 0 : i32
    %dma_wait3A_2162 = tpu.memref_slice %arg3[%dma_wait3A_2160, %dma_wait3A_2161] : memref<114688x64xf32, #tpu.memory_space<hbm>> -> memref<114688x64xf32, #tpu.memory_space<hbm>>
    tpu.wait_indirect_dma semaphore(%arg7 : memref<!tpu.dma_semaphore, #tpu.memory_space<semaphore_mem>>) src(%dma_wait3A_2162 : memref<114688x64xf32, #tpu.memory_space<hbm>>) dst(%arg6 : memref<128x64xf32, #tpu.memory_space<vmem>>)
    %dma_start3A_2163 = arith.constant 166 : i32
    %dma_start3A_2164 = arith.constant 0 : i32
    %dma_start3A_2165 = tpu.memref_slice %arg5[%dma_start3A_2163, %dma_start3A_2164] : memref<200x128xi32, #tpu.memory_space<vmem>> -> memref<1x128xi32, #tpu.memory_space<vmem>>
    %dma_start3A_2166 = tpu.memref_squeeze %dma_start3A_2165 : memref<1x128xi32, #tpu.memory_space<vmem>> -> memref<128xi32, #tpu.memory_space<vmem>>
    %dma_start3A_2167 = arith.constant 0 : i32
    %dma_start3A_2168 = arith.constant 0 : i32
    %dma_start3A_2169 = tpu.memref_slice %arg3[%dma_start3A_2167, %dma_start3A_2168] : memref<114688x64xf32, #tpu.memory_space<hbm>> -> memref<114688x64xf32, #tpu.memory_space<hbm>>
    tpu.enqueue_indirect_dma source(%dma_start3A_2169 : memref<114688x64xf32, #tpu.memory_space<hbm>>) target(%arg6 : memref<128x64xf32, #tpu.memory_space<vmem>>) offsets(%dma_start3A_2166 : memref<128xi32, #tpu.memory_space<vmem>>) semaphore(%arg7 : memref<!tpu.dma_semaphore, #tpu.memory_space<semaphore_mem>>) {add = true}
    %dma_wait3A_2170 = arith.constant 142 : i32
    %dma_wait3A_2171 = arith.constant 0 : i32
    %dma_wait3A_2172 = tpu.memref_slice %arg5[%dma_wait3A_2170, %dma_wait3A_2171] : memref<200x128xi32, #tpu.memory_space<vmem>> -> memref<1x128xi32, #tpu.memory_space<vmem>>
    %dma_wait3A_2173 = tpu.memref_squeeze %dma_wait3A_2172 : memref<1x128xi32, #tpu.memory_space<vmem>> -> memref<128xi32, #tpu.memory_space<vmem>>
    %dma_wait3A_2174 = arith.constant 0 : i32
    %dma_wait3A_2175 = arith.constant 0 : i32
    %dma_wait3A_2176 = tpu.memref_slice %arg3[%dma_wait3A_2174, %dma_wait3A_2175] : memref<114688x64xf32, #tpu.memory_space<hbm>> -> memref<114688x64xf32, #tpu.memory_space<hbm>>
    tpu.wait_indirect_dma semaphore(%arg7 : memref<!tpu.dma_semaphore, #tpu.memory_space<semaphore_mem>>) src(%dma_wait3A_2176 : memref<114688x64xf32, #tpu.memory_space<hbm>>) dst(%arg6 : memref<128x64xf32, #tpu.memory_space<vmem>>)
    %dma_start3A_2177 = arith.constant 167 : i32
    %dma_start3A_2178 = arith.constant 0 : i32
    %dma_start3A_2179 = tpu.memref_slice %arg5[%dma_start3A_2177, %dma_start3A_2178] : memref<200x128xi32, #tpu.memory_space<vmem>> -> memref<1x128xi32, #tpu.memory_space<vmem>>
    %dma_start3A_2180 = tpu.memref_squeeze %dma_start3A_2179 : memref<1x128xi32, #tpu.memory_space<vmem>> -> memref<128xi32, #tpu.memory_space<vmem>>
    %dma_start3A_2181 = arith.constant 0 : i32
    %dma_start3A_2182 = arith.constant 0 : i32
    %dma_start3A_2183 = tpu.memref_slice %arg3[%dma_start3A_2181, %dma_start3A_2182] : memref<114688x64xf32, #tpu.memory_space<hbm>> -> memref<114688x64xf32, #tpu.memory_space<hbm>>
    tpu.enqueue_indirect_dma source(%dma_start3A_2183 : memref<114688x64xf32, #tpu.memory_space<hbm>>) target(%arg6 : memref<128x64xf32, #tpu.memory_space<vmem>>) offsets(%dma_start3A_2180 : memref<128xi32, #tpu.memory_space<vmem>>) semaphore(%arg7 : memref<!tpu.dma_semaphore, #tpu.memory_space<semaphore_mem>>) {add = true}
    %dma_wait3A_2184 = arith.constant 143 : i32
    %dma_wait3A_2185 = arith.constant 0 : i32
    %dma_wait3A_2186 = tpu.memref_slice %arg5[%dma_wait3A_2184, %dma_wait3A_2185] : memref<200x128xi32, #tpu.memory_space<vmem>> -> memref<1x128xi32, #tpu.memory_space<vmem>>
    %dma_wait3A_2187 = tpu.memref_squeeze %dma_wait3A_2186 : memref<1x128xi32, #tpu.memory_space<vmem>> -> memref<128xi32, #tpu.memory_space<vmem>>
    %dma_wait3A_2188 = arith.constant 0 : i32
    %dma_wait3A_2189 = arith.constant 0 : i32
    %dma_wait3A_2190 = tpu.memref_slice %arg3[%dma_wait3A_2188, %dma_wait3A_2189] : memref<114688x64xf32, #tpu.memory_space<hbm>> -> memref<114688x64xf32, #tpu.memory_space<hbm>>
    tpu.wait_indirect_dma semaphore(%arg7 : memref<!tpu.dma_semaphore, #tpu.memory_space<semaphore_mem>>) src(%dma_wait3A_2190 : memref<114688x64xf32, #tpu.memory_space<hbm>>) dst(%arg6 : memref<128x64xf32, #tpu.memory_space<vmem>>)
    %dma_start3A_2191 = arith.constant 168 : i32
    %dma_start3A_2192 = arith.constant 0 : i32
    %dma_start3A_2193 = tpu.memref_slice %arg5[%dma_start3A_2191, %dma_start3A_2192] : memref<200x128xi32, #tpu.memory_space<vmem>> -> memref<1x128xi32, #tpu.memory_space<vmem>>
    %dma_start3A_2194 = tpu.memref_squeeze %dma_start3A_2193 : memref<1x128xi32, #tpu.memory_space<vmem>> -> memref<128xi32, #tpu.memory_space<vmem>>
    %dma_start3A_2195 = arith.constant 0 : i32
    %dma_start3A_2196 = arith.constant 0 : i32
    %dma_start3A_2197 = tpu.memref_slice %arg3[%dma_start3A_2195, %dma_start3A_2196] : memref<114688x64xf32, #tpu.memory_space<hbm>> -> memref<114688x64xf32, #tpu.memory_space<hbm>>
    tpu.enqueue_indirect_dma source(%dma_start3A_2197 : memref<114688x64xf32, #tpu.memory_space<hbm>>) target(%arg6 : memref<128x64xf32, #tpu.memory_space<vmem>>) offsets(%dma_start3A_2194 : memref<128xi32, #tpu.memory_space<vmem>>) semaphore(%arg7 : memref<!tpu.dma_semaphore, #tpu.memory_space<semaphore_mem>>) {add = true}
    %dma_wait3A_2198 = arith.constant 144 : i32
    %dma_wait3A_2199 = arith.constant 0 : i32
    %dma_wait3A_2200 = tpu.memref_slice %arg5[%dma_wait3A_2198, %dma_wait3A_2199] : memref<200x128xi32, #tpu.memory_space<vmem>> -> memref<1x128xi32, #tpu.memory_space<vmem>>
    %dma_wait3A_2201 = tpu.memref_squeeze %dma_wait3A_2200 : memref<1x128xi32, #tpu.memory_space<vmem>> -> memref<128xi32, #tpu.memory_space<vmem>>
    %dma_wait3A_2202 = arith.constant 0 : i32
    %dma_wait3A_2203 = arith.constant 0 : i32
    %dma_wait3A_2204 = tpu.memref_slice %arg3[%dma_wait3A_2202, %dma_wait3A_2203] : memref<114688x64xf32, #tpu.memory_space<hbm>> -> memref<114688x64xf32, #tpu.memory_space<hbm>>
    tpu.wait_indirect_dma semaphore(%arg7 : memref<!tpu.dma_semaphore, #tpu.memory_space<semaphore_mem>>) src(%dma_wait3A_2204 : memref<114688x64xf32, #tpu.memory_space<hbm>>) dst(%arg6 : memref<128x64xf32, #tpu.memory_space<vmem>>)
    %dma_start3A_2205 = arith.constant 169 : i32
    %dma_start3A_2206 = arith.constant 0 : i32
    %dma_start3A_2207 = tpu.memref_slice %arg5[%dma_start3A_2205, %dma_start3A_2206] : memref<200x128xi32, #tpu.memory_space<vmem>> -> memref<1x128xi32, #tpu.memory_space<vmem>>
    %dma_start3A_2208 = tpu.memref_squeeze %dma_start3A_2207 : memref<1x128xi32, #tpu.memory_space<vmem>> -> memref<128xi32, #tpu.memory_space<vmem>>
    %dma_start3A_2209 = arith.constant 0 : i32
    %dma_start3A_2210 = arith.constant 0 : i32
    %dma_start3A_2211 = tpu.memref_slice %arg3[%dma_start3A_2209, %dma_start3A_2210] : memref<114688x64xf32, #tpu.memory_space<hbm>> -> memref<114688x64xf32, #tpu.memory_space<hbm>>
    tpu.enqueue_indirect_dma source(%dma_start3A_2211 : memref<114688x64xf32, #tpu.memory_space<hbm>>) target(%arg6 : memref<128x64xf32, #tpu.memory_space<vmem>>) offsets(%dma_start3A_2208 : memref<128xi32, #tpu.memory_space<vmem>>) semaphore(%arg7 : memref<!tpu.dma_semaphore, #tpu.memory_space<semaphore_mem>>) {add = true}
    %dma_wait3A_2212 = arith.constant 145 : i32
    %dma_wait3A_2213 = arith.constant 0 : i32
    %dma_wait3A_2214 = tpu.memref_slice %arg5[%dma_wait3A_2212, %dma_wait3A_2213] : memref<200x128xi32, #tpu.memory_space<vmem>> -> memref<1x128xi32, #tpu.memory_space<vmem>>
    %dma_wait3A_2215 = tpu.memref_squeeze %dma_wait3A_2214 : memref<1x128xi32, #tpu.memory_space<vmem>> -> memref<128xi32, #tpu.memory_space<vmem>>
    %dma_wait3A_2216 = arith.constant 0 : i32
    %dma_wait3A_2217 = arith.constant 0 : i32
    %dma_wait3A_2218 = tpu.memref_slice %arg3[%dma_wait3A_2216, %dma_wait3A_2217] : memref<114688x64xf32, #tpu.memory_space<hbm>> -> memref<114688x64xf32, #tpu.memory_space<hbm>>
    tpu.wait_indirect_dma semaphore(%arg7 : memref<!tpu.dma_semaphore, #tpu.memory_space<semaphore_mem>>) src(%dma_wait3A_2218 : memref<114688x64xf32, #tpu.memory_space<hbm>>) dst(%arg6 : memref<128x64xf32, #tpu.memory_space<vmem>>)
    %dma_start3A_2219 = arith.constant 170 : i32
    %dma_start3A_2220 = arith.constant 0 : i32
    %dma_start3A_2221 = tpu.memref_slice %arg5[%dma_start3A_2219, %dma_start3A_2220] : memref<200x128xi32, #tpu.memory_space<vmem>> -> memref<1x128xi32, #tpu.memory_space<vmem>>
    %dma_start3A_2222 = tpu.memref_squeeze %dma_start3A_2221 : memref<1x128xi32, #tpu.memory_space<vmem>> -> memref<128xi32, #tpu.memory_space<vmem>>
    %dma_start3A_2223 = arith.constant 0 : i32
    %dma_start3A_2224 = arith.constant 0 : i32
    %dma_start3A_2225 = tpu.memref_slice %arg3[%dma_start3A_2223, %dma_start3A_2224] : memref<114688x64xf32, #tpu.memory_space<hbm>> -> memref<114688x64xf32, #tpu.memory_space<hbm>>
    tpu.enqueue_indirect_dma source(%dma_start3A_2225 : memref<114688x64xf32, #tpu.memory_space<hbm>>) target(%arg6 : memref<128x64xf32, #tpu.memory_space<vmem>>) offsets(%dma_start3A_2222 : memref<128xi32, #tpu.memory_space<vmem>>) semaphore(%arg7 : memref<!tpu.dma_semaphore, #tpu.memory_space<semaphore_mem>>) {add = true}
    %dma_wait3A_2226 = arith.constant 146 : i32
    %dma_wait3A_2227 = arith.constant 0 : i32
    %dma_wait3A_2228 = tpu.memref_slice %arg5[%dma_wait3A_2226, %dma_wait3A_2227] : memref<200x128xi32, #tpu.memory_space<vmem>> -> memref<1x128xi32, #tpu.memory_space<vmem>>
    %dma_wait3A_2229 = tpu.memref_squeeze %dma_wait3A_2228 : memref<1x128xi32, #tpu.memory_space<vmem>> -> memref<128xi32, #tpu.memory_space<vmem>>
    %dma_wait3A_2230 = arith.constant 0 : i32
    %dma_wait3A_2231 = arith.constant 0 : i32
    %dma_wait3A_2232 = tpu.memref_slice %arg3[%dma_wait3A_2230, %dma_wait3A_2231] : memref<114688x64xf32, #tpu.memory_space<hbm>> -> memref<114688x64xf32, #tpu.memory_space<hbm>>
    tpu.wait_indirect_dma semaphore(%arg7 : memref<!tpu.dma_semaphore, #tpu.memory_space<semaphore_mem>>) src(%dma_wait3A_2232 : memref<114688x64xf32, #tpu.memory_space<hbm>>) dst(%arg6 : memref<128x64xf32, #tpu.memory_space<vmem>>)
    %dma_start3A_2233 = arith.constant 171 : i32
    %dma_start3A_2234 = arith.constant 0 : i32
    %dma_start3A_2235 = tpu.memref_slice %arg5[%dma_start3A_2233, %dma_start3A_2234] : memref<200x128xi32, #tpu.memory_space<vmem>> -> memref<1x128xi32, #tpu.memory_space<vmem>>
    %dma_start3A_2236 = tpu.memref_squeeze %dma_start3A_2235 : memref<1x128xi32, #tpu.memory_space<vmem>> -> memref<128xi32, #tpu.memory_space<vmem>>
    %dma_start3A_2237 = arith.constant 0 : i32
    %dma_start3A_2238 = arith.constant 0 : i32
    %dma_start3A_2239 = tpu.memref_slice %arg3[%dma_start3A_2237, %dma_start3A_2238] : memref<114688x64xf32, #tpu.memory_space<hbm>> -> memref<114688x64xf32, #tpu.memory_space<hbm>>
    tpu.enqueue_indirect_dma source(%dma_start3A_2239 : memref<114688x64xf32, #tpu.memory_space<hbm>>) target(%arg6 : memref<128x64xf32, #tpu.memory_space<vmem>>) offsets(%dma_start3A_2236 : memref<128xi32, #tpu.memory_space<vmem>>) semaphore(%arg7 : memref<!tpu.dma_semaphore, #tpu.memory_space<semaphore_mem>>) {add = true}
    %dma_wait3A_2240 = arith.constant 147 : i32
    %dma_wait3A_2241 = arith.constant 0 : i32
    %dma_wait3A_2242 = tpu.memref_slice %arg5[%dma_wait3A_2240, %dma_wait3A_2241] : memref<200x128xi32, #tpu.memory_space<vmem>> -> memref<1x128xi32, #tpu.memory_space<vmem>>
    %dma_wait3A_2243 = tpu.memref_squeeze %dma_wait3A_2242 : memref<1x128xi32, #tpu.memory_space<vmem>> -> memref<128xi32, #tpu.memory_space<vmem>>
    %dma_wait3A_2244 = arith.constant 0 : i32
    %dma_wait3A_2245 = arith.constant 0 : i32
    %dma_wait3A_2246 = tpu.memref_slice %arg3[%dma_wait3A_2244, %dma_wait3A_2245] : memref<114688x64xf32, #tpu.memory_space<hbm>> -> memref<114688x64xf32, #tpu.memory_space<hbm>>
    tpu.wait_indirect_dma semaphore(%arg7 : memref<!tpu.dma_semaphore, #tpu.memory_space<semaphore_mem>>) src(%dma_wait3A_2246 : memref<114688x64xf32, #tpu.memory_space<hbm>>) dst(%arg6 : memref<128x64xf32, #tpu.memory_space<vmem>>)
    %dma_start3A_2247 = arith.constant 172 : i32
    %dma_start3A_2248 = arith.constant 0 : i32
    %dma_start3A_2249 = tpu.memref_slice %arg5[%dma_start3A_2247, %dma_start3A_2248] : memref<200x128xi32, #tpu.memory_space<vmem>> -> memref<1x128xi32, #tpu.memory_space<vmem>>
    %dma_start3A_2250 = tpu.memref_squeeze %dma_start3A_2249 : memref<1x128xi32, #tpu.memory_space<vmem>> -> memref<128xi32, #tpu.memory_space<vmem>>
    %dma_start3A_2251 = arith.constant 0 : i32
    %dma_start3A_2252 = arith.constant 0 : i32
    %dma_start3A_2253 = tpu.memref_slice %arg3[%dma_start3A_2251, %dma_start3A_2252] : memref<114688x64xf32, #tpu.memory_space<hbm>> -> memref<114688x64xf32, #tpu.memory_space<hbm>>
    tpu.enqueue_indirect_dma source(%dma_start3A_2253 : memref<114688x64xf32, #tpu.memory_space<hbm>>) target(%arg6 : memref<128x64xf32, #tpu.memory_space<vmem>>) offsets(%dma_start3A_2250 : memref<128xi32, #tpu.memory_space<vmem>>) semaphore(%arg7 : memref<!tpu.dma_semaphore, #tpu.memory_space<semaphore_mem>>) {add = true}
    %dma_wait3A_2254 = arith.constant 148 : i32
    %dma_wait3A_2255 = arith.constant 0 : i32
    %dma_wait3A_2256 = tpu.memref_slice %arg5[%dma_wait3A_2254, %dma_wait3A_2255] : memref<200x128xi32, #tpu.memory_space<vmem>> -> memref<1x128xi32, #tpu.memory_space<vmem>>
    %dma_wait3A_2257 = tpu.memref_squeeze %dma_wait3A_2256 : memref<1x128xi32, #tpu.memory_space<vmem>> -> memref<128xi32, #tpu.memory_space<vmem>>
    %dma_wait3A_2258 = arith.constant 0 : i32
    %dma_wait3A_2259 = arith.constant 0 : i32
    %dma_wait3A_2260 = tpu.memref_slice %arg3[%dma_wait3A_2258, %dma_wait3A_2259] : memref<114688x64xf32, #tpu.memory_space<hbm>> -> memref<114688x64xf32, #tpu.memory_space<hbm>>
    tpu.wait_indirect_dma semaphore(%arg7 : memref<!tpu.dma_semaphore, #tpu.memory_space<semaphore_mem>>) src(%dma_wait3A_2260 : memref<114688x64xf32, #tpu.memory_space<hbm>>) dst(%arg6 : memref<128x64xf32, #tpu.memory_space<vmem>>)
    %dma_start3A_2261 = arith.constant 173 : i32
    %dma_start3A_2262 = arith.constant 0 : i32
    %dma_start3A_2263 = tpu.memref_slice %arg5[%dma_start3A_2261, %dma_start3A_2262] : memref<200x128xi32, #tpu.memory_space<vmem>> -> memref<1x128xi32, #tpu.memory_space<vmem>>
    %dma_start3A_2264 = tpu.memref_squeeze %dma_start3A_2263 : memref<1x128xi32, #tpu.memory_space<vmem>> -> memref<128xi32, #tpu.memory_space<vmem>>
    %dma_start3A_2265 = arith.constant 0 : i32
    %dma_start3A_2266 = arith.constant 0 : i32
    %dma_start3A_2267 = tpu.memref_slice %arg3[%dma_start3A_2265, %dma_start3A_2266] : memref<114688x64xf32, #tpu.memory_space<hbm>> -> memref<114688x64xf32, #tpu.memory_space<hbm>>
    tpu.enqueue_indirect_dma source(%dma_start3A_2267 : memref<114688x64xf32, #tpu.memory_space<hbm>>) target(%arg6 : memref<128x64xf32, #tpu.memory_space<vmem>>) offsets(%dma_start3A_2264 : memref<128xi32, #tpu.memory_space<vmem>>) semaphore(%arg7 : memref<!tpu.dma_semaphore, #tpu.memory_space<semaphore_mem>>) {add = true}
    %dma_wait3A_2268 = arith.constant 149 : i32
    %dma_wait3A_2269 = arith.constant 0 : i32
    %dma_wait3A_2270 = tpu.memref_slice %arg5[%dma_wait3A_2268, %dma_wait3A_2269] : memref<200x128xi32, #tpu.memory_space<vmem>> -> memref<1x128xi32, #tpu.memory_space<vmem>>
    %dma_wait3A_2271 = tpu.memref_squeeze %dma_wait3A_2270 : memref<1x128xi32, #tpu.memory_space<vmem>> -> memref<128xi32, #tpu.memory_space<vmem>>
    %dma_wait3A_2272 = arith.constant 0 : i32
    %dma_wait3A_2273 = arith.constant 0 : i32
    %dma_wait3A_2274 = tpu.memref_slice %arg3[%dma_wait3A_2272, %dma_wait3A_2273] : memref<114688x64xf32, #tpu.memory_space<hbm>> -> memref<114688x64xf32, #tpu.memory_space<hbm>>
    tpu.wait_indirect_dma semaphore(%arg7 : memref<!tpu.dma_semaphore, #tpu.memory_space<semaphore_mem>>) src(%dma_wait3A_2274 : memref<114688x64xf32, #tpu.memory_space<hbm>>) dst(%arg6 : memref<128x64xf32, #tpu.memory_space<vmem>>)
    %dma_start3A_2275 = arith.constant 174 : i32
    %dma_start3A_2276 = arith.constant 0 : i32
    %dma_start3A_2277 = tpu.memref_slice %arg5[%dma_start3A_2275, %dma_start3A_2276] : memref<200x128xi32, #tpu.memory_space<vmem>> -> memref<1x128xi32, #tpu.memory_space<vmem>>
    %dma_start3A_2278 = tpu.memref_squeeze %dma_start3A_2277 : memref<1x128xi32, #tpu.memory_space<vmem>> -> memref<128xi32, #tpu.memory_space<vmem>>
    %dma_start3A_2279 = arith.constant 0 : i32
    %dma_start3A_2280 = arith.constant 0 : i32
    %dma_start3A_2281 = tpu.memref_slice %arg3[%dma_start3A_2279, %dma_start3A_2280] : memref<114688x64xf32, #tpu.memory_space<hbm>> -> memref<114688x64xf32, #tpu.memory_space<hbm>>
    tpu.enqueue_indirect_dma source(%dma_start3A_2281 : memref<114688x64xf32, #tpu.memory_space<hbm>>) target(%arg6 : memref<128x64xf32, #tpu.memory_space<vmem>>) offsets(%dma_start3A_2278 : memref<128xi32, #tpu.memory_space<vmem>>) semaphore(%arg7 : memref<!tpu.dma_semaphore, #tpu.memory_space<semaphore_mem>>) {add = true}
    %dma_wait3A_2282 = arith.constant 150 : i32
    %dma_wait3A_2283 = arith.constant 0 : i32
    %dma_wait3A_2284 = tpu.memref_slice %arg5[%dma_wait3A_2282, %dma_wait3A_2283] : memref<200x128xi32, #tpu.memory_space<vmem>> -> memref<1x128xi32, #tpu.memory_space<vmem>>
    %dma_wait3A_2285 = tpu.memref_squeeze %dma_wait3A_2284 : memref<1x128xi32, #tpu.memory_space<vmem>> -> memref<128xi32, #tpu.memory_space<vmem>>
    %dma_wait3A_2286 = arith.constant 0 : i32
    %dma_wait3A_2287 = arith.constant 0 : i32
    %dma_wait3A_2288 = tpu.memref_slice %arg3[%dma_wait3A_2286, %dma_wait3A_2287] : memref<114688x64xf32, #tpu.memory_space<hbm>> -> memref<114688x64xf32, #tpu.memory_space<hbm>>
    tpu.wait_indirect_dma semaphore(%arg7 : memref<!tpu.dma_semaphore, #tpu.memory_space<semaphore_mem>>) src(%dma_wait3A_2288 : memref<114688x64xf32, #tpu.memory_space<hbm>>) dst(%arg6 : memref<128x64xf32, #tpu.memory_space<vmem>>)
    %dma_start3A_2289 = arith.constant 175 : i32
    %dma_start3A_2290 = arith.constant 0 : i32
    %dma_start3A_2291 = tpu.memref_slice %arg5[%dma_start3A_2289, %dma_start3A_2290] : memref<200x128xi32, #tpu.memory_space<vmem>> -> memref<1x128xi32, #tpu.memory_space<vmem>>
    %dma_start3A_2292 = tpu.memref_squeeze %dma_start3A_2291 : memref<1x128xi32, #tpu.memory_space<vmem>> -> memref<128xi32, #tpu.memory_space<vmem>>
    %dma_start3A_2293 = arith.constant 0 : i32
    %dma_start3A_2294 = arith.constant 0 : i32
    %dma_start3A_2295 = tpu.memref_slice %arg3[%dma_start3A_2293, %dma_start3A_2294] : memref<114688x64xf32, #tpu.memory_space<hbm>> -> memref<114688x64xf32, #tpu.memory_space<hbm>>
    tpu.enqueue_indirect_dma source(%dma_start3A_2295 : memref<114688x64xf32, #tpu.memory_space<hbm>>) target(%arg6 : memref<128x64xf32, #tpu.memory_space<vmem>>) offsets(%dma_start3A_2292 : memref<128xi32, #tpu.memory_space<vmem>>) semaphore(%arg7 : memref<!tpu.dma_semaphore, #tpu.memory_space<semaphore_mem>>) {add = true}
    %dma_wait3A_2296 = arith.constant 151 : i32
    %dma_wait3A_2297 = arith.constant 0 : i32
    %dma_wait3A_2298 = tpu.memref_slice %arg5[%dma_wait3A_2296, %dma_wait3A_2297] : memref<200x128xi32, #tpu.memory_space<vmem>> -> memref<1x128xi32, #tpu.memory_space<vmem>>
    %dma_wait3A_2299 = tpu.memref_squeeze %dma_wait3A_2298 : memref<1x128xi32, #tpu.memory_space<vmem>> -> memref<128xi32, #tpu.memory_space<vmem>>
    %dma_wait3A_2300 = arith.constant 0 : i32
    %dma_wait3A_2301 = arith.constant 0 : i32
    %dma_wait3A_2302 = tpu.memref_slice %arg3[%dma_wait3A_2300, %dma_wait3A_2301] : memref<114688x64xf32, #tpu.memory_space<hbm>> -> memref<114688x64xf32, #tpu.memory_space<hbm>>
    tpu.wait_indirect_dma semaphore(%arg7 : memref<!tpu.dma_semaphore, #tpu.memory_space<semaphore_mem>>) src(%dma_wait3A_2302 : memref<114688x64xf32, #tpu.memory_space<hbm>>) dst(%arg6 : memref<128x64xf32, #tpu.memory_space<vmem>>)
    %dma_start3A_2303 = arith.constant 176 : i32
    %dma_start3A_2304 = arith.constant 0 : i32
    %dma_start3A_2305 = tpu.memref_slice %arg5[%dma_start3A_2303, %dma_start3A_2304] : memref<200x128xi32, #tpu.memory_space<vmem>> -> memref<1x128xi32, #tpu.memory_space<vmem>>
    %dma_start3A_2306 = tpu.memref_squeeze %dma_start3A_2305 : memref<1x128xi32, #tpu.memory_space<vmem>> -> memref<128xi32, #tpu.memory_space<vmem>>
    %dma_start3A_2307 = arith.constant 0 : i32
    %dma_start3A_2308 = arith.constant 0 : i32
    %dma_start3A_2309 = tpu.memref_slice %arg3[%dma_start3A_2307, %dma_start3A_2308] : memref<114688x64xf32, #tpu.memory_space<hbm>> -> memref<114688x64xf32, #tpu.memory_space<hbm>>
    tpu.enqueue_indirect_dma source(%dma_start3A_2309 : memref<114688x64xf32, #tpu.memory_space<hbm>>) target(%arg6 : memref<128x64xf32, #tpu.memory_space<vmem>>) offsets(%dma_start3A_2306 : memref<128xi32, #tpu.memory_space<vmem>>) semaphore(%arg7 : memref<!tpu.dma_semaphore, #tpu.memory_space<semaphore_mem>>) {add = true}
    %dma_wait3A_2310 = arith.constant 152 : i32
    %dma_wait3A_2311 = arith.constant 0 : i32
    %dma_wait3A_2312 = tpu.memref_slice %arg5[%dma_wait3A_2310, %dma_wait3A_2311] : memref<200x128xi32, #tpu.memory_space<vmem>> -> memref<1x128xi32, #tpu.memory_space<vmem>>
    %dma_wait3A_2313 = tpu.memref_squeeze %dma_wait3A_2312 : memref<1x128xi32, #tpu.memory_space<vmem>> -> memref<128xi32, #tpu.memory_space<vmem>>
    %dma_wait3A_2314 = arith.constant 0 : i32
    %dma_wait3A_2315 = arith.constant 0 : i32
    %dma_wait3A_2316 = tpu.memref_slice %arg3[%dma_wait3A_2314, %dma_wait3A_2315] : memref<114688x64xf32, #tpu.memory_space<hbm>> -> memref<114688x64xf32, #tpu.memory_space<hbm>>
    tpu.wait_indirect_dma semaphore(%arg7 : memref<!tpu.dma_semaphore, #tpu.memory_space<semaphore_mem>>) src(%dma_wait3A_2316 : memref<114688x64xf32, #tpu.memory_space<hbm>>) dst(%arg6 : memref<128x64xf32, #tpu.memory_space<vmem>>)
    %dma_start3A_2317 = arith.constant 177 : i32
    %dma_start3A_2318 = arith.constant 0 : i32
    %dma_start3A_2319 = tpu.memref_slice %arg5[%dma_start3A_2317, %dma_start3A_2318] : memref<200x128xi32, #tpu.memory_space<vmem>> -> memref<1x128xi32, #tpu.memory_space<vmem>>
    %dma_start3A_2320 = tpu.memref_squeeze %dma_start3A_2319 : memref<1x128xi32, #tpu.memory_space<vmem>> -> memref<128xi32, #tpu.memory_space<vmem>>
    %dma_start3A_2321 = arith.constant 0 : i32
    %dma_start3A_2322 = arith.constant 0 : i32
    %dma_start3A_2323 = tpu.memref_slice %arg3[%dma_start3A_2321, %dma_start3A_2322] : memref<114688x64xf32, #tpu.memory_space<hbm>> -> memref<114688x64xf32, #tpu.memory_space<hbm>>
    tpu.enqueue_indirect_dma source(%dma_start3A_2323 : memref<114688x64xf32, #tpu.memory_space<hbm>>) target(%arg6 : memref<128x64xf32, #tpu.memory_space<vmem>>) offsets(%dma_start3A_2320 : memref<128xi32, #tpu.memory_space<vmem>>) semaphore(%arg7 : memref<!tpu.dma_semaphore, #tpu.memory_space<semaphore_mem>>) {add = true}
    %dma_wait3A_2324 = arith.constant 153 : i32
    %dma_wait3A_2325 = arith.constant 0 : i32
    %dma_wait3A_2326 = tpu.memref_slice %arg5[%dma_wait3A_2324, %dma_wait3A_2325] : memref<200x128xi32, #tpu.memory_space<vmem>> -> memref<1x128xi32, #tpu.memory_space<vmem>>
    %dma_wait3A_2327 = tpu.memref_squeeze %dma_wait3A_2326 : memref<1x128xi32, #tpu.memory_space<vmem>> -> memref<128xi32, #tpu.memory_space<vmem>>
    %dma_wait3A_2328 = arith.constant 0 : i32
    %dma_wait3A_2329 = arith.constant 0 : i32
    %dma_wait3A_2330 = tpu.memref_slice %arg3[%dma_wait3A_2328, %dma_wait3A_2329] : memref<114688x64xf32, #tpu.memory_space<hbm>> -> memref<114688x64xf32, #tpu.memory_space<hbm>>
    tpu.wait_indirect_dma semaphore(%arg7 : memref<!tpu.dma_semaphore, #tpu.memory_space<semaphore_mem>>) src(%dma_wait3A_2330 : memref<114688x64xf32, #tpu.memory_space<hbm>>) dst(%arg6 : memref<128x64xf32, #tpu.memory_space<vmem>>)
    %dma_start3A_2331 = arith.constant 178 : i32
    %dma_start3A_2332 = arith.constant 0 : i32
    %dma_start3A_2333 = tpu.memref_slice %arg5[%dma_start3A_2331, %dma_start3A_2332] : memref<200x128xi32, #tpu.memory_space<vmem>> -> memref<1x128xi32, #tpu.memory_space<vmem>>
    %dma_start3A_2334 = tpu.memref_squeeze %dma_start3A_2333 : memref<1x128xi32, #tpu.memory_space<vmem>> -> memref<128xi32, #tpu.memory_space<vmem>>
    %dma_start3A_2335 = arith.constant 0 : i32
    %dma_start3A_2336 = arith.constant 0 : i32
    %dma_start3A_2337 = tpu.memref_slice %arg3[%dma_start3A_2335, %dma_start3A_2336] : memref<114688x64xf32, #tpu.memory_space<hbm>> -> memref<114688x64xf32, #tpu.memory_space<hbm>>
    tpu.enqueue_indirect_dma source(%dma_start3A_2337 : memref<114688x64xf32, #tpu.memory_space<hbm>>) target(%arg6 : memref<128x64xf32, #tpu.memory_space<vmem>>) offsets(%dma_start3A_2334 : memref<128xi32, #tpu.memory_space<vmem>>) semaphore(%arg7 : memref<!tpu.dma_semaphore, #tpu.memory_space<semaphore_mem>>) {add = true}
    %dma_wait3A_2338 = arith.constant 154 : i32
    %dma_wait3A_2339 = arith.constant 0 : i32
    %dma_wait3A_2340 = tpu.memref_slice %arg5[%dma_wait3A_2338, %dma_wait3A_2339] : memref<200x128xi32, #tpu.memory_space<vmem>> -> memref<1x128xi32, #tpu.memory_space<vmem>>
    %dma_wait3A_2341 = tpu.memref_squeeze %dma_wait3A_2340 : memref<1x128xi32, #tpu.memory_space<vmem>> -> memref<128xi32, #tpu.memory_space<vmem>>
    %dma_wait3A_2342 = arith.constant 0 : i32
    %dma_wait3A_2343 = arith.constant 0 : i32
    %dma_wait3A_2344 = tpu.memref_slice %arg3[%dma_wait3A_2342, %dma_wait3A_2343] : memref<114688x64xf32, #tpu.memory_space<hbm>> -> memref<114688x64xf32, #tpu.memory_space<hbm>>
    tpu.wait_indirect_dma semaphore(%arg7 : memref<!tpu.dma_semaphore, #tpu.memory_space<semaphore_mem>>) src(%dma_wait3A_2344 : memref<114688x64xf32, #tpu.memory_space<hbm>>) dst(%arg6 : memref<128x64xf32, #tpu.memory_space<vmem>>)
    %dma_start3A_2345 = arith.constant 179 : i32
    %dma_start3A_2346 = arith.constant 0 : i32
    %dma_start3A_2347 = tpu.memref_slice %arg5[%dma_start3A_2345, %dma_start3A_2346] : memref<200x128xi32, #tpu.memory_space<vmem>> -> memref<1x128xi32, #tpu.memory_space<vmem>>
    %dma_start3A_2348 = tpu.memref_squeeze %dma_start3A_2347 : memref<1x128xi32, #tpu.memory_space<vmem>> -> memref<128xi32, #tpu.memory_space<vmem>>
    %dma_start3A_2349 = arith.constant 0 : i32
    %dma_start3A_2350 = arith.constant 0 : i32
    %dma_start3A_2351 = tpu.memref_slice %arg3[%dma_start3A_2349, %dma_start3A_2350] : memref<114688x64xf32, #tpu.memory_space<hbm>> -> memref<114688x64xf32, #tpu.memory_space<hbm>>
    tpu.enqueue_indirect_dma source(%dma_start3A_2351 : memref<114688x64xf32, #tpu.memory_space<hbm>>) target(%arg6 : memref<128x64xf32, #tpu.memory_space<vmem>>) offsets(%dma_start3A_2348 : memref<128xi32, #tpu.memory_space<vmem>>) semaphore(%arg7 : memref<!tpu.dma_semaphore, #tpu.memory_space<semaphore_mem>>) {add = true}
    %dma_wait3A_2352 = arith.constant 155 : i32
    %dma_wait3A_2353 = arith.constant 0 : i32
    %dma_wait3A_2354 = tpu.memref_slice %arg5[%dma_wait3A_2352, %dma_wait3A_2353] : memref<200x128xi32, #tpu.memory_space<vmem>> -> memref<1x128xi32, #tpu.memory_space<vmem>>
    %dma_wait3A_2355 = tpu.memref_squeeze %dma_wait3A_2354 : memref<1x128xi32, #tpu.memory_space<vmem>> -> memref<128xi32, #tpu.memory_space<vmem>>
    %dma_wait3A_2356 = arith.constant 0 : i32
    %dma_wait3A_2357 = arith.constant 0 : i32
    %dma_wait3A_2358 = tpu.memref_slice %arg3[%dma_wait3A_2356, %dma_wait3A_2357] : memref<114688x64xf32, #tpu.memory_space<hbm>> -> memref<114688x64xf32, #tpu.memory_space<hbm>>
    tpu.wait_indirect_dma semaphore(%arg7 : memref<!tpu.dma_semaphore, #tpu.memory_space<semaphore_mem>>) src(%dma_wait3A_2358 : memref<114688x64xf32, #tpu.memory_space<hbm>>) dst(%arg6 : memref<128x64xf32, #tpu.memory_space<vmem>>)
    %dma_start3A_2359 = arith.constant 180 : i32
    %dma_start3A_2360 = arith.constant 0 : i32
    %dma_start3A_2361 = tpu.memref_slice %arg5[%dma_start3A_2359, %dma_start3A_2360] : memref<200x128xi32, #tpu.memory_space<vmem>> -> memref<1x128xi32, #tpu.memory_space<vmem>>
    %dma_start3A_2362 = tpu.memref_squeeze %dma_start3A_2361 : memref<1x128xi32, #tpu.memory_space<vmem>> -> memref<128xi32, #tpu.memory_space<vmem>>
    %dma_start3A_2363 = arith.constant 0 : i32
    %dma_start3A_2364 = arith.constant 0 : i32
    %dma_start3A_2365 = tpu.memref_slice %arg3[%dma_start3A_2363, %dma_start3A_2364] : memref<114688x64xf32, #tpu.memory_space<hbm>> -> memref<114688x64xf32, #tpu.memory_space<hbm>>
    tpu.enqueue_indirect_dma source(%dma_start3A_2365 : memref<114688x64xf32, #tpu.memory_space<hbm>>) target(%arg6 : memref<128x64xf32, #tpu.memory_space<vmem>>) offsets(%dma_start3A_2362 : memref<128xi32, #tpu.memory_space<vmem>>) semaphore(%arg7 : memref<!tpu.dma_semaphore, #tpu.memory_space<semaphore_mem>>) {add = true}
    %dma_wait3A_2366 = arith.constant 156 : i32
    %dma_wait3A_2367 = arith.constant 0 : i32
    %dma_wait3A_2368 = tpu.memref_slice %arg5[%dma_wait3A_2366, %dma_wait3A_2367] : memref<200x128xi32, #tpu.memory_space<vmem>> -> memref<1x128xi32, #tpu.memory_space<vmem>>
    %dma_wait3A_2369 = tpu.memref_squeeze %dma_wait3A_2368 : memref<1x128xi32, #tpu.memory_space<vmem>> -> memref<128xi32, #tpu.memory_space<vmem>>
    %dma_wait3A_2370 = arith.constant 0 : i32
    %dma_wait3A_2371 = arith.constant 0 : i32
    %dma_wait3A_2372 = tpu.memref_slice %arg3[%dma_wait3A_2370, %dma_wait3A_2371] : memref<114688x64xf32, #tpu.memory_space<hbm>> -> memref<114688x64xf32, #tpu.memory_space<hbm>>
    tpu.wait_indirect_dma semaphore(%arg7 : memref<!tpu.dma_semaphore, #tpu.memory_space<semaphore_mem>>) src(%dma_wait3A_2372 : memref<114688x64xf32, #tpu.memory_space<hbm>>) dst(%arg6 : memref<128x64xf32, #tpu.memory_space<vmem>>)
    %dma_start3A_2373 = arith.constant 181 : i32
    %dma_start3A_2374 = arith.constant 0 : i32
    %dma_start3A_2375 = tpu.memref_slice %arg5[%dma_start3A_2373, %dma_start3A_2374] : memref<200x128xi32, #tpu.memory_space<vmem>> -> memref<1x128xi32, #tpu.memory_space<vmem>>
    %dma_start3A_2376 = tpu.memref_squeeze %dma_start3A_2375 : memref<1x128xi32, #tpu.memory_space<vmem>> -> memref<128xi32, #tpu.memory_space<vmem>>
    %dma_start3A_2377 = arith.constant 0 : i32
    %dma_start3A_2378 = arith.constant 0 : i32
    %dma_start3A_2379 = tpu.memref_slice %arg3[%dma_start3A_2377, %dma_start3A_2378] : memref<114688x64xf32, #tpu.memory_space<hbm>> -> memref<114688x64xf32, #tpu.memory_space<hbm>>
    tpu.enqueue_indirect_dma source(%dma_start3A_2379 : memref<114688x64xf32, #tpu.memory_space<hbm>>) target(%arg6 : memref<128x64xf32, #tpu.memory_space<vmem>>) offsets(%dma_start3A_2376 : memref<128xi32, #tpu.memory_space<vmem>>) semaphore(%arg7 : memref<!tpu.dma_semaphore, #tpu.memory_space<semaphore_mem>>) {add = true}
    %dma_wait3A_2380 = arith.constant 157 : i32
    %dma_wait3A_2381 = arith.constant 0 : i32
    %dma_wait3A_2382 = tpu.memref_slice %arg5[%dma_wait3A_2380, %dma_wait3A_2381] : memref<200x128xi32, #tpu.memory_space<vmem>> -> memref<1x128xi32, #tpu.memory_space<vmem>>
    %dma_wait3A_2383 = tpu.memref_squeeze %dma_wait3A_2382 : memref<1x128xi32, #tpu.memory_space<vmem>> -> memref<128xi32, #tpu.memory_space<vmem>>
    %dma_wait3A_2384 = arith.constant 0 : i32
    %dma_wait3A_2385 = arith.constant 0 : i32
    %dma_wait3A_2386 = tpu.memref_slice %arg3[%dma_wait3A_2384, %dma_wait3A_2385] : memref<114688x64xf32, #tpu.memory_space<hbm>> -> memref<114688x64xf32, #tpu.memory_space<hbm>>
    tpu.wait_indirect_dma semaphore(%arg7 : memref<!tpu.dma_semaphore, #tpu.memory_space<semaphore_mem>>) src(%dma_wait3A_2386 : memref<114688x64xf32, #tpu.memory_space<hbm>>) dst(%arg6 : memref<128x64xf32, #tpu.memory_space<vmem>>)
    %dma_start3A_2387 = arith.constant 182 : i32
    %dma_start3A_2388 = arith.constant 0 : i32
    %dma_start3A_2389 = tpu.memref_slice %arg5[%dma_start3A_2387, %dma_start3A_2388] : memref<200x128xi32, #tpu.memory_space<vmem>> -> memref<1x128xi32, #tpu.memory_space<vmem>>
    %dma_start3A_2390 = tpu.memref_squeeze %dma_start3A_2389 : memref<1x128xi32, #tpu.memory_space<vmem>> -> memref<128xi32, #tpu.memory_space<vmem>>
    %dma_start3A_2391 = arith.constant 0 : i32
    %dma_start3A_2392 = arith.constant 0 : i32
    %dma_start3A_2393 = tpu.memref_slice %arg3[%dma_start3A_2391, %dma_start3A_2392] : memref<114688x64xf32, #tpu.memory_space<hbm>> -> memref<114688x64xf32, #tpu.memory_space<hbm>>
    tpu.enqueue_indirect_dma source(%dma_start3A_2393 : memref<114688x64xf32, #tpu.memory_space<hbm>>) target(%arg6 : memref<128x64xf32, #tpu.memory_space<vmem>>) offsets(%dma_start3A_2390 : memref<128xi32, #tpu.memory_space<vmem>>) semaphore(%arg7 : memref<!tpu.dma_semaphore, #tpu.memory_space<semaphore_mem>>) {add = true}
    %dma_wait3A_2394 = arith.constant 158 : i32
    %dma_wait3A_2395 = arith.constant 0 : i32
    %dma_wait3A_2396 = tpu.memref_slice %arg5[%dma_wait3A_2394, %dma_wait3A_2395] : memref<200x128xi32, #tpu.memory_space<vmem>> -> memref<1x128xi32, #tpu.memory_space<vmem>>
    %dma_wait3A_2397 = tpu.memref_squeeze %dma_wait3A_2396 : memref<1x128xi32, #tpu.memory_space<vmem>> -> memref<128xi32, #tpu.memory_space<vmem>>
    %dma_wait3A_2398 = arith.constant 0 : i32
    %dma_wait3A_2399 = arith.constant 0 : i32
    %dma_wait3A_2400 = tpu.memref_slice %arg3[%dma_wait3A_2398, %dma_wait3A_2399] : memref<114688x64xf32, #tpu.memory_space<hbm>> -> memref<114688x64xf32, #tpu.memory_space<hbm>>
    tpu.wait_indirect_dma semaphore(%arg7 : memref<!tpu.dma_semaphore, #tpu.memory_space<semaphore_mem>>) src(%dma_wait3A_2400 : memref<114688x64xf32, #tpu.memory_space<hbm>>) dst(%arg6 : memref<128x64xf32, #tpu.memory_space<vmem>>)
    %dma_start3A_2401 = arith.constant 183 : i32
    %dma_start3A_2402 = arith.constant 0 : i32
    %dma_start3A_2403 = tpu.memref_slice %arg5[%dma_start3A_2401, %dma_start3A_2402] : memref<200x128xi32, #tpu.memory_space<vmem>> -> memref<1x128xi32, #tpu.memory_space<vmem>>
    %dma_start3A_2404 = tpu.memref_squeeze %dma_start3A_2403 : memref<1x128xi32, #tpu.memory_space<vmem>> -> memref<128xi32, #tpu.memory_space<vmem>>
    %dma_start3A_2405 = arith.constant 0 : i32
    %dma_start3A_2406 = arith.constant 0 : i32
    %dma_start3A_2407 = tpu.memref_slice %arg3[%dma_start3A_2405, %dma_start3A_2406] : memref<114688x64xf32, #tpu.memory_space<hbm>> -> memref<114688x64xf32, #tpu.memory_space<hbm>>
    tpu.enqueue_indirect_dma source(%dma_start3A_2407 : memref<114688x64xf32, #tpu.memory_space<hbm>>) target(%arg6 : memref<128x64xf32, #tpu.memory_space<vmem>>) offsets(%dma_start3A_2404 : memref<128xi32, #tpu.memory_space<vmem>>) semaphore(%arg7 : memref<!tpu.dma_semaphore, #tpu.memory_space<semaphore_mem>>) {add = true}
    %dma_wait3A_2408 = arith.constant 159 : i32
    %dma_wait3A_2409 = arith.constant 0 : i32
    %dma_wait3A_2410 = tpu.memref_slice %arg5[%dma_wait3A_2408, %dma_wait3A_2409] : memref<200x128xi32, #tpu.memory_space<vmem>> -> memref<1x128xi32, #tpu.memory_space<vmem>>
    %dma_wait3A_2411 = tpu.memref_squeeze %dma_wait3A_2410 : memref<1x128xi32, #tpu.memory_space<vmem>> -> memref<128xi32, #tpu.memory_space<vmem>>
    %dma_wait3A_2412 = arith.constant 0 : i32
    %dma_wait3A_2413 = arith.constant 0 : i32
    %dma_wait3A_2414 = tpu.memref_slice %arg3[%dma_wait3A_2412, %dma_wait3A_2413] : memref<114688x64xf32, #tpu.memory_space<hbm>> -> memref<114688x64xf32, #tpu.memory_space<hbm>>
    tpu.wait_indirect_dma semaphore(%arg7 : memref<!tpu.dma_semaphore, #tpu.memory_space<semaphore_mem>>) src(%dma_wait3A_2414 : memref<114688x64xf32, #tpu.memory_space<hbm>>) dst(%arg6 : memref<128x64xf32, #tpu.memory_space<vmem>>)
    %dma_start3A_2415 = arith.constant 184 : i32
    %dma_start3A_2416 = arith.constant 0 : i32
    %dma_start3A_2417 = tpu.memref_slice %arg5[%dma_start3A_2415, %dma_start3A_2416] : memref<200x128xi32, #tpu.memory_space<vmem>> -> memref<1x128xi32, #tpu.memory_space<vmem>>
    %dma_start3A_2418 = tpu.memref_squeeze %dma_start3A_2417 : memref<1x128xi32, #tpu.memory_space<vmem>> -> memref<128xi32, #tpu.memory_space<vmem>>
    %dma_start3A_2419 = arith.constant 0 : i32
    %dma_start3A_2420 = arith.constant 0 : i32
    %dma_start3A_2421 = tpu.memref_slice %arg3[%dma_start3A_2419, %dma_start3A_2420] : memref<114688x64xf32, #tpu.memory_space<hbm>> -> memref<114688x64xf32, #tpu.memory_space<hbm>>
    tpu.enqueue_indirect_dma source(%dma_start3A_2421 : memref<114688x64xf32, #tpu.memory_space<hbm>>) target(%arg6 : memref<128x64xf32, #tpu.memory_space<vmem>>) offsets(%dma_start3A_2418 : memref<128xi32, #tpu.memory_space<vmem>>) semaphore(%arg7 : memref<!tpu.dma_semaphore, #tpu.memory_space<semaphore_mem>>) {add = true}
    %dma_wait3A_2422 = arith.constant 160 : i32
    %dma_wait3A_2423 = arith.constant 0 : i32
    %dma_wait3A_2424 = tpu.memref_slice %arg5[%dma_wait3A_2422, %dma_wait3A_2423] : memref<200x128xi32, #tpu.memory_space<vmem>> -> memref<1x128xi32, #tpu.memory_space<vmem>>
    %dma_wait3A_2425 = tpu.memref_squeeze %dma_wait3A_2424 : memref<1x128xi32, #tpu.memory_space<vmem>> -> memref<128xi32, #tpu.memory_space<vmem>>
    %dma_wait3A_2426 = arith.constant 0 : i32
    %dma_wait3A_2427 = arith.constant 0 : i32
    %dma_wait3A_2428 = tpu.memref_slice %arg3[%dma_wait3A_2426, %dma_wait3A_2427] : memref<114688x64xf32, #tpu.memory_space<hbm>> -> memref<114688x64xf32, #tpu.memory_space<hbm>>
    tpu.wait_indirect_dma semaphore(%arg7 : memref<!tpu.dma_semaphore, #tpu.memory_space<semaphore_mem>>) src(%dma_wait3A_2428 : memref<114688x64xf32, #tpu.memory_space<hbm>>) dst(%arg6 : memref<128x64xf32, #tpu.memory_space<vmem>>)
    %dma_start3A_2429 = arith.constant 185 : i32
    %dma_start3A_2430 = arith.constant 0 : i32
    %dma_start3A_2431 = tpu.memref_slice %arg5[%dma_start3A_2429, %dma_start3A_2430] : memref<200x128xi32, #tpu.memory_space<vmem>> -> memref<1x128xi32, #tpu.memory_space<vmem>>
    %dma_start3A_2432 = tpu.memref_squeeze %dma_start3A_2431 : memref<1x128xi32, #tpu.memory_space<vmem>> -> memref<128xi32, #tpu.memory_space<vmem>>
    %dma_start3A_2433 = arith.constant 0 : i32
    %dma_start3A_2434 = arith.constant 0 : i32
    %dma_start3A_2435 = tpu.memref_slice %arg3[%dma_start3A_2433, %dma_start3A_2434] : memref<114688x64xf32, #tpu.memory_space<hbm>> -> memref<114688x64xf32, #tpu.memory_space<hbm>>
    tpu.enqueue_indirect_dma source(%dma_start3A_2435 : memref<114688x64xf32, #tpu.memory_space<hbm>>) target(%arg6 : memref<128x64xf32, #tpu.memory_space<vmem>>) offsets(%dma_start3A_2432 : memref<128xi32, #tpu.memory_space<vmem>>) semaphore(%arg7 : memref<!tpu.dma_semaphore, #tpu.memory_space<semaphore_mem>>) {add = true}
    %dma_wait3A_2436 = arith.constant 161 : i32
    %dma_wait3A_2437 = arith.constant 0 : i32
    %dma_wait3A_2438 = tpu.memref_slice %arg5[%dma_wait3A_2436, %dma_wait3A_2437] : memref<200x128xi32, #tpu.memory_space<vmem>> -> memref<1x128xi32, #tpu.memory_space<vmem>>
    %dma_wait3A_2439 = tpu.memref_squeeze %dma_wait3A_2438 : memref<1x128xi32, #tpu.memory_space<vmem>> -> memref<128xi32, #tpu.memory_space<vmem>>
    %dma_wait3A_2440 = arith.constant 0 : i32
    %dma_wait3A_2441 = arith.constant 0 : i32
    %dma_wait3A_2442 = tpu.memref_slice %arg3[%dma_wait3A_2440, %dma_wait3A_2441] : memref<114688x64xf32, #tpu.memory_space<hbm>> -> memref<114688x64xf32, #tpu.memory_space<hbm>>
    tpu.wait_indirect_dma semaphore(%arg7 : memref<!tpu.dma_semaphore, #tpu.memory_space<semaphore_mem>>) src(%dma_wait3A_2442 : memref<114688x64xf32, #tpu.memory_space<hbm>>) dst(%arg6 : memref<128x64xf32, #tpu.memory_space<vmem>>)
    %dma_start3A_2443 = arith.constant 186 : i32
    %dma_start3A_2444 = arith.constant 0 : i32
    %dma_start3A_2445 = tpu.memref_slice %arg5[%dma_start3A_2443, %dma_start3A_2444] : memref<200x128xi32, #tpu.memory_space<vmem>> -> memref<1x128xi32, #tpu.memory_space<vmem>>
    %dma_start3A_2446 = tpu.memref_squeeze %dma_start3A_2445 : memref<1x128xi32, #tpu.memory_space<vmem>> -> memref<128xi32, #tpu.memory_space<vmem>>
    %dma_start3A_2447 = arith.constant 0 : i32
    %dma_start3A_2448 = arith.constant 0 : i32
    %dma_start3A_2449 = tpu.memref_slice %arg3[%dma_start3A_2447, %dma_start3A_2448] : memref<114688x64xf32, #tpu.memory_space<hbm>> -> memref<114688x64xf32, #tpu.memory_space<hbm>>
    tpu.enqueue_indirect_dma source(%dma_start3A_2449 : memref<114688x64xf32, #tpu.memory_space<hbm>>) target(%arg6 : memref<128x64xf32, #tpu.memory_space<vmem>>) offsets(%dma_start3A_2446 : memref<128xi32, #tpu.memory_space<vmem>>) semaphore(%arg7 : memref<!tpu.dma_semaphore, #tpu.memory_space<semaphore_mem>>) {add = true}
    %dma_wait3A_2450 = arith.constant 162 : i32
    %dma_wait3A_2451 = arith.constant 0 : i32
    %dma_wait3A_2452 = tpu.memref_slice %arg5[%dma_wait3A_2450, %dma_wait3A_2451] : memref<200x128xi32, #tpu.memory_space<vmem>> -> memref<1x128xi32, #tpu.memory_space<vmem>>
    %dma_wait3A_2453 = tpu.memref_squeeze %dma_wait3A_2452 : memref<1x128xi32, #tpu.memory_space<vmem>> -> memref<128xi32, #tpu.memory_space<vmem>>
    %dma_wait3A_2454 = arith.constant 0 : i32
    %dma_wait3A_2455 = arith.constant 0 : i32
    %dma_wait3A_2456 = tpu.memref_slice %arg3[%dma_wait3A_2454, %dma_wait3A_2455] : memref<114688x64xf32, #tpu.memory_space<hbm>> -> memref<114688x64xf32, #tpu.memory_space<hbm>>
    tpu.wait_indirect_dma semaphore(%arg7 : memref<!tpu.dma_semaphore, #tpu.memory_space<semaphore_mem>>) src(%dma_wait3A_2456 : memref<114688x64xf32, #tpu.memory_space<hbm>>) dst(%arg6 : memref<128x64xf32, #tpu.memory_space<vmem>>)
    %dma_start3A_2457 = arith.constant 187 : i32
    %dma_start3A_2458 = arith.constant 0 : i32
    %dma_start3A_2459 = tpu.memref_slice %arg5[%dma_start3A_2457, %dma_start3A_2458] : memref<200x128xi32, #tpu.memory_space<vmem>> -> memref<1x128xi32, #tpu.memory_space<vmem>>
    %dma_start3A_2460 = tpu.memref_squeeze %dma_start3A_2459 : memref<1x128xi32, #tpu.memory_space<vmem>> -> memref<128xi32, #tpu.memory_space<vmem>>
    %dma_start3A_2461 = arith.constant 0 : i32
    %dma_start3A_2462 = arith.constant 0 : i32
    %dma_start3A_2463 = tpu.memref_slice %arg3[%dma_start3A_2461, %dma_start3A_2462] : memref<114688x64xf32, #tpu.memory_space<hbm>> -> memref<114688x64xf32, #tpu.memory_space<hbm>>
    tpu.enqueue_indirect_dma source(%dma_start3A_2463 : memref<114688x64xf32, #tpu.memory_space<hbm>>) target(%arg6 : memref<128x64xf32, #tpu.memory_space<vmem>>) offsets(%dma_start3A_2460 : memref<128xi32, #tpu.memory_space<vmem>>) semaphore(%arg7 : memref<!tpu.dma_semaphore, #tpu.memory_space<semaphore_mem>>) {add = true}
    %dma_wait3A_2464 = arith.constant 163 : i32
    %dma_wait3A_2465 = arith.constant 0 : i32
    %dma_wait3A_2466 = tpu.memref_slice %arg5[%dma_wait3A_2464, %dma_wait3A_2465] : memref<200x128xi32, #tpu.memory_space<vmem>> -> memref<1x128xi32, #tpu.memory_space<vmem>>
    %dma_wait3A_2467 = tpu.memref_squeeze %dma_wait3A_2466 : memref<1x128xi32, #tpu.memory_space<vmem>> -> memref<128xi32, #tpu.memory_space<vmem>>
    %dma_wait3A_2468 = arith.constant 0 : i32
    %dma_wait3A_2469 = arith.constant 0 : i32
    %dma_wait3A_2470 = tpu.memref_slice %arg3[%dma_wait3A_2468, %dma_wait3A_2469] : memref<114688x64xf32, #tpu.memory_space<hbm>> -> memref<114688x64xf32, #tpu.memory_space<hbm>>
    tpu.wait_indirect_dma semaphore(%arg7 : memref<!tpu.dma_semaphore, #tpu.memory_space<semaphore_mem>>) src(%dma_wait3A_2470 : memref<114688x64xf32, #tpu.memory_space<hbm>>) dst(%arg6 : memref<128x64xf32, #tpu.memory_space<vmem>>)
    %dma_start3A_2471 = arith.constant 188 : i32
    %dma_start3A_2472 = arith.constant 0 : i32
    %dma_start3A_2473 = tpu.memref_slice %arg5[%dma_start3A_2471, %dma_start3A_2472] : memref<200x128xi32, #tpu.memory_space<vmem>> -> memref<1x128xi32, #tpu.memory_space<vmem>>
    %dma_start3A_2474 = tpu.memref_squeeze %dma_start3A_2473 : memref<1x128xi32, #tpu.memory_space<vmem>> -> memref<128xi32, #tpu.memory_space<vmem>>
    %dma_start3A_2475 = arith.constant 0 : i32
    %dma_start3A_2476 = arith.constant 0 : i32
    %dma_start3A_2477 = tpu.memref_slice %arg3[%dma_start3A_2475, %dma_start3A_2476] : memref<114688x64xf32, #tpu.memory_space<hbm>> -> memref<114688x64xf32, #tpu.memory_space<hbm>>
    tpu.enqueue_indirect_dma source(%dma_start3A_2477 : memref<114688x64xf32, #tpu.memory_space<hbm>>) target(%arg6 : memref<128x64xf32, #tpu.memory_space<vmem>>) offsets(%dma_start3A_2474 : memref<128xi32, #tpu.memory_space<vmem>>) semaphore(%arg7 : memref<!tpu.dma_semaphore, #tpu.memory_space<semaphore_mem>>) {add = true}
    %dma_wait3A_2478 = arith.constant 164 : i32
    %dma_wait3A_2479 = arith.constant 0 : i32
    %dma_wait3A_2480 = tpu.memref_slice %arg5[%dma_wait3A_2478, %dma_wait3A_2479] : memref<200x128xi32, #tpu.memory_space<vmem>> -> memref<1x128xi32, #tpu.memory_space<vmem>>
    %dma_wait3A_2481 = tpu.memref_squeeze %dma_wait3A_2480 : memref<1x128xi32, #tpu.memory_space<vmem>> -> memref<128xi32, #tpu.memory_space<vmem>>
    %dma_wait3A_2482 = arith.constant 0 : i32
    %dma_wait3A_2483 = arith.constant 0 : i32
    %dma_wait3A_2484 = tpu.memref_slice %arg3[%dma_wait3A_2482, %dma_wait3A_2483] : memref<114688x64xf32, #tpu.memory_space<hbm>> -> memref<114688x64xf32, #tpu.memory_space<hbm>>
    tpu.wait_indirect_dma semaphore(%arg7 : memref<!tpu.dma_semaphore, #tpu.memory_space<semaphore_mem>>) src(%dma_wait3A_2484 : memref<114688x64xf32, #tpu.memory_space<hbm>>) dst(%arg6 : memref<128x64xf32, #tpu.memory_space<vmem>>)
    %dma_start3A_2485 = arith.constant 189 : i32
    %dma_start3A_2486 = arith.constant 0 : i32
    %dma_start3A_2487 = tpu.memref_slice %arg5[%dma_start3A_2485, %dma_start3A_2486] : memref<200x128xi32, #tpu.memory_space<vmem>> -> memref<1x128xi32, #tpu.memory_space<vmem>>
    %dma_start3A_2488 = tpu.memref_squeeze %dma_start3A_2487 : memref<1x128xi32, #tpu.memory_space<vmem>> -> memref<128xi32, #tpu.memory_space<vmem>>
    %dma_start3A_2489 = arith.constant 0 : i32
    %dma_start3A_2490 = arith.constant 0 : i32
    %dma_start3A_2491 = tpu.memref_slice %arg3[%dma_start3A_2489, %dma_start3A_2490] : memref<114688x64xf32, #tpu.memory_space<hbm>> -> memref<114688x64xf32, #tpu.memory_space<hbm>>
    tpu.enqueue_indirect_dma source(%dma_start3A_2491 : memref<114688x64xf32, #tpu.memory_space<hbm>>) target(%arg6 : memref<128x64xf32, #tpu.memory_space<vmem>>) offsets(%dma_start3A_2488 : memref<128xi32, #tpu.memory_space<vmem>>) semaphore(%arg7 : memref<!tpu.dma_semaphore, #tpu.memory_space<semaphore_mem>>) {add = true}
    %dma_wait3A_2492 = arith.constant 165 : i32
    %dma_wait3A_2493 = arith.constant 0 : i32
    %dma_wait3A_2494 = tpu.memref_slice %arg5[%dma_wait3A_2492, %dma_wait3A_2493] : memref<200x128xi32, #tpu.memory_space<vmem>> -> memref<1x128xi32, #tpu.memory_space<vmem>>
    %dma_wait3A_2495 = tpu.memref_squeeze %dma_wait3A_2494 : memref<1x128xi32, #tpu.memory_space<vmem>> -> memref<128xi32, #tpu.memory_space<vmem>>
    %dma_wait3A_2496 = arith.constant 0 : i32
    %dma_wait3A_2497 = arith.constant 0 : i32
    %dma_wait3A_2498 = tpu.memref_slice %arg3[%dma_wait3A_2496, %dma_wait3A_2497] : memref<114688x64xf32, #tpu.memory_space<hbm>> -> memref<114688x64xf32, #tpu.memory_space<hbm>>
    tpu.wait_indirect_dma semaphore(%arg7 : memref<!tpu.dma_semaphore, #tpu.memory_space<semaphore_mem>>) src(%dma_wait3A_2498 : memref<114688x64xf32, #tpu.memory_space<hbm>>) dst(%arg6 : memref<128x64xf32, #tpu.memory_space<vmem>>)
    %dma_start3A_2499 = arith.constant 190 : i32
    %dma_start3A_2500 = arith.constant 0 : i32
    %dma_start3A_2501 = tpu.memref_slice %arg5[%dma_start3A_2499, %dma_start3A_2500] : memref<200x128xi32, #tpu.memory_space<vmem>> -> memref<1x128xi32, #tpu.memory_space<vmem>>
    %dma_start3A_2502 = tpu.memref_squeeze %dma_start3A_2501 : memref<1x128xi32, #tpu.memory_space<vmem>> -> memref<128xi32, #tpu.memory_space<vmem>>
    %dma_start3A_2503 = arith.constant 0 : i32
    %dma_start3A_2504 = arith.constant 0 : i32
    %dma_start3A_2505 = tpu.memref_slice %arg3[%dma_start3A_2503, %dma_start3A_2504] : memref<114688x64xf32, #tpu.memory_space<hbm>> -> memref<114688x64xf32, #tpu.memory_space<hbm>>
    tpu.enqueue_indirect_dma source(%dma_start3A_2505 : memref<114688x64xf32, #tpu.memory_space<hbm>>) target(%arg6 : memref<128x64xf32, #tpu.memory_space<vmem>>) offsets(%dma_start3A_2502 : memref<128xi32, #tpu.memory_space<vmem>>) semaphore(%arg7 : memref<!tpu.dma_semaphore, #tpu.memory_space<semaphore_mem>>) {add = true}
    %dma_wait3A_2506 = arith.constant 166 : i32
    %dma_wait3A_2507 = arith.constant 0 : i32
    %dma_wait3A_2508 = tpu.memref_slice %arg5[%dma_wait3A_2506, %dma_wait3A_2507] : memref<200x128xi32, #tpu.memory_space<vmem>> -> memref<1x128xi32, #tpu.memory_space<vmem>>
    %dma_wait3A_2509 = tpu.memref_squeeze %dma_wait3A_2508 : memref<1x128xi32, #tpu.memory_space<vmem>> -> memref<128xi32, #tpu.memory_space<vmem>>
    %dma_wait3A_2510 = arith.constant 0 : i32
    %dma_wait3A_2511 = arith.constant 0 : i32
    %dma_wait3A_2512 = tpu.memref_slice %arg3[%dma_wait3A_2510, %dma_wait3A_2511] : memref<114688x64xf32, #tpu.memory_space<hbm>> -> memref<114688x64xf32, #tpu.memory_space<hbm>>
    tpu.wait_indirect_dma semaphore(%arg7 : memref<!tpu.dma_semaphore, #tpu.memory_space<semaphore_mem>>) src(%dma_wait3A_2512 : memref<114688x64xf32, #tpu.memory_space<hbm>>) dst(%arg6 : memref<128x64xf32, #tpu.memory_space<vmem>>)
    %dma_start3A_2513 = arith.constant 191 : i32
    %dma_start3A_2514 = arith.constant 0 : i32
    %dma_start3A_2515 = tpu.memref_slice %arg5[%dma_start3A_2513, %dma_start3A_2514] : memref<200x128xi32, #tpu.memory_space<vmem>> -> memref<1x128xi32, #tpu.memory_space<vmem>>
    %dma_start3A_2516 = tpu.memref_squeeze %dma_start3A_2515 : memref<1x128xi32, #tpu.memory_space<vmem>> -> memref<128xi32, #tpu.memory_space<vmem>>
    %dma_start3A_2517 = arith.constant 0 : i32
    %dma_start3A_2518 = arith.constant 0 : i32
    %dma_start3A_2519 = tpu.memref_slice %arg3[%dma_start3A_2517, %dma_start3A_2518] : memref<114688x64xf32, #tpu.memory_space<hbm>> -> memref<114688x64xf32, #tpu.memory_space<hbm>>
    tpu.enqueue_indirect_dma source(%dma_start3A_2519 : memref<114688x64xf32, #tpu.memory_space<hbm>>) target(%arg6 : memref<128x64xf32, #tpu.memory_space<vmem>>) offsets(%dma_start3A_2516 : memref<128xi32, #tpu.memory_space<vmem>>) semaphore(%arg7 : memref<!tpu.dma_semaphore, #tpu.memory_space<semaphore_mem>>) {add = true}
    %dma_wait3A_2520 = arith.constant 167 : i32
    %dma_wait3A_2521 = arith.constant 0 : i32
    %dma_wait3A_2522 = tpu.memref_slice %arg5[%dma_wait3A_2520, %dma_wait3A_2521] : memref<200x128xi32, #tpu.memory_space<vmem>> -> memref<1x128xi32, #tpu.memory_space<vmem>>
    %dma_wait3A_2523 = tpu.memref_squeeze %dma_wait3A_2522 : memref<1x128xi32, #tpu.memory_space<vmem>> -> memref<128xi32, #tpu.memory_space<vmem>>
    %dma_wait3A_2524 = arith.constant 0 : i32
    %dma_wait3A_2525 = arith.constant 0 : i32
    %dma_wait3A_2526 = tpu.memref_slice %arg3[%dma_wait3A_2524, %dma_wait3A_2525] : memref<114688x64xf32, #tpu.memory_space<hbm>> -> memref<114688x64xf32, #tpu.memory_space<hbm>>
    tpu.wait_indirect_dma semaphore(%arg7 : memref<!tpu.dma_semaphore, #tpu.memory_space<semaphore_mem>>) src(%dma_wait3A_2526 : memref<114688x64xf32, #tpu.memory_space<hbm>>) dst(%arg6 : memref<128x64xf32, #tpu.memory_space<vmem>>)
    %dma_start3A_2527 = arith.constant 192 : i32
    %dma_start3A_2528 = arith.constant 0 : i32
    %dma_start3A_2529 = tpu.memref_slice %arg5[%dma_start3A_2527, %dma_start3A_2528] : memref<200x128xi32, #tpu.memory_space<vmem>> -> memref<1x128xi32, #tpu.memory_space<vmem>>
    %dma_start3A_2530 = tpu.memref_squeeze %dma_start3A_2529 : memref<1x128xi32, #tpu.memory_space<vmem>> -> memref<128xi32, #tpu.memory_space<vmem>>
    %dma_start3A_2531 = arith.constant 0 : i32
    %dma_start3A_2532 = arith.constant 0 : i32
    %dma_start3A_2533 = tpu.memref_slice %arg3[%dma_start3A_2531, %dma_start3A_2532] : memref<114688x64xf32, #tpu.memory_space<hbm>> -> memref<114688x64xf32, #tpu.memory_space<hbm>>
    tpu.enqueue_indirect_dma source(%dma_start3A_2533 : memref<114688x64xf32, #tpu.memory_space<hbm>>) target(%arg6 : memref<128x64xf32, #tpu.memory_space<vmem>>) offsets(%dma_start3A_2530 : memref<128xi32, #tpu.memory_space<vmem>>) semaphore(%arg7 : memref<!tpu.dma_semaphore, #tpu.memory_space<semaphore_mem>>) {add = true}
    %dma_wait3A_2534 = arith.constant 168 : i32
    %dma_wait3A_2535 = arith.constant 0 : i32
    %dma_wait3A_2536 = tpu.memref_slice %arg5[%dma_wait3A_2534, %dma_wait3A_2535] : memref<200x128xi32, #tpu.memory_space<vmem>> -> memref<1x128xi32, #tpu.memory_space<vmem>>
    %dma_wait3A_2537 = tpu.memref_squeeze %dma_wait3A_2536 : memref<1x128xi32, #tpu.memory_space<vmem>> -> memref<128xi32, #tpu.memory_space<vmem>>
    %dma_wait3A_2538 = arith.constant 0 : i32
    %dma_wait3A_2539 = arith.constant 0 : i32
    %dma_wait3A_2540 = tpu.memref_slice %arg3[%dma_wait3A_2538, %dma_wait3A_2539] : memref<114688x64xf32, #tpu.memory_space<hbm>> -> memref<114688x64xf32, #tpu.memory_space<hbm>>
    tpu.wait_indirect_dma semaphore(%arg7 : memref<!tpu.dma_semaphore, #tpu.memory_space<semaphore_mem>>) src(%dma_wait3A_2540 : memref<114688x64xf32, #tpu.memory_space<hbm>>) dst(%arg6 : memref<128x64xf32, #tpu.memory_space<vmem>>)
    %dma_start3A_2541 = arith.constant 193 : i32
    %dma_start3A_2542 = arith.constant 0 : i32
    %dma_start3A_2543 = tpu.memref_slice %arg5[%dma_start3A_2541, %dma_start3A_2542] : memref<200x128xi32, #tpu.memory_space<vmem>> -> memref<1x128xi32, #tpu.memory_space<vmem>>
    %dma_start3A_2544 = tpu.memref_squeeze %dma_start3A_2543 : memref<1x128xi32, #tpu.memory_space<vmem>> -> memref<128xi32, #tpu.memory_space<vmem>>
    %dma_start3A_2545 = arith.constant 0 : i32
    %dma_start3A_2546 = arith.constant 0 : i32
    %dma_start3A_2547 = tpu.memref_slice %arg3[%dma_start3A_2545, %dma_start3A_2546] : memref<114688x64xf32, #tpu.memory_space<hbm>> -> memref<114688x64xf32, #tpu.memory_space<hbm>>
    tpu.enqueue_indirect_dma source(%dma_start3A_2547 : memref<114688x64xf32, #tpu.memory_space<hbm>>) target(%arg6 : memref<128x64xf32, #tpu.memory_space<vmem>>) offsets(%dma_start3A_2544 : memref<128xi32, #tpu.memory_space<vmem>>) semaphore(%arg7 : memref<!tpu.dma_semaphore, #tpu.memory_space<semaphore_mem>>) {add = true}
    %dma_wait3A_2548 = arith.constant 169 : i32
    %dma_wait3A_2549 = arith.constant 0 : i32
    %dma_wait3A_2550 = tpu.memref_slice %arg5[%dma_wait3A_2548, %dma_wait3A_2549] : memref<200x128xi32, #tpu.memory_space<vmem>> -> memref<1x128xi32, #tpu.memory_space<vmem>>
    %dma_wait3A_2551 = tpu.memref_squeeze %dma_wait3A_2550 : memref<1x128xi32, #tpu.memory_space<vmem>> -> memref<128xi32, #tpu.memory_space<vmem>>
    %dma_wait3A_2552 = arith.constant 0 : i32
    %dma_wait3A_2553 = arith.constant 0 : i32
    %dma_wait3A_2554 = tpu.memref_slice %arg3[%dma_wait3A_2552, %dma_wait3A_2553] : memref<114688x64xf32, #tpu.memory_space<hbm>> -> memref<114688x64xf32, #tpu.memory_space<hbm>>
    tpu.wait_indirect_dma semaphore(%arg7 : memref<!tpu.dma_semaphore, #tpu.memory_space<semaphore_mem>>) src(%dma_wait3A_2554 : memref<114688x64xf32, #tpu.memory_space<hbm>>) dst(%arg6 : memref<128x64xf32, #tpu.memory_space<vmem>>)
    %dma_start3A_2555 = arith.constant 194 : i32
    %dma_start3A_2556 = arith.constant 0 : i32
    %dma_start3A_2557 = tpu.memref_slice %arg5[%dma_start3A_2555, %dma_start3A_2556] : memref<200x128xi32, #tpu.memory_space<vmem>> -> memref<1x128xi32, #tpu.memory_space<vmem>>
    %dma_start3A_2558 = tpu.memref_squeeze %dma_start3A_2557 : memref<1x128xi32, #tpu.memory_space<vmem>> -> memref<128xi32, #tpu.memory_space<vmem>>
    %dma_start3A_2559 = arith.constant 0 : i32
    %dma_start3A_2560 = arith.constant 0 : i32
    %dma_start3A_2561 = tpu.memref_slice %arg3[%dma_start3A_2559, %dma_start3A_2560] : memref<114688x64xf32, #tpu.memory_space<hbm>> -> memref<114688x64xf32, #tpu.memory_space<hbm>>
    tpu.enqueue_indirect_dma source(%dma_start3A_2561 : memref<114688x64xf32, #tpu.memory_space<hbm>>) target(%arg6 : memref<128x64xf32, #tpu.memory_space<vmem>>) offsets(%dma_start3A_2558 : memref<128xi32, #tpu.memory_space<vmem>>) semaphore(%arg7 : memref<!tpu.dma_semaphore, #tpu.memory_space<semaphore_mem>>) {add = true}
    %dma_wait3A_2562 = arith.constant 170 : i32
    %dma_wait3A_2563 = arith.constant 0 : i32
    %dma_wait3A_2564 = tpu.memref_slice %arg5[%dma_wait3A_2562, %dma_wait3A_2563] : memref<200x128xi32, #tpu.memory_space<vmem>> -> memref<1x128xi32, #tpu.memory_space<vmem>>
    %dma_wait3A_2565 = tpu.memref_squeeze %dma_wait3A_2564 : memref<1x128xi32, #tpu.memory_space<vmem>> -> memref<128xi32, #tpu.memory_space<vmem>>
    %dma_wait3A_2566 = arith.constant 0 : i32
    %dma_wait3A_2567 = arith.constant 0 : i32
    %dma_wait3A_2568 = tpu.memref_slice %arg3[%dma_wait3A_2566, %dma_wait3A_2567] : memref<114688x64xf32, #tpu.memory_space<hbm>> -> memref<114688x64xf32, #tpu.memory_space<hbm>>
    tpu.wait_indirect_dma semaphore(%arg7 : memref<!tpu.dma_semaphore, #tpu.memory_space<semaphore_mem>>) src(%dma_wait3A_2568 : memref<114688x64xf32, #tpu.memory_space<hbm>>) dst(%arg6 : memref<128x64xf32, #tpu.memory_space<vmem>>)
    %dma_start3A_2569 = arith.constant 195 : i32
    %dma_start3A_2570 = arith.constant 0 : i32
    %dma_start3A_2571 = tpu.memref_slice %arg5[%dma_start3A_2569, %dma_start3A_2570] : memref<200x128xi32, #tpu.memory_space<vmem>> -> memref<1x128xi32, #tpu.memory_space<vmem>>
    %dma_start3A_2572 = tpu.memref_squeeze %dma_start3A_2571 : memref<1x128xi32, #tpu.memory_space<vmem>> -> memref<128xi32, #tpu.memory_space<vmem>>
    %dma_start3A_2573 = arith.constant 0 : i32
    %dma_start3A_2574 = arith.constant 0 : i32
    %dma_start3A_2575 = tpu.memref_slice %arg3[%dma_start3A_2573, %dma_start3A_2574] : memref<114688x64xf32, #tpu.memory_space<hbm>> -> memref<114688x64xf32, #tpu.memory_space<hbm>>
    tpu.enqueue_indirect_dma source(%dma_start3A_2575 : memref<114688x64xf32, #tpu.memory_space<hbm>>) target(%arg6 : memref<128x64xf32, #tpu.memory_space<vmem>>) offsets(%dma_start3A_2572 : memref<128xi32, #tpu.memory_space<vmem>>) semaphore(%arg7 : memref<!tpu.dma_semaphore, #tpu.memory_space<semaphore_mem>>) {add = true}
    %dma_wait3A_2576 = arith.constant 171 : i32
    %dma_wait3A_2577 = arith.constant 0 : i32
    %dma_wait3A_2578 = tpu.memref_slice %arg5[%dma_wait3A_2576, %dma_wait3A_2577] : memref<200x128xi32, #tpu.memory_space<vmem>> -> memref<1x128xi32, #tpu.memory_space<vmem>>
    %dma_wait3A_2579 = tpu.memref_squeeze %dma_wait3A_2578 : memref<1x128xi32, #tpu.memory_space<vmem>> -> memref<128xi32, #tpu.memory_space<vmem>>
    %dma_wait3A_2580 = arith.constant 0 : i32
    %dma_wait3A_2581 = arith.constant 0 : i32
    %dma_wait3A_2582 = tpu.memref_slice %arg3[%dma_wait3A_2580, %dma_wait3A_2581] : memref<114688x64xf32, #tpu.memory_space<hbm>> -> memref<114688x64xf32, #tpu.memory_space<hbm>>
    tpu.wait_indirect_dma semaphore(%arg7 : memref<!tpu.dma_semaphore, #tpu.memory_space<semaphore_mem>>) src(%dma_wait3A_2582 : memref<114688x64xf32, #tpu.memory_space<hbm>>) dst(%arg6 : memref<128x64xf32, #tpu.memory_space<vmem>>)
    %dma_start3A_2583 = arith.constant 196 : i32
    %dma_start3A_2584 = arith.constant 0 : i32
    %dma_start3A_2585 = tpu.memref_slice %arg5[%dma_start3A_2583, %dma_start3A_2584] : memref<200x128xi32, #tpu.memory_space<vmem>> -> memref<1x128xi32, #tpu.memory_space<vmem>>
    %dma_start3A_2586 = tpu.memref_squeeze %dma_start3A_2585 : memref<1x128xi32, #tpu.memory_space<vmem>> -> memref<128xi32, #tpu.memory_space<vmem>>
    %dma_start3A_2587 = arith.constant 0 : i32
    %dma_start3A_2588 = arith.constant 0 : i32
    %dma_start3A_2589 = tpu.memref_slice %arg3[%dma_start3A_2587, %dma_start3A_2588] : memref<114688x64xf32, #tpu.memory_space<hbm>> -> memref<114688x64xf32, #tpu.memory_space<hbm>>
    tpu.enqueue_indirect_dma source(%dma_start3A_2589 : memref<114688x64xf32, #tpu.memory_space<hbm>>) target(%arg6 : memref<128x64xf32, #tpu.memory_space<vmem>>) offsets(%dma_start3A_2586 : memref<128xi32, #tpu.memory_space<vmem>>) semaphore(%arg7 : memref<!tpu.dma_semaphore, #tpu.memory_space<semaphore_mem>>) {add = true}
    %dma_wait3A_2590 = arith.constant 172 : i32
    %dma_wait3A_2591 = arith.constant 0 : i32
    %dma_wait3A_2592 = tpu.memref_slice %arg5[%dma_wait3A_2590, %dma_wait3A_2591] : memref<200x128xi32, #tpu.memory_space<vmem>> -> memref<1x128xi32, #tpu.memory_space<vmem>>
    %dma_wait3A_2593 = tpu.memref_squeeze %dma_wait3A_2592 : memref<1x128xi32, #tpu.memory_space<vmem>> -> memref<128xi32, #tpu.memory_space<vmem>>
    %dma_wait3A_2594 = arith.constant 0 : i32
    %dma_wait3A_2595 = arith.constant 0 : i32
    %dma_wait3A_2596 = tpu.memref_slice %arg3[%dma_wait3A_2594, %dma_wait3A_2595] : memref<114688x64xf32, #tpu.memory_space<hbm>> -> memref<114688x64xf32, #tpu.memory_space<hbm>>
    tpu.wait_indirect_dma semaphore(%arg7 : memref<!tpu.dma_semaphore, #tpu.memory_space<semaphore_mem>>) src(%dma_wait3A_2596 : memref<114688x64xf32, #tpu.memory_space<hbm>>) dst(%arg6 : memref<128x64xf32, #tpu.memory_space<vmem>>)
    %dma_start3A_2597 = arith.constant 197 : i32
    %dma_start3A_2598 = arith.constant 0 : i32
    %dma_start3A_2599 = tpu.memref_slice %arg5[%dma_start3A_2597, %dma_start3A_2598] : memref<200x128xi32, #tpu.memory_space<vmem>> -> memref<1x128xi32, #tpu.memory_space<vmem>>
    %dma_start3A_2600 = tpu.memref_squeeze %dma_start3A_2599 : memref<1x128xi32, #tpu.memory_space<vmem>> -> memref<128xi32, #tpu.memory_space<vmem>>
    %dma_start3A_2601 = arith.constant 0 : i32
    %dma_start3A_2602 = arith.constant 0 : i32
    %dma_start3A_2603 = tpu.memref_slice %arg3[%dma_start3A_2601, %dma_start3A_2602] : memref<114688x64xf32, #tpu.memory_space<hbm>> -> memref<114688x64xf32, #tpu.memory_space<hbm>>
    tpu.enqueue_indirect_dma source(%dma_start3A_2603 : memref<114688x64xf32, #tpu.memory_space<hbm>>) target(%arg6 : memref<128x64xf32, #tpu.memory_space<vmem>>) offsets(%dma_start3A_2600 : memref<128xi32, #tpu.memory_space<vmem>>) semaphore(%arg7 : memref<!tpu.dma_semaphore, #tpu.memory_space<semaphore_mem>>) {add = true}
    %dma_wait3A_2604 = arith.constant 173 : i32
    %dma_wait3A_2605 = arith.constant 0 : i32
    %dma_wait3A_2606 = tpu.memref_slice %arg5[%dma_wait3A_2604, %dma_wait3A_2605] : memref<200x128xi32, #tpu.memory_space<vmem>> -> memref<1x128xi32, #tpu.memory_space<vmem>>
    %dma_wait3A_2607 = tpu.memref_squeeze %dma_wait3A_2606 : memref<1x128xi32, #tpu.memory_space<vmem>> -> memref<128xi32, #tpu.memory_space<vmem>>
    %dma_wait3A_2608 = arith.constant 0 : i32
    %dma_wait3A_2609 = arith.constant 0 : i32
    %dma_wait3A_2610 = tpu.memref_slice %arg3[%dma_wait3A_2608, %dma_wait3A_2609] : memref<114688x64xf32, #tpu.memory_space<hbm>> -> memref<114688x64xf32, #tpu.memory_space<hbm>>
    tpu.wait_indirect_dma semaphore(%arg7 : memref<!tpu.dma_semaphore, #tpu.memory_space<semaphore_mem>>) src(%dma_wait3A_2610 : memref<114688x64xf32, #tpu.memory_space<hbm>>) dst(%arg6 : memref<128x64xf32, #tpu.memory_space<vmem>>)
    %dma_start3A_2611 = arith.constant 198 : i32
    %dma_start3A_2612 = arith.constant 0 : i32
    %dma_start3A_2613 = tpu.memref_slice %arg5[%dma_start3A_2611, %dma_start3A_2612] : memref<200x128xi32, #tpu.memory_space<vmem>> -> memref<1x128xi32, #tpu.memory_space<vmem>>
    %dma_start3A_2614 = tpu.memref_squeeze %dma_start3A_2613 : memref<1x128xi32, #tpu.memory_space<vmem>> -> memref<128xi32, #tpu.memory_space<vmem>>
    %dma_start3A_2615 = arith.constant 0 : i32
    %dma_start3A_2616 = arith.constant 0 : i32
    %dma_start3A_2617 = tpu.memref_slice %arg3[%dma_start3A_2615, %dma_start3A_2616] : memref<114688x64xf32, #tpu.memory_space<hbm>> -> memref<114688x64xf32, #tpu.memory_space<hbm>>
    tpu.enqueue_indirect_dma source(%dma_start3A_2617 : memref<114688x64xf32, #tpu.memory_space<hbm>>) target(%arg6 : memref<128x64xf32, #tpu.memory_space<vmem>>) offsets(%dma_start3A_2614 : memref<128xi32, #tpu.memory_space<vmem>>) semaphore(%arg7 : memref<!tpu.dma_semaphore, #tpu.memory_space<semaphore_mem>>) {add = true}
    %dma_wait3A_2618 = arith.constant 174 : i32
    %dma_wait3A_2619 = arith.constant 0 : i32
    %dma_wait3A_2620 = tpu.memref_slice %arg5[%dma_wait3A_2618, %dma_wait3A_2619] : memref<200x128xi32, #tpu.memory_space<vmem>> -> memref<1x128xi32, #tpu.memory_space<vmem>>
    %dma_wait3A_2621 = tpu.memref_squeeze %dma_wait3A_2620 : memref<1x128xi32, #tpu.memory_space<vmem>> -> memref<128xi32, #tpu.memory_space<vmem>>
    %dma_wait3A_2622 = arith.constant 0 : i32
    %dma_wait3A_2623 = arith.constant 0 : i32
    %dma_wait3A_2624 = tpu.memref_slice %arg3[%dma_wait3A_2622, %dma_wait3A_2623] : memref<114688x64xf32, #tpu.memory_space<hbm>> -> memref<114688x64xf32, #tpu.memory_space<hbm>>
    tpu.wait_indirect_dma semaphore(%arg7 : memref<!tpu.dma_semaphore, #tpu.memory_space<semaphore_mem>>) src(%dma_wait3A_2624 : memref<114688x64xf32, #tpu.memory_space<hbm>>) dst(%arg6 : memref<128x64xf32, #tpu.memory_space<vmem>>)
    %dma_start3A_2625 = arith.constant 199 : i32
    %dma_start3A_2626 = arith.constant 0 : i32
    %dma_start3A_2627 = tpu.memref_slice %arg5[%dma_start3A_2625, %dma_start3A_2626] : memref<200x128xi32, #tpu.memory_space<vmem>> -> memref<1x128xi32, #tpu.memory_space<vmem>>
    %dma_start3A_2628 = tpu.memref_squeeze %dma_start3A_2627 : memref<1x128xi32, #tpu.memory_space<vmem>> -> memref<128xi32, #tpu.memory_space<vmem>>
    %dma_start3A_2629 = arith.constant 0 : i32
    %dma_start3A_2630 = arith.constant 0 : i32
    %dma_start3A_2631 = tpu.memref_slice %arg3[%dma_start3A_2629, %dma_start3A_2630] : memref<114688x64xf32, #tpu.memory_space<hbm>> -> memref<114688x64xf32, #tpu.memory_space<hbm>>
    tpu.enqueue_indirect_dma source(%dma_start3A_2631 : memref<114688x64xf32, #tpu.memory_space<hbm>>) target(%arg6 : memref<128x64xf32, #tpu.memory_space<vmem>>) offsets(%dma_start3A_2628 : memref<128xi32, #tpu.memory_space<vmem>>) semaphore(%arg7 : memref<!tpu.dma_semaphore, #tpu.memory_space<semaphore_mem>>) {add = true}
    %dma_wait3A_2632 = arith.constant 175 : i32
    %dma_wait3A_2633 = arith.constant 0 : i32
    %dma_wait3A_2634 = tpu.memref_slice %arg5[%dma_wait3A_2632, %dma_wait3A_2633] : memref<200x128xi32, #tpu.memory_space<vmem>> -> memref<1x128xi32, #tpu.memory_space<vmem>>
    %dma_wait3A_2635 = tpu.memref_squeeze %dma_wait3A_2634 : memref<1x128xi32, #tpu.memory_space<vmem>> -> memref<128xi32, #tpu.memory_space<vmem>>
    %dma_wait3A_2636 = arith.constant 0 : i32
    %dma_wait3A_2637 = arith.constant 0 : i32
    %dma_wait3A_2638 = tpu.memref_slice %arg3[%dma_wait3A_2636, %dma_wait3A_2637] : memref<114688x64xf32, #tpu.memory_space<hbm>> -> memref<114688x64xf32, #tpu.memory_space<hbm>>
    tpu.wait_indirect_dma semaphore(%arg7 : memref<!tpu.dma_semaphore, #tpu.memory_space<semaphore_mem>>) src(%dma_wait3A_2638 : memref<114688x64xf32, #tpu.memory_space<hbm>>) dst(%arg6 : memref<128x64xf32, #tpu.memory_space<vmem>>)
    %dma_wait3A_2639 = arith.constant 176 : i32
    %dma_wait3A_2640 = arith.constant 0 : i32
    %dma_wait3A_2641 = tpu.memref_slice %arg5[%dma_wait3A_2639, %dma_wait3A_2640] : memref<200x128xi32, #tpu.memory_space<vmem>> -> memref<1x128xi32, #tpu.memory_space<vmem>>
    %dma_wait3A_2642 = tpu.memref_squeeze %dma_wait3A_2641 : memref<1x128xi32, #tpu.memory_space<vmem>> -> memref<128xi32, #tpu.memory_space<vmem>>
    %dma_wait3A_2643 = arith.constant 0 : i32
    %dma_wait3A_2644 = arith.constant 0 : i32
    %dma_wait3A_2645 = tpu.memref_slice %arg3[%dma_wait3A_2643, %dma_wait3A_2644] : memref<114688x64xf32, #tpu.memory_space<hbm>> -> memref<114688x64xf32, #tpu.memory_space<hbm>>
    tpu.wait_indirect_dma semaphore(%arg7 : memref<!tpu.dma_semaphore, #tpu.memory_space<semaphore_mem>>) src(%dma_wait3A_2645 : memref<114688x64xf32, #tpu.memory_space<hbm>>) dst(%arg6 : memref<128x64xf32, #tpu.memory_space<vmem>>)
    %dma_wait3A_2646 = arith.constant 177 : i32
    %dma_wait3A_2647 = arith.constant 0 : i32
    %dma_wait3A_2648 = tpu.memref_slice %arg5[%dma_wait3A_2646, %dma_wait3A_2647] : memref<200x128xi32, #tpu.memory_space<vmem>> -> memref<1x128xi32, #tpu.memory_space<vmem>>
    %dma_wait3A_2649 = tpu.memref_squeeze %dma_wait3A_2648 : memref<1x128xi32, #tpu.memory_space<vmem>> -> memref<128xi32, #tpu.memory_space<vmem>>
    %dma_wait3A_2650 = arith.constant 0 : i32
    %dma_wait3A_2651 = arith.constant 0 : i32
    %dma_wait3A_2652 = tpu.memref_slice %arg3[%dma_wait3A_2650, %dma_wait3A_2651] : memref<114688x64xf32, #tpu.memory_space<hbm>> -> memref<114688x64xf32, #tpu.memory_space<hbm>>
    tpu.wait_indirect_dma semaphore(%arg7 : memref<!tpu.dma_semaphore, #tpu.memory_space<semaphore_mem>>) src(%dma_wait3A_2652 : memref<114688x64xf32, #tpu.memory_space<hbm>>) dst(%arg6 : memref<128x64xf32, #tpu.memory_space<vmem>>)
    %dma_wait3A_2653 = arith.constant 178 : i32
    %dma_wait3A_2654 = arith.constant 0 : i32
    %dma_wait3A_2655 = tpu.memref_slice %arg5[%dma_wait3A_2653, %dma_wait3A_2654] : memref<200x128xi32, #tpu.memory_space<vmem>> -> memref<1x128xi32, #tpu.memory_space<vmem>>
    %dma_wait3A_2656 = tpu.memref_squeeze %dma_wait3A_2655 : memref<1x128xi32, #tpu.memory_space<vmem>> -> memref<128xi32, #tpu.memory_space<vmem>>
    %dma_wait3A_2657 = arith.constant 0 : i32
    %dma_wait3A_2658 = arith.constant 0 : i32
    %dma_wait3A_2659 = tpu.memref_slice %arg3[%dma_wait3A_2657, %dma_wait3A_2658] : memref<114688x64xf32, #tpu.memory_space<hbm>> -> memref<114688x64xf32, #tpu.memory_space<hbm>>
    tpu.wait_indirect_dma semaphore(%arg7 : memref<!tpu.dma_semaphore, #tpu.memory_space<semaphore_mem>>) src(%dma_wait3A_2659 : memref<114688x64xf32, #tpu.memory_space<hbm>>) dst(%arg6 : memref<128x64xf32, #tpu.memory_space<vmem>>)
    %dma_wait3A_2660 = arith.constant 179 : i32
    %dma_wait3A_2661 = arith.constant 0 : i32
    %dma_wait3A_2662 = tpu.memref_slice %arg5[%dma_wait3A_2660, %dma_wait3A_2661] : memref<200x128xi32, #tpu.memory_space<vmem>> -> memref<1x128xi32, #tpu.memory_space<vmem>>
    %dma_wait3A_2663 = tpu.memref_squeeze %dma_wait3A_2662 : memref<1x128xi32, #tpu.memory_space<vmem>> -> memref<128xi32, #tpu.memory_space<vmem>>
    %dma_wait3A_2664 = arith.constant 0 : i32
    %dma_wait3A_2665 = arith.constant 0 : i32
    %dma_wait3A_2666 = tpu.memref_slice %arg3[%dma_wait3A_2664, %dma_wait3A_2665] : memref<114688x64xf32, #tpu.memory_space<hbm>> -> memref<114688x64xf32, #tpu.memory_space<hbm>>
    tpu.wait_indirect_dma semaphore(%arg7 : memref<!tpu.dma_semaphore, #tpu.memory_space<semaphore_mem>>) src(%dma_wait3A_2666 : memref<114688x64xf32, #tpu.memory_space<hbm>>) dst(%arg6 : memref<128x64xf32, #tpu.memory_space<vmem>>)
    %dma_wait3A_2667 = arith.constant 180 : i32
    %dma_wait3A_2668 = arith.constant 0 : i32
    %dma_wait3A_2669 = tpu.memref_slice %arg5[%dma_wait3A_2667, %dma_wait3A_2668] : memref<200x128xi32, #tpu.memory_space<vmem>> -> memref<1x128xi32, #tpu.memory_space<vmem>>
    %dma_wait3A_2670 = tpu.memref_squeeze %dma_wait3A_2669 : memref<1x128xi32, #tpu.memory_space<vmem>> -> memref<128xi32, #tpu.memory_space<vmem>>
    %dma_wait3A_2671 = arith.constant 0 : i32
    %dma_wait3A_2672 = arith.constant 0 : i32
    %dma_wait3A_2673 = tpu.memref_slice %arg3[%dma_wait3A_2671, %dma_wait3A_2672] : memref<114688x64xf32, #tpu.memory_space<hbm>> -> memref<114688x64xf32, #tpu.memory_space<hbm>>
    tpu.wait_indirect_dma semaphore(%arg7 : memref<!tpu.dma_semaphore, #tpu.memory_space<semaphore_mem>>) src(%dma_wait3A_2673 : memref<114688x64xf32, #tpu.memory_space<hbm>>) dst(%arg6 : memref<128x64xf32, #tpu.memory_space<vmem>>)
    %dma_wait3A_2674 = arith.constant 181 : i32
    %dma_wait3A_2675 = arith.constant 0 : i32
    %dma_wait3A_2676 = tpu.memref_slice %arg5[%dma_wait3A_2674, %dma_wait3A_2675] : memref<200x128xi32, #tpu.memory_space<vmem>> -> memref<1x128xi32, #tpu.memory_space<vmem>>
    %dma_wait3A_2677 = tpu.memref_squeeze %dma_wait3A_2676 : memref<1x128xi32, #tpu.memory_space<vmem>> -> memref<128xi32, #tpu.memory_space<vmem>>
    %dma_wait3A_2678 = arith.constant 0 : i32
    %dma_wait3A_2679 = arith.constant 0 : i32
    %dma_wait3A_2680 = tpu.memref_slice %arg3[%dma_wait3A_2678, %dma_wait3A_2679] : memref<114688x64xf32, #tpu.memory_space<hbm>> -> memref<114688x64xf32, #tpu.memory_space<hbm>>
    tpu.wait_indirect_dma semaphore(%arg7 : memref<!tpu.dma_semaphore, #tpu.memory_space<semaphore_mem>>) src(%dma_wait3A_2680 : memref<114688x64xf32, #tpu.memory_space<hbm>>) dst(%arg6 : memref<128x64xf32, #tpu.memory_space<vmem>>)
    %dma_wait3A_2681 = arith.constant 182 : i32
    %dma_wait3A_2682 = arith.constant 0 : i32
    %dma_wait3A_2683 = tpu.memref_slice %arg5[%dma_wait3A_2681, %dma_wait3A_2682] : memref<200x128xi32, #tpu.memory_space<vmem>> -> memref<1x128xi32, #tpu.memory_space<vmem>>
    %dma_wait3A_2684 = tpu.memref_squeeze %dma_wait3A_2683 : memref<1x128xi32, #tpu.memory_space<vmem>> -> memref<128xi32, #tpu.memory_space<vmem>>
    %dma_wait3A_2685 = arith.constant 0 : i32
    %dma_wait3A_2686 = arith.constant 0 : i32
    %dma_wait3A_2687 = tpu.memref_slice %arg3[%dma_wait3A_2685, %dma_wait3A_2686] : memref<114688x64xf32, #tpu.memory_space<hbm>> -> memref<114688x64xf32, #tpu.memory_space<hbm>>
    tpu.wait_indirect_dma semaphore(%arg7 : memref<!tpu.dma_semaphore, #tpu.memory_space<semaphore_mem>>) src(%dma_wait3A_2687 : memref<114688x64xf32, #tpu.memory_space<hbm>>) dst(%arg6 : memref<128x64xf32, #tpu.memory_space<vmem>>)
    %dma_wait3A_2688 = arith.constant 183 : i32
    %dma_wait3A_2689 = arith.constant 0 : i32
    %dma_wait3A_2690 = tpu.memref_slice %arg5[%dma_wait3A_2688, %dma_wait3A_2689] : memref<200x128xi32, #tpu.memory_space<vmem>> -> memref<1x128xi32, #tpu.memory_space<vmem>>
    %dma_wait3A_2691 = tpu.memref_squeeze %dma_wait3A_2690 : memref<1x128xi32, #tpu.memory_space<vmem>> -> memref<128xi32, #tpu.memory_space<vmem>>
    %dma_wait3A_2692 = arith.constant 0 : i32
    %dma_wait3A_2693 = arith.constant 0 : i32
    %dma_wait3A_2694 = tpu.memref_slice %arg3[%dma_wait3A_2692, %dma_wait3A_2693] : memref<114688x64xf32, #tpu.memory_space<hbm>> -> memref<114688x64xf32, #tpu.memory_space<hbm>>
    tpu.wait_indirect_dma semaphore(%arg7 : memref<!tpu.dma_semaphore, #tpu.memory_space<semaphore_mem>>) src(%dma_wait3A_2694 : memref<114688x64xf32, #tpu.memory_space<hbm>>) dst(%arg6 : memref<128x64xf32, #tpu.memory_space<vmem>>)
    %dma_wait3A_2695 = arith.constant 184 : i32
    %dma_wait3A_2696 = arith.constant 0 : i32
    %dma_wait3A_2697 = tpu.memref_slice %arg5[%dma_wait3A_2695, %dma_wait3A_2696] : memref<200x128xi32, #tpu.memory_space<vmem>> -> memref<1x128xi32, #tpu.memory_space<vmem>>
    %dma_wait3A_2698 = tpu.memref_squeeze %dma_wait3A_2697 : memref<1x128xi32, #tpu.memory_space<vmem>> -> memref<128xi32, #tpu.memory_space<vmem>>
    %dma_wait3A_2699 = arith.constant 0 : i32
    %dma_wait3A_2700 = arith.constant 0 : i32
    %dma_wait3A_2701 = tpu.memref_slice %arg3[%dma_wait3A_2699, %dma_wait3A_2700] : memref<114688x64xf32, #tpu.memory_space<hbm>> -> memref<114688x64xf32, #tpu.memory_space<hbm>>
    tpu.wait_indirect_dma semaphore(%arg7 : memref<!tpu.dma_semaphore, #tpu.memory_space<semaphore_mem>>) src(%dma_wait3A_2701 : memref<114688x64xf32, #tpu.memory_space<hbm>>) dst(%arg6 : memref<128x64xf32, #tpu.memory_space<vmem>>)
    %dma_wait3A_2702 = arith.constant 185 : i32
    %dma_wait3A_2703 = arith.constant 0 : i32
    %dma_wait3A_2704 = tpu.memref_slice %arg5[%dma_wait3A_2702, %dma_wait3A_2703] : memref<200x128xi32, #tpu.memory_space<vmem>> -> memref<1x128xi32, #tpu.memory_space<vmem>>
    %dma_wait3A_2705 = tpu.memref_squeeze %dma_wait3A_2704 : memref<1x128xi32, #tpu.memory_space<vmem>> -> memref<128xi32, #tpu.memory_space<vmem>>
    %dma_wait3A_2706 = arith.constant 0 : i32
    %dma_wait3A_2707 = arith.constant 0 : i32
    %dma_wait3A_2708 = tpu.memref_slice %arg3[%dma_wait3A_2706, %dma_wait3A_2707] : memref<114688x64xf32, #tpu.memory_space<hbm>> -> memref<114688x64xf32, #tpu.memory_space<hbm>>
    tpu.wait_indirect_dma semaphore(%arg7 : memref<!tpu.dma_semaphore, #tpu.memory_space<semaphore_mem>>) src(%dma_wait3A_2708 : memref<114688x64xf32, #tpu.memory_space<hbm>>) dst(%arg6 : memref<128x64xf32, #tpu.memory_space<vmem>>)
    %dma_wait3A_2709 = arith.constant 186 : i32
    %dma_wait3A_2710 = arith.constant 0 : i32
    %dma_wait3A_2711 = tpu.memref_slice %arg5[%dma_wait3A_2709, %dma_wait3A_2710] : memref<200x128xi32, #tpu.memory_space<vmem>> -> memref<1x128xi32, #tpu.memory_space<vmem>>
    %dma_wait3A_2712 = tpu.memref_squeeze %dma_wait3A_2711 : memref<1x128xi32, #tpu.memory_space<vmem>> -> memref<128xi32, #tpu.memory_space<vmem>>
    %dma_wait3A_2713 = arith.constant 0 : i32
    %dma_wait3A_2714 = arith.constant 0 : i32
    %dma_wait3A_2715 = tpu.memref_slice %arg3[%dma_wait3A_2713, %dma_wait3A_2714] : memref<114688x64xf32, #tpu.memory_space<hbm>> -> memref<114688x64xf32, #tpu.memory_space<hbm>>
    tpu.wait_indirect_dma semaphore(%arg7 : memref<!tpu.dma_semaphore, #tpu.memory_space<semaphore_mem>>) src(%dma_wait3A_2715 : memref<114688x64xf32, #tpu.memory_space<hbm>>) dst(%arg6 : memref<128x64xf32, #tpu.memory_space<vmem>>)
    %dma_wait3A_2716 = arith.constant 187 : i32
    %dma_wait3A_2717 = arith.constant 0 : i32
    %dma_wait3A_2718 = tpu.memref_slice %arg5[%dma_wait3A_2716, %dma_wait3A_2717] : memref<200x128xi32, #tpu.memory_space<vmem>> -> memref<1x128xi32, #tpu.memory_space<vmem>>
    %dma_wait3A_2719 = tpu.memref_squeeze %dma_wait3A_2718 : memref<1x128xi32, #tpu.memory_space<vmem>> -> memref<128xi32, #tpu.memory_space<vmem>>
    %dma_wait3A_2720 = arith.constant 0 : i32
    %dma_wait3A_2721 = arith.constant 0 : i32
    %dma_wait3A_2722 = tpu.memref_slice %arg3[%dma_wait3A_2720, %dma_wait3A_2721] : memref<114688x64xf32, #tpu.memory_space<hbm>> -> memref<114688x64xf32, #tpu.memory_space<hbm>>
    tpu.wait_indirect_dma semaphore(%arg7 : memref<!tpu.dma_semaphore, #tpu.memory_space<semaphore_mem>>) src(%dma_wait3A_2722 : memref<114688x64xf32, #tpu.memory_space<hbm>>) dst(%arg6 : memref<128x64xf32, #tpu.memory_space<vmem>>)
    %dma_wait3A_2723 = arith.constant 188 : i32
    %dma_wait3A_2724 = arith.constant 0 : i32
    %dma_wait3A_2725 = tpu.memref_slice %arg5[%dma_wait3A_2723, %dma_wait3A_2724] : memref<200x128xi32, #tpu.memory_space<vmem>> -> memref<1x128xi32, #tpu.memory_space<vmem>>
    %dma_wait3A_2726 = tpu.memref_squeeze %dma_wait3A_2725 : memref<1x128xi32, #tpu.memory_space<vmem>> -> memref<128xi32, #tpu.memory_space<vmem>>
    %dma_wait3A_2727 = arith.constant 0 : i32
    %dma_wait3A_2728 = arith.constant 0 : i32
    %dma_wait3A_2729 = tpu.memref_slice %arg3[%dma_wait3A_2727, %dma_wait3A_2728] : memref<114688x64xf32, #tpu.memory_space<hbm>> -> memref<114688x64xf32, #tpu.memory_space<hbm>>
    tpu.wait_indirect_dma semaphore(%arg7 : memref<!tpu.dma_semaphore, #tpu.memory_space<semaphore_mem>>) src(%dma_wait3A_2729 : memref<114688x64xf32, #tpu.memory_space<hbm>>) dst(%arg6 : memref<128x64xf32, #tpu.memory_space<vmem>>)
    %dma_wait3A_2730 = arith.constant 189 : i32
    %dma_wait3A_2731 = arith.constant 0 : i32
    %dma_wait3A_2732 = tpu.memref_slice %arg5[%dma_wait3A_2730, %dma_wait3A_2731] : memref<200x128xi32, #tpu.memory_space<vmem>> -> memref<1x128xi32, #tpu.memory_space<vmem>>
    %dma_wait3A_2733 = tpu.memref_squeeze %dma_wait3A_2732 : memref<1x128xi32, #tpu.memory_space<vmem>> -> memref<128xi32, #tpu.memory_space<vmem>>
    %dma_wait3A_2734 = arith.constant 0 : i32
    %dma_wait3A_2735 = arith.constant 0 : i32
    %dma_wait3A_2736 = tpu.memref_slice %arg3[%dma_wait3A_2734, %dma_wait3A_2735] : memref<114688x64xf32, #tpu.memory_space<hbm>> -> memref<114688x64xf32, #tpu.memory_space<hbm>>
    tpu.wait_indirect_dma semaphore(%arg7 : memref<!tpu.dma_semaphore, #tpu.memory_space<semaphore_mem>>) src(%dma_wait3A_2736 : memref<114688x64xf32, #tpu.memory_space<hbm>>) dst(%arg6 : memref<128x64xf32, #tpu.memory_space<vmem>>)
    %dma_wait3A_2737 = arith.constant 190 : i32
    %dma_wait3A_2738 = arith.constant 0 : i32
    %dma_wait3A_2739 = tpu.memref_slice %arg5[%dma_wait3A_2737, %dma_wait3A_2738] : memref<200x128xi32, #tpu.memory_space<vmem>> -> memref<1x128xi32, #tpu.memory_space<vmem>>
    %dma_wait3A_2740 = tpu.memref_squeeze %dma_wait3A_2739 : memref<1x128xi32, #tpu.memory_space<vmem>> -> memref<128xi32, #tpu.memory_space<vmem>>
    %dma_wait3A_2741 = arith.constant 0 : i32
    %dma_wait3A_2742 = arith.constant 0 : i32
    %dma_wait3A_2743 = tpu.memref_slice %arg3[%dma_wait3A_2741, %dma_wait3A_2742] : memref<114688x64xf32, #tpu.memory_space<hbm>> -> memref<114688x64xf32, #tpu.memory_space<hbm>>
    tpu.wait_indirect_dma semaphore(%arg7 : memref<!tpu.dma_semaphore, #tpu.memory_space<semaphore_mem>>) src(%dma_wait3A_2743 : memref<114688x64xf32, #tpu.memory_space<hbm>>) dst(%arg6 : memref<128x64xf32, #tpu.memory_space<vmem>>)
    %dma_wait3A_2744 = arith.constant 191 : i32
    %dma_wait3A_2745 = arith.constant 0 : i32
    %dma_wait3A_2746 = tpu.memref_slice %arg5[%dma_wait3A_2744, %dma_wait3A_2745] : memref<200x128xi32, #tpu.memory_space<vmem>> -> memref<1x128xi32, #tpu.memory_space<vmem>>
    %dma_wait3A_2747 = tpu.memref_squeeze %dma_wait3A_2746 : memref<1x128xi32, #tpu.memory_space<vmem>> -> memref<128xi32, #tpu.memory_space<vmem>>
    %dma_wait3A_2748 = arith.constant 0 : i32
    %dma_wait3A_2749 = arith.constant 0 : i32
    %dma_wait3A_2750 = tpu.memref_slice %arg3[%dma_wait3A_2748, %dma_wait3A_2749] : memref<114688x64xf32, #tpu.memory_space<hbm>> -> memref<114688x64xf32, #tpu.memory_space<hbm>>
    tpu.wait_indirect_dma semaphore(%arg7 : memref<!tpu.dma_semaphore, #tpu.memory_space<semaphore_mem>>) src(%dma_wait3A_2750 : memref<114688x64xf32, #tpu.memory_space<hbm>>) dst(%arg6 : memref<128x64xf32, #tpu.memory_space<vmem>>)
    %dma_wait3A_2751 = arith.constant 192 : i32
    %dma_wait3A_2752 = arith.constant 0 : i32
    %dma_wait3A_2753 = tpu.memref_slice %arg5[%dma_wait3A_2751, %dma_wait3A_2752] : memref<200x128xi32, #tpu.memory_space<vmem>> -> memref<1x128xi32, #tpu.memory_space<vmem>>
    %dma_wait3A_2754 = tpu.memref_squeeze %dma_wait3A_2753 : memref<1x128xi32, #tpu.memory_space<vmem>> -> memref<128xi32, #tpu.memory_space<vmem>>
    %dma_wait3A_2755 = arith.constant 0 : i32
    %dma_wait3A_2756 = arith.constant 0 : i32
    %dma_wait3A_2757 = tpu.memref_slice %arg3[%dma_wait3A_2755, %dma_wait3A_2756] : memref<114688x64xf32, #tpu.memory_space<hbm>> -> memref<114688x64xf32, #tpu.memory_space<hbm>>
    tpu.wait_indirect_dma semaphore(%arg7 : memref<!tpu.dma_semaphore, #tpu.memory_space<semaphore_mem>>) src(%dma_wait3A_2757 : memref<114688x64xf32, #tpu.memory_space<hbm>>) dst(%arg6 : memref<128x64xf32, #tpu.memory_space<vmem>>)
    %dma_wait3A_2758 = arith.constant 193 : i32
    %dma_wait3A_2759 = arith.constant 0 : i32
    %dma_wait3A_2760 = tpu.memref_slice %arg5[%dma_wait3A_2758, %dma_wait3A_2759] : memref<200x128xi32, #tpu.memory_space<vmem>> -> memref<1x128xi32, #tpu.memory_space<vmem>>
    %dma_wait3A_2761 = tpu.memref_squeeze %dma_wait3A_2760 : memref<1x128xi32, #tpu.memory_space<vmem>> -> memref<128xi32, #tpu.memory_space<vmem>>
    %dma_wait3A_2762 = arith.constant 0 : i32
    %dma_wait3A_2763 = arith.constant 0 : i32
    %dma_wait3A_2764 = tpu.memref_slice %arg3[%dma_wait3A_2762, %dma_wait3A_2763] : memref<114688x64xf32, #tpu.memory_space<hbm>> -> memref<114688x64xf32, #tpu.memory_space<hbm>>
    tpu.wait_indirect_dma semaphore(%arg7 : memref<!tpu.dma_semaphore, #tpu.memory_space<semaphore_mem>>) src(%dma_wait3A_2764 : memref<114688x64xf32, #tpu.memory_space<hbm>>) dst(%arg6 : memref<128x64xf32, #tpu.memory_space<vmem>>)
    %dma_wait3A_2765 = arith.constant 194 : i32
    %dma_wait3A_2766 = arith.constant 0 : i32
    %dma_wait3A_2767 = tpu.memref_slice %arg5[%dma_wait3A_2765, %dma_wait3A_2766] : memref<200x128xi32, #tpu.memory_space<vmem>> -> memref<1x128xi32, #tpu.memory_space<vmem>>
    %dma_wait3A_2768 = tpu.memref_squeeze %dma_wait3A_2767 : memref<1x128xi32, #tpu.memory_space<vmem>> -> memref<128xi32, #tpu.memory_space<vmem>>
    %dma_wait3A_2769 = arith.constant 0 : i32
    %dma_wait3A_2770 = arith.constant 0 : i32
    %dma_wait3A_2771 = tpu.memref_slice %arg3[%dma_wait3A_2769, %dma_wait3A_2770] : memref<114688x64xf32, #tpu.memory_space<hbm>> -> memref<114688x64xf32, #tpu.memory_space<hbm>>
    tpu.wait_indirect_dma semaphore(%arg7 : memref<!tpu.dma_semaphore, #tpu.memory_space<semaphore_mem>>) src(%dma_wait3A_2771 : memref<114688x64xf32, #tpu.memory_space<hbm>>) dst(%arg6 : memref<128x64xf32, #tpu.memory_space<vmem>>)
    %dma_wait3A_2772 = arith.constant 195 : i32
    %dma_wait3A_2773 = arith.constant 0 : i32
    %dma_wait3A_2774 = tpu.memref_slice %arg5[%dma_wait3A_2772, %dma_wait3A_2773] : memref<200x128xi32, #tpu.memory_space<vmem>> -> memref<1x128xi32, #tpu.memory_space<vmem>>
    %dma_wait3A_2775 = tpu.memref_squeeze %dma_wait3A_2774 : memref<1x128xi32, #tpu.memory_space<vmem>> -> memref<128xi32, #tpu.memory_space<vmem>>
    %dma_wait3A_2776 = arith.constant 0 : i32
    %dma_wait3A_2777 = arith.constant 0 : i32
    %dma_wait3A_2778 = tpu.memref_slice %arg3[%dma_wait3A_2776, %dma_wait3A_2777] : memref<114688x64xf32, #tpu.memory_space<hbm>> -> memref<114688x64xf32, #tpu.memory_space<hbm>>
    tpu.wait_indirect_dma semaphore(%arg7 : memref<!tpu.dma_semaphore, #tpu.memory_space<semaphore_mem>>) src(%dma_wait3A_2778 : memref<114688x64xf32, #tpu.memory_space<hbm>>) dst(%arg6 : memref<128x64xf32, #tpu.memory_space<vmem>>)
    %dma_wait3A_2779 = arith.constant 196 : i32
    %dma_wait3A_2780 = arith.constant 0 : i32
    %dma_wait3A_2781 = tpu.memref_slice %arg5[%dma_wait3A_2779, %dma_wait3A_2780] : memref<200x128xi32, #tpu.memory_space<vmem>> -> memref<1x128xi32, #tpu.memory_space<vmem>>
    %dma_wait3A_2782 = tpu.memref_squeeze %dma_wait3A_2781 : memref<1x128xi32, #tpu.memory_space<vmem>> -> memref<128xi32, #tpu.memory_space<vmem>>
    %dma_wait3A_2783 = arith.constant 0 : i32
    %dma_wait3A_2784 = arith.constant 0 : i32
    %dma_wait3A_2785 = tpu.memref_slice %arg3[%dma_wait3A_2783, %dma_wait3A_2784] : memref<114688x64xf32, #tpu.memory_space<hbm>> -> memref<114688x64xf32, #tpu.memory_space<hbm>>
    tpu.wait_indirect_dma semaphore(%arg7 : memref<!tpu.dma_semaphore, #tpu.memory_space<semaphore_mem>>) src(%dma_wait3A_2785 : memref<114688x64xf32, #tpu.memory_space<hbm>>) dst(%arg6 : memref<128x64xf32, #tpu.memory_space<vmem>>)
    %dma_wait3A_2786 = arith.constant 197 : i32
    %dma_wait3A_2787 = arith.constant 0 : i32
    %dma_wait3A_2788 = tpu.memref_slice %arg5[%dma_wait3A_2786, %dma_wait3A_2787] : memref<200x128xi32, #tpu.memory_space<vmem>> -> memref<1x128xi32, #tpu.memory_space<vmem>>
    %dma_wait3A_2789 = tpu.memref_squeeze %dma_wait3A_2788 : memref<1x128xi32, #tpu.memory_space<vmem>> -> memref<128xi32, #tpu.memory_space<vmem>>
    %dma_wait3A_2790 = arith.constant 0 : i32
    %dma_wait3A_2791 = arith.constant 0 : i32
    %dma_wait3A_2792 = tpu.memref_slice %arg3[%dma_wait3A_2790, %dma_wait3A_2791] : memref<114688x64xf32, #tpu.memory_space<hbm>> -> memref<114688x64xf32, #tpu.memory_space<hbm>>
    tpu.wait_indirect_dma semaphore(%arg7 : memref<!tpu.dma_semaphore, #tpu.memory_space<semaphore_mem>>) src(%dma_wait3A_2792 : memref<114688x64xf32, #tpu.memory_space<hbm>>) dst(%arg6 : memref<128x64xf32, #tpu.memory_space<vmem>>)
    %dma_wait3A_2793 = arith.constant 198 : i32
    %dma_wait3A_2794 = arith.constant 0 : i32
    %dma_wait3A_2795 = tpu.memref_slice %arg5[%dma_wait3A_2793, %dma_wait3A_2794] : memref<200x128xi32, #tpu.memory_space<vmem>> -> memref<1x128xi32, #tpu.memory_space<vmem>>
    %dma_wait3A_2796 = tpu.memref_squeeze %dma_wait3A_2795 : memref<1x128xi32, #tpu.memory_space<vmem>> -> memref<128xi32, #tpu.memory_space<vmem>>
    %dma_wait3A_2797 = arith.constant 0 : i32
    %dma_wait3A_2798 = arith.constant 0 : i32
    %dma_wait3A_2799 = tpu.memref_slice %arg3[%dma_wait3A_2797, %dma_wait3A_2798] : memref<114688x64xf32, #tpu.memory_space<hbm>> -> memref<114688x64xf32, #tpu.memory_space<hbm>>
    tpu.wait_indirect_dma semaphore(%arg7 : memref<!tpu.dma_semaphore, #tpu.memory_space<semaphore_mem>>) src(%dma_wait3A_2799 : memref<114688x64xf32, #tpu.memory_space<hbm>>) dst(%arg6 : memref<128x64xf32, #tpu.memory_space<vmem>>)
    %dma_wait3A_2800 = arith.constant 199 : i32
    %dma_wait3A_2801 = arith.constant 0 : i32
    %dma_wait3A_2802 = tpu.memref_slice %arg5[%dma_wait3A_2800, %dma_wait3A_2801] : memref<200x128xi32, #tpu.memory_space<vmem>> -> memref<1x128xi32, #tpu.memory_space<vmem>>
    %dma_wait3A_2803 = tpu.memref_squeeze %dma_wait3A_2802 : memref<1x128xi32, #tpu.memory_space<vmem>> -> memref<128xi32, #tpu.memory_space<vmem>>
    %dma_wait3A_2804 = arith.constant 0 : i32
    %dma_wait3A_2805 = arith.constant 0 : i32
    %dma_wait3A_2806 = tpu.memref_slice %arg3[%dma_wait3A_2804, %dma_wait3A_2805] : memref<114688x64xf32, #tpu.memory_space<hbm>> -> memref<114688x64xf32, #tpu.memory_space<hbm>>
    tpu.wait_indirect_dma semaphore(%arg7 : memref<!tpu.dma_semaphore, #tpu.memory_space<semaphore_mem>>) src(%dma_wait3A_2806 : memref<114688x64xf32, #tpu.memory_space<hbm>>) dst(%arg6 : memref<128x64xf32, #tpu.memory_space<vmem>>)
    "tpu.region"() ({
      %run_scoped3A = tpu.sem_alloc : memref<!tpu.dma_semaphore, #tpu.memory_space<semaphore_mem>>
      %dma_start3A_2807 = arith.constant 0 : i32
      %dma_start3A_2808 = tpu.memref_slice %arg4[%mul3A_2, %dma_start3A_2807] : memref<4096x64xf32, #tpu.memory_space<hbm>> -> memref<128x64xf32, #tpu.memory_space<hbm>>
      %dma_start3A_2809 = arith.constant 0 : i32
      %dma_start3A_2810 = tpu.memref_slice %arg4[%mul3A_2, %dma_start3A_2809] : memref<4096x64xf32, #tpu.memory_space<hbm>> -> memref<128x64xf32, #tpu.memory_space<hbm>>
      tpu.enqueue_dma source(%arg6 : memref<128x64xf32, #tpu.memory_space<vmem>>) target(%dma_start3A_2810 : memref<128x64xf32, #tpu.memory_space<hbm>>) target_semaphore(%run_scoped3A : memref<!tpu.dma_semaphore, #tpu.memory_space<semaphore_mem>>)
      %dma_wait3A_2811 = arith.constant 0 : i32
      %dma_wait3A_2812 = tpu.memref_slice %arg4[%mul3A_2, %dma_wait3A_2811] : memref<4096x64xf32, #tpu.memory_space<hbm>> -> memref<128x64xf32, #tpu.memory_space<hbm>>
      %dma_wait3A_2813 = arith.constant 0 : i32
      %dma_wait3A_2814 = tpu.memref_slice %arg4[%mul3A_2, %dma_wait3A_2813] : memref<4096x64xf32, #tpu.memory_space<hbm>> -> memref<128x64xf32, #tpu.memory_space<hbm>>
      tpu.wait_dma2 semaphore(%run_scoped3A : memref<!tpu.dma_semaphore, #tpu.memory_space<semaphore_mem>>) src(%arg6 : memref<128x64xf32, #tpu.memory_space<vmem>>) dst(%dma_wait3A_2814 : memref<128x64xf32, #tpu.memory_space<hbm>>)
      tpu.yield
    }) : () -> ()
    return
  }
}

module attributes {stable_mosaic.version = 14 : i64} {
  func.func @_proj_body(%arg0: i32, %arg1: memref<64x16384xf32, #tpu.memory_space<vmem>>, %arg2: memref<64x64xf32, #tpu.memory_space<vmem>>, %arg3: memref<8x64xf32, #tpu.memory_space<vmem>>, %arg4: memref<8192x128xf32, #tpu.memory_space<vmem>>) attributes {dimension_semantics = [#tpu.dimension_semantics<arbitrary>], iteration_bounds = array<i64: 7>, scalar_prefetch = 0 : i64, scratch_operands = 0 : i64, tpu.core_type = #tpu.core_type<tc>, window_params = [{transform_indices = @transform_0, window_bounds = array<i64: 64, 16384>}, {pipeline_mode = #tpu.pipeline_mode<synchronous>, transform_indices = @transform_1, window_bounds = array<i64: 64, 64>}, {pipeline_mode = #tpu.pipeline_mode<synchronous>, transform_indices = @transform_2, window_bounds = array<i64: 8, 64>}, {transform_indices = @transform_3, window_bounds = array<i64: 8192, 128>}]} {
    %get3A = arith.constant 0 : index
    %get3A_0 = arith.constant 0 : index
    %get3A_1 = vector.load %arg1[%get3A, %get3A_0] : memref<64x16384xf32, #tpu.memory_space<vmem>>, vector<64x16384xf32>
    %get3A_2 = arith.constant 0 : index
    %get3A_3 = arith.constant 0 : index
    %get3A_4 = vector.load %arg2[%get3A_2, %get3A_3] : memref<64x64xf32, #tpu.memory_space<vmem>>, vector<64x64xf32>
    %dot_general3A = arith.constant dense<0.000000e+00> : vector<16384x64xf32>
    %dot_general3A_5 = tpu.matmul %get3A_1, %get3A_4, %dot_general3A {dimension_numbers = #tpu.dot_dimension_numbers<[0], [0], [1], [1], [0, 1, 1, 1], [], []>, transpose_lhs_hint = false} : vector<64x16384xf32>, vector<64x64xf32>, vector<16384x64xf32> -> vector<16384x64xf32>
    %get3A_6 = arith.constant 0 : index
    %get3A_7 = arith.constant 0 : index
    %get3A_8 = vector.load %arg3[%get3A_6, %get3A_7] : memref<8x64xf32, #tpu.memory_space<vmem>>, vector<1x64xf32>
    %add3A = vector.broadcast %get3A_8 : vector<1x64xf32> to vector<16384x64xf32>
    %add3A_9 = arith.addf %dot_general3A_5, %add3A : vector<16384x64xf32>
    %slice3A = vector.extract_strided_slice %add3A_9 {offsets = [0, 0], sizes = [8192, 64], strides = [1, 1]} : vector<16384x64xf32> to vector<8192x64xf32>
    %slice3A_10 = vector.extract_strided_slice %add3A_9 {offsets = [8192, 0], sizes = [8192, 64], strides = [1, 1]} : vector<16384x64xf32> to vector<8192x64xf32>
    %concatenate3A = tpu.concatenate %slice3A, %slice3A_10 in 1 : vector<8192x64xf32>, vector<8192x64xf32> -> vector<8192x128xf32>
    %swap3A = arith.constant 0 : index
    %swap3A_11 = arith.constant 0 : index
    %swap3A_12 = vector.load %arg4[%swap3A, %swap3A_11] : memref<8192x128xf32, #tpu.memory_space<vmem>>, vector<8192x128xf32>
    tpu.vector_store %arg4[%swap3A, %swap3A_11], %concatenate3A {strides = array<i32>} : memref<8192x128xf32, #tpu.memory_space<vmem>>, vector<8192x128xf32>,
    return
  }
  func.func @transform_0(%arg0: i32) -> (i32, i32) {
    %c0_i32 = arith.constant 0 : i32
    %c0_i32_0 = arith.constant 0 : i32
    return %c0_i32, %arg0 : i32, i32
  }
  func.func @transform_1(%arg0: i32) -> (i32, i32) {
    %c0_i32 = arith.constant 0 : i32
    %c0_i32_0 = arith.constant 0 : i32
    %c0_i32_1 = arith.constant 0 : i32
    return %c0_i32, %c0_i32_0 : i32, i32
  }
  func.func @transform_2(%arg0: i32) -> (i32, i32) {
    %c0_i32 = arith.constant 0 : i32
    %c0_i32_0 = arith.constant 0 : i32
    %c0_i32_1 = arith.constant 0 : i32
    return %c0_i32, %c0_i32_0 : i32, i32
  }
  func.func @transform_3(%arg0: i32) -> (i32, i32) {
    %c0_i32 = arith.constant 0 : i32
    %c0_i32_0 = arith.constant 0 : i32
    return %arg0, %c0_i32 : i32, i32
  }
}

</mosaic_0001>

<sc_bundles>
// kernel: _run.4.cloned.1.call-start
scs
__scs_entry_jumppad:
0x0: {  	(pc) =	sbr.rel $0x88, $3  }
0x1: {  	(tag) =	ssettag $0x0;
	lr =	simm.s32 $0x1  }
0x2: {  	[smem:$0x3F9D] =	sst lr;
	_ =	strace $0xD0000000  }
0x3: {  	_ = 	snop  }
0x4: {  	_ = 	snop  }
0x5: {  	_ = 	snop  }
0x6: {  	_ = 	snop  }
0x7: {  	_ = 	snop  }
__scs_overlays_trampoline_lowered:
0x8: {  	[smem:$0x3FAC] =	sst s0  }
0x9: {  	[smem:$0x3FAD] =	sst s1  }
0xa: {  	[smem:$0x3FAE] =	sst s2  }
0xb: {  	[smem:$0x3FAF] =	sst s3  }
0xc: {  	[smem:$0x3FB0] =	sst s4  }
0xd: {  	[smem:$0x3FB1] =	sst s5  }
0xe: {  	[smem:$0x3FB2] =	sst s6  }
0xf: {  	[smem:$0x3FB3] =	sst s7  }
0x10: {  	[smem:$0x3FB4] =	sst s8  }
0x11: {  	[smem:$0x3FB5] =	sst s9;
	s0 =	simm.s32 @!p0 $0x0  }
0x12: {  	s1 =	sld [smem:$0x3F9B];
	s0 =	simm.s32 @p0 $0x1  }
0x13: {  	[smem:$0x3FB6] =	sst s0;
	s0 =	simm.s32 @!p1 $0x0  }
0x14: {  	s2 =	sld [smem:$0x3F9A];
	s0 =	simm.s32 @p1 $0x1  }
0x15: {  	[smem:$0x3FB7] =	sst s0;
	s0 =	simm.s32 @!p2 $0x0  }
0x16: {  	s3 =	sld [smem:$0x3FDB];
	s0 =	simm.s32 @p2 $0x1  }
0x17: {  	s4 =	simm.s32 $0x1BF5;
	[smem:$0x3FB9] =	sst s0  }
0x18: {  	s0 =	sld [smem:$0x3F9C];
	_ =	swait.ge [sflag:s4], $0x0  }
0x19: {  	s7 =	sld [smem:$0x3F9D]  }
0x1a: {  	s8 =	sadd.s32 $0xFFFFE003, lr  }
0x1b: {  	s9 =	sadd.s32 $0xFFFFFEF7, lr;
	s5 =	simm.s32 $0xFFFFFFFF;
	p2 =	slt.u32 s8, $0xFFFFF086  }
0x1c: {  	p1 =	slt.u32 s9, $0xF7A;
	s5 =	simm.s32 @!p2 $0x0  }
0x1d: {  	s5 =	simm.s32 @p1 $0x1;
	p0 =	seq.s32 s7, s2  }
0x1e: {  	s7 =	smul.u32 @!p0 $0xF7A, s2;
	p2 =	seq.s32 @!p0 s5, $0x0  }
0x1f: {  	s9 =	smul.u32 $0xF7A, s1;
	s8 =	simm.s32 @!p0 $0x1BF5;
	p2 =	por !p2, p0  }
0x20: {  	[sflag:s8] =	ssyncset.s32 @!p0 $0xFFFFF086;
	s6 =	sadd.s32 @!p0 s3, s7;
	s7 =	simm.s32 @!p0 $0x108  }
0x21: {  	s3 =	sadd.s32 s3, s9;
	s6 =	sadd.s32 @!p0 $0x88, s6;
	s7 =	simm.s32 @p2 $0x1082  }
0x22: {  	[simem:s7], [sflag:s8] =	dma.local @!p0 [hbm:s6], $0xF7A  }
0x23: {  	s9 =	sor.u32 $0xD0000000, s2;
	s6 =	simm.s32 $0x108;
	_ =	swait.ge @!p0 [sflag:s8], $0x0  }
0x24: {  	s3 =	sadd.s32 $0x88, s3;
	s6 =	simm.s32 @!p1 $0x1082;
	[sflag:s4] =	ssyncset.s32 $0xFFFFF086  }
0x25: {  	[simem:s6], [sflag:s4] =	dma.local [hbm:s3], $0xF7A  }
0x26: {  	[smem:$0x3F9D] =	sst s1;
	(tag) =	ssettag s2;
	_ =	strace s9  }
0x27: {  	s1 =	sld [smem:$0x3FAD]  }
0x28: {  	s2 =	sld [smem:$0x3FAE]  }
0x29: {  	s4 =	sld [smem:$0x3FB0]  }
0x2a: {  	p0 =	seq.s32 s5, $0x0;
	s5 =	sld [smem:$0x3FB1]  }
0x2b: {  	s6 =	sld [smem:$0x3FB2]  }
0x2c: {  	s7 =	sld [smem:$0x3FB3]  }
0x2d: {  	s3 =	simm.s32 $0x108;
	s8 =	sld [smem:$0x3FB4]  }
0x2e: {  	s3 =	simm.s32 @!p0 $0x1082;
	s9 =	sld [smem:$0x3FB5]  }
0x2f: {  	lr =	sadd.s32 s0, s3;
	s0 =	sld [smem:$0x3FAC]  }
0x30: {  	s3 =	sld [smem:$0x3FAF]  }
0x31: {  	[smem:$0x3FB8] =	sst s10  }
0x32: {  	s10 =	sld [smem:$0x3FB6];
	_ =	sdelay $0x3  }
0x33: {  	p0 =	seq.s32 s10, $0x1;
	s10 =	sld [smem:$0x3FB8];
	_ =	sdelay $0x3  }
0x34: {  	[smem:$0x3FB8] =	sst s10  }
0x35: {  	s10 =	sld [smem:$0x3FB7];
	_ =	sdelay $0x3  }
0x36: {  	p1 =	seq.s32 s10, $0x1;
	s10 =	sld [smem:$0x3FB8];
	_ =	sdelay $0x3  }
0x37: {  	[smem:$0x3FB8] =	sst s10  }
0x38: {  	s10 =	sld [smem:$0x3FB9]  }
0x39: {  	_ = 	snop;
	(pc) =	sbr.ind lr, $3  }
0x3a: {  	_ = 	snop  }
0x3b: {  	_ = 	snop  }
0x3c: {  	p2 =	seq.s32 s10, $0x1;
	s10 =	sld [smem:$0x3FB8]  }
0x3d: {  	_ =	shalt  }
0x3e: {  	_ =	shalt  }
0x3f: {  	_ =	shalt  }
0x40: {  	_ =	shalt  }
0x41: {  	_ =	shalt  }
0x42: {  	_ =	shalt  }
0x43: {  	_ =	shalt  }
0x44: {  	_ =	shalt  }
0x45: {  	_ =	shalt  }
0x46: {  	_ =	shalt  }
0x47: {  	_ =	shalt  }
0x48: {  	_ =	shalt  }
0x49: {  	_ =	shalt  }
0x4a: {  	_ =	shalt  }
0x4b: {  	_ =	shalt  }
0x4c: {  	_ =	shalt  }
0x4d: {  	_ =	shalt  }
0x4e: {  	_ =	shalt  }
0x4f: {  	_ =	shalt  }
0x50: {  	_ =	shalt  }
0x51: {  	_ =	shalt  }
0x52: {  	_ =	shalt  }
0x53: {  	_ =	shalt  }
0x54: {  	_ =	shalt  }
0x55: {  	_ =	shalt  }
0x56: {  	_ =	shalt  }
0x57: {  	_ =	shalt  }
0x58: {  	_ =	shalt  }
0x59: {  	_ =	shalt  }
0x5a: {  	_ =	shalt  }
0x5b: {  	_ =	shalt  }
0x5c: {  	_ =	shalt  }
0x5d: {  	_ =	shalt  }
0x5e: {  	_ =	shalt  }
0x5f: {  	_ =	shalt  }
0x60: {  	_ =	shalt  }
0x61: {  	_ =	shalt  }
0x62: {  	_ =	shalt  }
0x63: {  	_ =	shalt  }
0x64: {  	_ =	shalt  }
0x65: {  	_ =	shalt  }
0x66: {  	_ =	shalt  }
0x67: {  	_ =	shalt  }
0x68: {  	_ =	shalt  }
0x69: {  	_ =	shalt  }
0x6a: {  	_ =	shalt  }
0x6b: {  	_ =	shalt  }
0x6c: {  	_ =	shalt  }
0x6d: {  	_ =	shalt  }
0x6e: {  	_ =	shalt  }
0x6f: {  	_ =	shalt  }
0x70: {  	_ =	shalt  }
0x71: {  	_ =	shalt  }
0x72: {  	_ =	shalt  }
0x73: {  	_ =	shalt  }
0x74: {  	_ =	shalt  }
0x75: {  	_ =	shalt  }
0x76: {  	_ =	shalt  }
0x77: {  	_ =	shalt  }
0x78: {  	_ =	shalt  }
0x79: {  	_ =	shalt  }
0x7a: {  	_ =	shalt  }
0x7b: {  	_ =	shalt  }
0x7c: {  	_ =	shalt  }
0x7d: {  	_ =	shalt  }
0x7e: {  	_ =	shalt  }
0x7f: {  	_ =	shalt  }
0x80: {  	_ =	shalt  }
0x81: {  	_ =	shalt  }
0x82: {  	_ =	shalt  }
0x83: {  	_ =	shalt  }
0x84: {  	_ =	shalt  }
0x85: {  	_ =	shalt  }
0x86: {  	_ =	shalt  }
0x87: {  	_ =	shalt  }
.Lfunc_end0:
.L_simem_size_0:
called_computation_lowered:
.L_overlay_start_0:
0x88: {  	s2 =	sld [smem:$0x3FD9]  }
0x89: {  	s3 =	sld [smem:$0x3FFE];
	_ =	sdelay $0x1  }
0x8a: {  	s1 =	srdreg.scid  }
0x8b: {  	s0 =	sand.u32 $0x1, s1  }
0x8c: {  	s16 =	sshll.u32 s0, $0xA;
	s2 =	sadd.s32 s3, s2  }
0x8d: {  	s2 =	sadd.s32 s2, s16  }
0x8e: {  	[smem:$0x3FC4] =	sst s2  }
0x8f: {  	_ = 	snop  }
0x90: {  	(tm) =	ssettm $0x1  }
0x91: {  	s17 =	sld [smem:$0x3FFB];
	_ =	sdelay $0x3  }
0x92: {  	_ =	strace s17  }
0x93: {  	s2 =	sld [smem:$0x3FFC];
	_ =	sdelay $0x3  }
0x94: {  	_ =	strace s2  }
0x95: {  	s2 =	sld [smem:$0x3FFD];
	_ =	sdelay $0x3  }
0x96: {  	_ =	strace s2  }
0x97: {  	_ =	strace $0x8FFFFFFF  }
0x98: {  	s18 =	sld [smem:$0x3FDB];
	_ =	sdelay $0x1  }
0x99: {  	s19 =	simm.s32 $_scs_section_size  }
0x9a: {  	s4 =	simm.s32 $_size__tile_overlayer_lowered;
	s5 =	simm.s32 $_tile_overlayer_lowered  }
0x9b: {  	s22 =	simm.s32 $0x1BFF;
	s21 =	sshll.u32 s5, $0x1;
	s2 =	sadd.s32 s19, s18  }
0x9c: {  	s6 =	simm.s32 $0x0;
	s20 =	sshll.u32 s4, $0x1;
	s4 =	sadd.s32 s21, s2  }
0x9d: {  	[timem:s6], [sflag:s22] =	dma.local [hbm:s4], s20  }
0x9e: {  	_ =	swait.ge [sflag:s22], s20  }
0x9f: {  	s3 =	ssub.s32 $0x0, s20;
	[sflag:s22] =	ssyncset.done $0x0  }
0xa0: {  	[sflag:s22] =	ssyncadd.s32 s3;
	_ =	sdelay $0x1  }
0xa1: {  	s23 =	simm.s32 $0x1B8B  }
0xa2: {  	_ =	swait.ge [sflag:s23], $0x1  }
0xa3: {  	[sflag:s23] =	ssyncset.done $0x0  }
0xa4: {  	s25 =	simm.s32 $0x1B8E;
	s24 =	sld [smem:$0x3FFE];
	[sflag:s23] =	ssyncadd.s32 $0xFFFFFFFF  }
0xa5: {  	s26 =	simm.s32 $execute0_lowered;
	[smem:$0x3FD2] =	sst s25  }
0xa6: {  	s4 =	sshll.u32 s26, $0x1;
	_ =	strace $0x80000046;
	[dreg:$0x1] =	wrdreg $0xFFFFFFFF  }
0xa7: {  	s28 =	simm.s32 $_size_execute0_lowered;
	s2 =	sadd.s32 s2, s4;
	[dreg:$0x0] =	wrdreg $0x0  }
0xa8: {  	s4 =	sshll.u32 s28, $0x1;
	[dreg:$0x2] =	wrdreg s2  }
0xa9: {  	[dreg:$0x3] =	wrdreg s4  }
0xaa: {  	[dreg:$0x4] =	wrdreg $0xC0  }
0xab: {  	_ =	task [dreg:s6], $0x5FFFF  }
0xac: {  	[dreg:$0x1] =	wrdreg $0xFFFFFFFF  }
0xad: {  	[dreg:$0x0] =	wrdreg $0x60  }
0xae: {  	[dreg:$0x2] =	wrdreg s24  }
0xaf: {  	[dreg:$0x3] =	wrdreg $0x9  }
0xb0: {  	_ =	task.clear_ibuf [dreg:s6], $0x4FFFF;
	_ =	strace $0x90000046  }
0xb1: {  	s29 =	simm.s32 $0x9;
	_ =	strace $0x80000048  }
0xb2: {  	_ =	swait.ge [sflag:s29], $0x1  }
0xb3: {  	[sflag:s29] =	ssyncadd.s32 $0xFFFFFFFF  }
0xb4: {  	_ =	strace $0x90000048  }
0xb5: {  	_ =	sfence  }
0xb6: {  	s30 =	sld [smem:$0x0];
	_ =	sdelay $0x2  }
0xb7: {  	s31 =	sshll.u32 s1, $0xD;
	s1 =	sshrl.u32 s1, $0x2  }
0xb8: {  	s3 =	sand.u32 $0x4000, s31;
	s1 =	sadd.s32 s1, s30  }
0xb9: {  	s0 =	sor.u32 s3, s0;
	s1 =	sshll.u32 s1, $0x11  }
0xba: {  	s0 =	sor.u32 s1, s0  }
0xbb: {  	s0 =	sadd.s32 $0x8F2B, s0  }
0xbc: {  	[sflag:s0] =	ssyncadd.remote.s32 $0x1  }
0xbd: {  	_ =	sfence.sel $0xFFFF  }
0xbe: {  	[dreg:$0x0] =	wrdreg $0xFFFFFFFF;
	(pc) =	sbr.abs _section_cstart, $3  }
0xbf: {  	[dreg:$0x1] =	wrdreg $0xFFFFFFFF  }
0xc0: {  	_ =	task.clear_ibuf [dreg:s6], $0x2FFFF;
	_ =	strace $0x9FFFFFFF  }
0xc1: {  	(tm) =	ssettm $0x7FFFFFFF  }
tec
execute0_lowered:
.L_overlay_start_1:
0x0: {  	(tag) =	ssettag $0x1  }
0x1: {  	s0 =	rddreg [dreg:$0x0];
	s1 =	srdreg.scid  }
0x2: {  	s2 =	simm.s32 $0x0;
	s3 =	stileid.u32;
	s7 =	simm.s32 $0x80  }
0x3: {  	s8 =	simm.s32 $0x1000;
	s9 =	simm.s32 $0x2;
	s10 =	simm.s32 $0x6400  }
0x4: {  	s12 =	simm.s32 $0x1;
	s22 =	simm.s32 $0x5B00;
	s23 =	simm.s32 $0x5B80  }
0x5: {  	s24 =	simm.s32 $0x5C00;
	s25 =	simm.s32 $0x5C80;
	s26 =	simm.s32 $0x5D00  }
0x6: {  	s28 =	simm.s32 $0x5D80;
	s29 =	simm.s32 $0x5E00;
	s30 =	simm.s32 $0x5E80  }
0x7: {  	s31 =	simm.s32 $0x5F00;
	s11 =	simm.s32 $0x6080;
	s13 =	simm.s32 $0x6100  }
0x8: {  	s14 =	simm.s32 $0x6180;
	s15 =	simm.s32 $0x6200;
	s16 =	simm.s32 $0x6280  }
0x9: {  	s17 =	simm.s32 $0x6300;
	s18 =	simm.s32 $0x6380;
	s19 =	simm.s32 $0x0  }
0xa: {  	s1 =	sand.u32 $0x1, s1;
	[smem:$0x7FF] =	sst s2;
	s3 =	sshll.u32 s3, $0x8  }
0xb: {  	s4 =	sshll.u32 s1, $0x7;
	_ =	strace $0x80000047;
	s1 =	ssub.s32 $0x2, s1  }
0xc: {  	s4 =	sor.u32 s4, s3;
	s3 =	sadd.s32 $0x19000, s0;
	s6 =	sshrl.u32 s1, $0x1  }
0xd: {  	s5 =	sshll.u32 s4, $0x3;
	s4 =	sshrl.u32 s4, $0x3;
	s1 =	ssub.s32 s1, s6  }
0xe: {  	s5 =	sadd.s32 s5, s0;
	s4 =	sadd.s32 s0, s4;
	s6 =	smax.u32 s1, $0x1  }
0xf: {  	v0 =	vimm.f32 $0.0e+00;
	s0 =	simm.s32 $0x5F80;
	s1 =	simm.s32 $0x6000;
	s5 =	sadd.s32 $0xF9000, s5  }
.LBB2_1:
0x10: {  	[tilespmem:s2], [sflag:$0x2] =	stream.strided.gather [hbm4b:s4+s7], $0x6400, s8, s7, $0x38;
	[tilespmem:$0x8400] =	vst v63  }
0x11: {  	_ =	swait.ge [sflag:s9], $0x6400  }
0x12: {  	[sflag:s9] =	ssyncset.done $0x0  }
0x13: {  	s20 =	simm.s32 $0x6500;
	[sflag:s9] =	ssyncadd.s32 $0xFFFF9C00  }
0x14: {  	[tilespmem:s20+$0xFFFFFF00] =	vst v0  }
0x15: {  	[tilespmem:s20+$0xF0] =	vst v0  }
0x16: {  	[tilespmem:s20+$0xE0] =	vst v0  }
0x17: {  	[tilespmem:s20+$0xD0] =	vst v0  }
0x18: {  	[tilespmem:s20+$0xC0] =	vst v0  }
0x19: {  	[tilespmem:s20+$0xB0] =	vst v0  }
0x1a: {  	[tilespmem:s20+$0xA0] =	vst v0  }
0x1b: {  	[tilespmem:s20+$0x90] =	vst v0  }
0x1c: {  	[tilespmem:s20+$0x80] =	vst v0  }
0x1d: {  	[tilespmem:s20+$0x70] =	vst v0  }
0x1e: {  	[tilespmem:s20+$0x60] =	vst v0  }
0x1f: {  	[tilespmem:s20+$0x50] =	vst v0  }
0x20: {  	[tilespmem:s20+$0x40] =	vst v0  }
0x21: {  	[tilespmem:s20+$0x30] =	vst v0  }
0x22: {  	[tilespmem:s20+$0x20] =	vst v0  }
0x23: {  	[tilespmem:s20+$0x10] =	vst v0  }
0x24: {  	[tilespmem:s20+$0x0] =	vst v0  }
0x25: {  	[tilespmem:s20+$0xFFFFFFF0] =	vst v0  }
0x26: {  	[tilespmem:s20+$0xFFFFFFE0] =	vst v0  }
0x27: {  	[tilespmem:s20+$0xFFFFFFD0] =	vst v0  }
0x28: {  	[tilespmem:s20+$0xFFFFFFC0] =	vst v0  }
0x29: {  	[tilespmem:s20+$0xFFFFFFB0] =	vst v0  }
0x2a: {  	[tilespmem:s20+$0xFFFFFFA0] =	vst v0  }
0x2b: {  	[tilespmem:s20+$0xFFFFFF90] =	vst v0  }
0x2c: {  	[tilespmem:s20+$0xFFFFFF80] =	vst v0  }
0x2d: {  	[tilespmem:s20+$0xFFFFFF70] =	vst v0  }
0x2e: {  	[tilespmem:s20+$0xFFFFFF60] =	vst v0  }
0x2f: {  	[tilespmem:s20+$0xFFFFFF50] =	vst v0  }
0x30: {  	[tilespmem:s20+$0xFFFFFF40] =	vst v0  }
0x31: {  	[tilespmem:s20+$0xFFFFFF30] =	vst v0  }
0x32: {  	s21 =	simm.s32 $0x0;
	[tilespmem:s20+$0xFFFFFF20] =	vst v0  }
.LBB2_2:
0x33: {  	s21 =	sadd.s32 $0x8, s21;
	[tilespmem:s20+$0xFFFFFF10] =	vst v0;
	s20 =	sadd.s32 $0x200, s20  }
0x34: {  	[tilespmem:s20+$0xFFFFFF00] =	vst v0;
	p0 =	slt.u32 s21, $0x78  }
0x35: {  	[tilespmem:s20+$0xF0] =	vst v0  }
0x36: {  	[tilespmem:s20+$0xE0] =	vst v0  }
0x37: {  	[tilespmem:s20+$0xD0] =	vst v0  }
0x38: {  	[tilespmem:s20+$0xC0] =	vst v0  }
0x39: {  	[tilespmem:s20+$0xB0] =	vst v0  }
0x3a: {  	[tilespmem:s20+$0xA0] =	vst v0  }
0x3b: {  	[tilespmem:s20+$0x90] =	vst v0  }
0x3c: {  	[tilespmem:s20+$0x80] =	vst v0  }
0x3d: {  	[tilespmem:s20+$0x70] =	vst v0  }
0x3e: {  	[tilespmem:s20+$0x60] =	vst v0  }
0x3f: {  	[tilespmem:s20+$0x50] =	vst v0  }
0x40: {  	[tilespmem:s20+$0x40] =	vst v0  }
0x41: {  	[tilespmem:s20+$0x30] =	vst v0  }
0x42: {  	[tilespmem:s20+$0x20] =	vst v0  }
0x43: {  	[tilespmem:s20+$0x10] =	vst v0  }
0x44: {  	[tilespmem:s20+$0x0] =	vst v0  }
0x45: {  	[tilespmem:s20+$0xFFFFFFF0] =	vst v0  }
0x46: {  	[tilespmem:s20+$0xFFFFFFE0] =	vst v0  }
0x47: {  	[tilespmem:s20+$0xFFFFFFD0] =	vst v0  }
0x48: {  	[tilespmem:s20+$0xFFFFFFC0] =	vst v0  }
0x49: {  	[tilespmem:s20+$0xFFFFFFB0] =	vst v0  }
0x4a: {  	[tilespmem:s20+$0xFFFFFFA0] =	vst v0  }
0x4b: {  	[tilespmem:s20+$0xFFFFFF90] =	vst v0  }
0x4c: {  	[tilespmem:s20+$0xFFFFFF80] =	vst v0  }
0x4d: {  	[tilespmem:s20+$0xFFFFFF70] =	vst v0  }
.Ltmp0:
0x4e: {  	[tilespmem:s20+$0xFFFFFF60] =	vst v0;
	(pc) =	sbr.rel @p0 .LBB2_2-.Ltmp0, $4  }
0x4f: {  	[tilespmem:s20+$0xFFFFFF50] =	vst v0  }
0x50: {  	[tilespmem:s20+$0xFFFFFF40] =	vst v0  }
0x51: {  	[tilespmem:s20+$0xFFFFFF30] =	vst v0  }
0x52: {  	[tilespmem:s20+$0xFFFFFF20] =	vst v0  }
0x53: {  	[tilespmem:s20+$0xFFFFFF10] =	vst v0  }
0x54: {  	[tilespmem:s10], [sflag:$0x1] =	stream.indirect.gather.add.f32 [hbm:s3], $0x40, s2, s7, $0xb8;
	[tilespmem:$0x8400] =	vst v63  }
0x55: {  	_ = 	snop  }
0x56: {  	[tilespmem:s10], [sflag:$0x1] =	stream.indirect.gather.add.f32 [hbm:s3], $0x40, s7, s7, $0xb8;
	[tilespmem:$0x8400] =	vst v63  }
0x57: {  	s21 =	simm.s32 $0x100  }
0x58: {  	[tilespmem:s10], [sflag:$0x1] =	stream.indirect.gather.add.f32 [hbm:s3], $0x40, s21, s7, $0xb8;
	[tilespmem:$0x8400] =	vst v63  }
0x59: {  	s21 =	simm.s32 $0x180  }
0x5a: {  	[tilespmem:s10], [sflag:$0x1] =	stream.indirect.gather.add.f32 [hbm:s3], $0x40, s21, s7, $0xb8;
	[tilespmem:$0x8400] =	vst v63  }
0x5b: {  	s21 =	simm.s32 $0x200  }
0x5c: {  	[tilespmem:s10], [sflag:$0x1] =	stream.indirect.gather.add.f32 [hbm:s3], $0x40, s21, s7, $0xb8;
	[tilespmem:$0x8400] =	vst v63  }
0x5d: {  	s21 =	simm.s32 $0x280  }
0x5e: {  	[tilespmem:s10], [sflag:$0x1] =	stream.indirect.gather.add.f32 [hbm:s3], $0x40, s21, s7, $0xb8;
	[tilespmem:$0x8400] =	vst v63  }
0x5f: {  	s21 =	simm.s32 $0x300  }
0x60: {  	[tilespmem:s10], [sflag:$0x1] =	stream.indirect.gather.add.f32 [hbm:s3], $0x40, s21, s7, $0xb8;
	[tilespmem:$0x8400] =	vst v63  }
0x61: {  	s21 =	simm.s32 $0x380  }
0x62: {  	[tilespmem:s10], [sflag:$0x1] =	stream.indirect.gather.add.f32 [hbm:s3], $0x40, s21, s7, $0xb8;
	[tilespmem:$0x8400] =	vst v63  }
0x63: {  	s21 =	simm.s32 $0x400  }
0x64: {  	[tilespmem:s10], [sflag:$0x1] =	stream.indirect.gather.add.f32 [hbm:s3], $0x40, s21, s7, $0xb8;
	[tilespmem:$0x8400] =	vst v63  }
0x65: {  	s21 =	simm.s32 $0x480  }
0x66: {  	[tilespmem:s10], [sflag:$0x1] =	stream.indirect.gather.add.f32 [hbm:s3], $0x40, s21, s7, $0xb8;
	[tilespmem:$0x8400] =	vst v63  }
0x67: {  	s21 =	simm.s32 $0x500  }
0x68: {  	[tilespmem:s10], [sflag:$0x1] =	stream.indirect.gather.add.f32 [hbm:s3], $0x40, s21, s7, $0xb8;
	[tilespmem:$0x8400] =	vst v63  }
0x69: {  	s21 =	simm.s32 $0x580  }
0x6a: {  	[tilespmem:s10], [sflag:$0x1] =	stream.indirect.gather.add.f32 [hbm:s3], $0x40, s21, s7, $0xb8;
	[tilespmem:$0x8400] =	vst v63  }
0x6b: {  	s21 =	simm.s32 $0x600  }
0x6c: {  	[tilespmem:s10], [sflag:$0x1] =	stream.indirect.gather.add.f32 [hbm:s3], $0x40, s21, s7, $0xb8;
	[tilespmem:$0x8400] =	vst v63  }
0x6d: {  	s21 =	simm.s32 $0x680  }
0x6e: {  	[tilespmem:s10], [sflag:$0x1] =	stream.indirect.gather.add.f32 [hbm:s3], $0x40, s21, s7, $0xb8;
	[tilespmem:$0x8400] =	vst v63  }
0x6f: {  	s21 =	simm.s32 $0x700  }
0x70: {  	[tilespmem:s10], [sflag:$0x1] =	stream.indirect.gather.add.f32 [hbm:s3], $0x40, s21, s7, $0xb8;
	[tilespmem:$0x8400] =	vst v63  }
0x71: {  	s21 =	simm.s32 $0x780  }
0x72: {  	[tilespmem:s10], [sflag:$0x1] =	stream.indirect.gather.add.f32 [hbm:s3], $0x40, s21, s7, $0xb8;
	[tilespmem:$0x8400] =	vst v63  }
0x73: {  	s21 =	simm.s32 $0x800  }
0x74: {  	[tilespmem:s10], [sflag:$0x1] =	stream.indirect.gather.add.f32 [hbm:s3], $0x40, s21, s7, $0xb8;
	[tilespmem:$0x8400] =	vst v63  }
0x75: {  	s21 =	simm.s32 $0x880  }
0x76: {  	[tilespmem:s10], [sflag:$0x1] =	stream.indirect.gather.add.f32 [hbm:s3], $0x40, s21, s7, $0xb8;
	[tilespmem:$0x8400] =	vst v63  }
0x77: {  	s21 =	simm.s32 $0x900  }
0x78: {  	[tilespmem:s10], [sflag:$0x1] =	stream.indirect.gather.add.f32 [hbm:s3], $0x40, s21, s7, $0xb8;
	[tilespmem:$0x8400] =	vst v63  }
0x79: {  	s21 =	simm.s32 $0x980  }
0x7a: {  	[tilespmem:s10], [sflag:$0x1] =	stream.indirect.gather.add.f32 [hbm:s3], $0x40, s21, s7, $0xb8;
	[tilespmem:$0x8400] =	vst v63  }
0x7b: {  	s21 =	simm.s32 $0xA00  }
0x7c: {  	[tilespmem:s10], [sflag:$0x1] =	stream.indirect.gather.add.f32 [hbm:s3], $0x40, s21, s7, $0xb8;
	[tilespmem:$0x8400] =	vst v63  }
0x7d: {  	s21 =	simm.s32 $0xA80  }
0x7e: {  	[tilespmem:s10], [sflag:$0x1] =	stream.indirect.gather.add.f32 [hbm:s3], $0x40, s21, s7, $0xb8;
	[tilespmem:$0x8400] =	vst v63  }
0x7f: {  	s21 =	simm.s32 $0xB00  }
0x80: {  	[tilespmem:s10], [sflag:$0x1] =	stream.indirect.gather.add.f32 [hbm:s3], $0x40, s21, s7, $0xb8;
	[tilespmem:$0x8400] =	vst v63  }
0x81: {  	s21 =	simm.s32 $0xB80  }
0x82: {  	[tilespmem:s10], [sflag:$0x1] =	stream.indirect.gather.add.f32 [hbm:s3], $0x40, s21, s7, $0xb8;
	[tilespmem:$0x8400] =	vst v63  }
0x83: {  	s21 =	simm.s32 $0xC00  }
0x84: {  	[tilespmem:s10], [sflag:$0x1] =	stream.indirect.gather.add.f32 [hbm:s3], $0x40, s21, s7, $0xb8;
	[tilespmem:$0x8400] =	vst v63  }
0x85: {  	_ =	swait.ge [sflag:s12], $0x2000  }
0x86: {  	[sflag:s12] =	ssyncset.done $0x0  }
0x87: {  	s21 =	simm.s32 $0xC80;
	[sflag:s12] =	ssyncadd.s32 $0xFFFFE000  }
0x88: {  	[tilespmem:s10], [sflag:$0x1] =	stream.indirect.gather.add.f32 [hbm:s3], $0x40, s21, s7, $0xb8;
	[tilespmem:$0x8400] =	vst v63  }
0x89: {  	_ =	swait.ge [sflag:s12], $0x2000  }
0x8a: {  	[sflag:s12] =	ssyncset.done $0x0  }
0x8b: {  	s21 =	simm.s32 $0xD00;
	[sflag:s12] =	ssyncadd.s32 $0xFFFFE000  }
0x8c: {  	[tilespmem:s10], [sflag:$0x1] =	stream.indirect.gather.add.f32 [hbm:s3], $0x40, s21, s7, $0xb8;
	[tilespmem:$0x8400] =	vst v63  }
0x8d: {  	_ =	swait.ge [sflag:s12], $0x2000  }
0x8e: {  	[sflag:s12] =	ssyncset.done $0x0  }
0x8f: {  	s21 =	simm.s32 $0xD80;
	[sflag:s12] =	ssyncadd.s32 $0xFFFFE000  }
0x90: {  	[tilespmem:s10], [sflag:$0x1] =	stream.indirect.gather.add.f32 [hbm:s3], $0x40, s21, s7, $0xb8;
	[tilespmem:$0x8400] =	vst v63  }
0x91: {  	_ =	swait.ge [sflag:s12], $0x2000  }
0x92: {  	[sflag:s12] =	ssyncset.done $0x0  }
0x93: {  	s21 =	simm.s32 $0xE00;
	[sflag:s12] =	ssyncadd.s32 $0xFFFFE000  }
0x94: {  	[tilespmem:s10], [sflag:$0x1] =	stream.indirect.gather.add.f32 [hbm:s3], $0x40, s21, s7, $0xb8;
	[tilespmem:$0x8400] =	vst v63  }
0x95: {  	_ =	swait.ge [sflag:s12], $0x2000  }
0x96: {  	[sflag:s12] =	ssyncset.done $0x0  }
0x97: {  	s21 =	simm.s32 $0xE80;
	[sflag:s12] =	ssyncadd.s32 $0xFFFFE000  }
0x98: {  	[tilespmem:s10], [sflag:$0x1] =	stream.indirect.gather.add.f32 [hbm:s3], $0x40, s21, s7, $0xb8;
	[tilespmem:$0x8400] =	vst v63  }
0x99: {  	_ =	swait.ge [sflag:s12], $0x2000  }
0x9a: {  	[sflag:s12] =	ssyncset.done $0x0  }
0x9b: {  	s21 =	simm.s32 $0xF00;
	[sflag:s12] =	ssyncadd.s32 $0xFFFFE000  }
0x9c: {  	[tilespmem:s10], [sflag:$0x1] =	stream.indirect.gather.add.f32 [hbm:s3], $0x40, s21, s7, $0xb8;
	[tilespmem:$0x8400] =	vst v63  }
0x9d: {  	_ =	swait.ge [sflag:s12], $0x2000  }
0x9e: {  	[sflag:s12] =	ssyncset.done $0x0  }
0x9f: {  	s21 =	simm.s32 $0xF80;
	[sflag:s12] =	ssyncadd.s32 $0xFFFFE000  }
0xa0: {  	[tilespmem:s10], [sflag:$0x1] =	stream.indirect.gather.add.f32 [hbm:s3], $0x40, s21, s7, $0xb8;
	[tilespmem:$0x8400] =	vst v63  }
0xa1: {  	_ =	swait.ge [sflag:s12], $0x2000  }
0xa2: {  	[sflag:s12] =	ssyncset.done $0x0  }
0xa3: {  	[sflag:s12] =	ssyncadd.s32 $0xFFFFE000  }
0xa4: {  	[tilespmem:s10], [sflag:$0x1] =	stream.indirect.gather.add.f32 [hbm:s3], $0x40, s8, s7, $0xb8;
	[tilespmem:$0x8400] =	vst v63  }
0xa5: {  	_ =	swait.ge [sflag:s12], $0x2000  }
0xa6: {  	[sflag:s12] =	ssyncset.done $0x0  }
0xa7: {  	s21 =	simm.s32 $0x1080;
	[sflag:s12] =	ssyncadd.s32 $0xFFFFE000  }
0xa8: {  	[tilespmem:s10], [sflag:$0x1] =	stream.indirect.gather.add.f32 [hbm:s3], $0x40, s21, s7, $0xb8;
	[tilespmem:$0x8400] =	vst v63  }
0xa9: {  	_ =	swait.ge [sflag:s12], $0x2000  }
0xaa: {  	[sflag:s12] =	ssyncset.done $0x0  }
0xab: {  	s21 =	simm.s32 $0x1100;
	[sflag:s12] =	ssyncadd.s32 $0xFFFFE000  }
0xac: {  	[tilespmem:s10], [sflag:$0x1] =	stream.indirect.gather.add.f32 [hbm:s3], $0x40, s21, s7, $0xb8;
	[tilespmem:$0x8400] =	vst v63  }
0xad: {  	_ =	swait.ge [sflag:s12], $0x2000  }
0xae: {  	[sflag:s12] =	ssyncset.done $0x0  }
0xaf: {  	s21 =	simm.s32 $0x1180;
	[sflag:s12] =	ssyncadd.s32 $0xFFFFE000  }
0xb0: {  	[tilespmem:s10], [sflag:$0x1] =	stream.indirect.gather.add.f32 [hbm:s3], $0x40, s21, s7, $0xb8;
	[tilespmem:$0x8400] =	vst v63  }
0xb1: {  	_ =	swait.ge [sflag:s12], $0x2000  }
0xb2: {  	[sflag:s12] =	ssyncset.done $0x0  }
0xb3: {  	s21 =	simm.s32 $0x1200;
	[sflag:s12] =	ssyncadd.s32 $0xFFFFE000  }
0xb4: {  	[tilespmem:s10], [sflag:$0x1] =	stream.indirect.gather.add.f32 [hbm:s3], $0x40, s21, s7, $0xb8;
	[tilespmem:$0x8400] =	vst v63  }
0xb5: {  	_ =	swait.ge [sflag:s12], $0x2000  }
0xb6: {  	[sflag:s12] =	ssyncset.done $0x0  }
0xb7: {  	s21 =	simm.s32 $0x1280;
	[sflag:s12] =	ssyncadd.s32 $0xFFFFE000  }
0xb8: {  	[tilespmem:s10], [sflag:$0x1] =	stream.indirect.gather.add.f32 [hbm:s3], $0x40, s21, s7, $0xb8;
	[tilespmem:$0x8400] =	vst v63  }
0xb9: {  	_ =	swait.ge [sflag:s12], $0x2000  }
0xba: {  	[sflag:s12] =	ssyncset.done $0x0  }
0xbb: {  	s21 =	simm.s32 $0x1300;
	[sflag:s12] =	ssyncadd.s32 $0xFFFFE000  }
0xbc: {  	[tilespmem:s10], [sflag:$0x1] =	stream.indirect.gather.add.f32 [hbm:s3], $0x40, s21, s7, $0xb8;
	[tilespmem:$0x8400] =	vst v63  }
0xbd: {  	_ =	swait.ge [sflag:s12], $0x2000  }
0xbe: {  	[sflag:s12] =	ssyncset.done $0x0  }
0xbf: {  	s21 =	simm.s32 $0x1380;
	[sflag:s12] =	ssyncadd.s32 $0xFFFFE000  }
0xc0: {  	[tilespmem:s10], [sflag:$0x1] =	stream.indirect.gather.add.f32 [hbm:s3], $0x40, s21, s7, $0xb8;
	[tilespmem:$0x8400] =	vst v63  }
0xc1: {  	_ =	swait.ge [sflag:s12], $0x2000  }
0xc2: {  	[sflag:s12] =	ssyncset.done $0x0  }
0xc3: {  	s21 =	simm.s32 $0x1400;
	[sflag:s12] =	ssyncadd.s32 $0xFFFFE000  }
0xc4: {  	[tilespmem:s10], [sflag:$0x1] =	stream.indirect.gather.add.f32 [hbm:s3], $0x40, s21, s7, $0xb8;
	[tilespmem:$0x8400] =	vst v63  }
0xc5: {  	_ =	swait.ge [sflag:s12], $0x2000  }
0xc6: {  	[sflag:s12] =	ssyncset.done $0x0  }
0xc7: {  	s21 =	simm.s32 $0x1480;
	[sflag:s12] =	ssyncadd.s32 $0xFFFFE000  }
0xc8: {  	[tilespmem:s10], [sflag:$0x1] =	stream.indirect.gather.add.f32 [hbm:s3], $0x40, s21, s7, $0xb8;
	[tilespmem:$0x8400] =	vst v63  }
0xc9: {  	_ =	swait.ge [sflag:s12], $0x2000  }
0xca: {  	[sflag:s12] =	ssyncset.done $0x0  }
0xcb: {  	s21 =	simm.s32 $0x1500;
	[sflag:s12] =	ssyncadd.s32 $0xFFFFE000  }
0xcc: {  	[tilespmem:s10], [sflag:$0x1] =	stream.indirect.gather.add.f32 [hbm:s3], $0x40, s21, s7, $0xb8;
	[tilespmem:$0x8400] =	vst v63  }
0xcd: {  	_ =	swait.ge [sflag:s12], $0x2000  }
0xce: {  	[sflag:s12] =	ssyncset.done $0x0  }
0xcf: {  	s21 =	simm.s32 $0x1580;
	[sflag:s12] =	ssyncadd.s32 $0xFFFFE000  }
0xd0: {  	[tilespmem:s10], [sflag:$0x1] =	stream.indirect.gather.add.f32 [hbm:s3], $0x40, s21, s7, $0xb8;
	[tilespmem:$0x8400] =	vst v63  }
0xd1: {  	_ =	swait.ge [sflag:s12], $0x2000  }
0xd2: {  	[sflag:s12] =	ssyncset.done $0x0  }
0xd3: {  	s21 =	simm.s32 $0x1600;
	[sflag:s12] =	ssyncadd.s32 $0xFFFFE000  }
0xd4: {  	[tilespmem:s10], [sflag:$0x1] =	stream.indirect.gather.add.f32 [hbm:s3], $0x40, s21, s7, $0xb8;
	[tilespmem:$0x8400] =	vst v63  }
0xd5: {  	_ =	swait.ge [sflag:s12], $0x2000  }
0xd6: {  	[sflag:s12] =	ssyncset.done $0x0  }
0xd7: {  	s21 =	simm.s32 $0x1680;
	[sflag:s12] =	ssyncadd.s32 $0xFFFFE000  }
0xd8: {  	[tilespmem:s10], [sflag:$0x1] =	stream.indirect.gather.add.f32 [hbm:s3], $0x40, s21, s7, $0xb8;
	[tilespmem:$0x8400] =	vst v63  }
0xd9: {  	_ =	swait.ge [sflag:s12], $0x2000  }
0xda: {  	[sflag:s12] =	ssyncset.done $0x0  }
0xdb: {  	s21 =	simm.s32 $0x1700;
	[sflag:s12] =	ssyncadd.s32 $0xFFFFE000  }
0xdc: {  	[tilespmem:s10], [sflag:$0x1] =	stream.indirect.gather.add.f32 [hbm:s3], $0x40, s21, s7, $0xb8;
	[tilespmem:$0x8400] =	vst v63  }
0xdd: {  	_ =	swait.ge [sflag:s12], $0x2000  }
0xde: {  	[sflag:s12] =	ssyncset.done $0x0  }
0xdf: {  	s21 =	simm.s32 $0x1780;
	[sflag:s12] =	ssyncadd.s32 $0xFFFFE000  }
0xe0: {  	[tilespmem:s10], [sflag:$0x1] =	stream.indirect.gather.add.f32 [hbm:s3], $0x40, s21, s7, $0xb8;
	[tilespmem:$0x8400] =	vst v63  }
0xe1: {  	_ =	swait.ge [sflag:s12], $0x2000  }
0xe2: {  	[sflag:s12] =	ssyncset.done $0x0  }
0xe3: {  	s21 =	simm.s32 $0x1800;
	[sflag:s12] =	ssyncadd.s32 $0xFFFFE000  }
0xe4: {  	[tilespmem:s10], [sflag:$0x1] =	stream.indirect.gather.add.f32 [hbm:s3], $0x40, s21, s7, $0xb8;
	[tilespmem:$0x8400] =	vst v63  }
0xe5: {  	_ =	swait.ge [sflag:s12], $0x2000  }
0xe6: {  	[sflag:s12] =	ssyncset.done $0x0  }
0xe7: {  	s21 =	simm.s32 $0x1880;
	[sflag:s12] =	ssyncadd.s32 $0xFFFFE000  }
0xe8: {  	[tilespmem:s10], [sflag:$0x1] =	stream.indirect.gather.add.f32 [hbm:s3], $0x40, s21, s7, $0xb8;
	[tilespmem:$0x8400] =	vst v63  }
0xe9: {  	_ =	swait.ge [sflag:s12], $0x2000  }
0xea: {  	[sflag:s12] =	ssyncset.done $0x0  }
0xeb: {  	s21 =	simm.s32 $0x1900;
	[sflag:s12] =	ssyncadd.s32 $0xFFFFE000  }
0xec: {  	[tilespmem:s10], [sflag:$0x1] =	stream.indirect.gather.add.f32 [hbm:s3], $0x40, s21, s7, $0xb8;
	[tilespmem:$0x8400] =	vst v63  }
0xed: {  	_ =	swait.ge [sflag:s12], $0x2000  }
0xee: {  	[sflag:s12] =	ssyncset.done $0x0  }
0xef: {  	s21 =	simm.s32 $0x1980;
	[sflag:s12] =	ssyncadd.s32 $0xFFFFE000  }
0xf0: {  	[tilespmem:s10], [sflag:$0x1] =	stream.indirect.gather.add.f32 [hbm:s3], $0x40, s21, s7, $0xb8;
	[tilespmem:$0x8400] =	vst v63  }
0xf1: {  	_ =	swait.ge [sflag:s12], $0x2000  }
0xf2: {  	[sflag:s12] =	ssyncset.done $0x0  }
0xf3: {  	s21 =	simm.s32 $0x1A00;
	[sflag:s12] =	ssyncadd.s32 $0xFFFFE000  }
0xf4: {  	[tilespmem:s10], [sflag:$0x1] =	stream.indirect.gather.add.f32 [hbm:s3], $0x40, s21, s7, $0xb8;
	[tilespmem:$0x8400] =	vst v63  }
0xf5: {  	_ =	swait.ge [sflag:s12], $0x2000  }
0xf6: {  	[sflag:s12] =	ssyncset.done $0x0  }
0xf7: {  	s21 =	simm.s32 $0x1A80;
	[sflag:s12] =	ssyncadd.s32 $0xFFFFE000  }
0xf8: {  	[tilespmem:s10], [sflag:$0x1] =	stream.indirect.gather.add.f32 [hbm:s3], $0x40, s21, s7, $0xb8;
	[tilespmem:$0x8400] =	vst v63  }
0xf9: {  	_ =	swait.ge [sflag:s12], $0x2000  }
0xfa: {  	[sflag:s12] =	ssyncset.done $0x0  }
0xfb: {  	s21 =	simm.s32 $0x1B00;
	[sflag:s12] =	ssyncadd.s32 $0xFFFFE000  }
0xfc: {  	[tilespmem:s10], [sflag:$0x1] =	stream.indirect.gather.add.f32 [hbm:s3], $0x40, s21, s7, $0xb8;
	[tilespmem:$0x8400] =	vst v63  }
0xfd: {  	_ =	swait.ge [sflag:s12], $0x2000  }
0xfe: {  	[sflag:s12] =	ssyncset.done $0x0  }
0xff: {  	s21 =	simm.s32 $0x1B80;
	[sflag:s12] =	ssyncadd.s32 $0xFFFFE000  }
0x100: {  	[tilespmem:s10], [sflag:$0x1] =	stream.indirect.gather.add.f32 [hbm:s3], $0x40, s21, s7, $0xb8;
	[tilespmem:$0x8400] =	vst v63  }
0x101: {  	_ =	swait.ge [sflag:s12], $0x2000  }
0x102: {  	[sflag:s12] =	ssyncset.done $0x0  }
0x103: {  	s21 =	simm.s32 $0x1C00;
	[sflag:s12] =	ssyncadd.s32 $0xFFFFE000  }
0x104: {  	[tilespmem:s10], [sflag:$0x1] =	stream.indirect.gather.add.f32 [hbm:s3], $0x40, s21, s7, $0xb8;
	[tilespmem:$0x8400] =	vst v63  }
0x105: {  	_ =	swait.ge [sflag:s12], $0x2000  }
0x106: {  	[sflag:s12] =	ssyncset.done $0x0  }
0x107: {  	s21 =	simm.s32 $0x1C80;
	[sflag:s12] =	ssyncadd.s32 $0xFFFFE000  }
0x108: {  	[tilespmem:s10], [sflag:$0x1] =	stream.indirect.gather.add.f32 [hbm:s3], $0x40, s21, s7, $0xb8;
	[tilespmem:$0x8400] =	vst v63  }
0x109: {  	_ =	swait.ge [sflag:s12], $0x2000  }
0x10a: {  	[sflag:s12] =	ssyncset.done $0x0  }
0x10b: {  	s21 =	simm.s32 $0x1D00;
	[sflag:s12] =	ssyncadd.s32 $0xFFFFE000  }
0x10c: {  	[tilespmem:s10], [sflag:$0x1] =	stream.indirect.gather.add.f32 [hbm:s3], $0x40, s21, s7, $0xb8;
	[tilespmem:$0x8400] =	vst v63  }
0x10d: {  	_ =	swait.ge [sflag:s12], $0x2000  }
0x10e: {  	[sflag:s12] =	ssyncset.done $0x0  }
0x10f: {  	s21 =	simm.s32 $0x1D80;
	[sflag:s12] =	ssyncadd.s32 $0xFFFFE000  }
0x110: {  	[tilespmem:s10], [sflag:$0x1] =	stream.indirect.gather.add.f32 [hbm:s3], $0x40, s21, s7, $0xb8;
	[tilespmem:$0x8400] =	vst v63  }
0x111: {  	_ =	swait.ge [sflag:s12], $0x2000  }
0x112: {  	[sflag:s12] =	ssyncset.done $0x0  }
0x113: {  	s21 =	simm.s32 $0x1E00;
	[sflag:s12] =	ssyncadd.s32 $0xFFFFE000  }
0x114: {  	[tilespmem:s10], [sflag:$0x1] =	stream.indirect.gather.add.f32 [hbm:s3], $0x40, s21, s7, $0xb8;
	[tilespmem:$0x8400] =	vst v63  }
0x115: {  	_ =	swait.ge [sflag:s12], $0x2000  }
0x116: {  	[sflag:s12] =	ssyncset.done $0x0  }
0x117: {  	s21 =	simm.s32 $0x1E80;
	[sflag:s12] =	ssyncadd.s32 $0xFFFFE000  }
0x118: {  	[tilespmem:s10], [sflag:$0x1] =	stream.indirect.gather.add.f32 [hbm:s3], $0x40, s21, s7, $0xb8;
	[tilespmem:$0x8400] =	vst v63  }
0x119: {  	_ =	swait.ge [sflag:s12], $0x2000  }
0x11a: {  	[sflag:s12] =	ssyncset.done $0x0  }
0x11b: {  	s21 =	simm.s32 $0x1F00;
	[sflag:s12] =	ssyncadd.s32 $0xFFFFE000  }
0x11c: {  	[tilespmem:s10], [sflag:$0x1] =	stream.indirect.gather.add.f32 [hbm:s3], $0x40, s21, s7, $0xb8;
	[tilespmem:$0x8400] =	vst v63  }
0x11d: {  	_ =	swait.ge [sflag:s12], $0x2000  }
0x11e: {  	[sflag:s12] =	ssyncset.done $0x0  }
0x11f: {  	s21 =	simm.s32 $0x1F80;
	[sflag:s12] =	ssyncadd.s32 $0xFFFFE000  }
0x120: {  	[tilespmem:s10], [sflag:$0x1] =	stream.indirect.gather.add.f32 [hbm:s3], $0x40, s21, s7, $0xb8;
	[tilespmem:$0x8400] =	vst v63  }
0x121: {  	_ =	swait.ge [sflag:s12], $0x2000  }
0x122: {  	[sflag:s12] =	ssyncset.done $0x0  }
0x123: {  	s21 =	simm.s32 $0x2000;
	[sflag:s12] =	ssyncadd.s32 $0xFFFFE000  }
0x124: {  	[tilespmem:s10], [sflag:$0x1] =	stream.indirect.gather.add.f32 [hbm:s3], $0x40, s21, s7, $0xb8;
	[tilespmem:$0x8400] =	vst v63  }
0x125: {  	_ =	swait.ge [sflag:s12], $0x2000  }
0x126: {  	[sflag:s12] =	ssyncset.done $0x0  }
0x127: {  	s21 =	simm.s32 $0x2080;
	[sflag:s12] =	ssyncadd.s32 $0xFFFFE000  }
0x128: {  	[tilespmem:s10], [sflag:$0x1] =	stream.indirect.gather.add.f32 [hbm:s3], $0x40, s21, s7, $0xb8;
	[tilespmem:$0x8400] =	vst v63  }
0x129: {  	_ =	swait.ge [sflag:s12], $0x2000  }
0x12a: {  	[sflag:s12] =	ssyncset.done $0x0  }
0x12b: {  	s21 =	simm.s32 $0x2100;
	[sflag:s12] =	ssyncadd.s32 $0xFFFFE000  }
0x12c: {  	[tilespmem:s10], [sflag:$0x1] =	stream.indirect.gather.add.f32 [hbm:s3], $0x40, s21, s7, $0xb8;
	[tilespmem:$0x8400] =	vst v63  }
0x12d: {  	_ =	swait.ge [sflag:s12], $0x2000  }
0x12e: {  	[sflag:s12] =	ssyncset.done $0x0  }
0x12f: {  	s21 =	simm.s32 $0x2180;
	[sflag:s12] =	ssyncadd.s32 $0xFFFFE000  }
0x130: {  	[tilespmem:s10], [sflag:$0x1] =	stream.indirect.gather.add.f32 [hbm:s3], $0x40, s21, s7, $0xb8;
	[tilespmem:$0x8400] =	vst v63  }
0x131: {  	_ =	swait.ge [sflag:s12], $0x2000  }
0x132: {  	[sflag:s12] =	ssyncset.done $0x0  }
0x133: {  	s21 =	simm.s32 $0x2200;
	[sflag:s12] =	ssyncadd.s32 $0xFFFFE000  }
0x134: {  	[tilespmem:s10], [sflag:$0x1] =	stream.indirect.gather.add.f32 [hbm:s3], $0x40, s21, s7, $0xb8;
	[tilespmem:$0x8400] =	vst v63  }
0x135: {  	_ =	swait.ge [sflag:s12], $0x2000  }
0x136: {  	[sflag:s12] =	ssyncset.done $0x0  }
0x137: {  	s21 =	simm.s32 $0x2280;
	[sflag:s12] =	ssyncadd.s32 $0xFFFFE000  }
0x138: {  	[tilespmem:s10], [sflag:$0x1] =	stream.indirect.gather.add.f32 [hbm:s3], $0x40, s21, s7, $0xb8;
	[tilespmem:$0x8400] =	vst v63  }
0x139: {  	_ =	swait.ge [sflag:s12], $0x2000  }
0x13a: {  	[sflag:s12] =	ssyncset.done $0x0  }
0x13b: {  	s21 =	simm.s32 $0x2300;
	[sflag:s12] =	ssyncadd.s32 $0xFFFFE000  }
0x13c: {  	[tilespmem:s10], [sflag:$0x1] =	stream.indirect.gather.add.f32 [hbm:s3], $0x40, s21, s7, $0xb8;
	[tilespmem:$0x8400] =	vst v63  }
0x13d: {  	_ =	swait.ge [sflag:s12], $0x2000  }
0x13e: {  	[sflag:s12] =	ssyncset.done $0x0  }
0x13f: {  	s21 =	simm.s32 $0x2380;
	[sflag:s12] =	ssyncadd.s32 $0xFFFFE000  }
0x140: {  	[tilespmem:s10], [sflag:$0x1] =	stream.indirect.gather.add.f32 [hbm:s3], $0x40, s21, s7, $0xb8;
	[tilespmem:$0x8400] =	vst v63  }
0x141: {  	_ =	swait.ge [sflag:s12], $0x2000  }
0x142: {  	[sflag:s12] =	ssyncset.done $0x0  }
0x143: {  	s21 =	simm.s32 $0x2400;
	[sflag:s12] =	ssyncadd.s32 $0xFFFFE000  }
0x144: {  	[tilespmem:s10], [sflag:$0x1] =	stream.indirect.gather.add.f32 [hbm:s3], $0x40, s21, s7, $0xb8;
	[tilespmem:$0x8400] =	vst v63  }
0x145: {  	_ =	swait.ge [sflag:s12], $0x2000  }
0x146: {  	[sflag:s12] =	ssyncset.done $0x0  }
0x147: {  	s21 =	simm.s32 $0x2480;
	[sflag:s12] =	ssyncadd.s32 $0xFFFFE000  }
0x148: {  	[tilespmem:s10], [sflag:$0x1] =	stream.indirect.gather.add.f32 [hbm:s3], $0x40, s21, s7, $0xb8;
	[tilespmem:$0x8400] =	vst v63  }
0x149: {  	_ =	swait.ge [sflag:s12], $0x2000  }
0x14a: {  	[sflag:s12] =	ssyncset.done $0x0  }
0x14b: {  	s21 =	simm.s32 $0x2500;
	[sflag:s12] =	ssyncadd.s32 $0xFFFFE000  }
0x14c: {  	[tilespmem:s10], [sflag:$0x1] =	stream.indirect.gather.add.f32 [hbm:s3], $0x40, s21, s7, $0xb8;
	[tilespmem:$0x8400] =	vst v63  }
0x14d: {  	_ =	swait.ge [sflag:s12], $0x2000  }
0x14e: {  	[sflag:s12] =	ssyncset.done $0x0  }
0x14f: {  	s21 =	simm.s32 $0x2580;
	[sflag:s12] =	ssyncadd.s32 $0xFFFFE000  }
0x150: {  	[tilespmem:s10], [sflag:$0x1] =	stream.indirect.gather.add.f32 [hbm:s3], $0x40, s21, s7, $0xb8;
	[tilespmem:$0x8400] =	vst v63  }
0x151: {  	_ =	swait.ge [sflag:s12], $0x2000  }
0x152: {  	[sflag:s12] =	ssyncset.done $0x0  }
0x153: {  	s21 =	simm.s32 $0x2600;
	[sflag:s12] =	ssyncadd.s32 $0xFFFFE000  }
0x154: {  	[tilespmem:s10], [sflag:$0x1] =	stream.indirect.gather.add.f32 [hbm:s3], $0x40, s21, s7, $0xb8;
	[tilespmem:$0x8400] =	vst v63  }
0x155: {  	_ =	swait.ge [sflag:s12], $0x2000  }
0x156: {  	[sflag:s12] =	ssyncset.done $0x0  }
0x157: {  	s21 =	simm.s32 $0x2680;
	[sflag:s12] =	ssyncadd.s32 $0xFFFFE000  }
0x158: {  	[tilespmem:s10], [sflag:$0x1] =	stream.indirect.gather.add.f32 [hbm:s3], $0x40, s21, s7, $0xb8;
	[tilespmem:$0x8400] =	vst v63  }
0x159: {  	_ =	swait.ge [sflag:s12], $0x2000  }
0x15a: {  	[sflag:s12] =	ssyncset.done $0x0  }
0x15b: {  	s21 =	simm.s32 $0x2700;
	[sflag:s12] =	ssyncadd.s32 $0xFFFFE000  }
0x15c: {  	[tilespmem:s10], [sflag:$0x1] =	stream.indirect.gather.add.f32 [hbm:s3], $0x40, s21, s7, $0xb8;
	[tilespmem:$0x8400] =	vst v63  }
0x15d: {  	_ =	swait.ge [sflag:s12], $0x2000  }
0x15e: {  	[sflag:s12] =	ssyncset.done $0x0  }
0x15f: {  	s21 =	simm.s32 $0x2780;
	[sflag:s12] =	ssyncadd.s32 $0xFFFFE000  }
0x160: {  	[tilespmem:s10], [sflag:$0x1] =	stream.indirect.gather.add.f32 [hbm:s3], $0x40, s21, s7, $0xb8;
	[tilespmem:$0x8400] =	vst v63  }
0x161: {  	_ =	swait.ge [sflag:s12], $0x2000  }
0x162: {  	[sflag:s12] =	ssyncset.done $0x0  }
0x163: {  	s21 =	simm.s32 $0x2800;
	[sflag:s12] =	ssyncadd.s32 $0xFFFFE000  }
0x164: {  	[tilespmem:s10], [sflag:$0x1] =	stream.indirect.gather.add.f32 [hbm:s3], $0x40, s21, s7, $0xb8;
	[tilespmem:$0x8400] =	vst v63  }
0x165: {  	_ =	swait.ge [sflag:s12], $0x2000  }
0x166: {  	[sflag:s12] =	ssyncset.done $0x0  }
0x167: {  	s21 =	simm.s32 $0x2880;
	[sflag:s12] =	ssyncadd.s32 $0xFFFFE000  }
0x168: {  	[tilespmem:s10], [sflag:$0x1] =	stream.indirect.gather.add.f32 [hbm:s3], $0x40, s21, s7, $0xb8;
	[tilespmem:$0x8400] =	vst v63  }
0x169: {  	_ =	swait.ge [sflag:s12], $0x2000  }
0x16a: {  	[sflag:s12] =	ssyncset.done $0x0  }
0x16b: {  	s21 =	simm.s32 $0x2900;
	[sflag:s12] =	ssyncadd.s32 $0xFFFFE000  }
0x16c: {  	[tilespmem:s10], [sflag:$0x1] =	stream.indirect.gather.add.f32 [hbm:s3], $0x40, s21, s7, $0xb8;
	[tilespmem:$0x8400] =	vst v63  }
0x16d: {  	_ =	swait.ge [sflag:s12], $0x2000  }
0x16e: {  	[sflag:s12] =	ssyncset.done $0x0  }
0x16f: {  	s21 =	simm.s32 $0x2980;
	[sflag:s12] =	ssyncadd.s32 $0xFFFFE000  }
0x170: {  	[tilespmem:s10], [sflag:$0x1] =	stream.indirect.gather.add.f32 [hbm:s3], $0x40, s21, s7, $0xb8;
	[tilespmem:$0x8400] =	vst v63  }
0x171: {  	_ =	swait.ge [sflag:s12], $0x2000  }
0x172: {  	[sflag:s12] =	ssyncset.done $0x0  }
0x173: {  	s21 =	simm.s32 $0x2A00;
	[sflag:s12] =	ssyncadd.s32 $0xFFFFE000  }
0x174: {  	[tilespmem:s10], [sflag:$0x1] =	stream.indirect.gather.add.f32 [hbm:s3], $0x40, s21, s7, $0xb8;
	[tilespmem:$0x8400] =	vst v63  }
0x175: {  	_ =	swait.ge [sflag:s12], $0x2000  }
0x176: {  	[sflag:s12] =	ssyncset.done $0x0  }
0x177: {  	s21 =	simm.s32 $0x2A80;
	[sflag:s12] =	ssyncadd.s32 $0xFFFFE000  }
0x178: {  	[tilespmem:s10], [sflag:$0x1] =	stream.indirect.gather.add.f32 [hbm:s3], $0x40, s21, s7, $0xb8;
	[tilespmem:$0x8400] =	vst v63  }
0x179: {  	_ =	swait.ge [sflag:s12], $0x2000  }
0x17a: {  	[sflag:s12] =	ssyncset.done $0x0  }
0x17b: {  	s21 =	simm.s32 $0x2B00;
	[sflag:s12] =	ssyncadd.s32 $0xFFFFE000  }
0x17c: {  	[tilespmem:s10], [sflag:$0x1] =	stream.indirect.gather.add.f32 [hbm:s3], $0x40, s21, s7, $0xb8;
	[tilespmem:$0x8400] =	vst v63  }
0x17d: {  	_ =	swait.ge [sflag:s12], $0x2000  }
0x17e: {  	[sflag:s12] =	ssyncset.done $0x0  }
0x17f: {  	s21 =	simm.s32 $0x2B80;
	[sflag:s12] =	ssyncadd.s32 $0xFFFFE000  }
0x180: {  	[tilespmem:s10], [sflag:$0x1] =	stream.indirect.gather.add.f32 [hbm:s3], $0x40, s21, s7, $0xb8;
	[tilespmem:$0x8400] =	vst v63  }
0x181: {  	_ =	swait.ge [sflag:s12], $0x2000  }
0x182: {  	[sflag:s12] =	ssyncset.done $0x0  }
0x183: {  	s21 =	simm.s32 $0x2C00;
	[sflag:s12] =	ssyncadd.s32 $0xFFFFE000  }
0x184: {  	[tilespmem:s10], [sflag:$0x1] =	stream.indirect.gather.add.f32 [hbm:s3], $0x40, s21, s7, $0xb8;
	[tilespmem:$0x8400] =	vst v63  }
0x185: {  	_ =	swait.ge [sflag:s12], $0x2000  }
0x186: {  	[sflag:s12] =	ssyncset.done $0x0  }
0x187: {  	s21 =	simm.s32 $0x2C80;
	[sflag:s12] =	ssyncadd.s32 $0xFFFFE000  }
0x188: {  	[tilespmem:s10], [sflag:$0x1] =	stream.indirect.gather.add.f32 [hbm:s3], $0x40, s21, s7, $0xb8;
	[tilespmem:$0x8400] =	vst v63  }
0x189: {  	_ =	swait.ge [sflag:s12], $0x2000  }
0x18a: {  	[sflag:s12] =	ssyncset.done $0x0  }
0x18b: {  	s21 =	simm.s32 $0x2D00;
	[sflag:s12] =	ssyncadd.s32 $0xFFFFE000  }
0x18c: {  	[tilespmem:s10], [sflag:$0x1] =	stream.indirect.gather.add.f32 [hbm:s3], $0x40, s21, s7, $0xb8;
	[tilespmem:$0x8400] =	vst v63  }
0x18d: {  	_ =	swait.ge [sflag:s12], $0x2000  }
0x18e: {  	[sflag:s12] =	ssyncset.done $0x0  }
0x18f: {  	s21 =	simm.s32 $0x2D80;
	[sflag:s12] =	ssyncadd.s32 $0xFFFFE000  }
0x190: {  	[tilespmem:s10], [sflag:$0x1] =	stream.indirect.gather.add.f32 [hbm:s3], $0x40, s21, s7, $0xb8;
	[tilespmem:$0x8400] =	vst v63  }
0x191: {  	_ =	swait.ge [sflag:s12], $0x2000  }
0x192: {  	[sflag:s12] =	ssyncset.done $0x0  }
0x193: {  	s21 =	simm.s32 $0x2E00;
	[sflag:s12] =	ssyncadd.s32 $0xFFFFE000  }
0x194: {  	[tilespmem:s10], [sflag:$0x1] =	stream.indirect.gather.add.f32 [hbm:s3], $0x40, s21, s7, $0xb8;
	[tilespmem:$0x8400] =	vst v63  }
0x195: {  	_ =	swait.ge [sflag:s12], $0x2000  }
0x196: {  	[sflag:s12] =	ssyncset.done $0x0  }
0x197: {  	s21 =	simm.s32 $0x2E80;
	[sflag:s12] =	ssyncadd.s32 $0xFFFFE000  }
0x198: {  	[tilespmem:s10], [sflag:$0x1] =	stream.indirect.gather.add.f32 [hbm:s3], $0x40, s21, s7, $0xb8;
	[tilespmem:$0x8400] =	vst v63  }
0x199: {  	_ =	swait.ge [sflag:s12], $0x2000  }
0x19a: {  	[sflag:s12] =	ssyncset.done $0x0  }
0x19b: {  	s21 =	simm.s32 $0x2F00;
	[sflag:s12] =	ssyncadd.s32 $0xFFFFE000  }
0x19c: {  	[tilespmem:s10], [sflag:$0x1] =	stream.indirect.gather.add.f32 [hbm:s3], $0x40, s21, s7, $0xb8;
	[tilespmem:$0x8400] =	vst v63  }
0x19d: {  	_ =	swait.ge [sflag:s12], $0x2000  }
0x19e: {  	[sflag:s12] =	ssyncset.done $0x0  }
0x19f: {  	s21 =	simm.s32 $0x2F80;
	[sflag:s12] =	ssyncadd.s32 $0xFFFFE000  }
0x1a0: {  	[tilespmem:s10], [sflag:$0x1] =	stream.indirect.gather.add.f32 [hbm:s3], $0x40, s21, s7, $0xb8;
	[tilespmem:$0x8400] =	vst v63  }
0x1a1: {  	_ =	swait.ge [sflag:s12], $0x2000  }
0x1a2: {  	[sflag:s12] =	ssyncset.done $0x0  }
0x1a3: {  	s21 =	simm.s32 $0x3000;
	[sflag:s12] =	ssyncadd.s32 $0xFFFFE000  }
0x1a4: {  	[tilespmem:s10], [sflag:$0x1] =	stream.indirect.gather.add.f32 [hbm:s3], $0x40, s21, s7, $0xb8;
	[tilespmem:$0x8400] =	vst v63  }
0x1a5: {  	_ =	swait.ge [sflag:s12], $0x2000  }
0x1a6: {  	[sflag:s12] =	ssyncset.done $0x0  }
0x1a7: {  	s21 =	simm.s32 $0x3080;
	[sflag:s12] =	ssyncadd.s32 $0xFFFFE000  }
0x1a8: {  	[tilespmem:s10], [sflag:$0x1] =	stream.indirect.gather.add.f32 [hbm:s3], $0x40, s21, s7, $0xb8;
	[tilespmem:$0x8400] =	vst v63  }
0x1a9: {  	_ =	swait.ge [sflag:s12], $0x2000  }
0x1aa: {  	[sflag:s12] =	ssyncset.done $0x0  }
0x1ab: {  	s21 =	simm.s32 $0x3100;
	[sflag:s12] =	ssyncadd.s32 $0xFFFFE000  }
0x1ac: {  	[tilespmem:s10], [sflag:$0x1] =	stream.indirect.gather.add.f32 [hbm:s3], $0x40, s21, s7, $0xb8;
	[tilespmem:$0x8400] =	vst v63  }
0x1ad: {  	_ =	swait.ge [sflag:s12], $0x2000  }
0x1ae: {  	[sflag:s12] =	ssyncset.done $0x0  }
0x1af: {  	s21 =	simm.s32 $0x3180;
	[sflag:s12] =	ssyncadd.s32 $0xFFFFE000  }
0x1b0: {  	[tilespmem:s10], [sflag:$0x1] =	stream.indirect.gather.add.f32 [hbm:s3], $0x40, s21, s7, $0xb8;
	[tilespmem:$0x8400] =	vst v63  }
0x1b1: {  	_ =	swait.ge [sflag:s12], $0x2000  }
0x1b2: {  	[sflag:s12] =	ssyncset.done $0x0  }
0x1b3: {  	s21 =	simm.s32 $0x3200;
	[sflag:s12] =	ssyncadd.s32 $0xFFFFE000  }
0x1b4: {  	[tilespmem:s10], [sflag:$0x1] =	stream.indirect.gather.add.f32 [hbm:s3], $0x40, s21, s7, $0xb8;
	[tilespmem:$0x8400] =	vst v63  }
0x1b5: {  	_ =	swait.ge [sflag:s12], $0x2000  }
0x1b6: {  	[sflag:s12] =	ssyncset.done $0x0  }
0x1b7: {  	s21 =	simm.s32 $0x3280;
	[sflag:s12] =	ssyncadd.s32 $0xFFFFE000  }
0x1b8: {  	[tilespmem:s10], [sflag:$0x1] =	stream.indirect.gather.add.f32 [hbm:s3], $0x40, s21, s7, $0xb8;
	[tilespmem:$0x8400] =	vst v63  }
0x1b9: {  	_ =	swait.ge [sflag:s12], $0x2000  }
0x1ba: {  	[sflag:s12] =	ssyncset.done $0x0  }
0x1bb: {  	s21 =	simm.s32 $0x3300;
	[sflag:s12] =	ssyncadd.s32 $0xFFFFE000  }
0x1bc: {  	[tilespmem:s10], [sflag:$0x1] =	stream.indirect.gather.add.f32 [hbm:s3], $0x40, s21, s7, $0xb8;
	[tilespmem:$0x8400] =	vst v63  }
0x1bd: {  	_ =	swait.ge [sflag:s12], $0x2000  }
0x1be: {  	[sflag:s12] =	ssyncset.done $0x0  }
0x1bf: {  	s21 =	simm.s32 $0x3380;
	[sflag:s12] =	ssyncadd.s32 $0xFFFFE000  }
0x1c0: {  	[tilespmem:s10], [sflag:$0x1] =	stream.indirect.gather.add.f32 [hbm:s3], $0x40, s21, s7, $0xb8;
	[tilespmem:$0x8400] =	vst v63  }
0x1c1: {  	_ =	swait.ge [sflag:s12], $0x2000  }
0x1c2: {  	[sflag:s12] =	ssyncset.done $0x0  }
0x1c3: {  	s21 =	simm.s32 $0x3400;
	[sflag:s12] =	ssyncadd.s32 $0xFFFFE000  }
0x1c4: {  	[tilespmem:s10], [sflag:$0x1] =	stream.indirect.gather.add.f32 [hbm:s3], $0x40, s21, s7, $0xb8;
	[tilespmem:$0x8400] =	vst v63  }
0x1c5: {  	_ =	swait.ge [sflag:s12], $0x2000  }
0x1c6: {  	[sflag:s12] =	ssyncset.done $0x0  }
0x1c7: {  	s21 =	simm.s32 $0x3480;
	[sflag:s12] =	ssyncadd.s32 $0xFFFFE000  }
0x1c8: {  	[tilespmem:s10], [sflag:$0x1] =	stream.indirect.gather.add.f32 [hbm:s3], $0x40, s21, s7, $0xb8;
	[tilespmem:$0x8400] =	vst v63  }
0x1c9: {  	_ =	swait.ge [sflag:s12], $0x2000  }
0x1ca: {  	[sflag:s12] =	ssyncset.done $0x0  }
0x1cb: {  	s21 =	simm.s32 $0x3500;
	[sflag:s12] =	ssyncadd.s32 $0xFFFFE000  }
0x1cc: {  	[tilespmem:s10], [sflag:$0x1] =	stream.indirect.gather.add.f32 [hbm:s3], $0x40, s21, s7, $0xb8;
	[tilespmem:$0x8400] =	vst v63  }
0x1cd: {  	_ =	swait.ge [sflag:s12], $0x2000  }
0x1ce: {  	[sflag:s12] =	ssyncset.done $0x0  }
0x1cf: {  	s21 =	simm.s32 $0x3580;
	[sflag:s12] =	ssyncadd.s32 $0xFFFFE000  }
0x1d0: {  	[tilespmem:s10], [sflag:$0x1] =	stream.indirect.gather.add.f32 [hbm:s3], $0x40, s21, s7, $0xb8;
	[tilespmem:$0x8400] =	vst v63  }
0x1d1: {  	_ =	swait.ge [sflag:s12], $0x2000  }
0x1d2: {  	[sflag:s12] =	ssyncset.done $0x0  }
0x1d3: {  	s21 =	simm.s32 $0x3600;
	[sflag:s12] =	ssyncadd.s32 $0xFFFFE000  }
0x1d4: {  	[tilespmem:s10], [sflag:$0x1] =	stream.indirect.gather.add.f32 [hbm:s3], $0x40, s21, s7, $0xb8;
	[tilespmem:$0x8400] =	vst v63  }
0x1d5: {  	_ =	swait.ge [sflag:s12], $0x2000  }
0x1d6: {  	[sflag:s12] =	ssyncset.done $0x0  }
0x1d7: {  	s21 =	simm.s32 $0x3680;
	[sflag:s12] =	ssyncadd.s32 $0xFFFFE000  }
0x1d8: {  	[tilespmem:s10], [sflag:$0x1] =	stream.indirect.gather.add.f32 [hbm:s3], $0x40, s21, s7, $0xb8;
	[tilespmem:$0x8400] =	vst v63  }
0x1d9: {  	_ =	swait.ge [sflag:s12], $0x2000  }
0x1da: {  	[sflag:s12] =	ssyncset.done $0x0  }
0x1db: {  	s21 =	simm.s32 $0x3700;
	[sflag:s12] =	ssyncadd.s32 $0xFFFFE000  }
0x1dc: {  	[tilespmem:s10], [sflag:$0x1] =	stream.indirect.gather.add.f32 [hbm:s3], $0x40, s21, s7, $0xb8;
	[tilespmem:$0x8400] =	vst v63  }
0x1dd: {  	_ =	swait.ge [sflag:s12], $0x2000  }
0x1de: {  	[sflag:s12] =	ssyncset.done $0x0  }
0x1df: {  	s21 =	simm.s32 $0x3780;
	[sflag:s12] =	ssyncadd.s32 $0xFFFFE000  }
0x1e0: {  	[tilespmem:s10], [sflag:$0x1] =	stream.indirect.gather.add.f32 [hbm:s3], $0x40, s21, s7, $0xb8;
	[tilespmem:$0x8400] =	vst v63  }
0x1e1: {  	_ =	swait.ge [sflag:s12], $0x2000  }
0x1e2: {  	[sflag:s12] =	ssyncset.done $0x0  }
0x1e3: {  	s21 =	simm.s32 $0x3800;
	[sflag:s12] =	ssyncadd.s32 $0xFFFFE000  }
0x1e4: {  	[tilespmem:s10], [sflag:$0x1] =	stream.indirect.gather.add.f32 [hbm:s3], $0x40, s21, s7, $0xb8;
	[tilespmem:$0x8400] =	vst v63  }
0x1e5: {  	_ =	swait.ge [sflag:s12], $0x2000  }
0x1e6: {  	[sflag:s12] =	ssyncset.done $0x0  }
0x1e7: {  	s21 =	simm.s32 $0x3880;
	[sflag:s12] =	ssyncadd.s32 $0xFFFFE000  }
0x1e8: {  	[tilespmem:s10], [sflag:$0x1] =	stream.indirect.gather.add.f32 [hbm:s3], $0x40, s21, s7, $0xb8;
	[tilespmem:$0x8400] =	vst v63  }
0x1e9: {  	_ =	swait.ge [sflag:s12], $0x2000  }
0x1ea: {  	[sflag:s12] =	ssyncset.done $0x0  }
0x1eb: {  	s21 =	simm.s32 $0x3900;
	[sflag:s12] =	ssyncadd.s32 $0xFFFFE000  }
0x1ec: {  	[tilespmem:s10], [sflag:$0x1] =	stream.indirect.gather.add.f32 [hbm:s3], $0x40, s21, s7, $0xb8;
	[tilespmem:$0x8400] =	vst v63  }
0x1ed: {  	_ =	swait.ge [sflag:s12], $0x2000  }
0x1ee: {  	[sflag:s12] =	ssyncset.done $0x0  }
0x1ef: {  	s21 =	simm.s32 $0x3980;
	[sflag:s12] =	ssyncadd.s32 $0xFFFFE000  }
0x1f0: {  	[tilespmem:s10], [sflag:$0x1] =	stream.indirect.gather.add.f32 [hbm:s3], $0x40, s21, s7, $0xb8;
	[tilespmem:$0x8400] =	vst v63  }
0x1f1: {  	_ =	swait.ge [sflag:s12], $0x2000  }
0x1f2: {  	[sflag:s12] =	ssyncset.done $0x0  }
0x1f3: {  	s21 =	simm.s32 $0x3A00;
	[sflag:s12] =	ssyncadd.s32 $0xFFFFE000  }
0x1f4: {  	[tilespmem:s10], [sflag:$0x1] =	stream.indirect.gather.add.f32 [hbm:s3], $0x40, s21, s7, $0xb8;
	[tilespmem:$0x8400] =	vst v63  }
0x1f5: {  	_ =	swait.ge [sflag:s12], $0x2000  }
0x1f6: {  	[sflag:s12] =	ssyncset.done $0x0  }
0x1f7: {  	s21 =	simm.s32 $0x3A80;
	[sflag:s12] =	ssyncadd.s32 $0xFFFFE000  }
0x1f8: {  	[tilespmem:s10], [sflag:$0x1] =	stream.indirect.gather.add.f32 [hbm:s3], $0x40, s21, s7, $0xb8;
	[tilespmem:$0x8400] =	vst v63  }
0x1f9: {  	_ =	swait.ge [sflag:s12], $0x2000  }
0x1fa: {  	[sflag:s12] =	ssyncset.done $0x0  }
0x1fb: {  	s21 =	simm.s32 $0x3B00;
	[sflag:s12] =	ssyncadd.s32 $0xFFFFE000  }
0x1fc: {  	[tilespmem:s10], [sflag:$0x1] =	stream.indirect.gather.add.f32 [hbm:s3], $0x40, s21, s7, $0xb8;
	[tilespmem:$0x8400] =	vst v63  }
0x1fd: {  	_ =	swait.ge [sflag:s12], $0x2000  }
0x1fe: {  	[sflag:s12] =	ssyncset.done $0x0  }
0x1ff: {  	s21 =	simm.s32 $0x3B80;
	[sflag:s12] =	ssyncadd.s32 $0xFFFFE000  }
0x200: {  	[tilespmem:s10], [sflag:$0x1] =	stream.indirect.gather.add.f32 [hbm:s3], $0x40, s21, s7, $0xb8;
	[tilespmem:$0x8400] =	vst v63  }
0x201: {  	_ =	swait.ge [sflag:s12], $0x2000  }
0x202: {  	[sflag:s12] =	ssyncset.done $0x0  }
0x203: {  	s21 =	simm.s32 $0x3C00;
	[sflag:s12] =	ssyncadd.s32 $0xFFFFE000  }
0x204: {  	[tilespmem:s10], [sflag:$0x1] =	stream.indirect.gather.add.f32 [hbm:s3], $0x40, s21, s7, $0xb8;
	[tilespmem:$0x8400] =	vst v63  }
0x205: {  	_ =	swait.ge [sflag:s12], $0x2000  }
0x206: {  	[sflag:s12] =	ssyncset.done $0x0  }
0x207: {  	s21 =	simm.s32 $0x3C80;
	[sflag:s12] =	ssyncadd.s32 $0xFFFFE000  }
0x208: {  	[tilespmem:s10], [sflag:$0x1] =	stream.indirect.gather.add.f32 [hbm:s3], $0x40, s21, s7, $0xb8;
	[tilespmem:$0x8400] =	vst v63  }
0x209: {  	_ =	swait.ge [sflag:s12], $0x2000  }
0x20a: {  	[sflag:s12] =	ssyncset.done $0x0  }
0x20b: {  	s21 =	simm.s32 $0x3D00;
	[sflag:s12] =	ssyncadd.s32 $0xFFFFE000  }
0x20c: {  	[tilespmem:s10], [sflag:$0x1] =	stream.indirect.gather.add.f32 [hbm:s3], $0x40, s21, s7, $0xb8;
	[tilespmem:$0x8400] =	vst v63  }
0x20d: {  	_ =	swait.ge [sflag:s12], $0x2000  }
0x20e: {  	[sflag:s12] =	ssyncset.done $0x0  }
0x20f: {  	s21 =	simm.s32 $0x3D80;
	[sflag:s12] =	ssyncadd.s32 $0xFFFFE000  }
0x210: {  	[tilespmem:s10], [sflag:$0x1] =	stream.indirect.gather.add.f32 [hbm:s3], $0x40, s21, s7, $0xb8;
	[tilespmem:$0x8400] =	vst v63  }
0x211: {  	_ =	swait.ge [sflag:s12], $0x2000  }
0x212: {  	[sflag:s12] =	ssyncset.done $0x0  }
0x213: {  	s21 =	simm.s32 $0x3E00;
	[sflag:s12] =	ssyncadd.s32 $0xFFFFE000  }
0x214: {  	[tilespmem:s10], [sflag:$0x1] =	stream.indirect.gather.add.f32 [hbm:s3], $0x40, s21, s7, $0xb8;
	[tilespmem:$0x8400] =	vst v63  }
0x215: {  	_ =	swait.ge [sflag:s12], $0x2000  }
0x216: {  	[sflag:s12] =	ssyncset.done $0x0  }
0x217: {  	s21 =	simm.s32 $0x3E80;
	[sflag:s12] =	ssyncadd.s32 $0xFFFFE000  }
0x218: {  	[tilespmem:s10], [sflag:$0x1] =	stream.indirect.gather.add.f32 [hbm:s3], $0x40, s21, s7, $0xb8;
	[tilespmem:$0x8400] =	vst v63  }
0x219: {  	_ =	swait.ge [sflag:s12], $0x2000  }
0x21a: {  	[sflag:s12] =	ssyncset.done $0x0  }
0x21b: {  	s21 =	simm.s32 $0x3F00;
	[sflag:s12] =	ssyncadd.s32 $0xFFFFE000  }
0x21c: {  	[tilespmem:s10], [sflag:$0x1] =	stream.indirect.gather.add.f32 [hbm:s3], $0x40, s21, s7, $0xb8;
	[tilespmem:$0x8400] =	vst v63  }
0x21d: {  	_ =	swait.ge [sflag:s12], $0x2000  }
0x21e: {  	[sflag:s12] =	ssyncset.done $0x0  }
0x21f: {  	s21 =	simm.s32 $0x3F80;
	[sflag:s12] =	ssyncadd.s32 $0xFFFFE000  }
0x220: {  	[tilespmem:s10], [sflag:$0x1] =	stream.indirect.gather.add.f32 [hbm:s3], $0x40, s21, s7, $0xb8;
	[tilespmem:$0x8400] =	vst v63  }
0x221: {  	_ =	swait.ge [sflag:s12], $0x2000  }
0x222: {  	[sflag:s12] =	ssyncset.done $0x0  }
0x223: {  	s21 =	simm.s32 $0x4000;
	[sflag:s12] =	ssyncadd.s32 $0xFFFFE000  }
0x224: {  	[tilespmem:s10], [sflag:$0x1] =	stream.indirect.gather.add.f32 [hbm:s3], $0x40, s21, s7, $0xb8;
	[tilespmem:$0x8400] =	vst v63  }
0x225: {  	_ =	swait.ge [sflag:s12], $0x2000  }
0x226: {  	[sflag:s12] =	ssyncset.done $0x0  }
0x227: {  	s21 =	simm.s32 $0x4080;
	[sflag:s12] =	ssyncadd.s32 $0xFFFFE000  }
0x228: {  	[tilespmem:s10], [sflag:$0x1] =	stream.indirect.gather.add.f32 [hbm:s3], $0x40, s21, s7, $0xb8;
	[tilespmem:$0x8400] =	vst v63  }
0x229: {  	_ =	swait.ge [sflag:s12], $0x2000  }
0x22a: {  	[sflag:s12] =	ssyncset.done $0x0  }
0x22b: {  	s21 =	simm.s32 $0x4100;
	[sflag:s12] =	ssyncadd.s32 $0xFFFFE000  }
0x22c: {  	[tilespmem:s10], [sflag:$0x1] =	stream.indirect.gather.add.f32 [hbm:s3], $0x40, s21, s7, $0xb8;
	[tilespmem:$0x8400] =	vst v63  }
0x22d: {  	_ =	swait.ge [sflag:s12], $0x2000  }
0x22e: {  	[sflag:s12] =	ssyncset.done $0x0  }
0x22f: {  	s21 =	simm.s32 $0x4180;
	[sflag:s12] =	ssyncadd.s32 $0xFFFFE000  }
0x230: {  	[tilespmem:s10], [sflag:$0x1] =	stream.indirect.gather.add.f32 [hbm:s3], $0x40, s21, s7, $0xb8;
	[tilespmem:$0x8400] =	vst v63  }
0x231: {  	_ =	swait.ge [sflag:s12], $0x2000  }
0x232: {  	[sflag:s12] =	ssyncset.done $0x0  }
0x233: {  	s21 =	simm.s32 $0x4200;
	[sflag:s12] =	ssyncadd.s32 $0xFFFFE000  }
0x234: {  	[tilespmem:s10], [sflag:$0x1] =	stream.indirect.gather.add.f32 [hbm:s3], $0x40, s21, s7, $0xb8;
	[tilespmem:$0x8400] =	vst v63  }
0x235: {  	_ =	swait.ge [sflag:s12], $0x2000  }
0x236: {  	[sflag:s12] =	ssyncset.done $0x0  }
0x237: {  	s21 =	simm.s32 $0x4280;
	[sflag:s12] =	ssyncadd.s32 $0xFFFFE000  }
0x238: {  	[tilespmem:s10], [sflag:$0x1] =	stream.indirect.gather.add.f32 [hbm:s3], $0x40, s21, s7, $0xb8;
	[tilespmem:$0x8400] =	vst v63  }
0x239: {  	_ =	swait.ge [sflag:s12], $0x2000  }
0x23a: {  	[sflag:s12] =	ssyncset.done $0x0  }
0x23b: {  	s21 =	simm.s32 $0x4300;
	[sflag:s12] =	ssyncadd.s32 $0xFFFFE000  }
0x23c: {  	[tilespmem:s10], [sflag:$0x1] =	stream.indirect.gather.add.f32 [hbm:s3], $0x40, s21, s7, $0xb8;
	[tilespmem:$0x8400] =	vst v63  }
0x23d: {  	_ =	swait.ge [sflag:s12], $0x2000  }
0x23e: {  	[sflag:s12] =	ssyncset.done $0x0  }
0x23f: {  	s21 =	simm.s32 $0x4380;
	[sflag:s12] =	ssyncadd.s32 $0xFFFFE000  }
0x240: {  	[tilespmem:s10], [sflag:$0x1] =	stream.indirect.gather.add.f32 [hbm:s3], $0x40, s21, s7, $0xb8;
	[tilespmem:$0x8400] =	vst v63  }
0x241: {  	_ =	swait.ge [sflag:s12], $0x2000  }
0x242: {  	[sflag:s12] =	ssyncset.done $0x0  }
0x243: {  	s21 =	simm.s32 $0x4400;
	[sflag:s12] =	ssyncadd.s32 $0xFFFFE000  }
0x244: {  	[tilespmem:s10], [sflag:$0x1] =	stream.indirect.gather.add.f32 [hbm:s3], $0x40, s21, s7, $0xb8;
	[tilespmem:$0x8400] =	vst v63  }
0x245: {  	_ =	swait.ge [sflag:s12], $0x2000  }
0x246: {  	[sflag:s12] =	ssyncset.done $0x0  }
0x247: {  	s21 =	simm.s32 $0x4480;
	[sflag:s12] =	ssyncadd.s32 $0xFFFFE000  }
0x248: {  	[tilespmem:s10], [sflag:$0x1] =	stream.indirect.gather.add.f32 [hbm:s3], $0x40, s21, s7, $0xb8;
	[tilespmem:$0x8400] =	vst v63  }
0x249: {  	_ =	swait.ge [sflag:s12], $0x2000  }
0x24a: {  	[sflag:s12] =	ssyncset.done $0x0  }
0x24b: {  	s21 =	simm.s32 $0x4500;
	[sflag:s12] =	ssyncadd.s32 $0xFFFFE000  }
0x24c: {  	[tilespmem:s10], [sflag:$0x1] =	stream.indirect.gather.add.f32 [hbm:s3], $0x40, s21, s7, $0xb8;
	[tilespmem:$0x8400] =	vst v63  }
0x24d: {  	_ =	swait.ge [sflag:s12], $0x2000  }
0x24e: {  	[sflag:s12] =	ssyncset.done $0x0  }
0x24f: {  	s21 =	simm.s32 $0x4580;
	[sflag:s12] =	ssyncadd.s32 $0xFFFFE000  }
0x250: {  	[tilespmem:s10], [sflag:$0x1] =	stream.indirect.gather.add.f32 [hbm:s3], $0x40, s21, s7, $0xb8;
	[tilespmem:$0x8400] =	vst v63  }
0x251: {  	_ =	swait.ge [sflag:s12], $0x2000  }
0x252: {  	[sflag:s12] =	ssyncset.done $0x0  }
0x253: {  	s21 =	simm.s32 $0x4600;
	[sflag:s12] =	ssyncadd.s32 $0xFFFFE000  }
0x254: {  	[tilespmem:s10], [sflag:$0x1] =	stream.indirect.gather.add.f32 [hbm:s3], $0x40, s21, s7, $0xb8;
	[tilespmem:$0x8400] =	vst v63  }
0x255: {  	_ =	swait.ge [sflag:s12], $0x2000  }
0x256: {  	[sflag:s12] =	ssyncset.done $0x0  }
0x257: {  	s21 =	simm.s32 $0x4680;
	[sflag:s12] =	ssyncadd.s32 $0xFFFFE000  }
0x258: {  	[tilespmem:s10], [sflag:$0x1] =	stream.indirect.gather.add.f32 [hbm:s3], $0x40, s21, s7, $0xb8;
	[tilespmem:$0x8400] =	vst v63  }
0x259: {  	_ =	swait.ge [sflag:s12], $0x2000  }
0x25a: {  	[sflag:s12] =	ssyncset.done $0x0  }
0x25b: {  	s21 =	simm.s32 $0x4700;
	[sflag:s12] =	ssyncadd.s32 $0xFFFFE000  }
0x25c: {  	[tilespmem:s10], [sflag:$0x1] =	stream.indirect.gather.add.f32 [hbm:s3], $0x40, s21, s7, $0xb8;
	[tilespmem:$0x8400] =	vst v63  }
0x25d: {  	_ =	swait.ge [sflag:s12], $0x2000  }
0x25e: {  	[sflag:s12] =	ssyncset.done $0x0  }
0x25f: {  	s21 =	simm.s32 $0x4780;
	[sflag:s12] =	ssyncadd.s32 $0xFFFFE000  }
0x260: {  	[tilespmem:s10], [sflag:$0x1] =	stream.indirect.gather.add.f32 [hbm:s3], $0x40, s21, s7, $0xb8;
	[tilespmem:$0x8400] =	vst v63  }
0x261: {  	_ =	swait.ge [sflag:s12], $0x2000  }
0x262: {  	[sflag:s12] =	ssyncset.done $0x0  }
0x263: {  	s21 =	simm.s32 $0x4800;
	[sflag:s12] =	ssyncadd.s32 $0xFFFFE000  }
0x264: {  	[tilespmem:s10], [sflag:$0x1] =	stream.indirect.gather.add.f32 [hbm:s3], $0x40, s21, s7, $0xb8;
	[tilespmem:$0x8400] =	vst v63  }
0x265: {  	_ =	swait.ge [sflag:s12], $0x2000  }
0x266: {  	[sflag:s12] =	ssyncset.done $0x0  }
0x267: {  	s21 =	simm.s32 $0x4880;
	[sflag:s12] =	ssyncadd.s32 $0xFFFFE000  }
0x268: {  	[tilespmem:s10], [sflag:$0x1] =	stream.indirect.gather.add.f32 [hbm:s3], $0x40, s21, s7, $0xb8;
	[tilespmem:$0x8400] =	vst v63  }
0x269: {  	_ =	swait.ge [sflag:s12], $0x2000  }
0x26a: {  	[sflag:s12] =	ssyncset.done $0x0  }
0x26b: {  	s21 =	simm.s32 $0x4900;
	[sflag:s12] =	ssyncadd.s32 $0xFFFFE000  }
0x26c: {  	[tilespmem:s10], [sflag:$0x1] =	stream.indirect.gather.add.f32 [hbm:s3], $0x40, s21, s7, $0xb8;
	[tilespmem:$0x8400] =	vst v63  }
0x26d: {  	_ =	swait.ge [sflag:s12], $0x2000  }
0x26e: {  	[sflag:s12] =	ssyncset.done $0x0  }
0x26f: {  	s21 =	simm.s32 $0x4980;
	[sflag:s12] =	ssyncadd.s32 $0xFFFFE000  }
0x270: {  	[tilespmem:s10], [sflag:$0x1] =	stream.indirect.gather.add.f32 [hbm:s3], $0x40, s21, s7, $0xb8;
	[tilespmem:$0x8400] =	vst v63  }
0x271: {  	_ =	swait.ge [sflag:s12], $0x2000  }
0x272: {  	[sflag:s12] =	ssyncset.done $0x0  }
0x273: {  	s21 =	simm.s32 $0x4A00;
	[sflag:s12] =	ssyncadd.s32 $0xFFFFE000  }
0x274: {  	[tilespmem:s10], [sflag:$0x1] =	stream.indirect.gather.add.f32 [hbm:s3], $0x40, s21, s7, $0xb8;
	[tilespmem:$0x8400] =	vst v63  }
0x275: {  	_ =	swait.ge [sflag:s12], $0x2000  }
0x276: {  	[sflag:s12] =	ssyncset.done $0x0  }
0x277: {  	s21 =	simm.s32 $0x4A80;
	[sflag:s12] =	ssyncadd.s32 $0xFFFFE000  }
0x278: {  	[tilespmem:s10], [sflag:$0x1] =	stream.indirect.gather.add.f32 [hbm:s3], $0x40, s21, s7, $0xb8;
	[tilespmem:$0x8400] =	vst v63  }
0x279: {  	_ =	swait.ge [sflag:s12], $0x2000  }
0x27a: {  	[sflag:s12] =	ssyncset.done $0x0  }
0x27b: {  	s21 =	simm.s32 $0x4B00;
	[sflag:s12] =	ssyncadd.s32 $0xFFFFE000  }
0x27c: {  	[tilespmem:s10], [sflag:$0x1] =	stream.indirect.gather.add.f32 [hbm:s3], $0x40, s21, s7, $0xb8;
	[tilespmem:$0x8400] =	vst v63  }
0x27d: {  	_ =	swait.ge [sflag:s12], $0x2000  }
0x27e: {  	[sflag:s12] =	ssyncset.done $0x0  }
0x27f: {  	s21 =	simm.s32 $0x4B80;
	[sflag:s12] =	ssyncadd.s32 $0xFFFFE000  }
0x280: {  	[tilespmem:s10], [sflag:$0x1] =	stream.indirect.gather.add.f32 [hbm:s3], $0x40, s21, s7, $0xb8;
	[tilespmem:$0x8400] =	vst v63  }
0x281: {  	_ =	swait.ge [sflag:s12], $0x2000  }
0x282: {  	[sflag:s12] =	ssyncset.done $0x0  }
0x283: {  	s21 =	simm.s32 $0x4C00;
	[sflag:s12] =	ssyncadd.s32 $0xFFFFE000  }
0x284: {  	[tilespmem:s10], [sflag:$0x1] =	stream.indirect.gather.add.f32 [hbm:s3], $0x40, s21, s7, $0xb8;
	[tilespmem:$0x8400] =	vst v63  }
0x285: {  	_ =	swait.ge [sflag:s12], $0x2000  }
0x286: {  	[sflag:s12] =	ssyncset.done $0x0  }
0x287: {  	s21 =	simm.s32 $0x4C80;
	[sflag:s12] =	ssyncadd.s32 $0xFFFFE000  }
0x288: {  	[tilespmem:s10], [sflag:$0x1] =	stream.indirect.gather.add.f32 [hbm:s3], $0x40, s21, s7, $0xb8;
	[tilespmem:$0x8400] =	vst v63  }
0x289: {  	_ =	swait.ge [sflag:s12], $0x2000  }
0x28a: {  	[sflag:s12] =	ssyncset.done $0x0  }
0x28b: {  	s21 =	simm.s32 $0x4D00;
	[sflag:s12] =	ssyncadd.s32 $0xFFFFE000  }
0x28c: {  	[tilespmem:s10], [sflag:$0x1] =	stream.indirect.gather.add.f32 [hbm:s3], $0x40, s21, s7, $0xb8;
	[tilespmem:$0x8400] =	vst v63  }
0x28d: {  	_ =	swait.ge [sflag:s12], $0x2000  }
0x28e: {  	[sflag:s12] =	ssyncset.done $0x0  }
0x28f: {  	s21 =	simm.s32 $0x4D80;
	[sflag:s12] =	ssyncadd.s32 $0xFFFFE000  }
0x290: {  	[tilespmem:s10], [sflag:$0x1] =	stream.indirect.gather.add.f32 [hbm:s3], $0x40, s21, s7, $0xb8;
	[tilespmem:$0x8400] =	vst v63  }
0x291: {  	_ =	swait.ge [sflag:s12], $0x2000  }
0x292: {  	[sflag:s12] =	ssyncset.done $0x0  }
0x293: {  	s21 =	simm.s32 $0x4E00;
	[sflag:s12] =	ssyncadd.s32 $0xFFFFE000  }
0x294: {  	[tilespmem:s10], [sflag:$0x1] =	stream.indirect.gather.add.f32 [hbm:s3], $0x40, s21, s7, $0xb8;
	[tilespmem:$0x8400] =	vst v63  }
0x295: {  	_ =	swait.ge [sflag:s12], $0x2000  }
0x296: {  	[sflag:s12] =	ssyncset.done $0x0  }
0x297: {  	s21 =	simm.s32 $0x4E80;
	[sflag:s12] =	ssyncadd.s32 $0xFFFFE000  }
0x298: {  	[tilespmem:s10], [sflag:$0x1] =	stream.indirect.gather.add.f32 [hbm:s3], $0x40, s21, s7, $0xb8;
	[tilespmem:$0x8400] =	vst v63  }
0x299: {  	_ =	swait.ge [sflag:s12], $0x2000  }
0x29a: {  	[sflag:s12] =	ssyncset.done $0x0  }
0x29b: {  	s21 =	simm.s32 $0x4F00;
	[sflag:s12] =	ssyncadd.s32 $0xFFFFE000  }
0x29c: {  	[tilespmem:s10], [sflag:$0x1] =	stream.indirect.gather.add.f32 [hbm:s3], $0x40, s21, s7, $0xb8;
	[tilespmem:$0x8400] =	vst v63  }
0x29d: {  	_ =	swait.ge [sflag:s12], $0x2000  }
0x29e: {  	[sflag:s12] =	ssyncset.done $0x0  }
0x29f: {  	s21 =	simm.s32 $0x4F80;
	[sflag:s12] =	ssyncadd.s32 $0xFFFFE000  }
0x2a0: {  	[tilespmem:s10], [sflag:$0x1] =	stream.indirect.gather.add.f32 [hbm:s3], $0x40, s21, s7, $0xb8;
	[tilespmem:$0x8400] =	vst v63  }
0x2a1: {  	_ =	swait.ge [sflag:s12], $0x2000  }
0x2a2: {  	[sflag:s12] =	ssyncset.done $0x0  }
0x2a3: {  	s21 =	simm.s32 $0x5000;
	[sflag:s12] =	ssyncadd.s32 $0xFFFFE000  }
0x2a4: {  	[tilespmem:s10], [sflag:$0x1] =	stream.indirect.gather.add.f32 [hbm:s3], $0x40, s21, s7, $0xb8;
	[tilespmem:$0x8400] =	vst v63  }
0x2a5: {  	_ =	swait.ge [sflag:s12], $0x2000  }
0x2a6: {  	[sflag:s12] =	ssyncset.done $0x0  }
0x2a7: {  	s21 =	simm.s32 $0x5080;
	[sflag:s12] =	ssyncadd.s32 $0xFFFFE000  }
0x2a8: {  	[tilespmem:s10], [sflag:$0x1] =	stream.indirect.gather.add.f32 [hbm:s3], $0x40, s21, s7, $0xb8;
	[tilespmem:$0x8400] =	vst v63  }
0x2a9: {  	_ =	swait.ge [sflag:s12], $0x2000  }
0x2aa: {  	[sflag:s12] =	ssyncset.done $0x0  }
0x2ab: {  	s21 =	simm.s32 $0x5100;
	[sflag:s12] =	ssyncadd.s32 $0xFFFFE000  }
0x2ac: {  	[tilespmem:s10], [sflag:$0x1] =	stream.indirect.gather.add.f32 [hbm:s3], $0x40, s21, s7, $0xb8;
	[tilespmem:$0x8400] =	vst v63  }
0x2ad: {  	_ =	swait.ge [sflag:s12], $0x2000  }
0x2ae: {  	[sflag:s12] =	ssyncset.done $0x0  }
0x2af: {  	s21 =	simm.s32 $0x5180;
	[sflag:s12] =	ssyncadd.s32 $0xFFFFE000  }
0x2b0: {  	[tilespmem:s10], [sflag:$0x1] =	stream.indirect.gather.add.f32 [hbm:s3], $0x40, s21, s7, $0xb8;
	[tilespmem:$0x8400] =	vst v63  }
0x2b1: {  	_ =	swait.ge [sflag:s12], $0x2000  }
0x2b2: {  	[sflag:s12] =	ssyncset.done $0x0  }
0x2b3: {  	s21 =	simm.s32 $0x5200;
	[sflag:s12] =	ssyncadd.s32 $0xFFFFE000  }
0x2b4: {  	[tilespmem:s10], [sflag:$0x1] =	stream.indirect.gather.add.f32 [hbm:s3], $0x40, s21, s7, $0xb8;
	[tilespmem:$0x8400] =	vst v63  }
0x2b5: {  	_ =	swait.ge [sflag:s12], $0x2000  }
0x2b6: {  	[sflag:s12] =	ssyncset.done $0x0  }
0x2b7: {  	s21 =	simm.s32 $0x5280;
	[sflag:s12] =	ssyncadd.s32 $0xFFFFE000  }
0x2b8: {  	[tilespmem:s10], [sflag:$0x1] =	stream.indirect.gather.add.f32 [hbm:s3], $0x40, s21, s7, $0xb8;
	[tilespmem:$0x8400] =	vst v63  }
0x2b9: {  	_ =	swait.ge [sflag:s12], $0x2000  }
0x2ba: {  	[sflag:s12] =	ssyncset.done $0x0  }
0x2bb: {  	s21 =	simm.s32 $0x5300;
	[sflag:s12] =	ssyncadd.s32 $0xFFFFE000  }
0x2bc: {  	[tilespmem:s10], [sflag:$0x1] =	stream.indirect.gather.add.f32 [hbm:s3], $0x40, s21, s7, $0xb8;
	[tilespmem:$0x8400] =	vst v63  }
0x2bd: {  	_ =	swait.ge [sflag:s12], $0x2000  }
0x2be: {  	[sflag:s12] =	ssyncset.done $0x0  }
0x2bf: {  	s21 =	simm.s32 $0x5380;
	[sflag:s12] =	ssyncadd.s32 $0xFFFFE000  }
0x2c0: {  	[tilespmem:s10], [sflag:$0x1] =	stream.indirect.gather.add.f32 [hbm:s3], $0x40, s21, s7, $0xb8;
	[tilespmem:$0x8400] =	vst v63  }
0x2c1: {  	_ =	swait.ge [sflag:s12], $0x2000  }
0x2c2: {  	[sflag:s12] =	ssyncset.done $0x0  }
0x2c3: {  	s21 =	simm.s32 $0x5400;
	[sflag:s12] =	ssyncadd.s32 $0xFFFFE000  }
0x2c4: {  	[tilespmem:s10], [sflag:$0x1] =	stream.indirect.gather.add.f32 [hbm:s3], $0x40, s21, s7, $0xb8;
	[tilespmem:$0x8400] =	vst v63  }
0x2c5: {  	_ =	swait.ge [sflag:s12], $0x2000  }
0x2c6: {  	[sflag:s12] =	ssyncset.done $0x0  }
0x2c7: {  	s21 =	simm.s32 $0x5480;
	[sflag:s12] =	ssyncadd.s32 $0xFFFFE000  }
0x2c8: {  	[tilespmem:s10], [sflag:$0x1] =	stream.indirect.gather.add.f32 [hbm:s3], $0x40, s21, s7, $0xb8;
	[tilespmem:$0x8400] =	vst v63  }
0x2c9: {  	_ =	swait.ge [sflag:s12], $0x2000  }
0x2ca: {  	[sflag:s12] =	ssyncset.done $0x0  }
0x2cb: {  	s21 =	simm.s32 $0x5500;
	[sflag:s12] =	ssyncadd.s32 $0xFFFFE000  }
0x2cc: {  	[tilespmem:s10], [sflag:$0x1] =	stream.indirect.gather.add.f32 [hbm:s3], $0x40, s21, s7, $0xb8;
	[tilespmem:$0x8400] =	vst v63  }
0x2cd: {  	_ =	swait.ge [sflag:s12], $0x2000  }
0x2ce: {  	[sflag:s12] =	ssyncset.done $0x0  }
0x2cf: {  	s21 =	simm.s32 $0x5580;
	[sflag:s12] =	ssyncadd.s32 $0xFFFFE000  }
0x2d0: {  	[tilespmem:s10], [sflag:$0x1] =	stream.indirect.gather.add.f32 [hbm:s3], $0x40, s21, s7, $0xb8;
	[tilespmem:$0x8400] =	vst v63  }
0x2d1: {  	_ =	swait.ge [sflag:s12], $0x2000  }
0x2d2: {  	[sflag:s12] =	ssyncset.done $0x0  }
0x2d3: {  	s21 =	simm.s32 $0x5600;
	[sflag:s12] =	ssyncadd.s32 $0xFFFFE000  }
0x2d4: {  	[tilespmem:s10], [sflag:$0x1] =	stream.indirect.gather.add.f32 [hbm:s3], $0x40, s21, s7, $0xb8;
	[tilespmem:$0x8400] =	vst v63  }
0x2d5: {  	_ =	swait.ge [sflag:s12], $0x2000  }
0x2d6: {  	[sflag:s12] =	ssyncset.done $0x0  }
0x2d7: {  	s21 =	simm.s32 $0x5680;
	[sflag:s12] =	ssyncadd.s32 $0xFFFFE000  }
0x2d8: {  	[tilespmem:s10], [sflag:$0x1] =	stream.indirect.gather.add.f32 [hbm:s3], $0x40, s21, s7, $0xb8;
	[tilespmem:$0x8400] =	vst v63  }
0x2d9: {  	_ =	swait.ge [sflag:s12], $0x2000  }
0x2da: {  	[sflag:s12] =	ssyncset.done $0x0  }
0x2db: {  	s21 =	simm.s32 $0x5700;
	[sflag:s12] =	ssyncadd.s32 $0xFFFFE000  }
0x2dc: {  	[tilespmem:s10], [sflag:$0x1] =	stream.indirect.gather.add.f32 [hbm:s3], $0x40, s21, s7, $0xb8;
	[tilespmem:$0x8400] =	vst v63  }
0x2dd: {  	_ =	swait.ge [sflag:s12], $0x2000  }
0x2de: {  	[sflag:s12] =	ssyncset.done $0x0  }
0x2df: {  	s21 =	simm.s32 $0x5780;
	[sflag:s12] =	ssyncadd.s32 $0xFFFFE000  }
0x2e0: {  	[tilespmem:s10], [sflag:$0x1] =	stream.indirect.gather.add.f32 [hbm:s3], $0x40, s21, s7, $0xb8;
	[tilespmem:$0x8400] =	vst v63  }
0x2e1: {  	_ =	swait.ge [sflag:s12], $0x2000  }
0x2e2: {  	[sflag:s12] =	ssyncset.done $0x0  }
0x2e3: {  	s21 =	simm.s32 $0x5800;
	[sflag:s12] =	ssyncadd.s32 $0xFFFFE000  }
0x2e4: {  	[tilespmem:s10], [sflag:$0x1] =	stream.indirect.gather.add.f32 [hbm:s3], $0x40, s21, s7, $0xb8;
	[tilespmem:$0x8400] =	vst v63  }
0x2e5: {  	_ =	swait.ge [sflag:s12], $0x2000  }
0x2e6: {  	[sflag:s12] =	ssyncset.done $0x0  }
0x2e7: {  	s21 =	simm.s32 $0x5880;
	[sflag:s12] =	ssyncadd.s32 $0xFFFFE000  }
0x2e8: {  	[tilespmem:s10], [sflag:$0x1] =	stream.indirect.gather.add.f32 [hbm:s3], $0x40, s21, s7, $0xb8;
	[tilespmem:$0x8400] =	vst v63  }
0x2e9: {  	_ =	swait.ge [sflag:s12], $0x2000  }
0x2ea: {  	[sflag:s12] =	ssyncset.done $0x0  }
0x2eb: {  	s21 =	simm.s32 $0x5900;
	[sflag:s12] =	ssyncadd.s32 $0xFFFFE000  }
0x2ec: {  	[tilespmem:s10], [sflag:$0x1] =	stream.indirect.gather.add.f32 [hbm:s3], $0x40, s21, s7, $0xb8;
	[tilespmem:$0x8400] =	vst v63  }
0x2ed: {  	_ =	swait.ge [sflag:s12], $0x2000  }
0x2ee: {  	[sflag:s12] =	ssyncset.done $0x0  }
0x2ef: {  	s21 =	simm.s32 $0x5980;
	[sflag:s12] =	ssyncadd.s32 $0xFFFFE000  }
0x2f0: {  	[tilespmem:s10], [sflag:$0x1] =	stream.indirect.gather.add.f32 [hbm:s3], $0x40, s21, s7, $0xb8;
	[tilespmem:$0x8400] =	vst v63  }
0x2f1: {  	_ =	swait.ge [sflag:s12], $0x2000  }
0x2f2: {  	[sflag:s12] =	ssyncset.done $0x0  }
0x2f3: {  	s21 =	simm.s32 $0x5A00;
	[sflag:s12] =	ssyncadd.s32 $0xFFFFE000  }
0x2f4: {  	[tilespmem:s10], [sflag:$0x1] =	stream.indirect.gather.add.f32 [hbm:s3], $0x40, s21, s7, $0xb8;
	[tilespmem:$0x8400] =	vst v63  }
0x2f5: {  	_ =	swait.ge [sflag:s12], $0x2000  }
0x2f6: {  	[sflag:s12] =	ssyncset.done $0x0  }
0x2f7: {  	s21 =	simm.s32 $0x5A80;
	[sflag:s12] =	ssyncadd.s32 $0xFFFFE000  }
0x2f8: {  	[tilespmem:s10], [sflag:$0x1] =	stream.indirect.gather.add.f32 [hbm:s3], $0x40, s21, s7, $0xb8;
	[tilespmem:$0x8400] =	vst v63  }
0x2f9: {  	_ =	swait.ge [sflag:s12], $0x2000  }
0x2fa: {  	[sflag:s12] =	ssyncset.done $0x0  }
0x2fb: {  	[sflag:s12] =	ssyncadd.s32 $0xFFFFE000  }
0x2fc: {  	[tilespmem:s10], [sflag:$0x1] =	stream.indirect.gather.add.f32 [hbm:s3], $0x40, s22, s7, $0xb8;
	[tilespmem:$0x8400] =	vst v63  }
0x2fd: {  	_ =	swait.ge [sflag:s12], $0x2000  }
0x2fe: {  	[sflag:s12] =	ssyncset.done $0x0  }
0x2ff: {  	[sflag:s12] =	ssyncadd.s32 $0xFFFFE000  }
0x300: {  	[tilespmem:s10], [sflag:$0x1] =	stream.indirect.gather.add.f32 [hbm:s3], $0x40, s23, s7, $0xb8;
	[tilespmem:$0x8400] =	vst v63  }
0x301: {  	_ =	swait.ge [sflag:s12], $0x2000  }
0x302: {  	[sflag:s12] =	ssyncset.done $0x0  }
0x303: {  	[sflag:s12] =	ssyncadd.s32 $0xFFFFE000  }
0x304: {  	[tilespmem:s10], [sflag:$0x1] =	stream.indirect.gather.add.f32 [hbm:s3], $0x40, s24, s7, $0xb8;
	[tilespmem:$0x8400] =	vst v63  }
0x305: {  	_ =	swait.ge [sflag:s12], $0x2000  }
0x306: {  	[sflag:s12] =	ssyncset.done $0x0  }
0x307: {  	[sflag:s12] =	ssyncadd.s32 $0xFFFFE000  }
0x308: {  	[tilespmem:s10], [sflag:$0x1] =	stream.indirect.gather.add.f32 [hbm:s3], $0x40, s25, s7, $0xb8;
	[tilespmem:$0x8400] =	vst v63  }
0x309: {  	_ =	swait.ge [sflag:s12], $0x2000  }
0x30a: {  	[sflag:s12] =	ssyncset.done $0x0  }
0x30b: {  	[sflag:s12] =	ssyncadd.s32 $0xFFFFE000  }
0x30c: {  	[tilespmem:s10], [sflag:$0x1] =	stream.indirect.gather.add.f32 [hbm:s3], $0x40, s26, s7, $0xb8;
	[tilespmem:$0x8400] =	vst v63  }
0x30d: {  	_ =	swait.ge [sflag:s12], $0x2000  }
0x30e: {  	[sflag:s12] =	ssyncset.done $0x0  }
0x30f: {  	[sflag:s12] =	ssyncadd.s32 $0xFFFFE000  }
0x310: {  	[tilespmem:s10], [sflag:$0x1] =	stream.indirect.gather.add.f32 [hbm:s3], $0x40, s28, s7, $0xb8;
	[tilespmem:$0x8400] =	vst v63  }
0x311: {  	_ =	swait.ge [sflag:s12], $0x2000  }
0x312: {  	[sflag:s12] =	ssyncset.done $0x0  }
0x313: {  	[sflag:s12] =	ssyncadd.s32 $0xFFFFE000  }
0x314: {  	[tilespmem:s10], [sflag:$0x1] =	stream.indirect.gather.add.f32 [hbm:s3], $0x40, s29, s7, $0xb8;
	[tilespmem:$0x8400] =	vst v63  }
0x315: {  	_ =	swait.ge [sflag:s12], $0x2000  }
0x316: {  	[sflag:s12] =	ssyncset.done $0x0  }
0x317: {  	[sflag:s12] =	ssyncadd.s32 $0xFFFFE000  }
0x318: {  	[tilespmem:s10], [sflag:$0x1] =	stream.indirect.gather.add.f32 [hbm:s3], $0x40, s30, s7, $0xb8;
	[tilespmem:$0x8400] =	vst v63  }
0x319: {  	_ =	swait.ge [sflag:s12], $0x2000  }
0x31a: {  	[sflag:s12] =	ssyncset.done $0x0  }
0x31b: {  	[sflag:s12] =	ssyncadd.s32 $0xFFFFE000  }
0x31c: {  	[tilespmem:s10], [sflag:$0x1] =	stream.indirect.gather.add.f32 [hbm:s3], $0x40, s31, s7, $0xb8;
	[tilespmem:$0x8400] =	vst v63  }
0x31d: {  	_ =	swait.ge [sflag:s12], $0x2000  }
0x31e: {  	[sflag:s12] =	ssyncset.done $0x0  }
0x31f: {  	[sflag:s12] =	ssyncadd.s32 $0xFFFFE000  }
0x320: {  	[tilespmem:s10], [sflag:$0x1] =	stream.indirect.gather.add.f32 [hbm:s3], $0x40, s0, s7, $0xb8;
	[tilespmem:$0x8400] =	vst v63  }
0x321: {  	_ =	swait.ge [sflag:s12], $0x2000  }
0x322: {  	[sflag:s12] =	ssyncset.done $0x0  }
0x323: {  	[sflag:s12] =	ssyncadd.s32 $0xFFFFE000  }
0x324: {  	[tilespmem:s10], [sflag:$0x1] =	stream.indirect.gather.add.f32 [hbm:s3], $0x40, s1, s7, $0xb8;
	[tilespmem:$0x8400] =	vst v63  }
0x325: {  	_ =	swait.ge [sflag:s12], $0x2000  }
0x326: {  	[sflag:s12] =	ssyncset.done $0x0  }
0x327: {  	[sflag:s12] =	ssyncadd.s32 $0xFFFFE000  }
0x328: {  	[tilespmem:s10], [sflag:$0x1] =	stream.indirect.gather.add.f32 [hbm:s3], $0x40, s11, s7, $0xb8;
	[tilespmem:$0x8400] =	vst v63  }
0x329: {  	_ =	swait.ge [sflag:s12], $0x2000  }
0x32a: {  	[sflag:s12] =	ssyncset.done $0x0  }
0x32b: {  	[sflag:s12] =	ssyncadd.s32 $0xFFFFE000  }
0x32c: {  	[tilespmem:s10], [sflag:$0x1] =	stream.indirect.gather.add.f32 [hbm:s3], $0x40, s13, s7, $0xb8;
	[tilespmem:$0x8400] =	vst v63  }
0x32d: {  	_ =	swait.ge [sflag:s12], $0x2000  }
0x32e: {  	[sflag:s12] =	ssyncset.done $0x0  }
0x32f: {  	[sflag:s12] =	ssyncadd.s32 $0xFFFFE000  }
0x330: {  	[tilespmem:s10], [sflag:$0x1] =	stream.indirect.gather.add.f32 [hbm:s3], $0x40, s14, s7, $0xb8;
	[tilespmem:$0x8400] =	vst v63  }
0x331: {  	_ =	swait.ge [sflag:s12], $0x2000  }
0x332: {  	[sflag:s12] =	ssyncset.done $0x0  }
0x333: {  	[sflag:s12] =	ssyncadd.s32 $0xFFFFE000  }
0x334: {  	[tilespmem:s10], [sflag:$0x1] =	stream.indirect.gather.add.f32 [hbm:s3], $0x40, s15, s7, $0xb8;
	[tilespmem:$0x8400] =	vst v63  }
0x335: {  	_ =	swait.ge [sflag:s12], $0x2000  }
0x336: {  	[sflag:s12] =	ssyncset.done $0x0  }
0x337: {  	[sflag:s12] =	ssyncadd.s32 $0xFFFFE000  }
0x338: {  	[tilespmem:s10], [sflag:$0x1] =	stream.indirect.gather.add.f32 [hbm:s3], $0x40, s16, s7, $0xb8;
	[tilespmem:$0x8400] =	vst v63  }
0x339: {  	_ =	swait.ge [sflag:s12], $0x2000  }
0x33a: {  	[sflag:s12] =	ssyncset.done $0x0  }
0x33b: {  	[sflag:s12] =	ssyncadd.s32 $0xFFFFE000  }
0x33c: {  	[tilespmem:s10], [sflag:$0x1] =	stream.indirect.gather.add.f32 [hbm:s3], $0x40, s17, s7, $0xb8;
	[tilespmem:$0x8400] =	vst v63  }
0x33d: {  	_ =	swait.ge [sflag:s12], $0x2000  }
0x33e: {  	[sflag:s12] =	ssyncset.done $0x0  }
0x33f: {  	[sflag:s12] =	ssyncadd.s32 $0xFFFFE000  }
0x340: {  	[tilespmem:s10], [sflag:$0x1] =	stream.indirect.gather.add.f32 [hbm:s3], $0x40, s18, s7, $0xb8;
	[tilespmem:$0x8400] =	vst v63  }
0x341: {  	_ =	swait.ge [sflag:s12], $0x2000  }
0x342: {  	[sflag:s12] =	ssyncset.done $0x0  }
0x343: {  	[sflag:s12] =	ssyncadd.s32 $0xFFFFE000  }
0x344: {  	_ =	swait.ge [sflag:s12], $0x2000  }
0x345: {  	[sflag:s12] =	ssyncset.done $0x0  }
0x346: {  	[sflag:s12] =	ssyncadd.s32 $0xFFFFE000  }
0x347: {  	_ =	swait.ge [sflag:s12], $0x2000  }
0x348: {  	[sflag:s12] =	ssyncset.done $0x0  }
0x349: {  	[sflag:s12] =	ssyncadd.s32 $0xFFFFE000  }
0x34a: {  	_ =	swait.ge [sflag:s12], $0x2000  }
0x34b: {  	[sflag:s12] =	ssyncset.done $0x0  }
0x34c: {  	[sflag:s12] =	ssyncadd.s32 $0xFFFFE000  }
0x34d: {  	_ =	swait.ge [sflag:s12], $0x2000  }
0x34e: {  	[sflag:s12] =	ssyncset.done $0x0  }
0x34f: {  	[sflag:s12] =	ssyncadd.s32 $0xFFFFE000  }
0x350: {  	_ =	swait.ge [sflag:s12], $0x2000  }
0x351: {  	[sflag:s12] =	ssyncset.done $0x0  }
0x352: {  	[sflag:s12] =	ssyncadd.s32 $0xFFFFE000  }
0x353: {  	_ =	swait.ge [sflag:s12], $0x2000  }
0x354: {  	[sflag:s12] =	ssyncset.done $0x0  }
0x355: {  	[sflag:s12] =	ssyncadd.s32 $0xFFFFE000  }
0x356: {  	_ =	swait.ge [sflag:s12], $0x2000  }
0x357: {  	[sflag:s12] =	ssyncset.done $0x0  }
0x358: {  	[sflag:s12] =	ssyncadd.s32 $0xFFFFE000  }
0x359: {  	_ =	swait.ge [sflag:s12], $0x2000  }
0x35a: {  	[sflag:s12] =	ssyncset.done $0x0  }
0x35b: {  	[sflag:s12] =	ssyncadd.s32 $0xFFFFE000  }
0x35c: {  	_ =	swait.ge [sflag:s12], $0x2000  }
0x35d: {  	[sflag:s12] =	ssyncset.done $0x0  }
0x35e: {  	[sflag:s12] =	ssyncadd.s32 $0xFFFFE000  }
0x35f: {  	_ =	swait.ge [sflag:s12], $0x2000  }
0x360: {  	[sflag:s12] =	ssyncset.done $0x0  }
0x361: {  	[sflag:s12] =	ssyncadd.s32 $0xFFFFE000  }
0x362: {  	_ =	swait.ge [sflag:s12], $0x2000  }
0x363: {  	[sflag:s12] =	ssyncset.done $0x0  }
0x364: {  	[sflag:s12] =	ssyncadd.s32 $0xFFFFE000  }
0x365: {  	_ =	swait.ge [sflag:s12], $0x2000  }
0x366: {  	[sflag:s12] =	ssyncset.done $0x0  }
0x367: {  	[sflag:s12] =	ssyncadd.s32 $0xFFFFE000  }
0x368: {  	_ =	swait.ge [sflag:s12], $0x2000  }
0x369: {  	[sflag:s12] =	ssyncset.done $0x0  }
0x36a: {  	[sflag:s12] =	ssyncadd.s32 $0xFFFFE000  }
0x36b: {  	_ =	swait.ge [sflag:s12], $0x2000  }
0x36c: {  	[sflag:s12] =	ssyncset.done $0x0  }
0x36d: {  	[sflag:s12] =	ssyncadd.s32 $0xFFFFE000  }
0x36e: {  	_ =	swait.ge [sflag:s12], $0x2000  }
0x36f: {  	[sflag:s12] =	ssyncset.done $0x0  }
0x370: {  	[sflag:s12] =	ssyncadd.s32 $0xFFFFE000  }
0x371: {  	_ =	swait.ge [sflag:s12], $0x2000  }
0x372: {  	[sflag:s12] =	ssyncset.done $0x0  }
0x373: {  	[sflag:s12] =	ssyncadd.s32 $0xFFFFE000  }
0x374: {  	_ =	swait.ge [sflag:s12], $0x2000  }
0x375: {  	[sflag:s12] =	ssyncset.done $0x0  }
0x376: {  	[sflag:s12] =	ssyncadd.s32 $0xFFFFE000  }
0x377: {  	_ =	swait.ge [sflag:s12], $0x2000  }
0x378: {  	[sflag:s12] =	ssyncset.done $0x0  }
0x379: {  	[sflag:s12] =	ssyncadd.s32 $0xFFFFE000  }
0x37a: {  	_ =	swait.ge [sflag:s12], $0x2000  }
0x37b: {  	[sflag:s12] =	ssyncset.done $0x0  }
0x37c: {  	[sflag:s12] =	ssyncadd.s32 $0xFFFFE000  }
0x37d: {  	_ =	swait.ge [sflag:s12], $0x2000  }
0x37e: {  	[sflag:s12] =	ssyncset.done $0x0  }
0x37f: {  	[sflag:s12] =	ssyncadd.s32 $0xFFFFE000  }
0x380: {  	_ =	swait.ge [sflag:s12], $0x2000  }
0x381: {  	[sflag:s12] =	ssyncset.done $0x0  }
0x382: {  	[sflag:s12] =	ssyncadd.s32 $0xFFFFE000  }
0x383: {  	_ =	swait.ge [sflag:s12], $0x2000  }
0x384: {  	[sflag:s12] =	ssyncset.done $0x0  }
0x385: {  	[sflag:s12] =	ssyncadd.s32 $0xFFFFE000  }
0x386: {  	_ =	swait.ge [sflag:s12], $0x2000  }
0x387: {  	[sflag:s12] =	ssyncset.done $0x0  }
0x388: {  	[sflag:s12] =	ssyncadd.s32 $0xFFFFE000  }
0x389: {  	s19 =	sadd.s32 $0x1, s19;
	_ =	swait.ge [sflag:s12], $0x2000  }
0x38a: {  	p0 =	sne.s32 s19, s6;
	[sflag:s12] =	ssyncset.done $0x0  }
.Ltmp1:
0x38b: {  	[sflag:s12] =	ssyncadd.s32 $0xFFFFE000;
	(pc) =	sbr.rel @p0 .LBB2_1-.Ltmp1, $4  }
0x38c: {  	[hbm4b:s5+s2] =	stream.linear.scatter [tilespmem:s10], [sflag:$0x2], $0x2000, $0x38;
	[tilespmem:$0x8400] =	vst v63  }
0x38d: {  	_ =	swait.ge [sflag:s9], $0x2000  }
0x38e: {  	[sflag:s9] =	ssyncset.done $0x0  }
0x38f: {  	[sflag:s9] =	ssyncadd.s32 $0xFFFFE000  }
0x390: {  	_ =	sfence.sel $0x180000  }
0x391: {  	[bflag:$0x0] =	sbarrier.arrive $0xFFFF  }
0x392: {  	_ =	strace $0x90000047  }
0x393: {  	s0 =	stileid.u32;
	[bflag:$0x2] =	sbarrier.arrive $0xFFFF  }
0x394: {  	p0 =	sne.s32 s0, $0x0;
	s0 =	rddreg [dreg:$0x1]  }
0x395: {  	s0 =	sadd.s32 @!p0 $0x100000, s0  }
0x396: {  	[sflag:s0] =	ssyncadd.tile.s32 @!p0 $0x1;
	_ =	shalt  }
.Lfunc_end2:
_tile_overlayer_lowered:
.L_overlay_start_2:
0x397: {  	(tag) =	ssettag $0x2  }
0x398: {  	s0 =	rddreg [dreg:$0x0];
	s2 =	stileid.u32  }
0x399: {  	s1 =	rddreg [dreg:$0x1];
	p0 =	sne.s32 s2, $0x0  }
0x39a: {  	s3 =	rddreg [dreg:$0x2];
	[bflag:$0x3] =	sbarrier.arrive $0xFFFF;
	s2 =	simm.s32 @!p0 $0x1C02  }
0x39b: {  	[timem:s3], [sflag:s2] =	dma.local @!p0 [hbm:s0], s1  }
0x39c: {  	s0 =	simm.s32 @!p0 $0x2  }
0x39d: {  	_ =	swait.ge @!p0 [sflag:s0], s1  }
0x39e: {  	s1 =	ssub.s32 @!p0 $0x0, s1;
	[sflag:s0] =	ssyncset.done @!p0 $0x0  }
0x39f: {  	[sflag:s0] =	ssyncadd.s32 @!p0 s1  }
0x3a0: {  	[bflag:$0x3] =	sbarrier.arrive $0xFFFF  }
0x3a1: {  	_ =	shalt  }

</sc_bundles>
